<compile_context>
chip_gen: v7x
topology: tpu7x:2x2x1
jax: 0.10.2.dev20260603
libtpu: 0.0.44.dev20260713+nightly
codegen_flags: <defaults>
</compile_context>

<pallas_src>
import jax
import jax.numpy as jnp
from jax import lax
from jax.experimental import pallas as pl
from jax.experimental.pallas import tpu as pltpu
from jax.experimental.pallas import tpu_sc as plsc

N_NODES = 10000
IN_CH = 128
HID = 128
NUM_CLASSES = 10
NUM_GRAPHS = 128

NP = 10240
E = 320000
CH = 128
NCH = 80
NTILES = 32
EP = NTILES * NCH * CH
RPT = NP // 16
BLK = 1024
NBLK = NP // BLK


def _deg_body(dst2, ones_hbm, zeros1_hbm, out, didx, ones_v, acc1):
    c = lax.axis_index("c")
    s = lax.axis_index("s")
    tid = s * 2 + c
    pltpu.sync_copy(dst2.at[pl.ds(tid * NCH, NCH)], didx)
    pltpu.sync_copy(ones_hbm, ones_v)
    pltpu.sync_copy(zeros1_hbm, acc1.at[pl.ds(s * RPT, RPT)])
    plsc.subcore_barrier()

    def body(k, carry):
        pltpu.sync_copy(ones_v, acc1.at[didx.at[k]], add=True)
        return carry

    lax.fori_loop(0, NCH, body, 0)
    plsc.subcore_barrier()
    pltpu.sync_copy(acc1.at[pl.ds(s * RPT, RPT)], out.at[c, pl.ds(s * RPT, RPT)])


def _sc_calls():
    mesh = plsc.VectorSubcoreMesh(core_axis_name="c", subcore_axis_name="s",
                                  num_cores=2, num_subcores=16)
    deg_call = pl.kernel(
        _deg_body,
        out_type=jax.ShapeDtypeStruct((2, NP), jnp.float32),
        mesh=mesh,
        scratch_types=[
            pltpu.VMEM((NCH, CH), jnp.int32),
            pltpu.VMEM((CH,), jnp.float32),
            pltpu.VMEM_SHARED((NP,), jnp.float32),
        ],
    )
    edge_call = pl.kernel(
        _edge_body,
        out_type=jax.ShapeDtypeStruct((2, NP, HID), jnp.float32),
        mesh=mesh,
        scratch_types=[
            pltpu.VMEM((DB, CH), jnp.int32),
            pltpu.VMEM((DB, CH), jnp.int32),
            pltpu.VMEM((DB, CH), jnp.int32),
            pltpu.VMEM((DB, CH), jnp.int32),
            pltpu.VMEM((CH, HID), jnp.float32),
            pltpu.VMEM((CH, HID), jnp.float32),
            pltpu.VMEM_SHARED((NP, HID), jnp.float32),
            pltpu.SemaphoreType.DMA,
            pltpu.SemaphoreType.DMA,
            pltpu.SemaphoreType.DMA,
            pltpu.SemaphoreType.DMA,
            pltpu.SemaphoreType.DMA,
            pltpu.SemaphoreType.DMA,
            pltpu.SemaphoreType.DMA,
            pltpu.SemaphoreType.DMA,
        ],
    )
    return deg_call, edge_call


DB = 8
NCHT = EP // CH
C0N = 112
C1N = (NCHT // 16) - C0N


def _edge_body(g, src2, dst2, zeros2_hbm, out,
               ssl0, ssl1, dsl0, dsl1, rows0, rows1, acc,
               sg0, sg1, ss0, ss1, sd0, sd1, se0, se1):
    c = lax.axis_index("c")
    s = lax.axis_index("s")
    tn = jnp.where(c == 0, C0N, C1N)
    nb = tn // DB
    tbase = jnp.where(c == 0, s * C0N, 16 * C0N + s * C1N)

    pltpu.sync_copy(zeros2_hbm, rows0)
    for z in range(RPT // CH):
        pltpu.sync_copy(rows0, acc.at[pl.ds(s * RPT + z * CH, CH)])
    pltpu.async_copy(src2.at[pl.ds(tbase, DB)], ssl0, se0)
    pltpu.async_copy(src2.at[pl.ds(tbase + DB, DB)], ssl1, se1)
    pltpu.async_copy(dst2.at[pl.ds(tbase, DB)], dsl0, sd0)
    pltpu.async_copy(dst2.at[pl.ds(tbase + DB, DB)], dsl1, sd1)
    pltpu.make_async_copy(src2.at[pl.ds(tbase, DB)], ssl0, se0).wait()
    pltpu.async_copy(g.at[ssl0.at[0]], rows0, sg0)
    pltpu.async_copy(g.at[ssl0.at[1]], rows1, sg1)
    plsc.subcore_barrier()

    def half(j, ssl_cur, se_cur, ssl_nxt, se_nxt, dsl, sd):
        pltpu.make_async_copy(dst2.at[pl.ds(tbase, DB)], dsl, sd).wait()
        for i in range(DB):
            rows, sg, ss = ((rows0, sg0, ss0) if i % 2 == 0
                            else (rows1, sg1, ss1))
            pltpu.make_async_copy(g.at[ssl_cur.at[0]], rows, sg).wait()
            pltpu.async_copy(rows, acc.at[dsl.at[i]], ss, add=True).wait()
            if i == DB - 2:
                @pl.when(j < nb - 1)
                def _():
                    pltpu.make_async_copy(
                        src2.at[pl.ds(tbase, DB)], ssl_nxt, se_nxt).wait()
            if i < DB - 2:
                pltpu.async_copy(g.at[ssl_cur.at[i + 2]], rows, sg)
            else:
                pltpu.async_copy(g.at[ssl_nxt.at[i - (DB - 2)]], rows, sg)

        @pl.when(j + 2 < nb)
        def _():
            pltpu.async_copy(src2.at[pl.ds(tbase + (j + 2) * DB, DB)],
                             ssl_cur, se_cur)
            pltpu.async_copy(dst2.at[pl.ds(tbase + (j + 2) * DB, DB)],
                             dsl, sd)

    def body(j0, carry):
        half(2 * j0, ssl0, se0, ssl1, se1, dsl0, sd0)
        half(2 * j0 + 1, ssl1, se1, ssl0, se0, dsl1, sd1)
        return carry

    lax.fori_loop(0, nb // 2, body, 0)
    pltpu.make_async_copy(g.at[ssl0.at[0]], rows0, sg0).wait()
    pltpu.make_async_copy(g.at[ssl0.at[0]], rows1, sg1).wait()
    plsc.subcore_barrier()
    for z in range(RPT // CH):
        pltpu.sync_copy(acc.at[pl.ds(s * RPT + z * CH, CH)],
                        out.at[c, pl.ds(s * RPT + z * CH, CH)])



def _dinv(degsc):
    ones2 = jnp.ones((2, 1), jnp.float32)
    deg = lax.dot_general(degsc, ones2, (((0,), (0,)), ((), ())),
                          preferred_element_type=jnp.float32)
    return lax.rsqrt(deg + 1.0)


def _k1_body(x_ref, w_ref, degsc_ref, g_ref):
    dinv = _dinv(degsc_ref[...])
    g_ref[...] = jnp.dot(x_ref[...], w_ref[...],
                         preferred_element_type=jnp.float32) * dinv


def _gk1(x_p, W1, deg_sc):
    return pl.pallas_call(
        _k1_body,
        grid=(NBLK,),
        in_specs=[
            pl.BlockSpec((BLK, IN_CH), lambda i: (i, 0)),
            pl.BlockSpec((IN_CH, HID), lambda i: (0, 0)),
            pl.BlockSpec((2, BLK), lambda i: (0, i)),
        ],
        out_specs=pl.BlockSpec((BLK, HID), lambda i: (i, 0)),
        out_shape=jax.ShapeDtypeStruct((NP, HID), jnp.float32),
    )(x_p, W1, deg_sc)


def _k2_body(s_ref, g_ref, degsc_ref, b_ref, w_ref, out_ref):
    dinv = _dinv(degsc_ref[...])
    h = dinv * (s_ref[0] + s_ref[1] + g_ref[...]) + b_ref[...]
    h = jnp.maximum(h, 0.0)
    out_ref[...] = jnp.dot(h, w_ref[...],
                           preferred_element_type=jnp.float32) * dinv


def _gk2(s1, g1, deg_sc, b1r, W2):
    return pl.pallas_call(
        _k2_body,
        grid=(NBLK,),
        in_specs=[
            pl.BlockSpec((2, BLK, HID), lambda i: (0, i, 0)),
            pl.BlockSpec((BLK, HID), lambda i: (i, 0)),
            pl.BlockSpec((2, BLK), lambda i: (0, i)),
            pl.BlockSpec((1, HID), lambda i: (0, 0)),
            pl.BlockSpec((HID, HID), lambda i: (0, 0)),
        ],
        out_specs=pl.BlockSpec((BLK, HID), lambda i: (i, 0)),
        out_shape=jax.ShapeDtypeStruct((NP, HID), jnp.float32),
    )(s1, g1, deg_sc, b1r, W2)


def _k3_body(s_ref, g_ref, degsc_ref, b_ref, batch_ref, wl1_ref, bl1_ref,
             wl2_ref, bl2_ref, out_ref, sums_ref, counts_ref):
    i = pl.program_id(0)
    dinv = _dinv(degsc_ref[...])
    h = dinv * (s_ref[0] + s_ref[1] + g_ref[...]) + b_ref[...]
    h = jnp.maximum(h, 0.0)
    rid = lax.broadcasted_iota(jnp.int32, (BLK, HID), 0) + i * BLK
    h = jnp.where(rid < N_NODES, h, 0.0)
    b2d = batch_ref[0]
    ohT = (lax.broadcasted_iota(jnp.int32, (NUM_GRAPHS, BLK), 0)
           == b2d).astype(jnp.float32)
    sc = lax.dot_general(ohT, h, (((1,), (0,)), ((), ())),
                         preferred_element_type=jnp.float32)
    cc = jnp.sum(ohT, axis=1, keepdims=True)

    @pl.when(i == 0)
    def _():
        sums_ref[...] = jnp.zeros((NUM_GRAPHS, HID), jnp.float32)
        counts_ref[...] = jnp.zeros((NUM_GRAPHS, HID), jnp.float32)

    sums_ref[...] += sc
    counts_ref[...] += cc

    @pl.when(i == NBLK - 1)
    def _():
        counts = counts_ref[:, 0:1]
        pooled = sums_ref[...] / jnp.maximum(counts, 1.0)
        z = jnp.dot(pooled, wl1_ref[...],
                    preferred_element_type=jnp.float32) + bl1_ref[...]
        z = jnp.maximum(z, 0.0)
        logits = jnp.dot(z, wl2_ref[...],
                         preferred_element_type=jnp.float32) + bl2_ref[...]
        m = jnp.max(logits, axis=1, keepdims=True)
        e = logits - m
        out_ref[...] = e - jnp.log(jnp.sum(jnp.exp(e), axis=1, keepdims=True))


def _gk3(s2, g2, deg_sc, b2r, batch3, Wl1, bl1r, Wl2, bl2r):
    return pl.pallas_call(
        _k3_body,
        grid=(NBLK,),
        in_specs=[
            pl.BlockSpec((2, BLK, HID), lambda i: (0, i, 0)),
            pl.BlockSpec((BLK, HID), lambda i: (i, 0)),
            pl.BlockSpec((2, BLK), lambda i: (0, i)),
            pl.BlockSpec((1, HID), lambda i: (0, 0)),
            pl.BlockSpec((1, 1, BLK), lambda i: (i, 0, 0)),
            pl.BlockSpec((HID, 64), lambda i: (0, 0)),
            pl.BlockSpec((1, 64), lambda i: (0, 0)),
            pl.BlockSpec((64, NUM_CLASSES), lambda i: (0, 0)),
            pl.BlockSpec((1, NUM_CLASSES), lambda i: (0, 0)),
        ],
        out_specs=pl.BlockSpec((NUM_GRAPHS, NUM_CLASSES), lambda i: (0, 0)),
        out_shape=jax.ShapeDtypeStruct((NUM_GRAPHS, NUM_CLASSES), jnp.float32),
        scratch_shapes=[
            pltpu.VMEM((NUM_GRAPHS, HID), jnp.float32),
            pltpu.VMEM((NUM_GRAPHS, HID), jnp.float32),
        ],
    )(s2, g2, deg_sc, b2r, batch3, Wl1, bl1r, Wl2, bl2r)



def kernel(x, edge_index, batch, W1, b1, W2, b2, Wl1, bl1, Wl2, bl2):
    src = edge_index[0].astype(jnp.int32)
    dst = edge_index[1].astype(jnp.int32)
    pad = jnp.full((EP - E,), N_NODES, jnp.int32)
    src2 = jnp.concatenate([src, pad]).reshape(NCHT, CH)
    dst2 = jnp.concatenate([dst, pad]).reshape(NCHT, CH)
    x_p = jnp.concatenate(
        [x, jnp.zeros((NP - N_NODES, IN_CH), jnp.float32)], axis=0)
    batch_p = jnp.concatenate(
        [batch.astype(jnp.int32),
         jnp.full((NP - N_NODES,), NUM_GRAPHS, jnp.int32)])
    batch3 = batch_p.reshape(NBLK, 1, BLK)
    b1r = b1.reshape(1, HID)
    b2r = b2.reshape(1, HID)
    bl1r = bl1.reshape(1, 64)
    bl2r = bl2.reshape(1, NUM_CLASSES)
    ones_ch = jnp.ones((CH,), jnp.float32)
    zeros1 = jnp.zeros((RPT,), jnp.float32)
    zeros2 = jnp.zeros((CH, HID), jnp.float32)

    _deg_call, _edge_call = _sc_calls()
    deg_sc = _deg_call(dst2, ones_ch, zeros1)
    g1 = _gk1(x_p, W1, deg_sc)
    s1 = _edge_call(g1, src2, dst2, zeros2)
    g2 = _gk2(s1, g1, deg_sc, b1r, W2)
    s2 = _edge_call(g2, src2, dst2, zeros2)
    return _gk3(s2, g2, deg_sc, b2r, batch3, Wl1, bl1r, Wl2, bl2r)

# --- scband reference (transcript-rebuilt; emitter-appended) ---
"""Pipeline reference for scband-superpixel-gcn-57681410785898 (READ-ONLY COPY).

The authoritative reference and input builder live on the scoring server;
editing this copy changes nothing except your own understanding.
"""

import jax, jax.numpy as jnp
import numpy as np

N_NODES = 10000
N_EDGES = 320000
IN_CH = 128
HID = 128
NUM_CLASSES = 10
NUM_GRAPHS = 128


def gcn_conv(x, edge_index, W, b):
    n = x.shape[0]
    loop = jnp.arange(n, dtype=edge_index.dtype)
    src = jnp.concatenate([edge_index[0], loop])
    dst = jnp.concatenate([edge_index[1], loop])
    h = x @ W
    deg = jnp.zeros((n,), x.dtype).at[dst].add(1.0)
    dinv = jax.lax.rsqrt(jnp.maximum(deg, 1.0))
    norm = dinv[src] * dinv[dst]
    out = jnp.zeros_like(h).at[dst].add(h[src] * norm[:, None])
    return out + b


def setup_inputs(seed: int = 0) -> dict:
    key = jax.random.key(seed)
    ks = jax.random.split(key, 10)
    x = jax.random.normal(ks[0], (N_NODES, IN_CH), dtype=jnp.float32)
    edge_index = jax.random.randint(ks[1], (2, N_EDGES), 0, N_NODES, dtype=jnp.int64 if jax.config.jax_enable_x64 else jnp.int32)
    batch = jnp.sort(jax.random.randint(ks[2], (N_NODES,), 0, NUM_GRAPHS, dtype=jnp.int64 if jax.config.jax_enable_x64 else jnp.int32))
    s1 = 1.0 / np.sqrt(IN_CH)
    s2 = 1.0 / np.sqrt(HID)
    s3 = 1.0 / np.sqrt(64)
    W1 = jax.random.uniform(ks[3], (IN_CH, HID), jnp.float32, -s1, s1)
    b1 = jnp.zeros((HID,), jnp.float32)
    W2 = jax.random.uniform(ks[4], (HID, HID), jnp.float32, -s2, s2)
    b2 = jnp.zeros((HID,), jnp.float32)
    Wl1 = jax.random.uniform(ks[5], (HID, 64), jnp.float32, -s2, s2)
    bl1 = jax.random.uniform(ks[6], (64,), jnp.float32, -s2, s2)
    Wl2 = jax.random.uniform(ks[7], (64, NUM_CLASSES), jnp.float32, -s3, s3)
    bl2 = jax.random.uniform(ks[8], (NUM_CLASSES,), jnp.float32, -s3, s3)
    return {"x": x, "edge_index": edge_index, "batch": batch, "W1": W1, "b1": b1, "W2": W2, "b2": b2, "Wl1": Wl1, "bl1": bl1, "Wl2": Wl2, "bl2": bl2}


def reference(x, edge_index, batch, W1, b1, W2, b2, Wl1, bl1, Wl2, bl2):
    h = jax.nn.relu(gcn_conv(x, edge_index, W1, b1))
    h = jax.nn.relu(gcn_conv(h, edge_index, W2, b2))
    sums = jax.ops.segment_sum(h, batch, num_segments=NUM_GRAPHS)
    counts = jax.ops.segment_sum(jnp.ones((h.shape[0],), h.dtype), batch, num_segments=NUM_GRAPHS)
    pooled = sums / jnp.maximum(counts, 1.0)[:, None]
    z = jax.nn.relu(pooled @ Wl1 + bl1)
    logits = z @ Wl2 + bl2
    return jax.nn.log_softmax(logits, axis=1)

if __name__ == "__main__":
    import jax
    _d = setup_inputs()
    print(jax.jit(kernel)(*tuple(_d.values())))

</pallas_src>

<mosaic_0001>
#map = affine_map<(d0, d1) -> (0, 0)>
#map1 = affine_map<(d0, d1) -> (0)>
module attributes {stable_mosaic.version = 14 : i64} {
  func.func @_deg_body(%arg0: i32, %arg1: i32, %arg2: memref<2560x128xi32, #tpu.memory_space<hbm>>, %arg3: memref<128xf32, #tpu.memory_space<hbm>>, %arg4: memref<640xf32, #tpu.memory_space<hbm>>, %arg5: memref<2x10240xf32, #tpu.memory_space<hbm>>, %arg6: memref<80x128xi32, #tpu.memory_space<vmem>>, %arg7: memref<128xf32, #tpu.memory_space<vmem>>, %arg8: memref<10240xf32, #tpu.memory_space<vmem_shared>>) attributes {dimension_semantics = [#tpu.dimension_semantics<core_parallel>, #tpu.dimension_semantics<subcore_parallel>], iteration_bounds = array<i64: 2, 16>, scalar_prefetch = 0 : i64, scratch_operands = 3 : i64, tpu.core_type = #tpu.core_type<sc_vector_subcore>, window_params = [{transform_indices = #map}, {transform_indices = #map1}, {transform_indices = #map1}, {transform_indices = #map}]} {
    %mul3A = arith.constant 2 : i32
    %mul3A_0 = arith.muli %arg1, %mul3A : i32
    %add3A = arith.addi %mul3A_0, %arg0 : i32
    %mul3A_1 = arith.constant 80 : i32
    %mul3A_2 = arith.muli %add3A, %mul3A_1 : i32
    "tpu.region"() ({
      %run_scoped3A = tpu.sem_alloc : memref<!tpu.dma_semaphore, #tpu.memory_space<semaphore_mem>>
      %dma_start3A = arith.constant 0 : i32
      %dma_start3A_15 = tpu.memref_slice %arg2[%mul3A_2, %dma_start3A] : memref<2560x128xi32, #tpu.memory_space<hbm>> -> memref<80x128xi32, #tpu.memory_space<hbm>>
      %dma_start3A_16 = arith.constant 0 : i32
      %dma_start3A_17 = tpu.memref_slice %arg2[%mul3A_2, %dma_start3A_16] : memref<2560x128xi32, #tpu.memory_space<hbm>> -> memref<80x128xi32, #tpu.memory_space<hbm>>
      tpu.enqueue_dma source(%dma_start3A_17 : memref<80x128xi32, #tpu.memory_space<hbm>>) target(%arg6 : memref<80x128xi32, #tpu.memory_space<vmem>>) target_semaphore(%run_scoped3A : memref<!tpu.dma_semaphore, #tpu.memory_space<semaphore_mem>>)
      %dma_wait3A = arith.constant 0 : i32
      %dma_wait3A_18 = tpu.memref_slice %arg2[%mul3A_2, %dma_wait3A] : memref<2560x128xi32, #tpu.memory_space<hbm>> -> memref<80x128xi32, #tpu.memory_space<hbm>>
      %dma_wait3A_19 = arith.constant 0 : i32
      %dma_wait3A_20 = tpu.memref_slice %arg2[%mul3A_2, %dma_wait3A_19] : memref<2560x128xi32, #tpu.memory_space<hbm>> -> memref<80x128xi32, #tpu.memory_space<hbm>>
      tpu.wait_dma2 semaphore(%run_scoped3A : memref<!tpu.dma_semaphore, #tpu.memory_space<semaphore_mem>>) src(%dma_wait3A_20 : memref<80x128xi32, #tpu.memory_space<hbm>>) dst(%arg6 : memref<80x128xi32, #tpu.memory_space<vmem>>)
      tpu.yield
    }) : () -> ()
    "tpu.region"() ({
      %run_scoped3A = tpu.sem_alloc : memref<!tpu.dma_semaphore, #tpu.memory_space<semaphore_mem>>
      tpu.enqueue_dma source(%arg3 : memref<128xf32, #tpu.memory_space<hbm>>) target(%arg7 : memref<128xf32, #tpu.memory_space<vmem>>) target_semaphore(%run_scoped3A : memref<!tpu.dma_semaphore, #tpu.memory_space<semaphore_mem>>)
      tpu.wait_dma2 semaphore(%run_scoped3A : memref<!tpu.dma_semaphore, #tpu.memory_space<semaphore_mem>>) src(%arg3 : memref<128xf32, #tpu.memory_space<hbm>>) dst(%arg7 : memref<128xf32, #tpu.memory_space<vmem>>)
      tpu.yield
    }) : () -> ()
    %mul3A_3 = arith.constant 640 : i32
    %mul3A_4 = arith.muli %arg1, %mul3A_3 : i32
    "tpu.region"() ({
      %run_scoped3A = tpu.sem_alloc : memref<!tpu.dma_semaphore, #tpu.memory_space<semaphore_mem>>
      %dma_start3A = tpu.memref_slice %arg8[%mul3A_4] : memref<10240xf32, #tpu.memory_space<vmem_shared>> -> memref<640xf32, #tpu.memory_space<vmem_shared>>
      tpu.enqueue_dma source(%arg4 : memref<640xf32, #tpu.memory_space<hbm>>) target(%dma_start3A : memref<640xf32, #tpu.memory_space<vmem_shared>>) target_semaphore(%run_scoped3A : memref<!tpu.dma_semaphore, #tpu.memory_space<semaphore_mem>>)
      %dma_wait3A = tpu.memref_slice %arg8[%mul3A_4] : memref<10240xf32, #tpu.memory_space<vmem_shared>> -> memref<640xf32, #tpu.memory_space<vmem_shared>>
      tpu.wait_dma2 semaphore(%run_scoped3A : memref<!tpu.dma_semaphore, #tpu.memory_space<semaphore_mem>>) src(%arg4 : memref<640xf32, #tpu.memory_space<hbm>>) dst(%dma_wait3A : memref<640xf32, #tpu.memory_space<vmem_shared>>)
      tpu.yield
    }) : () -> ()
    %barrier3A = arith.constant 0 : index
    tpu.barrier barrier_id(%barrier3A)
    %scan3A = arith.constant 0 : i32
    %scan3A_5 = arith.constant 0 : i32
    %scan3A_6 = arith.constant 80 : i32
    %scan3A_7 = arith.addi %scan3A_5, %scan3A_6 : i32
    %scan3A_8 = arith.constant 1 : i32
    scf.for %scan3A_15 = %scan3A_5 to %scan3A_7 step %scan3A_8  : i32 {
      "tpu.region"() ({
        %run_scoped3A = tpu.sem_alloc : memref<!tpu.dma_semaphore, #tpu.memory_space<semaphore_mem>>
        %dma_start3A = arith.constant 0 : i32
        %dma_start3A_16 = tpu.memref_slice %arg6[%scan3A_15, %dma_start3A] : memref<80x128xi32, #tpu.memory_space<vmem>> -> memref<1x128xi32, #tpu.memory_space<vmem>>
        %dma_start3A_17 = tpu.memref_squeeze %dma_start3A_16 : memref<1x128xi32, #tpu.memory_space<vmem>> -> memref<128xi32, #tpu.memory_space<vmem>>
        %dma_start3A_18 = arith.constant 0 : i32
        %dma_start3A_19 = tpu.memref_slice %arg8[%dma_start3A_18] : memref<10240xf32, #tpu.memory_space<vmem_shared>> -> memref<10240xf32, #tpu.memory_space<vmem_shared>>
        tpu.enqueue_indirect_dma source(%arg7 : memref<128xf32, #tpu.memory_space<vmem>>) target(%dma_start3A_19 : memref<10240xf32, #tpu.memory_space<vmem_shared>>) offsets(%dma_start3A_17 : memref<128xi32, #tpu.memory_space<vmem>>) semaphore(%run_scoped3A : memref<!tpu.dma_semaphore, #tpu.memory_space<semaphore_mem>>) {add = true}
        %dma_wait3A = arith.constant 0 : i32
        %dma_wait3A_20 = tpu.memref_slice %arg6[%scan3A_15, %dma_wait3A] : memref<80x128xi32, #tpu.memory_space<vmem>> -> memref<1x128xi32, #tpu.memory_space<vmem>>
        %dma_wait3A_21 = tpu.memref_squeeze %dma_wait3A_20 : memref<1x128xi32, #tpu.memory_space<vmem>> -> memref<128xi32, #tpu.memory_space<vmem>>
        %dma_wait3A_22 = arith.constant 0 : i32
        %dma_wait3A_23 = tpu.memref_slice %arg8[%dma_wait3A_22] : memref<10240xf32, #tpu.memory_space<vmem_shared>> -> memref<10240xf32, #tpu.memory_space<vmem_shared>>
        tpu.wait_indirect_dma semaphore(%run_scoped3A : memref<!tpu.dma_semaphore, #tpu.memory_space<semaphore_mem>>) src(%arg7 : memref<128xf32, #tpu.memory_space<vmem>>) dst(%dma_wait3A_23 : memref<10240xf32, #tpu.memory_space<vmem_shared>>)
        tpu.yield
      }) : () -> ()
    }
    %scan3A_9 = arith.constant 80 : i32
    %barrier3A_10 = arith.constant 0 : index
    tpu.barrier barrier_id(%barrier3A_10)
    %mul3A_11 = arith.constant 640 : i32
    %mul3A_12 = arith.muli %arg1, %mul3A_11 : i32
    %mul3A_13 = arith.constant 640 : i32
    %mul3A_14 = arith.muli %arg1, %mul3A_13 : i32
    "tpu.region"() ({
      %run_scoped3A = tpu.sem_alloc : memref<!tpu.dma_semaphore, #tpu.memory_space<semaphore_mem>>
      %dma_start3A = tpu.memref_slice %arg5[%arg0, %mul3A_14] : memref<2x10240xf32, #tpu.memory_space<hbm>> -> memref<1x640xf32, #tpu.memory_space<hbm>>
      %dma_start3A_15 = tpu.memref_squeeze %dma_start3A : memref<1x640xf32, #tpu.memory_space<hbm>> -> memref<640xf32, #tpu.memory_space<hbm>>
      %dma_start3A_16 = tpu.memref_slice %arg8[%mul3A_12] : memref<10240xf32, #tpu.memory_space<vmem_shared>> -> memref<640xf32, #tpu.memory_space<vmem_shared>>
      tpu.enqueue_dma source(%dma_start3A_16 : memref<640xf32, #tpu.memory_space<vmem_shared>>) target(%dma_start3A_15 : memref<640xf32, #tpu.memory_space<hbm>>) target_semaphore(%run_scoped3A : memref<!tpu.dma_semaphore, #tpu.memory_space<semaphore_mem>>)
      %dma_wait3A = tpu.memref_slice %arg5[%arg0, %mul3A_14] : memref<2x10240xf32, #tpu.memory_space<hbm>> -> memref<1x640xf32, #tpu.memory_space<hbm>>
      %dma_wait3A_17 = tpu.memref_squeeze %dma_wait3A : memref<1x640xf32, #tpu.memory_space<hbm>> -> memref<640xf32, #tpu.memory_space<hbm>>
      %dma_wait3A_18 = tpu.memref_slice %arg8[%mul3A_12] : memref<10240xf32, #tpu.memory_space<vmem_shared>> -> memref<640xf32, #tpu.memory_space<vmem_shared>>
      tpu.wait_dma2 semaphore(%run_scoped3A : memref<!tpu.dma_semaphore, #tpu.memory_space<semaphore_mem>>) src(%dma_wait3A_18 : memref<640xf32, #tpu.memory_space<vmem_shared>>) dst(%dma_wait3A_17 : memref<640xf32, #tpu.memory_space<hbm>>)
      tpu.yield
    }) : () -> ()
    return
  }
}

#map = affine_map<(d0, d1) -> (0, 0)>
#map1 = affine_map<(d0, d1) -> (0, 0, 0)>
module attributes {stable_mosaic.version = 14 : i64} {
  func.func @_edge_body(%arg0: i32, %arg1: i32, %arg2: memref<10240x128xf32, #tpu.memory_space<hbm>>, %arg3: memref<2560x128xi32, #tpu.memory_space<hbm>>, %arg4: memref<2560x128xi32, #tpu.memory_space<hbm>>, %arg5: memref<128x128xf32, #tpu.memory_space<hbm>>, %arg6: memref<2x10240x128xf32, #tpu.memory_space<hbm>>, %arg7: memref<8x128xi32, #tpu.memory_space<vmem>>, %arg8: memref<8x128xi32, #tpu.memory_space<vmem>>, %arg9: memref<8x128xi32, #tpu.memory_space<vmem>>, %arg10: memref<8x128xi32, #tpu.memory_space<vmem>>, %arg11: memref<128x128xf32, #tpu.memory_space<vmem>>, %arg12: memref<128x128xf32, #tpu.memory_space<vmem>>, %arg13: memref<10240x128xf32, #tpu.memory_space<vmem_shared>>, %arg14: memref<!tpu.dma_semaphore, #tpu.memory_space<semaphore_mem>>, %arg15: memref<!tpu.dma_semaphore, #tpu.memory_space<semaphore_mem>>, %arg16: memref<!tpu.dma_semaphore, #tpu.memory_space<semaphore_mem>>, %arg17: memref<!tpu.dma_semaphore, #tpu.memory_space<semaphore_mem>>, %arg18: memref<!tpu.dma_semaphore, #tpu.memory_space<semaphore_mem>>, %arg19: memref<!tpu.dma_semaphore, #tpu.memory_space<semaphore_mem>>, %arg20: memref<!tpu.dma_semaphore, #tpu.memory_space<semaphore_mem>>, %arg21: memref<!tpu.dma_semaphore, #tpu.memory_space<semaphore_mem>>) attributes {dimension_semantics = [#tpu.dimension_semantics<core_parallel>, #tpu.dimension_semantics<subcore_parallel>], iteration_bounds = array<i64: 2, 16>, scalar_prefetch = 0 : i64, scratch_operands = 15 : i64, tpu.core_type = #tpu.core_type<sc_vector_subcore>, window_params = [{transform_indices = #map}, {transform_indices = #map}, {transform_indices = #map}, {transform_indices = #map}, {transform_indices = #map1}]} {
    %eq3A = arith.constant 0 : i32
    %eq3A_0 = arith.cmpi eq, %arg0, %eq3A : i32
    %jit3A = arith.constant 112 : i32
    %jit3A_1 = arith.constant 48 : i32
    %select_n3A = arith.select %eq3A_0, %jit3A, %jit3A_1 : i32
    %jit3A_2 = arith.constant 8 : i32
    %div3A = arith.divsi %select_n3A, %jit3A_2 : i32
    %sign3A = arith.constant 0 : i32
    %sign3A_3 = arith.cmpi sgt, %select_n3A, %sign3A : i32
    %sign3A_4 = arith.extui %sign3A_3 : i1 to i32
    %sign3A_5 = arith.constant 0 : i32
    %sign3A_6 = arith.cmpi slt, %select_n3A, %sign3A_5 : i32
    %sign3A_7 = arith.extui %sign3A_6 : i1 to i32
    %sign3A_8 = arith.subi %sign3A_4, %sign3A_7 : i32
    %sign3A_9 = arith.constant 0 : i32
    %sign3A_10 = arith.cmpi sgt, %jit3A_2, %sign3A_9 : i32
    %sign3A_11 = arith.extui %sign3A_10 : i1 to i32
    %sign3A_12 = arith.constant 0 : i32
    %sign3A_13 = arith.cmpi slt, %jit3A_2, %sign3A_12 : i32
    %sign3A_14 = arith.extui %sign3A_13 : i1 to i32
    %sign3A_15 = arith.subi %sign3A_11, %sign3A_14 : i32
    %ne3A = arith.cmpi ne, %sign3A_8, %sign3A_15 : i32
    %rem3A = arith.remsi %select_n3A, %jit3A_2 : i32
    %ne3A_16 = arith.constant 0 : i32
    %ne3A_17 = arith.cmpi ne, %rem3A, %ne3A_16 : i32
    %and3A = arith.andi %ne3A, %ne3A_17 : i1
    %sub3A = arith.constant 1 : i32
    %sub3A_18 = arith.subi %div3A, %sub3A : i32
    %select_n3A_19 = arith.select %and3A, %sub3A_18, %div3A : i32
    %eq3A_20 = arith.constant 0 : i32
    %eq3A_21 = arith.cmpi eq, %arg0, %eq3A_20 : i32
    %mul3A = arith.constant 112 : i32
    %mul3A_22 = arith.muli %arg1, %mul3A : i32
    %mul3A_23 = arith.constant 48 : i32
    %mul3A_24 = arith.muli %arg1, %mul3A_23 : i32
    %add3A = arith.constant 1792 : i32
    %add3A_25 = arith.addi %add3A, %mul3A_24 : i32
    %select_n3A_26 = arith.select %eq3A_21, %mul3A_22, %add3A_25 : i32
    "tpu.region"() ({
      %run_scoped3A = tpu.sem_alloc : memref<!tpu.dma_semaphore, #tpu.memory_space<semaphore_mem>>
      tpu.enqueue_dma source(%arg5 : memref<128x128xf32, #tpu.memory_space<hbm>>) target(%arg11 : memref<128x128xf32, #tpu.memory_space<vmem>>) target_semaphore(%run_scoped3A : memref<!tpu.dma_semaphore, #tpu.memory_space<semaphore_mem>>)
      tpu.wait_dma2 semaphore(%run_scoped3A : memref<!tpu.dma_semaphore, #tpu.memory_space<semaphore_mem>>) src(%arg5 : memref<128x128xf32, #tpu.memory_space<hbm>>) dst(%arg11 : memref<128x128xf32, #tpu.memory_space<vmem>>)
      tpu.yield
    }) : () -> ()
    %mul3A_27 = arith.constant 640 : i32
    %mul3A_28 = arith.muli %arg1, %mul3A_27 : i32
    %add3A_29 = arith.constant 0 : i32
    %add3A_30 = arith.addi %mul3A_28, %add3A_29 : i32
    "tpu.region"() ({
      %run_scoped3A = tpu.sem_alloc : memref<!tpu.dma_semaphore, #tpu.memory_space<semaphore_mem>>
      %dma_start3A_171 = arith.constant 0 : i32
      %dma_start3A_172 = tpu.memref_slice %arg13[%add3A_30, %dma_start3A_171] : memref<10240x128xf32, #tpu.memory_space<vmem_shared>> -> memref<128x128xf32, #tpu.memory_space<vmem_shared>>
      %dma_start3A_173 = arith.constant 0 : i32
      %dma_start3A_174 = tpu.memref_slice %arg13[%add3A_30, %dma_start3A_173] : memref<10240x128xf32, #tpu.memory_space<vmem_shared>> -> memref<128x128xf32, #tpu.memory_space<vmem_shared>>
      tpu.enqueue_dma source(%arg11 : memref<128x128xf32, #tpu.memory_space<vmem>>) target(%dma_start3A_174 : memref<128x128xf32, #tpu.memory_space<vmem_shared>>) target_semaphore(%run_scoped3A : memref<!tpu.dma_semaphore, #tpu.memory_space<semaphore_mem>>)
      %dma_wait3A_175 = arith.constant 0 : i32
      %dma_wait3A_176 = tpu.memref_slice %arg13[%add3A_30, %dma_wait3A_175] : memref<10240x128xf32, #tpu.memory_space<vmem_shared>> -> memref<128x128xf32, #tpu.memory_space<vmem_shared>>
      %dma_wait3A_177 = arith.constant 0 : i32
      %dma_wait3A_178 = tpu.memref_slice %arg13[%add3A_30, %dma_wait3A_177] : memref<10240x128xf32, #tpu.memory_space<vmem_shared>> -> memref<128x128xf32, #tpu.memory_space<vmem_shared>>
      tpu.wait_dma2 semaphore(%run_scoped3A : memref<!tpu.dma_semaphore, #tpu.memory_space<semaphore_mem>>) src(%arg11 : memref<128x128xf32, #tpu.memory_space<vmem>>) dst(%dma_wait3A_178 : memref<128x128xf32, #tpu.memory_space<vmem_shared>>)
      tpu.yield
    }) : () -> ()
    %mul3A_31 = arith.constant 640 : i32
    %mul3A_32 = arith.muli %arg1, %mul3A_31 : i32
    %add3A_33 = arith.constant 128 : i32
    %add3A_34 = arith.addi %mul3A_32, %add3A_33 : i32
    "tpu.region"() ({
      %run_scoped3A = tpu.sem_alloc : memref<!tpu.dma_semaphore, #tpu.memory_space<semaphore_mem>>
      %dma_start3A_171 = arith.constant 0 : i32
      %dma_start3A_172 = tpu.memref_slice %arg13[%add3A_34, %dma_start3A_171] : memref<10240x128xf32, #tpu.memory_space<vmem_shared>> -> memref<128x128xf32, #tpu.memory_space<vmem_shared>>
      %dma_start3A_173 = arith.constant 0 : i32
      %dma_start3A_174 = tpu.memref_slice %arg13[%add3A_34, %dma_start3A_173] : memref<10240x128xf32, #tpu.memory_space<vmem_shared>> -> memref<128x128xf32, #tpu.memory_space<vmem_shared>>
      tpu.enqueue_dma source(%arg11 : memref<128x128xf32, #tpu.memory_space<vmem>>) target(%dma_start3A_174 : memref<128x128xf32, #tpu.memory_space<vmem_shared>>) target_semaphore(%run_scoped3A : memref<!tpu.dma_semaphore, #tpu.memory_space<semaphore_mem>>)
      %dma_wait3A_175 = arith.constant 0 : i32
      %dma_wait3A_176 = tpu.memref_slice %arg13[%add3A_34, %dma_wait3A_175] : memref<10240x128xf32, #tpu.memory_space<vmem_shared>> -> memref<128x128xf32, #tpu.memory_space<vmem_shared>>
      %dma_wait3A_177 = arith.constant 0 : i32
      %dma_wait3A_178 = tpu.memref_slice %arg13[%add3A_34, %dma_wait3A_177] : memref<10240x128xf32, #tpu.memory_space<vmem_shared>> -> memref<128x128xf32, #tpu.memory_space<vmem_shared>>
      tpu.wait_dma2 semaphore(%run_scoped3A : memref<!tpu.dma_semaphore, #tpu.memory_space<semaphore_mem>>) src(%arg11 : memref<128x128xf32, #tpu.memory_space<vmem>>) dst(%dma_wait3A_178 : memref<128x128xf32, #tpu.memory_space<vmem_shared>>)
      tpu.yield
    }) : () -> ()
    %mul3A_35 = arith.constant 640 : i32
    %mul3A_36 = arith.muli %arg1, %mul3A_35 : i32
    %add3A_37 = arith.constant 256 : i32
    %add3A_38 = arith.addi %mul3A_36, %add3A_37 : i32
    "tpu.region"() ({
      %run_scoped3A = tpu.sem_alloc : memref<!tpu.dma_semaphore, #tpu.memory_space<semaphore_mem>>
      %dma_start3A_171 = arith.constant 0 : i32
      %dma_start3A_172 = tpu.memref_slice %arg13[%add3A_38, %dma_start3A_171] : memref<10240x128xf32, #tpu.memory_space<vmem_shared>> -> memref<128x128xf32, #tpu.memory_space<vmem_shared>>
      %dma_start3A_173 = arith.constant 0 : i32
      %dma_start3A_174 = tpu.memref_slice %arg13[%add3A_38, %dma_start3A_173] : memref<10240x128xf32, #tpu.memory_space<vmem_shared>> -> memref<128x128xf32, #tpu.memory_space<vmem_shared>>
      tpu.enqueue_dma source(%arg11 : memref<128x128xf32, #tpu.memory_space<vmem>>) target(%dma_start3A_174 : memref<128x128xf32, #tpu.memory_space<vmem_shared>>) target_semaphore(%run_scoped3A : memref<!tpu.dma_semaphore, #tpu.memory_space<semaphore_mem>>)
      %dma_wait3A_175 = arith.constant 0 : i32
      %dma_wait3A_176 = tpu.memref_slice %arg13[%add3A_38, %dma_wait3A_175] : memref<10240x128xf32, #tpu.memory_space<vmem_shared>> -> memref<128x128xf32, #tpu.memory_space<vmem_shared>>
      %dma_wait3A_177 = arith.constant 0 : i32
      %dma_wait3A_178 = tpu.memref_slice %arg13[%add3A_38, %dma_wait3A_177] : memref<10240x128xf32, #tpu.memory_space<vmem_shared>> -> memref<128x128xf32, #tpu.memory_space<vmem_shared>>
      tpu.wait_dma2 semaphore(%run_scoped3A : memref<!tpu.dma_semaphore, #tpu.memory_space<semaphore_mem>>) src(%arg11 : memref<128x128xf32, #tpu.memory_space<vmem>>) dst(%dma_wait3A_178 : memref<128x128xf32, #tpu.memory_space<vmem_shared>>)
      tpu.yield
    }) : () -> ()
    %mul3A_39 = arith.constant 640 : i32
    %mul3A_40 = arith.muli %arg1, %mul3A_39 : i32
    %add3A_41 = arith.constant 384 : i32
    %add3A_42 = arith.addi %mul3A_40, %add3A_41 : i32
    "tpu.region"() ({
      %run_scoped3A = tpu.sem_alloc : memref<!tpu.dma_semaphore, #tpu.memory_space<semaphore_mem>>
      %dma_start3A_171 = arith.constant 0 : i32
      %dma_start3A_172 = tpu.memref_slice %arg13[%add3A_42, %dma_start3A_171] : memref<10240x128xf32, #tpu.memory_space<vmem_shared>> -> memref<128x128xf32, #tpu.memory_space<vmem_shared>>
      %dma_start3A_173 = arith.constant 0 : i32
      %dma_start3A_174 = tpu.memref_slice %arg13[%add3A_42, %dma_start3A_173] : memref<10240x128xf32, #tpu.memory_space<vmem_shared>> -> memref<128x128xf32, #tpu.memory_space<vmem_shared>>
      tpu.enqueue_dma source(%arg11 : memref<128x128xf32, #tpu.memory_space<vmem>>) target(%dma_start3A_174 : memref<128x128xf32, #tpu.memory_space<vmem_shared>>) target_semaphore(%run_scoped3A : memref<!tpu.dma_semaphore, #tpu.memory_space<semaphore_mem>>)
      %dma_wait3A_175 = arith.constant 0 : i32
      %dma_wait3A_176 = tpu.memref_slice %arg13[%add3A_42, %dma_wait3A_175] : memref<10240x128xf32, #tpu.memory_space<vmem_shared>> -> memref<128x128xf32, #tpu.memory_space<vmem_shared>>
      %dma_wait3A_177 = arith.constant 0 : i32
      %dma_wait3A_178 = tpu.memref_slice %arg13[%add3A_42, %dma_wait3A_177] : memref<10240x128xf32, #tpu.memory_space<vmem_shared>> -> memref<128x128xf32, #tpu.memory_space<vmem_shared>>
      tpu.wait_dma2 semaphore(%run_scoped3A : memref<!tpu.dma_semaphore, #tpu.memory_space<semaphore_mem>>) src(%arg11 : memref<128x128xf32, #tpu.memory_space<vmem>>) dst(%dma_wait3A_178 : memref<128x128xf32, #tpu.memory_space<vmem_shared>>)
      tpu.yield
    }) : () -> ()
    %mul3A_43 = arith.constant 640 : i32
    %mul3A_44 = arith.muli %arg1, %mul3A_43 : i32
    %add3A_45 = arith.constant 512 : i32
    %add3A_46 = arith.addi %mul3A_44, %add3A_45 : i32
    "tpu.region"() ({
      %run_scoped3A = tpu.sem_alloc : memref<!tpu.dma_semaphore, #tpu.memory_space<semaphore_mem>>
      %dma_start3A_171 = arith.constant 0 : i32
      %dma_start3A_172 = tpu.memref_slice %arg13[%add3A_46, %dma_start3A_171] : memref<10240x128xf32, #tpu.memory_space<vmem_shared>> -> memref<128x128xf32, #tpu.memory_space<vmem_shared>>
      %dma_start3A_173 = arith.constant 0 : i32
      %dma_start3A_174 = tpu.memref_slice %arg13[%add3A_46, %dma_start3A_173] : memref<10240x128xf32, #tpu.memory_space<vmem_shared>> -> memref<128x128xf32, #tpu.memory_space<vmem_shared>>
      tpu.enqueue_dma source(%arg11 : memref<128x128xf32, #tpu.memory_space<vmem>>) target(%dma_start3A_174 : memref<128x128xf32, #tpu.memory_space<vmem_shared>>) target_semaphore(%run_scoped3A : memref<!tpu.dma_semaphore, #tpu.memory_space<semaphore_mem>>)
      %dma_wait3A_175 = arith.constant 0 : i32
      %dma_wait3A_176 = tpu.memref_slice %arg13[%add3A_46, %dma_wait3A_175] : memref<10240x128xf32, #tpu.memory_space<vmem_shared>> -> memref<128x128xf32, #tpu.memory_space<vmem_shared>>
      %dma_wait3A_177 = arith.constant 0 : i32
      %dma_wait3A_178 = tpu.memref_slice %arg13[%add3A_46, %dma_wait3A_177] : memref<10240x128xf32, #tpu.memory_space<vmem_shared>> -> memref<128x128xf32, #tpu.memory_space<vmem_shared>>
      tpu.wait_dma2 semaphore(%run_scoped3A : memref<!tpu.dma_semaphore, #tpu.memory_space<semaphore_mem>>) src(%arg11 : memref<128x128xf32, #tpu.memory_space<vmem>>) dst(%dma_wait3A_178 : memref<128x128xf32, #tpu.memory_space<vmem_shared>>)
      tpu.yield
    }) : () -> ()
    %dma_start3A = arith.constant 0 : i32
    %dma_start3A_47 = tpu.memref_slice %arg3[%select_n3A_26, %dma_start3A] : memref<2560x128xi32, #tpu.memory_space<hbm>> -> memref<8x128xi32, #tpu.memory_space<hbm>>
    %dma_start3A_48 = arith.constant 0 : i32
    %dma_start3A_49 = tpu.memref_slice %arg3[%select_n3A_26, %dma_start3A_48] : memref<2560x128xi32, #tpu.memory_space<hbm>> -> memref<8x128xi32, #tpu.memory_space<hbm>>
    tpu.enqueue_dma source(%dma_start3A_49 : memref<8x128xi32, #tpu.memory_space<hbm>>) target(%arg7 : memref<8x128xi32, #tpu.memory_space<vmem>>) target_semaphore(%arg20 : memref<!tpu.dma_semaphore, #tpu.memory_space<semaphore_mem>>)
    %add3A_50 = arith.constant 8 : i32
    %add3A_51 = arith.addi %select_n3A_26, %add3A_50 : i32
    %dma_start3A_52 = arith.constant 0 : i32
    %dma_start3A_53 = tpu.memref_slice %arg3[%add3A_51, %dma_start3A_52] : memref<2560x128xi32, #tpu.memory_space<hbm>> -> memref<8x128xi32, #tpu.memory_space<hbm>>
    %dma_start3A_54 = arith.constant 0 : i32
    %dma_start3A_55 = tpu.memref_slice %arg3[%add3A_51, %dma_start3A_54] : memref<2560x128xi32, #tpu.memory_space<hbm>> -> memref<8x128xi32, #tpu.memory_space<hbm>>
    tpu.enqueue_dma source(%dma_start3A_55 : memref<8x128xi32, #tpu.memory_space<hbm>>) target(%arg8 : memref<8x128xi32, #tpu.memory_space<vmem>>) target_semaphore(%arg21 : memref<!tpu.dma_semaphore, #tpu.memory_space<semaphore_mem>>)
    %dma_start3A_56 = arith.constant 0 : i32
    %dma_start3A_57 = tpu.memref_slice %arg4[%select_n3A_26, %dma_start3A_56] : memref<2560x128xi32, #tpu.memory_space<hbm>> -> memref<8x128xi32, #tpu.memory_space<hbm>>
    %dma_start3A_58 = arith.constant 0 : i32
    %dma_start3A_59 = tpu.memref_slice %arg4[%select_n3A_26, %dma_start3A_58] : memref<2560x128xi32, #tpu.memory_space<hbm>> -> memref<8x128xi32, #tpu.memory_space<hbm>>
    tpu.enqueue_dma source(%dma_start3A_59 : memref<8x128xi32, #tpu.memory_space<hbm>>) target(%arg9 : memref<8x128xi32, #tpu.memory_space<vmem>>) target_semaphore(%arg18 : memref<!tpu.dma_semaphore, #tpu.memory_space<semaphore_mem>>)
    %add3A_60 = arith.constant 8 : i32
    %add3A_61 = arith.addi %select_n3A_26, %add3A_60 : i32
    %dma_start3A_62 = arith.constant 0 : i32
    %dma_start3A_63 = tpu.memref_slice %arg4[%add3A_61, %dma_start3A_62] : memref<2560x128xi32, #tpu.memory_space<hbm>> -> memref<8x128xi32, #tpu.memory_space<hbm>>
    %dma_start3A_64 = arith.constant 0 : i32
    %dma_start3A_65 = tpu.memref_slice %arg4[%add3A_61, %dma_start3A_64] : memref<2560x128xi32, #tpu.memory_space<hbm>> -> memref<8x128xi32, #tpu.memory_space<hbm>>
    tpu.enqueue_dma source(%dma_start3A_65 : memref<8x128xi32, #tpu.memory_space<hbm>>) target(%arg10 : memref<8x128xi32, #tpu.memory_space<vmem>>) target_semaphore(%arg19 : memref<!tpu.dma_semaphore, #tpu.memory_space<semaphore_mem>>)
    %dma_wait3A = arith.constant 0 : i32
    %dma_wait3A_66 = tpu.memref_slice %arg3[%select_n3A_26, %dma_wait3A] : memref<2560x128xi32, #tpu.memory_space<hbm>> -> memref<8x128xi32, #tpu.memory_space<hbm>>
    %dma_wait3A_67 = arith.constant 0 : i32
    %dma_wait3A_68 = tpu.memref_slice %arg3[%select_n3A_26, %dma_wait3A_67] : memref<2560x128xi32, #tpu.memory_space<hbm>> -> memref<8x128xi32, #tpu.memory_space<hbm>>
    tpu.wait_dma2 semaphore(%arg20 : memref<!tpu.dma_semaphore, #tpu.memory_space<semaphore_mem>>) src(%dma_wait3A_68 : memref<8x128xi32, #tpu.memory_space<hbm>>) dst(%arg7 : memref<8x128xi32, #tpu.memory_space<vmem>>)
    %dma_start3A_69 = arith.constant 0 : i32
    %dma_start3A_70 = arith.constant 0 : i32
    %dma_start3A_71 = tpu.memref_slice %arg7[%dma_start3A_69, %dma_start3A_70] : memref<8x128xi32, #tpu.memory_space<vmem>> -> memref<1x128xi32, #tpu.memory_space<vmem>>
    %dma_start3A_72 = tpu.memref_squeeze %dma_start3A_71 : memref<1x128xi32, #tpu.memory_space<vmem>> -> memref<128xi32, #tpu.memory_space<vmem>>
    %dma_start3A_73 = arith.constant 0 : i32
    %dma_start3A_74 = arith.constant 0 : i32
    %dma_start3A_75 = tpu.memref_slice %arg2[%dma_start3A_73, %dma_start3A_74] : memref<10240x128xf32, #tpu.memory_space<hbm>> -> memref<10240x128xf32, #tpu.memory_space<hbm>>
    tpu.enqueue_indirect_dma source(%dma_start3A_75 : memref<10240x128xf32, #tpu.memory_space<hbm>>) target(%arg11 : memref<128x128xf32, #tpu.memory_space<vmem>>) offsets(%dma_start3A_72 : memref<128xi32, #tpu.memory_space<vmem>>) semaphore(%arg14 : memref<!tpu.dma_semaphore, #tpu.memory_space<semaphore_mem>>)
    %dma_start3A_76 = arith.constant 1 : i32
    %dma_start3A_77 = arith.constant 0 : i32
    %dma_start3A_78 = tpu.memref_slice %arg7[%dma_start3A_76, %dma_start3A_77] : memref<8x128xi32, #tpu.memory_space<vmem>> -> memref<1x128xi32, #tpu.memory_space<vmem>>
    %dma_start3A_79 = tpu.memref_squeeze %dma_start3A_78 : memref<1x128xi32, #tpu.memory_space<vmem>> -> memref<128xi32, #tpu.memory_space<vmem>>
    %dma_start3A_80 = arith.constant 0 : i32
    %dma_start3A_81 = arith.constant 0 : i32
    %dma_start3A_82 = tpu.memref_slice %arg2[%dma_start3A_80, %dma_start3A_81] : memref<10240x128xf32, #tpu.memory_space<hbm>> -> memref<10240x128xf32, #tpu.memory_space<hbm>>
    tpu.enqueue_indirect_dma source(%dma_start3A_82 : memref<10240x128xf32, #tpu.memory_space<hbm>>) target(%arg12 : memref<128x128xf32, #tpu.memory_space<vmem>>) offsets(%dma_start3A_79 : memref<128xi32, #tpu.memory_space<vmem>>) semaphore(%arg15 : memref<!tpu.dma_semaphore, #tpu.memory_space<semaphore_mem>>)
    %barrier3A = arith.constant 0 : index
    tpu.barrier barrier_id(%barrier3A)
    %jit3A_83 = arith.constant 2 : i32
    %div3A_84 = arith.divsi %select_n3A_19, %jit3A_83 : i32
    %sign3A_85 = arith.constant 0 : i32
    %sign3A_86 = arith.cmpi sgt, %select_n3A_19, %sign3A_85 : i32
    %sign3A_87 = arith.extui %sign3A_86 : i1 to i32
    %sign3A_88 = arith.constant 0 : i32
    %sign3A_89 = arith.cmpi slt, %select_n3A_19, %sign3A_88 : i32
    %sign3A_90 = arith.extui %sign3A_89 : i1 to i32
    %sign3A_91 = arith.subi %sign3A_87, %sign3A_90 : i32
    %sign3A_92 = arith.constant 0 : i32
    %sign3A_93 = arith.cmpi sgt, %jit3A_83, %sign3A_92 : i32
    %sign3A_94 = arith.extui %sign3A_93 : i1 to i32
    %sign3A_95 = arith.constant 0 : i32
    %sign3A_96 = arith.cmpi slt, %jit3A_83, %sign3A_95 : i32
    %sign3A_97 = arith.extui %sign3A_96 : i1 to i32
    %sign3A_98 = arith.subi %sign3A_94, %sign3A_97 : i32
    %ne3A_99 = arith.cmpi ne, %sign3A_91, %sign3A_98 : i32
    %rem3A_100 = arith.remsi %select_n3A_19, %jit3A_83 : i32
    %ne3A_101 = arith.constant 0 : i32
    %ne3A_102 = arith.cmpi ne, %rem3A_100, %ne3A_101 : i32
    %and3A_103 = arith.andi %ne3A_99, %ne3A_102 : i1
    %sub3A_104 = arith.constant 1 : i32
    %sub3A_105 = arith.subi %div3A_84, %sub3A_104 : i32
    %select_n3A_106 = arith.select %and3A_103, %sub3A_105, %div3A_84 : i32
    %while3A = arith.constant 0 : i32
    %while3A_107 = arith.constant 0 : i32
    %while3A_108 = arith.subi %select_n3A_106, %while3A_107 : i32
    %while3A_109 = arith.addi %while3A_107, %while3A_108 : i32
    %while3A_110 = arith.constant 1 : i32
    %while3A_111 = arith.divsi %while3A_108, %while3A_110 : i32
    %while3A_112 = arith.muli %while3A_111, %while3A_110 : i32
    %while3A_113 = arith.addi %while3A_107, %while3A_112 : i32
    %while3A_114 = arith.constant 1 : i32
    scf.for %while3A_171 = %while3A_107 to %while3A_113 step %while3A_114  : i32 {
      %mul3A_172 = arith.constant 2 : i32
      %mul3A_173 = arith.muli %mul3A_172, %while3A_171 : i32
      %dma_wait3A_174 = arith.constant 0 : i32
      %dma_wait3A_175 = tpu.memref_slice %arg4[%select_n3A_26, %dma_wait3A_174] : memref<2560x128xi32, #tpu.memory_space<hbm>> -> memref<8x128xi32, #tpu.memory_space<hbm>>
      %dma_wait3A_176 = arith.constant 0 : i32
      %dma_wait3A_177 = tpu.memref_slice %arg4[%select_n3A_26, %dma_wait3A_176] : memref<2560x128xi32, #tpu.memory_space<hbm>> -> memref<8x128xi32, #tpu.memory_space<hbm>>
      tpu.wait_dma2 semaphore(%arg18 : memref<!tpu.dma_semaphore, #tpu.memory_space<semaphore_mem>>) src(%dma_wait3A_177 : memref<8x128xi32, #tpu.memory_space<hbm>>) dst(%arg9 : memref<8x128xi32, #tpu.memory_space<vmem>>)
      %dma_wait3A_178 = arith.constant 0 : i32
      %dma_wait3A_179 = arith.constant 0 : i32
      %dma_wait3A_180 = tpu.memref_slice %arg7[%dma_wait3A_178, %dma_wait3A_179] : memref<8x128xi32, #tpu.memory_space<vmem>> -> memref<1x128xi32, #tpu.memory_space<vmem>>
      %dma_wait3A_181 = tpu.memref_squeeze %dma_wait3A_180 : memref<1x128xi32, #tpu.memory_space<vmem>> -> memref<128xi32, #tpu.memory_space<vmem>>
      %dma_wait3A_182 = arith.constant 0 : i32
      %dma_wait3A_183 = arith.constant 0 : i32
      %dma_wait3A_184 = tpu.memref_slice %arg2[%dma_wait3A_182, %dma_wait3A_183] : memref<10240x128xf32, #tpu.memory_space<hbm>> -> memref<10240x128xf32, #tpu.memory_space<hbm>>
      tpu.wait_indirect_dma semaphore(%arg14 : memref<!tpu.dma_semaphore, #tpu.memory_space<semaphore_mem>>) src(%dma_wait3A_184 : memref<10240x128xf32, #tpu.memory_space<hbm>>) dst(%arg11 : memref<128x128xf32, #tpu.memory_space<vmem>>)
      %dma_start3A_185 = arith.constant 0 : i32
      %dma_start3A_186 = arith.constant 0 : i32
      %dma_start3A_187 = tpu.memref_slice %arg9[%dma_start3A_185, %dma_start3A_186] : memref<8x128xi32, #tpu.memory_space<vmem>> -> memref<1x128xi32, #tpu.memory_space<vmem>>
      %dma_start3A_188 = tpu.memref_squeeze %dma_start3A_187 : memref<1x128xi32, #tpu.memory_space<vmem>> -> memref<128xi32, #tpu.memory_space<vmem>>
      %dma_start3A_189 = arith.constant 0 : i32
      %dma_start3A_190 = arith.constant 0 : i32
      %dma_start3A_191 = tpu.memref_slice %arg13[%dma_start3A_189, %dma_start3A_190] : memref<10240x128xf32, #tpu.memory_space<vmem_shared>> -> memref<10240x128xf32, #tpu.memory_space<vmem_shared>>
      tpu.enqueue_indirect_dma source(%arg11 : memref<128x128xf32, #tpu.memory_space<vmem>>) target(%dma_start3A_191 : memref<10240x128xf32, #tpu.memory_space<vmem_shared>>) offsets(%dma_start3A_188 : memref<128xi32, #tpu.memory_space<vmem>>) semaphore(%arg16 : memref<!tpu.dma_semaphore, #tpu.memory_space<semaphore_mem>>) {add = true}
      %dma_wait3A_192 = arith.constant 0 : i32
      %dma_wait3A_193 = arith.constant 0 : i32
      %dma_wait3A_194 = tpu.memref_slice %arg9[%dma_wait3A_192, %dma_wait3A_193] : memref<8x128xi32, #tpu.memory_space<vmem>> -> memref<1x128xi32, #tpu.memory_space<vmem>>
      %dma_wait3A_195 = tpu.memref_squeeze %dma_wait3A_194 : memref<1x128xi32, #tpu.memory_space<vmem>> -> memref<128xi32, #tpu.memory_space<vmem>>
      %dma_wait3A_196 = arith.constant 0 : i32
      %dma_wait3A_197 = arith.constant 0 : i32
      %dma_wait3A_198 = tpu.memref_slice %arg13[%dma_wait3A_196, %dma_wait3A_197] : memref<10240x128xf32, #tpu.memory_space<vmem_shared>> -> memref<10240x128xf32, #tpu.memory_space<vmem_shared>>
      tpu.wait_indirect_dma semaphore(%arg16 : memref<!tpu.dma_semaphore, #tpu.memory_space<semaphore_mem>>) src(%arg11 : memref<128x128xf32, #tpu.memory_space<vmem>>) dst(%dma_wait3A_198 : memref<10240x128xf32, #tpu.memory_space<vmem_shared>>)
      %dma_start3A_199 = arith.constant 2 : i32
      %dma_start3A_200 = arith.constant 0 : i32
      %dma_start3A_201 = tpu.memref_slice %arg7[%dma_start3A_199, %dma_start3A_200] : memref<8x128xi32, #tpu.memory_space<vmem>> -> memref<1x128xi32, #tpu.memory_space<vmem>>
      %dma_start3A_202 = tpu.memref_squeeze %dma_start3A_201 : memref<1x128xi32, #tpu.memory_space<vmem>> -> memref<128xi32, #tpu.memory_space<vmem>>
      %dma_start3A_203 = arith.constant 0 : i32
      %dma_start3A_204 = arith.constant 0 : i32
      %dma_start3A_205 = tpu.memref_slice %arg2[%dma_start3A_203, %dma_start3A_204] : memref<10240x128xf32, #tpu.memory_space<hbm>> -> memref<10240x128xf32, #tpu.memory_space<hbm>>
      tpu.enqueue_indirect_dma source(%dma_start3A_205 : memref<10240x128xf32, #tpu.memory_space<hbm>>) target(%arg11 : memref<128x128xf32, #tpu.memory_space<vmem>>) offsets(%dma_start3A_202 : memref<128xi32, #tpu.memory_space<vmem>>) semaphore(%arg14 : memref<!tpu.dma_semaphore, #tpu.memory_space<semaphore_mem>>)
      %dma_wait3A_206 = arith.constant 0 : i32
      %dma_wait3A_207 = arith.constant 0 : i32
      %dma_wait3A_208 = tpu.memref_slice %arg7[%dma_wait3A_206, %dma_wait3A_207] : memref<8x128xi32, #tpu.memory_space<vmem>> -> memref<1x128xi32, #tpu.memory_space<vmem>>
      %dma_wait3A_209 = tpu.memref_squeeze %dma_wait3A_208 : memref<1x128xi32, #tpu.memory_space<vmem>> -> memref<128xi32, #tpu.memory_space<vmem>>
      %dma_wait3A_210 = arith.constant 0 : i32
      %dma_wait3A_211 = arith.constant 0 : i32
      %dma_wait3A_212 = tpu.memref_slice %arg2[%dma_wait3A_210, %dma_wait3A_211] : memref<10240x128xf32, #tpu.memory_space<hbm>> -> memref<10240x128xf32, #tpu.memory_space<hbm>>
      tpu.wait_indirect_dma semaphore(%arg15 : memref<!tpu.dma_semaphore, #tpu.memory_space<semaphore_mem>>) src(%dma_wait3A_212 : memref<10240x128xf32, #tpu.memory_space<hbm>>) dst(%arg12 : memref<128x128xf32, #tpu.memory_space<vmem>>)
      %dma_start3A_213 = arith.constant 1 : i32
      %dma_start3A_214 = arith.constant 0 : i32
      %dma_start3A_215 = tpu.memref_slice %arg9[%dma_start3A_213, %dma_start3A_214] : memref<8x128xi32, #tpu.memory_space<vmem>> -> memref<1x128xi32, #tpu.memory_space<vmem>>
      %dma_start3A_216 = tpu.memref_squeeze %dma_start3A_215 : memref<1x128xi32, #tpu.memory_space<vmem>> -> memref<128xi32, #tpu.memory_space<vmem>>
      %dma_start3A_217 = arith.constant 0 : i32
      %dma_start3A_218 = arith.constant 0 : i32
      %dma_start3A_219 = tpu.memref_slice %arg13[%dma_start3A_217, %dma_start3A_218] : memref<10240x128xf32, #tpu.memory_space<vmem_shared>> -> memref<10240x128xf32, #tpu.memory_space<vmem_shared>>
      tpu.enqueue_indirect_dma source(%arg12 : memref<128x128xf32, #tpu.memory_space<vmem>>) target(%dma_start3A_219 : memref<10240x128xf32, #tpu.memory_space<vmem_shared>>) offsets(%dma_start3A_216 : memref<128xi32, #tpu.memory_space<vmem>>) semaphore(%arg17 : memref<!tpu.dma_semaphore, #tpu.memory_space<semaphore_mem>>) {add = true}
      %dma_wait3A_220 = arith.constant 1 : i32
      %dma_wait3A_221 = arith.constant 0 : i32
      %dma_wait3A_222 = tpu.memref_slice %arg9[%dma_wait3A_220, %dma_wait3A_221] : memref<8x128xi32, #tpu.memory_space<vmem>> -> memref<1x128xi32, #tpu.memory_space<vmem>>
      %dma_wait3A_223 = tpu.memref_squeeze %dma_wait3A_222 : memref<1x128xi32, #tpu.memory_space<vmem>> -> memref<128xi32, #tpu.memory_space<vmem>>
      %dma_wait3A_224 = arith.constant 0 : i32
      %dma_wait3A_225 = arith.constant 0 : i32
      %dma_wait3A_226 = tpu.memref_slice %arg13[%dma_wait3A_224, %dma_wait3A_225] : memref<10240x128xf32, #tpu.memory_space<vmem_shared>> -> memref<10240x128xf32, #tpu.memory_space<vmem_shared>>
      tpu.wait_indirect_dma semaphore(%arg17 : memref<!tpu.dma_semaphore, #tpu.memory_space<semaphore_mem>>) src(%arg12 : memref<128x128xf32, #tpu.memory_space<vmem>>) dst(%dma_wait3A_226 : memref<10240x128xf32, #tpu.memory_space<vmem_shared>>)
      %dma_start3A_227 = arith.constant 3 : i32
      %dma_start3A_228 = arith.constant 0 : i32
      %dma_start3A_229 = tpu.memref_slice %arg7[%dma_start3A_227, %dma_start3A_228] : memref<8x128xi32, #tpu.memory_space<vmem>> -> memref<1x128xi32, #tpu.memory_space<vmem>>
      %dma_start3A_230 = tpu.memref_squeeze %dma_start3A_229 : memref<1x128xi32, #tpu.memory_space<vmem>> -> memref<128xi32, #tpu.memory_space<vmem>>
      %dma_start3A_231 = arith.constant 0 : i32
      %dma_start3A_232 = arith.constant 0 : i32
      %dma_start3A_233 = tpu.memref_slice %arg2[%dma_start3A_231, %dma_start3A_232] : memref<10240x128xf32, #tpu.memory_space<hbm>> -> memref<10240x128xf32, #tpu.memory_space<hbm>>
      tpu.enqueue_indirect_dma source(%dma_start3A_233 : memref<10240x128xf32, #tpu.memory_space<hbm>>) target(%arg12 : memref<128x128xf32, #tpu.memory_space<vmem>>) offsets(%dma_start3A_230 : memref<128xi32, #tpu.memory_space<vmem>>) semaphore(%arg15 : memref<!tpu.dma_semaphore, #tpu.memory_space<semaphore_mem>>)
      %dma_wait3A_234 = arith.constant 0 : i32
      %dma_wait3A_235 = arith.constant 0 : i32
      %dma_wait3A_236 = tpu.memref_slice %arg7[%dma_wait3A_234, %dma_wait3A_235] : memref<8x128xi32, #tpu.memory_space<vmem>> -> memref<1x128xi32, #tpu.memory_space<vmem>>
      %dma_wait3A_237 = tpu.memref_squeeze %dma_wait3A_236 : memref<1x128xi32, #tpu.memory_space<vmem>> -> memref<128xi32, #tpu.memory_space<vmem>>
      %dma_wait3A_238 = arith.constant 0 : i32
      %dma_wait3A_239 = arith.constant 0 : i32
      %dma_wait3A_240 = tpu.memref_slice %arg2[%dma_wait3A_238, %dma_wait3A_239] : memref<10240x128xf32, #tpu.memory_space<hbm>> -> memref<10240x128xf32, #tpu.memory_space<hbm>>
      tpu.wait_indirect_dma semaphore(%arg14 : memref<!tpu.dma_semaphore, #tpu.memory_space<semaphore_mem>>) src(%dma_wait3A_240 : memref<10240x128xf32, #tpu.memory_space<hbm>>) dst(%arg11 : memref<128x128xf32, #tpu.memory_space<vmem>>)
      %dma_start3A_241 = arith.constant 2 : i32
      %dma_start3A_242 = arith.constant 0 : i32
      %dma_start3A_243 = tpu.memref_slice %arg9[%dma_start3A_241, %dma_start3A_242] : memref<8x128xi32, #tpu.memory_space<vmem>> -> memref<1x128xi32, #tpu.memory_space<vmem>>
      %dma_start3A_244 = tpu.memref_squeeze %dma_start3A_243 : memref<1x128xi32, #tpu.memory_space<vmem>> -> memref<128xi32, #tpu.memory_space<vmem>>
      %dma_start3A_245 = arith.constant 0 : i32
      %dma_start3A_246 = arith.constant 0 : i32
      %dma_start3A_247 = tpu.memref_slice %arg13[%dma_start3A_245, %dma_start3A_246] : memref<10240x128xf32, #tpu.memory_space<vmem_shared>> -> memref<10240x128xf32, #tpu.memory_space<vmem_shared>>
      tpu.enqueue_indirect_dma source(%arg11 : memref<128x128xf32, #tpu.memory_space<vmem>>) target(%dma_start3A_247 : memref<10240x128xf32, #tpu.memory_space<vmem_shared>>) offsets(%dma_start3A_244 : memref<128xi32, #tpu.memory_space<vmem>>) semaphore(%arg16 : memref<!tpu.dma_semaphore, #tpu.memory_space<semaphore_mem>>) {add = true}
      %dma_wait3A_248 = arith.constant 2 : i32
      %dma_wait3A_249 = arith.constant 0 : i32
      %dma_wait3A_250 = tpu.memref_slice %arg9[%dma_wait3A_248, %dma_wait3A_249] : memref<8x128xi32, #tpu.memory_space<vmem>> -> memref<1x128xi32, #tpu.memory_space<vmem>>
      %dma_wait3A_251 = tpu.memref_squeeze %dma_wait3A_250 : memref<1x128xi32, #tpu.memory_space<vmem>> -> memref<128xi32, #tpu.memory_space<vmem>>
      %dma_wait3A_252 = arith.constant 0 : i32
      %dma_wait3A_253 = arith.constant 0 : i32
      %dma_wait3A_254 = tpu.memref_slice %arg13[%dma_wait3A_252, %dma_wait3A_253] : memref<10240x128xf32, #tpu.memory_space<vmem_shared>> -> memref<10240x128xf32, #tpu.memory_space<vmem_shared>>
      tpu.wait_indirect_dma semaphore(%arg16 : memref<!tpu.dma_semaphore, #tpu.memory_space<semaphore_mem>>) src(%arg11 : memref<128x128xf32, #tpu.memory_space<vmem>>) dst(%dma_wait3A_254 : memref<10240x128xf32, #tpu.memory_space<vmem_shared>>)
      %dma_start3A_255 = arith.constant 4 : i32
      %dma_start3A_256 = arith.constant 0 : i32
      %dma_start3A_257 = tpu.memref_slice %arg7[%dma_start3A_255, %dma_start3A_256] : memref<8x128xi32, #tpu.memory_space<vmem>> -> memref<1x128xi32, #tpu.memory_space<vmem>>
      %dma_start3A_258 = tpu.memref_squeeze %dma_start3A_257 : memref<1x128xi32, #tpu.memory_space<vmem>> -> memref<128xi32, #tpu.memory_space<vmem>>
      %dma_start3A_259 = arith.constant 0 : i32
      %dma_start3A_260 = arith.constant 0 : i32
      %dma_start3A_261 = tpu.memref_slice %arg2[%dma_start3A_259, %dma_start3A_260] : memref<10240x128xf32, #tpu.memory_space<hbm>> -> memref<10240x128xf32, #tpu.memory_space<hbm>>
      tpu.enqueue_indirect_dma source(%dma_start3A_261 : memref<10240x128xf32, #tpu.memory_space<hbm>>) target(%arg11 : memref<128x128xf32, #tpu.memory_space<vmem>>) offsets(%dma_start3A_258 : memref<128xi32, #tpu.memory_space<vmem>>) semaphore(%arg14 : memref<!tpu.dma_semaphore, #tpu.memory_space<semaphore_mem>>)
      %dma_wait3A_262 = arith.constant 0 : i32
      %dma_wait3A_263 = arith.constant 0 : i32
      %dma_wait3A_264 = tpu.memref_slice %arg7[%dma_wait3A_262, %dma_wait3A_263] : memref<8x128xi32, #tpu.memory_space<vmem>> -> memref<1x128xi32, #tpu.memory_space<vmem>>
      %dma_wait3A_265 = tpu.memref_squeeze %dma_wait3A_264 : memref<1x128xi32, #tpu.memory_space<vmem>> -> memref<128xi32, #tpu.memory_space<vmem>>
      %dma_wait3A_266 = arith.constant 0 : i32
      %dma_wait3A_267 = arith.constant 0 : i32
      %dma_wait3A_268 = tpu.memref_slice %arg2[%dma_wait3A_266, %dma_wait3A_267] : memref<10240x128xf32, #tpu.memory_space<hbm>> -> memref<10240x128xf32, #tpu.memory_space<hbm>>
      tpu.wait_indirect_dma semaphore(%arg15 : memref<!tpu.dma_semaphore, #tpu.memory_space<semaphore_mem>>) src(%dma_wait3A_268 : memref<10240x128xf32, #tpu.memory_space<hbm>>) dst(%arg12 : memref<128x128xf32, #tpu.memory_space<vmem>>)
      %dma_start3A_269 = arith.constant 3 : i32
      %dma_start3A_270 = arith.constant 0 : i32
      %dma_start3A_271 = tpu.memref_slice %arg9[%dma_start3A_269, %dma_start3A_270] : memref<8x128xi32, #tpu.memory_space<vmem>> -> memref<1x128xi32, #tpu.memory_space<vmem>>
      %dma_start3A_272 = tpu.memref_squeeze %dma_start3A_271 : memref<1x128xi32, #tpu.memory_space<vmem>> -> memref<128xi32, #tpu.memory_space<vmem>>
      %dma_start3A_273 = arith.constant 0 : i32
      %dma_start3A_274 = arith.constant 0 : i32
      %dma_start3A_275 = tpu.memref_slice %arg13[%dma_start3A_273, %dma_start3A_274] : memref<10240x128xf32, #tpu.memory_space<vmem_shared>> -> memref<10240x128xf32, #tpu.memory_space<vmem_shared>>
      tpu.enqueue_indirect_dma source(%arg12 : memref<128x128xf32, #tpu.memory_space<vmem>>) target(%dma_start3A_275 : memref<10240x128xf32, #tpu.memory_space<vmem_shared>>) offsets(%dma_start3A_272 : memref<128xi32, #tpu.memory_space<vmem>>) semaphore(%arg17 : memref<!tpu.dma_semaphore, #tpu.memory_space<semaphore_mem>>) {add = true}
      %dma_wait3A_276 = arith.constant 3 : i32
      %dma_wait3A_277 = arith.constant 0 : i32
      %dma_wait3A_278 = tpu.memref_slice %arg9[%dma_wait3A_276, %dma_wait3A_277] : memref<8x128xi32, #tpu.memory_space<vmem>> -> memref<1x128xi32, #tpu.memory_space<vmem>>
      %dma_wait3A_279 = tpu.memref_squeeze %dma_wait3A_278 : memref<1x128xi32, #tpu.memory_space<vmem>> -> memref<128xi32, #tpu.memory_space<vmem>>
      %dma_wait3A_280 = arith.constant 0 : i32
      %dma_wait3A_281 = arith.constant 0 : i32
      %dma_wait3A_282 = tpu.memref_slice %arg13[%dma_wait3A_280, %dma_wait3A_281] : memref<10240x128xf32, #tpu.memory_space<vmem_shared>> -> memref<10240x128xf32, #tpu.memory_space<vmem_shared>>
      tpu.wait_indirect_dma semaphore(%arg17 : memref<!tpu.dma_semaphore, #tpu.memory_space<semaphore_mem>>) src(%arg12 : memref<128x128xf32, #tpu.memory_space<vmem>>) dst(%dma_wait3A_282 : memref<10240x128xf32, #tpu.memory_space<vmem_shared>>)
      %dma_start3A_283 = arith.constant 5 : i32
      %dma_start3A_284 = arith.constant 0 : i32
      %dma_start3A_285 = tpu.memref_slice %arg7[%dma_start3A_283, %dma_start3A_284] : memref<8x128xi32, #tpu.memory_space<vmem>> -> memref<1x128xi32, #tpu.memory_space<vmem>>
      %dma_start3A_286 = tpu.memref_squeeze %dma_start3A_285 : memref<1x128xi32, #tpu.memory_space<vmem>> -> memref<128xi32, #tpu.memory_space<vmem>>
      %dma_start3A_287 = arith.constant 0 : i32
      %dma_start3A_288 = arith.constant 0 : i32
      %dma_start3A_289 = tpu.memref_slice %arg2[%dma_start3A_287, %dma_start3A_288] : memref<10240x128xf32, #tpu.memory_space<hbm>> -> memref<10240x128xf32, #tpu.memory_space<hbm>>
      tpu.enqueue_indirect_dma source(%dma_start3A_289 : memref<10240x128xf32, #tpu.memory_space<hbm>>) target(%arg12 : memref<128x128xf32, #tpu.memory_space<vmem>>) offsets(%dma_start3A_286 : memref<128xi32, #tpu.memory_space<vmem>>) semaphore(%arg15 : memref<!tpu.dma_semaphore, #tpu.memory_space<semaphore_mem>>)
      %dma_wait3A_290 = arith.constant 0 : i32
      %dma_wait3A_291 = arith.constant 0 : i32
      %dma_wait3A_292 = tpu.memref_slice %arg7[%dma_wait3A_290, %dma_wait3A_291] : memref<8x128xi32, #tpu.memory_space<vmem>> -> memref<1x128xi32, #tpu.memory_space<vmem>>
      %dma_wait3A_293 = tpu.memref_squeeze %dma_wait3A_292 : memref<1x128xi32, #tpu.memory_space<vmem>> -> memref<128xi32, #tpu.memory_space<vmem>>
      %dma_wait3A_294 = arith.constant 0 : i32
      %dma_wait3A_295 = arith.constant 0 : i32
      %dma_wait3A_296 = tpu.memref_slice %arg2[%dma_wait3A_294, %dma_wait3A_295] : memref<10240x128xf32, #tpu.memory_space<hbm>> -> memref<10240x128xf32, #tpu.memory_space<hbm>>
      tpu.wait_indirect_dma semaphore(%arg14 : memref<!tpu.dma_semaphore, #tpu.memory_space<semaphore_mem>>) src(%dma_wait3A_296 : memref<10240x128xf32, #tpu.memory_space<hbm>>) dst(%arg11 : memref<128x128xf32, #tpu.memory_space<vmem>>)
      %dma_start3A_297 = arith.constant 4 : i32
      %dma_start3A_298 = arith.constant 0 : i32
      %dma_start3A_299 = tpu.memref_slice %arg9[%dma_start3A_297, %dma_start3A_298] : memref<8x128xi32, #tpu.memory_space<vmem>> -> memref<1x128xi32, #tpu.memory_space<vmem>>
      %dma_start3A_300 = tpu.memref_squeeze %dma_start3A_299 : memref<1x128xi32, #tpu.memory_space<vmem>> -> memref<128xi32, #tpu.memory_space<vmem>>
      %dma_start3A_301 = arith.constant 0 : i32
      %dma_start3A_302 = arith.constant 0 : i32
      %dma_start3A_303 = tpu.memref_slice %arg13[%dma_start3A_301, %dma_start3A_302] : memref<10240x128xf32, #tpu.memory_space<vmem_shared>> -> memref<10240x128xf32, #tpu.memory_space<vmem_shared>>
      tpu.enqueue_indirect_dma source(%arg11 : memref<128x128xf32, #tpu.memory_space<vmem>>) target(%dma_start3A_303 : memref<10240x128xf32, #tpu.memory_space<vmem_shared>>) offsets(%dma_start3A_300 : memref<128xi32, #tpu.memory_space<vmem>>) semaphore(%arg16 : memref<!tpu.dma_semaphore, #tpu.memory_space<semaphore_mem>>) {add = true}
      %dma_wait3A_304 = arith.constant 4 : i32
      %dma_wait3A_305 = arith.constant 0 : i32
      %dma_wait3A_306 = tpu.memref_slice %arg9[%dma_wait3A_304, %dma_wait3A_305] : memref<8x128xi32, #tpu.memory_space<vmem>> -> memref<1x128xi32, #tpu.memory_space<vmem>>
      %dma_wait3A_307 = tpu.memref_squeeze %dma_wait3A_306 : memref<1x128xi32, #tpu.memory_space<vmem>> -> memref<128xi32, #tpu.memory_space<vmem>>
      %dma_wait3A_308 = arith.constant 0 : i32
      %dma_wait3A_309 = arith.constant 0 : i32
      %dma_wait3A_310 = tpu.memref_slice %arg13[%dma_wait3A_308, %dma_wait3A_309] : memref<10240x128xf32, #tpu.memory_space<vmem_shared>> -> memref<10240x128xf32, #tpu.memory_space<vmem_shared>>
      tpu.wait_indirect_dma semaphore(%arg16 : memref<!tpu.dma_semaphore, #tpu.memory_space<semaphore_mem>>) src(%arg11 : memref<128x128xf32, #tpu.memory_space<vmem>>) dst(%dma_wait3A_310 : memref<10240x128xf32, #tpu.memory_space<vmem_shared>>)
      %dma_start3A_311 = arith.constant 6 : i32
      %dma_start3A_312 = arith.constant 0 : i32
      %dma_start3A_313 = tpu.memref_slice %arg7[%dma_start3A_311, %dma_start3A_312] : memref<8x128xi32, #tpu.memory_space<vmem>> -> memref<1x128xi32, #tpu.memory_space<vmem>>
      %dma_start3A_314 = tpu.memref_squeeze %dma_start3A_313 : memref<1x128xi32, #tpu.memory_space<vmem>> -> memref<128xi32, #tpu.memory_space<vmem>>
      %dma_start3A_315 = arith.constant 0 : i32
      %dma_start3A_316 = arith.constant 0 : i32
      %dma_start3A_317 = tpu.memref_slice %arg2[%dma_start3A_315, %dma_start3A_316] : memref<10240x128xf32, #tpu.memory_space<hbm>> -> memref<10240x128xf32, #tpu.memory_space<hbm>>
      tpu.enqueue_indirect_dma source(%dma_start3A_317 : memref<10240x128xf32, #tpu.memory_space<hbm>>) target(%arg11 : memref<128x128xf32, #tpu.memory_space<vmem>>) offsets(%dma_start3A_314 : memref<128xi32, #tpu.memory_space<vmem>>) semaphore(%arg14 : memref<!tpu.dma_semaphore, #tpu.memory_space<semaphore_mem>>)
      %dma_wait3A_318 = arith.constant 0 : i32
      %dma_wait3A_319 = arith.constant 0 : i32
      %dma_wait3A_320 = tpu.memref_slice %arg7[%dma_wait3A_318, %dma_wait3A_319] : memref<8x128xi32, #tpu.memory_space<vmem>> -> memref<1x128xi32, #tpu.memory_space<vmem>>
      %dma_wait3A_321 = tpu.memref_squeeze %dma_wait3A_320 : memref<1x128xi32, #tpu.memory_space<vmem>> -> memref<128xi32, #tpu.memory_space<vmem>>
      %dma_wait3A_322 = arith.constant 0 : i32
      %dma_wait3A_323 = arith.constant 0 : i32
      %dma_wait3A_324 = tpu.memref_slice %arg2[%dma_wait3A_322, %dma_wait3A_323] : memref<10240x128xf32, #tpu.memory_space<hbm>> -> memref<10240x128xf32, #tpu.memory_space<hbm>>
      tpu.wait_indirect_dma semaphore(%arg15 : memref<!tpu.dma_semaphore, #tpu.memory_space<semaphore_mem>>) src(%dma_wait3A_324 : memref<10240x128xf32, #tpu.memory_space<hbm>>) dst(%arg12 : memref<128x128xf32, #tpu.memory_space<vmem>>)
      %dma_start3A_325 = arith.constant 5 : i32
      %dma_start3A_326 = arith.constant 0 : i32
      %dma_start3A_327 = tpu.memref_slice %arg9[%dma_start3A_325, %dma_start3A_326] : memref<8x128xi32, #tpu.memory_space<vmem>> -> memref<1x128xi32, #tpu.memory_space<vmem>>
      %dma_start3A_328 = tpu.memref_squeeze %dma_start3A_327 : memref<1x128xi32, #tpu.memory_space<vmem>> -> memref<128xi32, #tpu.memory_space<vmem>>
      %dma_start3A_329 = arith.constant 0 : i32
      %dma_start3A_330 = arith.constant 0 : i32
      %dma_start3A_331 = tpu.memref_slice %arg13[%dma_start3A_329, %dma_start3A_330] : memref<10240x128xf32, #tpu.memory_space<vmem_shared>> -> memref<10240x128xf32, #tpu.memory_space<vmem_shared>>
      tpu.enqueue_indirect_dma source(%arg12 : memref<128x128xf32, #tpu.memory_space<vmem>>) target(%dma_start3A_331 : memref<10240x128xf32, #tpu.memory_space<vmem_shared>>) offsets(%dma_start3A_328 : memref<128xi32, #tpu.memory_space<vmem>>) semaphore(%arg17 : memref<!tpu.dma_semaphore, #tpu.memory_space<semaphore_mem>>) {add = true}
      %dma_wait3A_332 = arith.constant 5 : i32
      %dma_wait3A_333 = arith.constant 0 : i32
      %dma_wait3A_334 = tpu.memref_slice %arg9[%dma_wait3A_332, %dma_wait3A_333] : memref<8x128xi32, #tpu.memory_space<vmem>> -> memref<1x128xi32, #tpu.memory_space<vmem>>
      %dma_wait3A_335 = tpu.memref_squeeze %dma_wait3A_334 : memref<1x128xi32, #tpu.memory_space<vmem>> -> memref<128xi32, #tpu.memory_space<vmem>>
      %dma_wait3A_336 = arith.constant 0 : i32
      %dma_wait3A_337 = arith.constant 0 : i32
      %dma_wait3A_338 = tpu.memref_slice %arg13[%dma_wait3A_336, %dma_wait3A_337] : memref<10240x128xf32, #tpu.memory_space<vmem_shared>> -> memref<10240x128xf32, #tpu.memory_space<vmem_shared>>
      tpu.wait_indirect_dma semaphore(%arg17 : memref<!tpu.dma_semaphore, #tpu.memory_space<semaphore_mem>>) src(%arg12 : memref<128x128xf32, #tpu.memory_space<vmem>>) dst(%dma_wait3A_338 : memref<10240x128xf32, #tpu.memory_space<vmem_shared>>)
      %dma_start3A_339 = arith.constant 7 : i32
      %dma_start3A_340 = arith.constant 0 : i32
      %dma_start3A_341 = tpu.memref_slice %arg7[%dma_start3A_339, %dma_start3A_340] : memref<8x128xi32, #tpu.memory_space<vmem>> -> memref<1x128xi32, #tpu.memory_space<vmem>>
      %dma_start3A_342 = tpu.memref_squeeze %dma_start3A_341 : memref<1x128xi32, #tpu.memory_space<vmem>> -> memref<128xi32, #tpu.memory_space<vmem>>
      %dma_start3A_343 = arith.constant 0 : i32
      %dma_start3A_344 = arith.constant 0 : i32
      %dma_start3A_345 = tpu.memref_slice %arg2[%dma_start3A_343, %dma_start3A_344] : memref<10240x128xf32, #tpu.memory_space<hbm>> -> memref<10240x128xf32, #tpu.memory_space<hbm>>
      tpu.enqueue_indirect_dma source(%dma_start3A_345 : memref<10240x128xf32, #tpu.memory_space<hbm>>) target(%arg12 : memref<128x128xf32, #tpu.memory_space<vmem>>) offsets(%dma_start3A_342 : memref<128xi32, #tpu.memory_space<vmem>>) semaphore(%arg15 : memref<!tpu.dma_semaphore, #tpu.memory_space<semaphore_mem>>)
      %dma_wait3A_346 = arith.constant 0 : i32
      %dma_wait3A_347 = arith.constant 0 : i32
      %dma_wait3A_348 = tpu.memref_slice %arg7[%dma_wait3A_346, %dma_wait3A_347] : memref<8x128xi32, #tpu.memory_space<vmem>> -> memref<1x128xi32, #tpu.memory_space<vmem>>
      %dma_wait3A_349 = tpu.memref_squeeze %dma_wait3A_348 : memref<1x128xi32, #tpu.memory_space<vmem>> -> memref<128xi32, #tpu.memory_space<vmem>>
      %dma_wait3A_350 = arith.constant 0 : i32
      %dma_wait3A_351 = arith.constant 0 : i32
      %dma_wait3A_352 = tpu.memref_slice %arg2[%dma_wait3A_350, %dma_wait3A_351] : memref<10240x128xf32, #tpu.memory_space<hbm>> -> memref<10240x128xf32, #tpu.memory_space<hbm>>
      tpu.wait_indirect_dma semaphore(%arg14 : memref<!tpu.dma_semaphore, #tpu.memory_space<semaphore_mem>>) src(%dma_wait3A_352 : memref<10240x128xf32, #tpu.memory_space<hbm>>) dst(%arg11 : memref<128x128xf32, #tpu.memory_space<vmem>>)
      %dma_start3A_353 = arith.constant 6 : i32
      %dma_start3A_354 = arith.constant 0 : i32
      %dma_start3A_355 = tpu.memref_slice %arg9[%dma_start3A_353, %dma_start3A_354] : memref<8x128xi32, #tpu.memory_space<vmem>> -> memref<1x128xi32, #tpu.memory_space<vmem>>
      %dma_start3A_356 = tpu.memref_squeeze %dma_start3A_355 : memref<1x128xi32, #tpu.memory_space<vmem>> -> memref<128xi32, #tpu.memory_space<vmem>>
      %dma_start3A_357 = arith.constant 0 : i32
      %dma_start3A_358 = arith.constant 0 : i32
      %dma_start3A_359 = tpu.memref_slice %arg13[%dma_start3A_357, %dma_start3A_358] : memref<10240x128xf32, #tpu.memory_space<vmem_shared>> -> memref<10240x128xf32, #tpu.memory_space<vmem_shared>>
      tpu.enqueue_indirect_dma source(%arg11 : memref<128x128xf32, #tpu.memory_space<vmem>>) target(%dma_start3A_359 : memref<10240x128xf32, #tpu.memory_space<vmem_shared>>) offsets(%dma_start3A_356 : memref<128xi32, #tpu.memory_space<vmem>>) semaphore(%arg16 : memref<!tpu.dma_semaphore, #tpu.memory_space<semaphore_mem>>) {add = true}
      %dma_wait3A_360 = arith.constant 6 : i32
      %dma_wait3A_361 = arith.constant 0 : i32
      %dma_wait3A_362 = tpu.memref_slice %arg9[%dma_wait3A_360, %dma_wait3A_361] : memref<8x128xi32, #tpu.memory_space<vmem>> -> memref<1x128xi32, #tpu.memory_space<vmem>>
      %dma_wait3A_363 = tpu.memref_squeeze %dma_wait3A_362 : memref<1x128xi32, #tpu.memory_space<vmem>> -> memref<128xi32, #tpu.memory_space<vmem>>
      %dma_wait3A_364 = arith.constant 0 : i32
      %dma_wait3A_365 = arith.constant 0 : i32
      %dma_wait3A_366 = tpu.memref_slice %arg13[%dma_wait3A_364, %dma_wait3A_365] : memref<10240x128xf32, #tpu.memory_space<vmem_shared>> -> memref<10240x128xf32, #tpu.memory_space<vmem_shared>>
      tpu.wait_indirect_dma semaphore(%arg16 : memref<!tpu.dma_semaphore, #tpu.memory_space<semaphore_mem>>) src(%arg11 : memref<128x128xf32, #tpu.memory_space<vmem>>) dst(%dma_wait3A_366 : memref<10240x128xf32, #tpu.memory_space<vmem_shared>>)
      %sub3A_367 = arith.constant 1 : i32
      %sub3A_368 = arith.subi %select_n3A_19, %sub3A_367 : i32
      %lt3A = arith.cmpi slt, %mul3A_173, %sub3A_368 : i32
      %convert_element_type3A = arith.extui %lt3A : i1 to i32
      %cond3A = arith.constant 0 : i32
      %cond3A_369 = arith.cmpi ne, %convert_element_type3A, %cond3A : i32
      scf.if %cond3A_369 {
        %dma_wait3A_655 = arith.constant 0 : i32
        %dma_wait3A_656 = tpu.memref_slice %arg3[%select_n3A_26, %dma_wait3A_655] : memref<2560x128xi32, #tpu.memory_space<hbm>> -> memref<8x128xi32, #tpu.memory_space<hbm>>
        %dma_wait3A_657 = arith.constant 0 : i32
        %dma_wait3A_658 = tpu.memref_slice %arg3[%select_n3A_26, %dma_wait3A_657] : memref<2560x128xi32, #tpu.memory_space<hbm>> -> memref<8x128xi32, #tpu.memory_space<hbm>>
        tpu.wait_dma2 semaphore(%arg21 : memref<!tpu.dma_semaphore, #tpu.memory_space<semaphore_mem>>) src(%dma_wait3A_658 : memref<8x128xi32, #tpu.memory_space<hbm>>) dst(%arg8 : memref<8x128xi32, #tpu.memory_space<vmem>>)
      } else {
      }
      %dma_start3A_370 = arith.constant 0 : i32
      %dma_start3A_371 = arith.constant 0 : i32
      %dma_start3A_372 = tpu.memref_slice %arg8[%dma_start3A_370, %dma_start3A_371] : memref<8x128xi32, #tpu.memory_space<vmem>> -> memref<1x128xi32, #tpu.memory_space<vmem>>
      %dma_start3A_373 = tpu.memref_squeeze %dma_start3A_372 : memref<1x128xi32, #tpu.memory_space<vmem>> -> memref<128xi32, #tpu.memory_space<vmem>>
      %dma_start3A_374 = arith.constant 0 : i32
      %dma_start3A_375 = arith.constant 0 : i32
      %dma_start3A_376 = tpu.memref_slice %arg2[%dma_start3A_374, %dma_start3A_375] : memref<10240x128xf32, #tpu.memory_space<hbm>> -> memref<10240x128xf32, #tpu.memory_space<hbm>>
      tpu.enqueue_indirect_dma source(%dma_start3A_376 : memref<10240x128xf32, #tpu.memory_space<hbm>>) target(%arg11 : memref<128x128xf32, #tpu.memory_space<vmem>>) offsets(%dma_start3A_373 : memref<128xi32, #tpu.memory_space<vmem>>) semaphore(%arg14 : memref<!tpu.dma_semaphore, #tpu.memory_space<semaphore_mem>>)
      %dma_wait3A_377 = arith.constant 0 : i32
      %dma_wait3A_378 = arith.constant 0 : i32
      %dma_wait3A_379 = tpu.memref_slice %arg7[%dma_wait3A_377, %dma_wait3A_378] : memref<8x128xi32, #tpu.memory_space<vmem>> -> memref<1x128xi32, #tpu.memory_space<vmem>>
      %dma_wait3A_380 = tpu.memref_squeeze %dma_wait3A_379 : memref<1x128xi32, #tpu.memory_space<vmem>> -> memref<128xi32, #tpu.memory_space<vmem>>
      %dma_wait3A_381 = arith.constant 0 : i32
      %dma_wait3A_382 = arith.constant 0 : i32
      %dma_wait3A_383 = tpu.memref_slice %arg2[%dma_wait3A_381, %dma_wait3A_382] : memref<10240x128xf32, #tpu.memory_space<hbm>> -> memref<10240x128xf32, #tpu.memory_space<hbm>>
      tpu.wait_indirect_dma semaphore(%arg15 : memref<!tpu.dma_semaphore, #tpu.memory_space<semaphore_mem>>) src(%dma_wait3A_383 : memref<10240x128xf32, #tpu.memory_space<hbm>>) dst(%arg12 : memref<128x128xf32, #tpu.memory_space<vmem>>)
      %dma_start3A_384 = arith.constant 7 : i32
      %dma_start3A_385 = arith.constant 0 : i32
      %dma_start3A_386 = tpu.memref_slice %arg9[%dma_start3A_384, %dma_start3A_385] : memref<8x128xi32, #tpu.memory_space<vmem>> -> memref<1x128xi32, #tpu.memory_space<vmem>>
      %dma_start3A_387 = tpu.memref_squeeze %dma_start3A_386 : memref<1x128xi32, #tpu.memory_space<vmem>> -> memref<128xi32, #tpu.memory_space<vmem>>
      %dma_start3A_388 = arith.constant 0 : i32
      %dma_start3A_389 = arith.constant 0 : i32
      %dma_start3A_390 = tpu.memref_slice %arg13[%dma_start3A_388, %dma_start3A_389] : memref<10240x128xf32, #tpu.memory_space<vmem_shared>> -> memref<10240x128xf32, #tpu.memory_space<vmem_shared>>
      tpu.enqueue_indirect_dma source(%arg12 : memref<128x128xf32, #tpu.memory_space<vmem>>) target(%dma_start3A_390 : memref<10240x128xf32, #tpu.memory_space<vmem_shared>>) offsets(%dma_start3A_387 : memref<128xi32, #tpu.memory_space<vmem>>) semaphore(%arg17 : memref<!tpu.dma_semaphore, #tpu.memory_space<semaphore_mem>>) {add = true}
      %dma_wait3A_391 = arith.constant 7 : i32
      %dma_wait3A_392 = arith.constant 0 : i32
      %dma_wait3A_393 = tpu.memref_slice %arg9[%dma_wait3A_391, %dma_wait3A_392] : memref<8x128xi32, #tpu.memory_space<vmem>> -> memref<1x128xi32, #tpu.memory_space<vmem>>
      %dma_wait3A_394 = tpu.memref_squeeze %dma_wait3A_393 : memref<1x128xi32, #tpu.memory_space<vmem>> -> memref<128xi32, #tpu.memory_space<vmem>>
      %dma_wait3A_395 = arith.constant 0 : i32
      %dma_wait3A_396 = arith.constant 0 : i32
      %dma_wait3A_397 = tpu.memref_slice %arg13[%dma_wait3A_395, %dma_wait3A_396] : memref<10240x128xf32, #tpu.memory_space<vmem_shared>> -> memref<10240x128xf32, #tpu.memory_space<vmem_shared>>
      tpu.wait_indirect_dma semaphore(%arg17 : memref<!tpu.dma_semaphore, #tpu.memory_space<semaphore_mem>>) src(%arg12 : memref<128x128xf32, #tpu.memory_space<vmem>>) dst(%dma_wait3A_397 : memref<10240x128xf32, #tpu.memory_space<vmem_shared>>)
      %dma_start3A_398 = arith.constant 1 : i32
      %dma_start3A_399 = arith.constant 0 : i32
      %dma_start3A_400 = tpu.memref_slice %arg8[%dma_start3A_398, %dma_start3A_399] : memref<8x128xi32, #tpu.memory_space<vmem>> -> memref<1x128xi32, #tpu.memory_space<vmem>>
      %dma_start3A_401 = tpu.memref_squeeze %dma_start3A_400 : memref<1x128xi32, #tpu.memory_space<vmem>> -> memref<128xi32, #tpu.memory_space<vmem>>
      %dma_start3A_402 = arith.constant 0 : i32
      %dma_start3A_403 = arith.constant 0 : i32
      %dma_start3A_404 = tpu.memref_slice %arg2[%dma_start3A_402, %dma_start3A_403] : memref<10240x128xf32, #tpu.memory_space<hbm>> -> memref<10240x128xf32, #tpu.memory_space<hbm>>
      tpu.enqueue_indirect_dma source(%dma_start3A_404 : memref<10240x128xf32, #tpu.memory_space<hbm>>) target(%arg12 : memref<128x128xf32, #tpu.memory_space<vmem>>) offsets(%dma_start3A_401 : memref<128xi32, #tpu.memory_space<vmem>>) semaphore(%arg15 : memref<!tpu.dma_semaphore, #tpu.memory_space<semaphore_mem>>)
      %add3A_405 = arith.constant 2 : i32
      %add3A_406 = arith.addi %mul3A_173, %add3A_405 : i32
      %lt3A_407 = arith.cmpi slt, %add3A_406, %select_n3A_19 : i32
      %convert_element_type3A_408 = arith.extui %lt3A_407 : i1 to i32
      %cond3A_409 = arith.constant 0 : i32
      %cond3A_410 = arith.cmpi ne, %convert_element_type3A_408, %cond3A_409 : i32
      scf.if %cond3A_410 {
        %add3A_655 = arith.constant 2 : i32
        %add3A_656 = arith.addi %mul3A_173, %add3A_655 : i32
        %mul3A_657 = arith.constant 8 : i32
        %mul3A_658 = arith.muli %add3A_656, %mul3A_657 : i32
        %add3A_659 = arith.addi %select_n3A_26, %mul3A_658 : i32
        %dma_start3A_660 = arith.constant 0 : i32
        %dma_start3A_661 = tpu.memref_slice %arg3[%add3A_659, %dma_start3A_660] : memref<2560x128xi32, #tpu.memory_space<hbm>> -> memref<8x128xi32, #tpu.memory_space<hbm>>
        %dma_start3A_662 = arith.constant 0 : i32
        %dma_start3A_663 = tpu.memref_slice %arg3[%add3A_659, %dma_start3A_662] : memref<2560x128xi32, #tpu.memory_space<hbm>> -> memref<8x128xi32, #tpu.memory_space<hbm>>
        tpu.enqueue_dma source(%dma_start3A_663 : memref<8x128xi32, #tpu.memory_space<hbm>>) target(%arg7 : memref<8x128xi32, #tpu.memory_space<vmem>>) target_semaphore(%arg20 : memref<!tpu.dma_semaphore, #tpu.memory_space<semaphore_mem>>)
        %add3A_664 = arith.constant 2 : i32
        %add3A_665 = arith.addi %mul3A_173, %add3A_664 : i32
        %mul3A_666 = arith.constant 8 : i32
        %mul3A_667 = arith.muli %add3A_665, %mul3A_666 : i32
        %add3A_668 = arith.addi %select_n3A_26, %mul3A_667 : i32
        %dma_start3A_669 = arith.constant 0 : i32
        %dma_start3A_670 = tpu.memref_slice %arg4[%add3A_668, %dma_start3A_669] : memref<2560x128xi32, #tpu.memory_space<hbm>> -> memref<8x128xi32, #tpu.memory_space<hbm>>
        %dma_start3A_671 = arith.constant 0 : i32
        %dma_start3A_672 = tpu.memref_slice %arg4[%add3A_668, %dma_start3A_671] : memref<2560x128xi32, #tpu.memory_space<hbm>> -> memref<8x128xi32, #tpu.memory_space<hbm>>
        tpu.enqueue_dma source(%dma_start3A_672 : memref<8x128xi32, #tpu.memory_space<hbm>>) target(%arg9 : memref<8x128xi32, #tpu.memory_space<vmem>>) target_semaphore(%arg18 : memref<!tpu.dma_semaphore, #tpu.memory_space<semaphore_mem>>)
      } else {
      }
      %mul3A_411 = arith.constant 2 : i32
      %mul3A_412 = arith.muli %mul3A_411, %while3A_171 : i32
      %add3A_413 = arith.constant 1 : i32
      %add3A_414 = arith.addi %mul3A_412, %add3A_413 : i32
      %dma_wait3A_415 = arith.constant 0 : i32
      %dma_wait3A_416 = tpu.memref_slice %arg4[%select_n3A_26, %dma_wait3A_415] : memref<2560x128xi32, #tpu.memory_space<hbm>> -> memref<8x128xi32, #tpu.memory_space<hbm>>
      %dma_wait3A_417 = arith.constant 0 : i32
      %dma_wait3A_418 = tpu.memref_slice %arg4[%select_n3A_26, %dma_wait3A_417] : memref<2560x128xi32, #tpu.memory_space<hbm>> -> memref<8x128xi32, #tpu.memory_space<hbm>>
      tpu.wait_dma2 semaphore(%arg19 : memref<!tpu.dma_semaphore, #tpu.memory_space<semaphore_mem>>) src(%dma_wait3A_418 : memref<8x128xi32, #tpu.memory_space<hbm>>) dst(%arg10 : memref<8x128xi32, #tpu.memory_space<vmem>>)
      %dma_wait3A_419 = arith.constant 0 : i32
      %dma_wait3A_420 = arith.constant 0 : i32
      %dma_wait3A_421 = tpu.memref_slice %arg8[%dma_wait3A_419, %dma_wait3A_420] : memref<8x128xi32, #tpu.memory_space<vmem>> -> memref<1x128xi32, #tpu.memory_space<vmem>>
      %dma_wait3A_422 = tpu.memref_squeeze %dma_wait3A_421 : memref<1x128xi32, #tpu.memory_space<vmem>> -> memref<128xi32, #tpu.memory_space<vmem>>
      %dma_wait3A_423 = arith.constant 0 : i32
      %dma_wait3A_424 = arith.constant 0 : i32
      %dma_wait3A_425 = tpu.memref_slice %arg2[%dma_wait3A_423, %dma_wait3A_424] : memref<10240x128xf32, #tpu.memory_space<hbm>> -> memref<10240x128xf32, #tpu.memory_space<hbm>>
      tpu.wait_indirect_dma semaphore(%arg14 : memref<!tpu.dma_semaphore, #tpu.memory_space<semaphore_mem>>) src(%dma_wait3A_425 : memref<10240x128xf32, #tpu.memory_space<hbm>>) dst(%arg11 : memref<128x128xf32, #tpu.memory_space<vmem>>)
      %dma_start3A_426 = arith.constant 0 : i32
      %dma_start3A_427 = arith.constant 0 : i32
      %dma_start3A_428 = tpu.memref_slice %arg10[%dma_start3A_426, %dma_start3A_427] : memref<8x128xi32, #tpu.memory_space<vmem>> -> memref<1x128xi32, #tpu.memory_space<vmem>>
      %dma_start3A_429 = tpu.memref_squeeze %dma_start3A_428 : memref<1x128xi32, #tpu.memory_space<vmem>> -> memref<128xi32, #tpu.memory_space<vmem>>
      %dma_start3A_430 = arith.constant 0 : i32
      %dma_start3A_431 = arith.constant 0 : i32
      %dma_start3A_432 = tpu.memref_slice %arg13[%dma_start3A_430, %dma_start3A_431] : memref<10240x128xf32, #tpu.memory_space<vmem_shared>> -> memref<10240x128xf32, #tpu.memory_space<vmem_shared>>
      tpu.enqueue_indirect_dma source(%arg11 : memref<128x128xf32, #tpu.memory_space<vmem>>) target(%dma_start3A_432 : memref<10240x128xf32, #tpu.memory_space<vmem_shared>>) offsets(%dma_start3A_429 : memref<128xi32, #tpu.memory_space<vmem>>) semaphore(%arg16 : memref<!tpu.dma_semaphore, #tpu.memory_space<semaphore_mem>>) {add = true}
      %dma_wait3A_433 = arith.constant 0 : i32
      %dma_wait3A_434 = arith.constant 0 : i32
      %dma_wait3A_435 = tpu.memref_slice %arg10[%dma_wait3A_433, %dma_wait3A_434] : memref<8x128xi32, #tpu.memory_space<vmem>> -> memref<1x128xi32, #tpu.memory_space<vmem>>
      %dma_wait3A_436 = tpu.memref_squeeze %dma_wait3A_435 : memref<1x128xi32, #tpu.memory_space<vmem>> -> memref<128xi32, #tpu.memory_space<vmem>>
      %dma_wait3A_437 = arith.constant 0 : i32
      %dma_wait3A_438 = arith.constant 0 : i32
      %dma_wait3A_439 = tpu.memref_slice %arg13[%dma_wait3A_437, %dma_wait3A_438] : memref<10240x128xf32, #tpu.memory_space<vmem_shared>> -> memref<10240x128xf32, #tpu.memory_space<vmem_shared>>
      tpu.wait_indirect_dma semaphore(%arg16 : memref<!tpu.dma_semaphore, #tpu.memory_space<semaphore_mem>>) src(%arg11 : memref<128x128xf32, #tpu.memory_space<vmem>>) dst(%dma_wait3A_439 : memref<10240x128xf32, #tpu.memory_space<vmem_shared>>)
      %dma_start3A_440 = arith.constant 2 : i32
      %dma_start3A_441 = arith.constant 0 : i32
      %dma_start3A_442 = tpu.memref_slice %arg8[%dma_start3A_440, %dma_start3A_441] : memref<8x128xi32, #tpu.memory_space<vmem>> -> memref<1x128xi32, #tpu.memory_space<vmem>>
      %dma_start3A_443 = tpu.memref_squeeze %dma_start3A_442 : memref<1x128xi32, #tpu.memory_space<vmem>> -> memref<128xi32, #tpu.memory_space<vmem>>
      %dma_start3A_444 = arith.constant 0 : i32
      %dma_start3A_445 = arith.constant 0 : i32
      %dma_start3A_446 = tpu.memref_slice %arg2[%dma_start3A_444, %dma_start3A_445] : memref<10240x128xf32, #tpu.memory_space<hbm>> -> memref<10240x128xf32, #tpu.memory_space<hbm>>
      tpu.enqueue_indirect_dma source(%dma_start3A_446 : memref<10240x128xf32, #tpu.memory_space<hbm>>) target(%arg11 : memref<128x128xf32, #tpu.memory_space<vmem>>) offsets(%dma_start3A_443 : memref<128xi32, #tpu.memory_space<vmem>>) semaphore(%arg14 : memref<!tpu.dma_semaphore, #tpu.memory_space<semaphore_mem>>)
      %dma_wait3A_447 = arith.constant 0 : i32
      %dma_wait3A_448 = arith.constant 0 : i32
      %dma_wait3A_449 = tpu.memref_slice %arg8[%dma_wait3A_447, %dma_wait3A_448] : memref<8x128xi32, #tpu.memory_space<vmem>> -> memref<1x128xi32, #tpu.memory_space<vmem>>
      %dma_wait3A_450 = tpu.memref_squeeze %dma_wait3A_449 : memref<1x128xi32, #tpu.memory_space<vmem>> -> memref<128xi32, #tpu.memory_space<vmem>>
      %dma_wait3A_451 = arith.constant 0 : i32
      %dma_wait3A_452 = arith.constant 0 : i32
      %dma_wait3A_453 = tpu.memref_slice %arg2[%dma_wait3A_451, %dma_wait3A_452] : memref<10240x128xf32, #tpu.memory_space<hbm>> -> memref<10240x128xf32, #tpu.memory_space<hbm>>
      tpu.wait_indirect_dma semaphore(%arg15 : memref<!tpu.dma_semaphore, #tpu.memory_space<semaphore_mem>>) src(%dma_wait3A_453 : memref<10240x128xf32, #tpu.memory_space<hbm>>) dst(%arg12 : memref<128x128xf32, #tpu.memory_space<vmem>>)
      %dma_start3A_454 = arith.constant 1 : i32
      %dma_start3A_455 = arith.constant 0 : i32
      %dma_start3A_456 = tpu.memref_slice %arg10[%dma_start3A_454, %dma_start3A_455] : memref<8x128xi32, #tpu.memory_space<vmem>> -> memref<1x128xi32, #tpu.memory_space<vmem>>
      %dma_start3A_457 = tpu.memref_squeeze %dma_start3A_456 : memref<1x128xi32, #tpu.memory_space<vmem>> -> memref<128xi32, #tpu.memory_space<vmem>>
      %dma_start3A_458 = arith.constant 0 : i32
      %dma_start3A_459 = arith.constant 0 : i32
      %dma_start3A_460 = tpu.memref_slice %arg13[%dma_start3A_458, %dma_start3A_459] : memref<10240x128xf32, #tpu.memory_space<vmem_shared>> -> memref<10240x128xf32, #tpu.memory_space<vmem_shared>>
      tpu.enqueue_indirect_dma source(%arg12 : memref<128x128xf32, #tpu.memory_space<vmem>>) target(%dma_start3A_460 : memref<10240x128xf32, #tpu.memory_space<vmem_shared>>) offsets(%dma_start3A_457 : memref<128xi32, #tpu.memory_space<vmem>>) semaphore(%arg17 : memref<!tpu.dma_semaphore, #tpu.memory_space<semaphore_mem>>) {add = true}
      %dma_wait3A_461 = arith.constant 1 : i32
      %dma_wait3A_462 = arith.constant 0 : i32
      %dma_wait3A_463 = tpu.memref_slice %arg10[%dma_wait3A_461, %dma_wait3A_462] : memref<8x128xi32, #tpu.memory_space<vmem>> -> memref<1x128xi32, #tpu.memory_space<vmem>>
      %dma_wait3A_464 = tpu.memref_squeeze %dma_wait3A_463 : memref<1x128xi32, #tpu.memory_space<vmem>> -> memref<128xi32, #tpu.memory_space<vmem>>
      %dma_wait3A_465 = arith.constant 0 : i32
      %dma_wait3A_466 = arith.constant 0 : i32
      %dma_wait3A_467 = tpu.memref_slice %arg13[%dma_wait3A_465, %dma_wait3A_466] : memref<10240x128xf32, #tpu.memory_space<vmem_shared>> -> memref<10240x128xf32, #tpu.memory_space<vmem_shared>>
      tpu.wait_indirect_dma semaphore(%arg17 : memref<!tpu.dma_semaphore, #tpu.memory_space<semaphore_mem>>) src(%arg12 : memref<128x128xf32, #tpu.memory_space<vmem>>) dst(%dma_wait3A_467 : memref<10240x128xf32, #tpu.memory_space<vmem_shared>>)
      %dma_start3A_468 = arith.constant 3 : i32
      %dma_start3A_469 = arith.constant 0 : i32
      %dma_start3A_470 = tpu.memref_slice %arg8[%dma_start3A_468, %dma_start3A_469] : memref<8x128xi32, #tpu.memory_space<vmem>> -> memref<1x128xi32, #tpu.memory_space<vmem>>
      %dma_start3A_471 = tpu.memref_squeeze %dma_start3A_470 : memref<1x128xi32, #tpu.memory_space<vmem>> -> memref<128xi32, #tpu.memory_space<vmem>>
      %dma_start3A_472 = arith.constant 0 : i32
      %dma_start3A_473 = arith.constant 0 : i32
      %dma_start3A_474 = tpu.memref_slice %arg2[%dma_start3A_472, %dma_start3A_473] : memref<10240x128xf32, #tpu.memory_space<hbm>> -> memref<10240x128xf32, #tpu.memory_space<hbm>>
      tpu.enqueue_indirect_dma source(%dma_start3A_474 : memref<10240x128xf32, #tpu.memory_space<hbm>>) target(%arg12 : memref<128x128xf32, #tpu.memory_space<vmem>>) offsets(%dma_start3A_471 : memref<128xi32, #tpu.memory_space<vmem>>) semaphore(%arg15 : memref<!tpu.dma_semaphore, #tpu.memory_space<semaphore_mem>>)
      %dma_wait3A_475 = arith.constant 0 : i32
      %dma_wait3A_476 = arith.constant 0 : i32
      %dma_wait3A_477 = tpu.memref_slice %arg8[%dma_wait3A_475, %dma_wait3A_476] : memref<8x128xi32, #tpu.memory_space<vmem>> -> memref<1x128xi32, #tpu.memory_space<vmem>>
      %dma_wait3A_478 = tpu.memref_squeeze %dma_wait3A_477 : memref<1x128xi32, #tpu.memory_space<vmem>> -> memref<128xi32, #tpu.memory_space<vmem>>
      %dma_wait3A_479 = arith.constant 0 : i32
      %dma_wait3A_480 = arith.constant 0 : i32
      %dma_wait3A_481 = tpu.memref_slice %arg2[%dma_wait3A_479, %dma_wait3A_480] : memref<10240x128xf32, #tpu.memory_space<hbm>> -> memref<10240x128xf32, #tpu.memory_space<hbm>>
      tpu.wait_indirect_dma semaphore(%arg14 : memref<!tpu.dma_semaphore, #tpu.memory_space<semaphore_mem>>) src(%dma_wait3A_481 : memref<10240x128xf32, #tpu.memory_space<hbm>>) dst(%arg11 : memref<128x128xf32, #tpu.memory_space<vmem>>)
      %dma_start3A_482 = arith.constant 2 : i32
      %dma_start3A_483 = arith.constant 0 : i32
      %dma_start3A_484 = tpu.memref_slice %arg10[%dma_start3A_482, %dma_start3A_483] : memref<8x128xi32, #tpu.memory_space<vmem>> -> memref<1x128xi32, #tpu.memory_space<vmem>>
      %dma_start3A_485 = tpu.memref_squeeze %dma_start3A_484 : memref<1x128xi32, #tpu.memory_space<vmem>> -> memref<128xi32, #tpu.memory_space<vmem>>
      %dma_start3A_486 = arith.constant 0 : i32
      %dma_start3A_487 = arith.constant 0 : i32
      %dma_start3A_488 = tpu.memref_slice %arg13[%dma_start3A_486, %dma_start3A_487] : memref<10240x128xf32, #tpu.memory_space<vmem_shared>> -> memref<10240x128xf32, #tpu.memory_space<vmem_shared>>
      tpu.enqueue_indirect_dma source(%arg11 : memref<128x128xf32, #tpu.memory_space<vmem>>) target(%dma_start3A_488 : memref<10240x128xf32, #tpu.memory_space<vmem_shared>>) offsets(%dma_start3A_485 : memref<128xi32, #tpu.memory_space<vmem>>) semaphore(%arg16 : memref<!tpu.dma_semaphore, #tpu.memory_space<semaphore_mem>>) {add = true}
      %dma_wait3A_489 = arith.constant 2 : i32
      %dma_wait3A_490 = arith.constant 0 : i32
      %dma_wait3A_491 = tpu.memref_slice %arg10[%dma_wait3A_489, %dma_wait3A_490] : memref<8x128xi32, #tpu.memory_space<vmem>> -> memref<1x128xi32, #tpu.memory_space<vmem>>
      %dma_wait3A_492 = tpu.memref_squeeze %dma_wait3A_491 : memref<1x128xi32, #tpu.memory_space<vmem>> -> memref<128xi32, #tpu.memory_space<vmem>>
      %dma_wait3A_493 = arith.constant 0 : i32
      %dma_wait3A_494 = arith.constant 0 : i32
      %dma_wait3A_495 = tpu.memref_slice %arg13[%dma_wait3A_493, %dma_wait3A_494] : memref<10240x128xf32, #tpu.memory_space<vmem_shared>> -> memref<10240x128xf32, #tpu.memory_space<vmem_shared>>
      tpu.wait_indirect_dma semaphore(%arg16 : memref<!tpu.dma_semaphore, #tpu.memory_space<semaphore_mem>>) src(%arg11 : memref<128x128xf32, #tpu.memory_space<vmem>>) dst(%dma_wait3A_495 : memref<10240x128xf32, #tpu.memory_space<vmem_shared>>)
      %dma_start3A_496 = arith.constant 4 : i32
      %dma_start3A_497 = arith.constant 0 : i32
      %dma_start3A_498 = tpu.memref_slice %arg8[%dma_start3A_496, %dma_start3A_497] : memref<8x128xi32, #tpu.memory_space<vmem>> -> memref<1x128xi32, #tpu.memory_space<vmem>>
      %dma_start3A_499 = tpu.memref_squeeze %dma_start3A_498 : memref<1x128xi32, #tpu.memory_space<vmem>> -> memref<128xi32, #tpu.memory_space<vmem>>
      %dma_start3A_500 = arith.constant 0 : i32
      %dma_start3A_501 = arith.constant 0 : i32
      %dma_start3A_502 = tpu.memref_slice %arg2[%dma_start3A_500, %dma_start3A_501] : memref<10240x128xf32, #tpu.memory_space<hbm>> -> memref<10240x128xf32, #tpu.memory_space<hbm>>
      tpu.enqueue_indirect_dma source(%dma_start3A_502 : memref<10240x128xf32, #tpu.memory_space<hbm>>) target(%arg11 : memref<128x128xf32, #tpu.memory_space<vmem>>) offsets(%dma_start3A_499 : memref<128xi32, #tpu.memory_space<vmem>>) semaphore(%arg14 : memref<!tpu.dma_semaphore, #tpu.memory_space<semaphore_mem>>)
      %dma_wait3A_503 = arith.constant 0 : i32
      %dma_wait3A_504 = arith.constant 0 : i32
      %dma_wait3A_505 = tpu.memref_slice %arg8[%dma_wait3A_503, %dma_wait3A_504] : memref<8x128xi32, #tpu.memory_space<vmem>> -> memref<1x128xi32, #tpu.memory_space<vmem>>
      %dma_wait3A_506 = tpu.memref_squeeze %dma_wait3A_505 : memref<1x128xi32, #tpu.memory_space<vmem>> -> memref<128xi32, #tpu.memory_space<vmem>>
      %dma_wait3A_507 = arith.constant 0 : i32
      %dma_wait3A_508 = arith.constant 0 : i32
      %dma_wait3A_509 = tpu.memref_slice %arg2[%dma_wait3A_507, %dma_wait3A_508] : memref<10240x128xf32, #tpu.memory_space<hbm>> -> memref<10240x128xf32, #tpu.memory_space<hbm>>
      tpu.wait_indirect_dma semaphore(%arg15 : memref<!tpu.dma_semaphore, #tpu.memory_space<semaphore_mem>>) src(%dma_wait3A_509 : memref<10240x128xf32, #tpu.memory_space<hbm>>) dst(%arg12 : memref<128x128xf32, #tpu.memory_space<vmem>>)
      %dma_start3A_510 = arith.constant 3 : i32
      %dma_start3A_511 = arith.constant 0 : i32
      %dma_start3A_512 = tpu.memref_slice %arg10[%dma_start3A_510, %dma_start3A_511] : memref<8x128xi32, #tpu.memory_space<vmem>> -> memref<1x128xi32, #tpu.memory_space<vmem>>
      %dma_start3A_513 = tpu.memref_squeeze %dma_start3A_512 : memref<1x128xi32, #tpu.memory_space<vmem>> -> memref<128xi32, #tpu.memory_space<vmem>>
      %dma_start3A_514 = arith.constant 0 : i32
      %dma_start3A_515 = arith.constant 0 : i32
      %dma_start3A_516 = tpu.memref_slice %arg13[%dma_start3A_514, %dma_start3A_515] : memref<10240x128xf32, #tpu.memory_space<vmem_shared>> -> memref<10240x128xf32, #tpu.memory_space<vmem_shared>>
      tpu.enqueue_indirect_dma source(%arg12 : memref<128x128xf32, #tpu.memory_space<vmem>>) target(%dma_start3A_516 : memref<10240x128xf32, #tpu.memory_space<vmem_shared>>) offsets(%dma_start3A_513 : memref<128xi32, #tpu.memory_space<vmem>>) semaphore(%arg17 : memref<!tpu.dma_semaphore, #tpu.memory_space<semaphore_mem>>) {add = true}
      %dma_wait3A_517 = arith.constant 3 : i32
      %dma_wait3A_518 = arith.constant 0 : i32
      %dma_wait3A_519 = tpu.memref_slice %arg10[%dma_wait3A_517, %dma_wait3A_518] : memref<8x128xi32, #tpu.memory_space<vmem>> -> memref<1x128xi32, #tpu.memory_space<vmem>>
      %dma_wait3A_520 = tpu.memref_squeeze %dma_wait3A_519 : memref<1x128xi32, #tpu.memory_space<vmem>> -> memref<128xi32, #tpu.memory_space<vmem>>
      %dma_wait3A_521 = arith.constant 0 : i32
      %dma_wait3A_522 = arith.constant 0 : i32
      %dma_wait3A_523 = tpu.memref_slice %arg13[%dma_wait3A_521, %dma_wait3A_522] : memref<10240x128xf32, #tpu.memory_space<vmem_shared>> -> memref<10240x128xf32, #tpu.memory_space<vmem_shared>>
      tpu.wait_indirect_dma semaphore(%arg17 : memref<!tpu.dma_semaphore, #tpu.memory_space<semaphore_mem>>) src(%arg12 : memref<128x128xf32, #tpu.memory_space<vmem>>) dst(%dma_wait3A_523 : memref<10240x128xf32, #tpu.memory_space<vmem_shared>>)
      %dma_start3A_524 = arith.constant 5 : i32
      %dma_start3A_525 = arith.constant 0 : i32
      %dma_start3A_526 = tpu.memref_slice %arg8[%dma_start3A_524, %dma_start3A_525] : memref<8x128xi32, #tpu.memory_space<vmem>> -> memref<1x128xi32, #tpu.memory_space<vmem>>
      %dma_start3A_527 = tpu.memref_squeeze %dma_start3A_526 : memref<1x128xi32, #tpu.memory_space<vmem>> -> memref<128xi32, #tpu.memory_space<vmem>>
      %dma_start3A_528 = arith.constant 0 : i32
      %dma_start3A_529 = arith.constant 0 : i32
      %dma_start3A_530 = tpu.memref_slice %arg2[%dma_start3A_528, %dma_start3A_529] : memref<10240x128xf32, #tpu.memory_space<hbm>> -> memref<10240x128xf32, #tpu.memory_space<hbm>>
      tpu.enqueue_indirect_dma source(%dma_start3A_530 : memref<10240x128xf32, #tpu.memory_space<hbm>>) target(%arg12 : memref<128x128xf32, #tpu.memory_space<vmem>>) offsets(%dma_start3A_527 : memref<128xi32, #tpu.memory_space<vmem>>) semaphore(%arg15 : memref<!tpu.dma_semaphore, #tpu.memory_space<semaphore_mem>>)
      %dma_wait3A_531 = arith.constant 0 : i32
      %dma_wait3A_532 = arith.constant 0 : i32
      %dma_wait3A_533 = tpu.memref_slice %arg8[%dma_wait3A_531, %dma_wait3A_532] : memref<8x128xi32, #tpu.memory_space<vmem>> -> memref<1x128xi32, #tpu.memory_space<vmem>>
      %dma_wait3A_534 = tpu.memref_squeeze %dma_wait3A_533 : memref<1x128xi32, #tpu.memory_space<vmem>> -> memref<128xi32, #tpu.memory_space<vmem>>
      %dma_wait3A_535 = arith.constant 0 : i32
      %dma_wait3A_536 = arith.constant 0 : i32
      %dma_wait3A_537 = tpu.memref_slice %arg2[%dma_wait3A_535, %dma_wait3A_536] : memref<10240x128xf32, #tpu.memory_space<hbm>> -> memref<10240x128xf32, #tpu.memory_space<hbm>>
      tpu.wait_indirect_dma semaphore(%arg14 : memref<!tpu.dma_semaphore, #tpu.memory_space<semaphore_mem>>) src(%dma_wait3A_537 : memref<10240x128xf32, #tpu.memory_space<hbm>>) dst(%arg11 : memref<128x128xf32, #tpu.memory_space<vmem>>)
      %dma_start3A_538 = arith.constant 4 : i32
      %dma_start3A_539 = arith.constant 0 : i32
      %dma_start3A_540 = tpu.memref_slice %arg10[%dma_start3A_538, %dma_start3A_539] : memref<8x128xi32, #tpu.memory_space<vmem>> -> memref<1x128xi32, #tpu.memory_space<vmem>>
      %dma_start3A_541 = tpu.memref_squeeze %dma_start3A_540 : memref<1x128xi32, #tpu.memory_space<vmem>> -> memref<128xi32, #tpu.memory_space<vmem>>
      %dma_start3A_542 = arith.constant 0 : i32
      %dma_start3A_543 = arith.constant 0 : i32
      %dma_start3A_544 = tpu.memref_slice %arg13[%dma_start3A_542, %dma_start3A_543] : memref<10240x128xf32, #tpu.memory_space<vmem_shared>> -> memref<10240x128xf32, #tpu.memory_space<vmem_shared>>
      tpu.enqueue_indirect_dma source(%arg11 : memref<128x128xf32, #tpu.memory_space<vmem>>) target(%dma_start3A_544 : memref<10240x128xf32, #tpu.memory_space<vmem_shared>>) offsets(%dma_start3A_541 : memref<128xi32, #tpu.memory_space<vmem>>) semaphore(%arg16 : memref<!tpu.dma_semaphore, #tpu.memory_space<semaphore_mem>>) {add = true}
      %dma_wait3A_545 = arith.constant 4 : i32
      %dma_wait3A_546 = arith.constant 0 : i32
      %dma_wait3A_547 = tpu.memref_slice %arg10[%dma_wait3A_545, %dma_wait3A_546] : memref<8x128xi32, #tpu.memory_space<vmem>> -> memref<1x128xi32, #tpu.memory_space<vmem>>
      %dma_wait3A_548 = tpu.memref_squeeze %dma_wait3A_547 : memref<1x128xi32, #tpu.memory_space<vmem>> -> memref<128xi32, #tpu.memory_space<vmem>>
      %dma_wait3A_549 = arith.constant 0 : i32
      %dma_wait3A_550 = arith.constant 0 : i32
      %dma_wait3A_551 = tpu.memref_slice %arg13[%dma_wait3A_549, %dma_wait3A_550] : memref<10240x128xf32, #tpu.memory_space<vmem_shared>> -> memref<10240x128xf32, #tpu.memory_space<vmem_shared>>
      tpu.wait_indirect_dma semaphore(%arg16 : memref<!tpu.dma_semaphore, #tpu.memory_space<semaphore_mem>>) src(%arg11 : memref<128x128xf32, #tpu.memory_space<vmem>>) dst(%dma_wait3A_551 : memref<10240x128xf32, #tpu.memory_space<vmem_shared>>)
      %dma_start3A_552 = arith.constant 6 : i32
      %dma_start3A_553 = arith.constant 0 : i32
      %dma_start3A_554 = tpu.memref_slice %arg8[%dma_start3A_552, %dma_start3A_553] : memref<8x128xi32, #tpu.memory_space<vmem>> -> memref<1x128xi32, #tpu.memory_space<vmem>>
      %dma_start3A_555 = tpu.memref_squeeze %dma_start3A_554 : memref<1x128xi32, #tpu.memory_space<vmem>> -> memref<128xi32, #tpu.memory_space<vmem>>
      %dma_start3A_556 = arith.constant 0 : i32
      %dma_start3A_557 = arith.constant 0 : i32
      %dma_start3A_558 = tpu.memref_slice %arg2[%dma_start3A_556, %dma_start3A_557] : memref<10240x128xf32, #tpu.memory_space<hbm>> -> memref<10240x128xf32, #tpu.memory_space<hbm>>
      tpu.enqueue_indirect_dma source(%dma_start3A_558 : memref<10240x128xf32, #tpu.memory_space<hbm>>) target(%arg11 : memref<128x128xf32, #tpu.memory_space<vmem>>) offsets(%dma_start3A_555 : memref<128xi32, #tpu.memory_space<vmem>>) semaphore(%arg14 : memref<!tpu.dma_semaphore, #tpu.memory_space<semaphore_mem>>)
      %dma_wait3A_559 = arith.constant 0 : i32
      %dma_wait3A_560 = arith.constant 0 : i32
      %dma_wait3A_561 = tpu.memref_slice %arg8[%dma_wait3A_559, %dma_wait3A_560] : memref<8x128xi32, #tpu.memory_space<vmem>> -> memref<1x128xi32, #tpu.memory_space<vmem>>
      %dma_wait3A_562 = tpu.memref_squeeze %dma_wait3A_561 : memref<1x128xi32, #tpu.memory_space<vmem>> -> memref<128xi32, #tpu.memory_space<vmem>>
      %dma_wait3A_563 = arith.constant 0 : i32
      %dma_wait3A_564 = arith.constant 0 : i32
      %dma_wait3A_565 = tpu.memref_slice %arg2[%dma_wait3A_563, %dma_wait3A_564] : memref<10240x128xf32, #tpu.memory_space<hbm>> -> memref<10240x128xf32, #tpu.memory_space<hbm>>
      tpu.wait_indirect_dma semaphore(%arg15 : memref<!tpu.dma_semaphore, #tpu.memory_space<semaphore_mem>>) src(%dma_wait3A_565 : memref<10240x128xf32, #tpu.memory_space<hbm>>) dst(%arg12 : memref<128x128xf32, #tpu.memory_space<vmem>>)
      %dma_start3A_566 = arith.constant 5 : i32
      %dma_start3A_567 = arith.constant 0 : i32
      %dma_start3A_568 = tpu.memref_slice %arg10[%dma_start3A_566, %dma_start3A_567] : memref<8x128xi32, #tpu.memory_space<vmem>> -> memref<1x128xi32, #tpu.memory_space<vmem>>
      %dma_start3A_569 = tpu.memref_squeeze %dma_start3A_568 : memref<1x128xi32, #tpu.memory_space<vmem>> -> memref<128xi32, #tpu.memory_space<vmem>>
      %dma_start3A_570 = arith.constant 0 : i32
      %dma_start3A_571 = arith.constant 0 : i32
      %dma_start3A_572 = tpu.memref_slice %arg13[%dma_start3A_570, %dma_start3A_571] : memref<10240x128xf32, #tpu.memory_space<vmem_shared>> -> memref<10240x128xf32, #tpu.memory_space<vmem_shared>>
      tpu.enqueue_indirect_dma source(%arg12 : memref<128x128xf32, #tpu.memory_space<vmem>>) target(%dma_start3A_572 : memref<10240x128xf32, #tpu.memory_space<vmem_shared>>) offsets(%dma_start3A_569 : memref<128xi32, #tpu.memory_space<vmem>>) semaphore(%arg17 : memref<!tpu.dma_semaphore, #tpu.memory_space<semaphore_mem>>) {add = true}
      %dma_wait3A_573 = arith.constant 5 : i32
      %dma_wait3A_574 = arith.constant 0 : i32
      %dma_wait3A_575 = tpu.memref_slice %arg10[%dma_wait3A_573, %dma_wait3A_574] : memref<8x128xi32, #tpu.memory_space<vmem>> -> memref<1x128xi32, #tpu.memory_space<vmem>>
      %dma_wait3A_576 = tpu.memref_squeeze %dma_wait3A_575 : memref<1x128xi32, #tpu.memory_space<vmem>> -> memref<128xi32, #tpu.memory_space<vmem>>
      %dma_wait3A_577 = arith.constant 0 : i32
      %dma_wait3A_578 = arith.constant 0 : i32
      %dma_wait3A_579 = tpu.memref_slice %arg13[%dma_wait3A_577, %dma_wait3A_578] : memref<10240x128xf32, #tpu.memory_space<vmem_shared>> -> memref<10240x128xf32, #tpu.memory_space<vmem_shared>>
      tpu.wait_indirect_dma semaphore(%arg17 : memref<!tpu.dma_semaphore, #tpu.memory_space<semaphore_mem>>) src(%arg12 : memref<128x128xf32, #tpu.memory_space<vmem>>) dst(%dma_wait3A_579 : memref<10240x128xf32, #tpu.memory_space<vmem_shared>>)
      %dma_start3A_580 = arith.constant 7 : i32
      %dma_start3A_581 = arith.constant 0 : i32
      %dma_start3A_582 = tpu.memref_slice %arg8[%dma_start3A_580, %dma_start3A_581] : memref<8x128xi32, #tpu.memory_space<vmem>> -> memref<1x128xi32, #tpu.memory_space<vmem>>
      %dma_start3A_583 = tpu.memref_squeeze %dma_start3A_582 : memref<1x128xi32, #tpu.memory_space<vmem>> -> memref<128xi32, #tpu.memory_space<vmem>>
      %dma_start3A_584 = arith.constant 0 : i32
      %dma_start3A_585 = arith.constant 0 : i32
      %dma_start3A_586 = tpu.memref_slice %arg2[%dma_start3A_584, %dma_start3A_585] : memref<10240x128xf32, #tpu.memory_space<hbm>> -> memref<10240x128xf32, #tpu.memory_space<hbm>>
      tpu.enqueue_indirect_dma source(%dma_start3A_586 : memref<10240x128xf32, #tpu.memory_space<hbm>>) target(%arg12 : memref<128x128xf32, #tpu.memory_space<vmem>>) offsets(%dma_start3A_583 : memref<128xi32, #tpu.memory_space<vmem>>) semaphore(%arg15 : memref<!tpu.dma_semaphore, #tpu.memory_space<semaphore_mem>>)
      %dma_wait3A_587 = arith.constant 0 : i32
      %dma_wait3A_588 = arith.constant 0 : i32
      %dma_wait3A_589 = tpu.memref_slice %arg8[%dma_wait3A_587, %dma_wait3A_588] : memref<8x128xi32, #tpu.memory_space<vmem>> -> memref<1x128xi32, #tpu.memory_space<vmem>>
      %dma_wait3A_590 = tpu.memref_squeeze %dma_wait3A_589 : memref<1x128xi32, #tpu.memory_space<vmem>> -> memref<128xi32, #tpu.memory_space<vmem>>
      %dma_wait3A_591 = arith.constant 0 : i32
      %dma_wait3A_592 = arith.constant 0 : i32
      %dma_wait3A_593 = tpu.memref_slice %arg2[%dma_wait3A_591, %dma_wait3A_592] : memref<10240x128xf32, #tpu.memory_space<hbm>> -> memref<10240x128xf32, #tpu.memory_space<hbm>>
      tpu.wait_indirect_dma semaphore(%arg14 : memref<!tpu.dma_semaphore, #tpu.memory_space<semaphore_mem>>) src(%dma_wait3A_593 : memref<10240x128xf32, #tpu.memory_space<hbm>>) dst(%arg11 : memref<128x128xf32, #tpu.memory_space<vmem>>)
      %dma_start3A_594 = arith.constant 6 : i32
      %dma_start3A_595 = arith.constant 0 : i32
      %dma_start3A_596 = tpu.memref_slice %arg10[%dma_start3A_594, %dma_start3A_595] : memref<8x128xi32, #tpu.memory_space<vmem>> -> memref<1x128xi32, #tpu.memory_space<vmem>>
      %dma_start3A_597 = tpu.memref_squeeze %dma_start3A_596 : memref<1x128xi32, #tpu.memory_space<vmem>> -> memref<128xi32, #tpu.memory_space<vmem>>
      %dma_start3A_598 = arith.constant 0 : i32
      %dma_start3A_599 = arith.constant 0 : i32
      %dma_start3A_600 = tpu.memref_slice %arg13[%dma_start3A_598, %dma_start3A_599] : memref<10240x128xf32, #tpu.memory_space<vmem_shared>> -> memref<10240x128xf32, #tpu.memory_space<vmem_shared>>
      tpu.enqueue_indirect_dma source(%arg11 : memref<128x128xf32, #tpu.memory_space<vmem>>) target(%dma_start3A_600 : memref<10240x128xf32, #tpu.memory_space<vmem_shared>>) offsets(%dma_start3A_597 : memref<128xi32, #tpu.memory_space<vmem>>) semaphore(%arg16 : memref<!tpu.dma_semaphore, #tpu.memory_space<semaphore_mem>>) {add = true}
      %dma_wait3A_601 = arith.constant 6 : i32
      %dma_wait3A_602 = arith.constant 0 : i32
      %dma_wait3A_603 = tpu.memref_slice %arg10[%dma_wait3A_601, %dma_wait3A_602] : memref<8x128xi32, #tpu.memory_space<vmem>> -> memref<1x128xi32, #tpu.memory_space<vmem>>
      %dma_wait3A_604 = tpu.memref_squeeze %dma_wait3A_603 : memref<1x128xi32, #tpu.memory_space<vmem>> -> memref<128xi32, #tpu.memory_space<vmem>>
      %dma_wait3A_605 = arith.constant 0 : i32
      %dma_wait3A_606 = arith.constant 0 : i32
      %dma_wait3A_607 = tpu.memref_slice %arg13[%dma_wait3A_605, %dma_wait3A_606] : memref<10240x128xf32, #tpu.memory_space<vmem_shared>> -> memref<10240x128xf32, #tpu.memory_space<vmem_shared>>
      tpu.wait_indirect_dma semaphore(%arg16 : memref<!tpu.dma_semaphore, #tpu.memory_space<semaphore_mem>>) src(%arg11 : memref<128x128xf32, #tpu.memory_space<vmem>>) dst(%dma_wait3A_607 : memref<10240x128xf32, #tpu.memory_space<vmem_shared>>)
      %sub3A_608 = arith.constant 1 : i32
      %sub3A_609 = arith.subi %select_n3A_19, %sub3A_608 : i32
      %lt3A_610 = arith.cmpi slt, %add3A_414, %sub3A_609 : i32
      %convert_element_type3A_611 = arith.extui %lt3A_610 : i1 to i32
      %cond3A_612 = arith.constant 0 : i32
      %cond3A_613 = arith.cmpi ne, %convert_element_type3A_611, %cond3A_612 : i32
      scf.if %cond3A_613 {
        %dma_wait3A_655 = arith.constant 0 : i32
        %dma_wait3A_656 = tpu.memref_slice %arg3[%select_n3A_26, %dma_wait3A_655] : memref<2560x128xi32, #tpu.memory_space<hbm>> -> memref<8x128xi32, #tpu.memory_space<hbm>>
        %dma_wait3A_657 = arith.constant 0 : i32
        %dma_wait3A_658 = tpu.memref_slice %arg3[%select_n3A_26, %dma_wait3A_657] : memref<2560x128xi32, #tpu.memory_space<hbm>> -> memref<8x128xi32, #tpu.memory_space<hbm>>
        tpu.wait_dma2 semaphore(%arg20 : memref<!tpu.dma_semaphore, #tpu.memory_space<semaphore_mem>>) src(%dma_wait3A_658 : memref<8x128xi32, #tpu.memory_space<hbm>>) dst(%arg7 : memref<8x128xi32, #tpu.memory_space<vmem>>)
      } else {
      }
      %dma_start3A_614 = arith.constant 0 : i32
      %dma_start3A_615 = arith.constant 0 : i32
      %dma_start3A_616 = tpu.memref_slice %arg7[%dma_start3A_614, %dma_start3A_615] : memref<8x128xi32, #tpu.memory_space<vmem>> -> memref<1x128xi32, #tpu.memory_space<vmem>>
      %dma_start3A_617 = tpu.memref_squeeze %dma_start3A_616 : memref<1x128xi32, #tpu.memory_space<vmem>> -> memref<128xi32, #tpu.memory_space<vmem>>
      %dma_start3A_618 = arith.constant 0 : i32
      %dma_start3A_619 = arith.constant 0 : i32
      %dma_start3A_620 = tpu.memref_slice %arg2[%dma_start3A_618, %dma_start3A_619] : memref<10240x128xf32, #tpu.memory_space<hbm>> -> memref<10240x128xf32, #tpu.memory_space<hbm>>
      tpu.enqueue_indirect_dma source(%dma_start3A_620 : memref<10240x128xf32, #tpu.memory_space<hbm>>) target(%arg11 : memref<128x128xf32, #tpu.memory_space<vmem>>) offsets(%dma_start3A_617 : memref<128xi32, #tpu.memory_space<vmem>>) semaphore(%arg14 : memref<!tpu.dma_semaphore, #tpu.memory_space<semaphore_mem>>)
      %dma_wait3A_621 = arith.constant 0 : i32
      %dma_wait3A_622 = arith.constant 0 : i32
      %dma_wait3A_623 = tpu.memref_slice %arg8[%dma_wait3A_621, %dma_wait3A_622] : memref<8x128xi32, #tpu.memory_space<vmem>> -> memref<1x128xi32, #tpu.memory_space<vmem>>
      %dma_wait3A_624 = tpu.memref_squeeze %dma_wait3A_623 : memref<1x128xi32, #tpu.memory_space<vmem>> -> memref<128xi32, #tpu.memory_space<vmem>>
      %dma_wait3A_625 = arith.constant 0 : i32
      %dma_wait3A_626 = arith.constant 0 : i32
      %dma_wait3A_627 = tpu.memref_slice %arg2[%dma_wait3A_625, %dma_wait3A_626] : memref<10240x128xf32, #tpu.memory_space<hbm>> -> memref<10240x128xf32, #tpu.memory_space<hbm>>
      tpu.wait_indirect_dma semaphore(%arg15 : memref<!tpu.dma_semaphore, #tpu.memory_space<semaphore_mem>>) src(%dma_wait3A_627 : memref<10240x128xf32, #tpu.memory_space<hbm>>) dst(%arg12 : memref<128x128xf32, #tpu.memory_space<vmem>>)
      %dma_start3A_628 = arith.constant 7 : i32
      %dma_start3A_629 = arith.constant 0 : i32
      %dma_start3A_630 = tpu.memref_slice %arg10[%dma_start3A_628, %dma_start3A_629] : memref<8x128xi32, #tpu.memory_space<vmem>> -> memref<1x128xi32, #tpu.memory_space<vmem>>
      %dma_start3A_631 = tpu.memref_squeeze %dma_start3A_630 : memref<1x128xi32, #tpu.memory_space<vmem>> -> memref<128xi32, #tpu.memory_space<vmem>>
      %dma_start3A_632 = arith.constant 0 : i32
      %dma_start3A_633 = arith.constant 0 : i32
      %dma_start3A_634 = tpu.memref_slice %arg13[%dma_start3A_632, %dma_start3A_633] : memref<10240x128xf32, #tpu.memory_space<vmem_shared>> -> memref<10240x128xf32, #tpu.memory_space<vmem_shared>>
      tpu.enqueue_indirect_dma source(%arg12 : memref<128x128xf32, #tpu.memory_space<vmem>>) target(%dma_start3A_634 : memref<10240x128xf32, #tpu.memory_space<vmem_shared>>) offsets(%dma_start3A_631 : memref<128xi32, #tpu.memory_space<vmem>>) semaphore(%arg17 : memref<!tpu.dma_semaphore, #tpu.memory_space<semaphore_mem>>) {add = true}
      %dma_wait3A_635 = arith.constant 7 : i32
      %dma_wait3A_636 = arith.constant 0 : i32
      %dma_wait3A_637 = tpu.memref_slice %arg10[%dma_wait3A_635, %dma_wait3A_636] : memref<8x128xi32, #tpu.memory_space<vmem>> -> memref<1x128xi32, #tpu.memory_space<vmem>>
      %dma_wait3A_638 = tpu.memref_squeeze %dma_wait3A_637 : memref<1x128xi32, #tpu.memory_space<vmem>> -> memref<128xi32, #tpu.memory_space<vmem>>
      %dma_wait3A_639 = arith.constant 0 : i32
      %dma_wait3A_640 = arith.constant 0 : i32
      %dma_wait3A_641 = tpu.memref_slice %arg13[%dma_wait3A_639, %dma_wait3A_640] : memref<10240x128xf32, #tpu.memory_space<vmem_shared>> -> memref<10240x128xf32, #tpu.memory_space<vmem_shared>>
      tpu.wait_indirect_dma semaphore(%arg17 : memref<!tpu.dma_semaphore, #tpu.memory_space<semaphore_mem>>) src(%arg12 : memref<128x128xf32, #tpu.memory_space<vmem>>) dst(%dma_wait3A_641 : memref<10240x128xf32, #tpu.memory_space<vmem_shared>>)
      %dma_start3A_642 = arith.constant 1 : i32
      %dma_start3A_643 = arith.constant 0 : i32
      %dma_start3A_644 = tpu.memref_slice %arg7[%dma_start3A_642, %dma_start3A_643] : memref<8x128xi32, #tpu.memory_space<vmem>> -> memref<1x128xi32, #tpu.memory_space<vmem>>
      %dma_start3A_645 = tpu.memref_squeeze %dma_start3A_644 : memref<1x128xi32, #tpu.memory_space<vmem>> -> memref<128xi32, #tpu.memory_space<vmem>>
      %dma_start3A_646 = arith.constant 0 : i32
      %dma_start3A_647 = arith.constant 0 : i32
      %dma_start3A_648 = tpu.memref_slice %arg2[%dma_start3A_646, %dma_start3A_647] : memref<10240x128xf32, #tpu.memory_space<hbm>> -> memref<10240x128xf32, #tpu.memory_space<hbm>>
      tpu.enqueue_indirect_dma source(%dma_start3A_648 : memref<10240x128xf32, #tpu.memory_space<hbm>>) target(%arg12 : memref<128x128xf32, #tpu.memory_space<vmem>>) offsets(%dma_start3A_645 : memref<128xi32, #tpu.memory_space<vmem>>) semaphore(%arg15 : memref<!tpu.dma_semaphore, #tpu.memory_space<semaphore_mem>>)
      %add3A_649 = arith.constant 2 : i32
      %add3A_650 = arith.addi %add3A_414, %add3A_649 : i32
      %lt3A_651 = arith.cmpi slt, %add3A_650, %select_n3A_19 : i32
      %convert_element_type3A_652 = arith.extui %lt3A_651 : i1 to i32
      %cond3A_653 = arith.constant 0 : i32
      %cond3A_654 = arith.cmpi ne, %convert_element_type3A_652, %cond3A_653 : i32
      scf.if %cond3A_654 {
        %add3A_655 = arith.constant 2 : i32
        %add3A_656 = arith.addi %add3A_414, %add3A_655 : i32
        %mul3A_657 = arith.constant 8 : i32
        %mul3A_658 = arith.muli %add3A_656, %mul3A_657 : i32
        %add3A_659 = arith.addi %select_n3A_26, %mul3A_658 : i32
        %dma_start3A_660 = arith.constant 0 : i32
        %dma_start3A_661 = tpu.memref_slice %arg3[%add3A_659, %dma_start3A_660] : memref<2560x128xi32, #tpu.memory_space<hbm>> -> memref<8x128xi32, #tpu.memory_space<hbm>>
        %dma_start3A_662 = arith.constant 0 : i32
        %dma_start3A_663 = tpu.memref_slice %arg3[%add3A_659, %dma_start3A_662] : memref<2560x128xi32, #tpu.memory_space<hbm>> -> memref<8x128xi32, #tpu.memory_space<hbm>>
        tpu.enqueue_dma source(%dma_start3A_663 : memref<8x128xi32, #tpu.memory_space<hbm>>) target(%arg8 : memref<8x128xi32, #tpu.memory_space<vmem>>) target_semaphore(%arg21 : memref<!tpu.dma_semaphore, #tpu.memory_space<semaphore_mem>>)
        %add3A_664 = arith.constant 2 : i32
        %add3A_665 = arith.addi %add3A_414, %add3A_664 : i32
        %mul3A_666 = arith.constant 8 : i32
        %mul3A_667 = arith.muli %add3A_665, %mul3A_666 : i32
        %add3A_668 = arith.addi %select_n3A_26, %mul3A_667 : i32
        %dma_start3A_669 = arith.constant 0 : i32
        %dma_start3A_670 = tpu.memref_slice %arg4[%add3A_668, %dma_start3A_669] : memref<2560x128xi32, #tpu.memory_space<hbm>> -> memref<8x128xi32, #tpu.memory_space<hbm>>
        %dma_start3A_671 = arith.constant 0 : i32
        %dma_start3A_672 = tpu.memref_slice %arg4[%add3A_668, %dma_start3A_671] : memref<2560x128xi32, #tpu.memory_space<hbm>> -> memref<8x128xi32, #tpu.memory_space<hbm>>
        tpu.enqueue_dma source(%dma_start3A_672 : memref<8x128xi32, #tpu.memory_space<hbm>>) target(%arg10 : memref<8x128xi32, #tpu.memory_space<vmem>>) target_semaphore(%arg19 : memref<!tpu.dma_semaphore, #tpu.memory_space<semaphore_mem>>)
      } else {
      }
    }
    %while3A_115 = arith.constant 1 : i32
    scf.for %while3A_171 = %while3A_113 to %while3A_109 step %while3A_115  : i32 {
      %mul3A_172 = arith.constant 2 : i32
      %mul3A_173 = arith.muli %mul3A_172, %while3A_171 : i32
      %dma_wait3A_174 = arith.constant 0 : i32
      %dma_wait3A_175 = tpu.memref_slice %arg4[%select_n3A_26, %dma_wait3A_174] : memref<2560x128xi32, #tpu.memory_space<hbm>> -> memref<8x128xi32, #tpu.memory_space<hbm>>
      %dma_wait3A_176 = arith.constant 0 : i32
      %dma_wait3A_177 = tpu.memref_slice %arg4[%select_n3A_26, %dma_wait3A_176] : memref<2560x128xi32, #tpu.memory_space<hbm>> -> memref<8x128xi32, #tpu.memory_space<hbm>>
      tpu.wait_dma2 semaphore(%arg18 : memref<!tpu.dma_semaphore, #tpu.memory_space<semaphore_mem>>) src(%dma_wait3A_177 : memref<8x128xi32, #tpu.memory_space<hbm>>) dst(%arg9 : memref<8x128xi32, #tpu.memory_space<vmem>>)
      %dma_wait3A_178 = arith.constant 0 : i32
      %dma_wait3A_179 = arith.constant 0 : i32
      %dma_wait3A_180 = tpu.memref_slice %arg7[%dma_wait3A_178, %dma_wait3A_179] : memref<8x128xi32, #tpu.memory_space<vmem>> -> memref<1x128xi32, #tpu.memory_space<vmem>>
      %dma_wait3A_181 = tpu.memref_squeeze %dma_wait3A_180 : memref<1x128xi32, #tpu.memory_space<vmem>> -> memref<128xi32, #tpu.memory_space<vmem>>
      %dma_wait3A_182 = arith.constant 0 : i32
      %dma_wait3A_183 = arith.constant 0 : i32
      %dma_wait3A_184 = tpu.memref_slice %arg2[%dma_wait3A_182, %dma_wait3A_183] : memref<10240x128xf32, #tpu.memory_space<hbm>> -> memref<10240x128xf32, #tpu.memory_space<hbm>>
      tpu.wait_indirect_dma semaphore(%arg14 : memref<!tpu.dma_semaphore, #tpu.memory_space<semaphore_mem>>) src(%dma_wait3A_184 : memref<10240x128xf32, #tpu.memory_space<hbm>>) dst(%arg11 : memref<128x128xf32, #tpu.memory_space<vmem>>)
      %dma_start3A_185 = arith.constant 0 : i32
      %dma_start3A_186 = arith.constant 0 : i32
      %dma_start3A_187 = tpu.memref_slice %arg9[%dma_start3A_185, %dma_start3A_186] : memref<8x128xi32, #tpu.memory_space<vmem>> -> memref<1x128xi32, #tpu.memory_space<vmem>>
      %dma_start3A_188 = tpu.memref_squeeze %dma_start3A_187 : memref<1x128xi32, #tpu.memory_space<vmem>> -> memref<128xi32, #tpu.memory_space<vmem>>
      %dma_start3A_189 = arith.constant 0 : i32
      %dma_start3A_190 = arith.constant 0 : i32
      %dma_start3A_191 = tpu.memref_slice %arg13[%dma_start3A_189, %dma_start3A_190] : memref<10240x128xf32, #tpu.memory_space<vmem_shared>> -> memref<10240x128xf32, #tpu.memory_space<vmem_shared>>
      tpu.enqueue_indirect_dma source(%arg11 : memref<128x128xf32, #tpu.memory_space<vmem>>) target(%dma_start3A_191 : memref<10240x128xf32, #tpu.memory_space<vmem_shared>>) offsets(%dma_start3A_188 : memref<128xi32, #tpu.memory_space<vmem>>) semaphore(%arg16 : memref<!tpu.dma_semaphore, #tpu.memory_space<semaphore_mem>>) {add = true}
      %dma_wait3A_192 = arith.constant 0 : i32
      %dma_wait3A_193 = arith.constant 0 : i32
      %dma_wait3A_194 = tpu.memref_slice %arg9[%dma_wait3A_192, %dma_wait3A_193] : memref<8x128xi32, #tpu.memory_space<vmem>> -> memref<1x128xi32, #tpu.memory_space<vmem>>
      %dma_wait3A_195 = tpu.memref_squeeze %dma_wait3A_194 : memref<1x128xi32, #tpu.memory_space<vmem>> -> memref<128xi32, #tpu.memory_space<vmem>>
      %dma_wait3A_196 = arith.constant 0 : i32
      %dma_wait3A_197 = arith.constant 0 : i32
      %dma_wait3A_198 = tpu.memref_slice %arg13[%dma_wait3A_196, %dma_wait3A_197] : memref<10240x128xf32, #tpu.memory_space<vmem_shared>> -> memref<10240x128xf32, #tpu.memory_space<vmem_shared>>
      tpu.wait_indirect_dma semaphore(%arg16 : memref<!tpu.dma_semaphore, #tpu.memory_space<semaphore_mem>>) src(%arg11 : memref<128x128xf32, #tpu.memory_space<vmem>>) dst(%dma_wait3A_198 : memref<10240x128xf32, #tpu.memory_space<vmem_shared>>)
      %dma_start3A_199 = arith.constant 2 : i32
      %dma_start3A_200 = arith.constant 0 : i32
      %dma_start3A_201 = tpu.memref_slice %arg7[%dma_start3A_199, %dma_start3A_200] : memref<8x128xi32, #tpu.memory_space<vmem>> -> memref<1x128xi32, #tpu.memory_space<vmem>>
      %dma_start3A_202 = tpu.memref_squeeze %dma_start3A_201 : memref<1x128xi32, #tpu.memory_space<vmem>> -> memref<128xi32, #tpu.memory_space<vmem>>
      %dma_start3A_203 = arith.constant 0 : i32
      %dma_start3A_204 = arith.constant 0 : i32
      %dma_start3A_205 = tpu.memref_slice %arg2[%dma_start3A_203, %dma_start3A_204] : memref<10240x128xf32, #tpu.memory_space<hbm>> -> memref<10240x128xf32, #tpu.memory_space<hbm>>
      tpu.enqueue_indirect_dma source(%dma_start3A_205 : memref<10240x128xf32, #tpu.memory_space<hbm>>) target(%arg11 : memref<128x128xf32, #tpu.memory_space<vmem>>) offsets(%dma_start3A_202 : memref<128xi32, #tpu.memory_space<vmem>>) semaphore(%arg14 : memref<!tpu.dma_semaphore, #tpu.memory_space<semaphore_mem>>)
      %dma_wait3A_206 = arith.constant 0 : i32
      %dma_wait3A_207 = arith.constant 0 : i32
      %dma_wait3A_208 = tpu.memref_slice %arg7[%dma_wait3A_206, %dma_wait3A_207] : memref<8x128xi32, #tpu.memory_space<vmem>> -> memref<1x128xi32, #tpu.memory_space<vmem>>
      %dma_wait3A_209 = tpu.memref_squeeze %dma_wait3A_208 : memref<1x128xi32, #tpu.memory_space<vmem>> -> memref<128xi32, #tpu.memory_space<vmem>>
      %dma_wait3A_210 = arith.constant 0 : i32
      %dma_wait3A_211 = arith.constant 0 : i32
      %dma_wait3A_212 = tpu.memref_slice %arg2[%dma_wait3A_210, %dma_wait3A_211] : memref<10240x128xf32, #tpu.memory_space<hbm>> -> memref<10240x128xf32, #tpu.memory_space<hbm>>
      tpu.wait_indirect_dma semaphore(%arg15 : memref<!tpu.dma_semaphore, #tpu.memory_space<semaphore_mem>>) src(%dma_wait3A_212 : memref<10240x128xf32, #tpu.memory_space<hbm>>) dst(%arg12 : memref<128x128xf32, #tpu.memory_space<vmem>>)
      %dma_start3A_213 = arith.constant 1 : i32
      %dma_start3A_214 = arith.constant 0 : i32
      %dma_start3A_215 = tpu.memref_slice %arg9[%dma_start3A_213, %dma_start3A_214] : memref<8x128xi32, #tpu.memory_space<vmem>> -> memref<1x128xi32, #tpu.memory_space<vmem>>
      %dma_start3A_216 = tpu.memref_squeeze %dma_start3A_215 : memref<1x128xi32, #tpu.memory_space<vmem>> -> memref<128xi32, #tpu.memory_space<vmem>>
      %dma_start3A_217 = arith.constant 0 : i32
      %dma_start3A_218 = arith.constant 0 : i32
      %dma_start3A_219 = tpu.memref_slice %arg13[%dma_start3A_217, %dma_start3A_218] : memref<10240x128xf32, #tpu.memory_space<vmem_shared>> -> memref<10240x128xf32, #tpu.memory_space<vmem_shared>>
      tpu.enqueue_indirect_dma source(%arg12 : memref<128x128xf32, #tpu.memory_space<vmem>>) target(%dma_start3A_219 : memref<10240x128xf32, #tpu.memory_space<vmem_shared>>) offsets(%dma_start3A_216 : memref<128xi32, #tpu.memory_space<vmem>>) semaphore(%arg17 : memref<!tpu.dma_semaphore, #tpu.memory_space<semaphore_mem>>) {add = true}
      %dma_wait3A_220 = arith.constant 1 : i32
      %dma_wait3A_221 = arith.constant 0 : i32
      %dma_wait3A_222 = tpu.memref_slice %arg9[%dma_wait3A_220, %dma_wait3A_221] : memref<8x128xi32, #tpu.memory_space<vmem>> -> memref<1x128xi32, #tpu.memory_space<vmem>>
      %dma_wait3A_223 = tpu.memref_squeeze %dma_wait3A_222 : memref<1x128xi32, #tpu.memory_space<vmem>> -> memref<128xi32, #tpu.memory_space<vmem>>
      %dma_wait3A_224 = arith.constant 0 : i32
      %dma_wait3A_225 = arith.constant 0 : i32
      %dma_wait3A_226 = tpu.memref_slice %arg13[%dma_wait3A_224, %dma_wait3A_225] : memref<10240x128xf32, #tpu.memory_space<vmem_shared>> -> memref<10240x128xf32, #tpu.memory_space<vmem_shared>>
      tpu.wait_indirect_dma semaphore(%arg17 : memref<!tpu.dma_semaphore, #tpu.memory_space<semaphore_mem>>) src(%arg12 : memref<128x128xf32, #tpu.memory_space<vmem>>) dst(%dma_wait3A_226 : memref<10240x128xf32, #tpu.memory_space<vmem_shared>>)
      %dma_start3A_227 = arith.constant 3 : i32
      %dma_start3A_228 = arith.constant 0 : i32
      %dma_start3A_229 = tpu.memref_slice %arg7[%dma_start3A_227, %dma_start3A_228] : memref<8x128xi32, #tpu.memory_space<vmem>> -> memref<1x128xi32, #tpu.memory_space<vmem>>
      %dma_start3A_230 = tpu.memref_squeeze %dma_start3A_229 : memref<1x128xi32, #tpu.memory_space<vmem>> -> memref<128xi32, #tpu.memory_space<vmem>>
      %dma_start3A_231 = arith.constant 0 : i32
      %dma_start3A_232 = arith.constant 0 : i32
      %dma_start3A_233 = tpu.memref_slice %arg2[%dma_start3A_231, %dma_start3A_232] : memref<10240x128xf32, #tpu.memory_space<hbm>> -> memref<10240x128xf32, #tpu.memory_space<hbm>>
      tpu.enqueue_indirect_dma source(%dma_start3A_233 : memref<10240x128xf32, #tpu.memory_space<hbm>>) target(%arg12 : memref<128x128xf32, #tpu.memory_space<vmem>>) offsets(%dma_start3A_230 : memref<128xi32, #tpu.memory_space<vmem>>) semaphore(%arg15 : memref<!tpu.dma_semaphore, #tpu.memory_space<semaphore_mem>>)
      %dma_wait3A_234 = arith.constant 0 : i32
      %dma_wait3A_235 = arith.constant 0 : i32
      %dma_wait3A_236 = tpu.memref_slice %arg7[%dma_wait3A_234, %dma_wait3A_235] : memref<8x128xi32, #tpu.memory_space<vmem>> -> memref<1x128xi32, #tpu.memory_space<vmem>>
      %dma_wait3A_237 = tpu.memref_squeeze %dma_wait3A_236 : memref<1x128xi32, #tpu.memory_space<vmem>> -> memref<128xi32, #tpu.memory_space<vmem>>
      %dma_wait3A_238 = arith.constant 0 : i32
      %dma_wait3A_239 = arith.constant 0 : i32
      %dma_wait3A_240 = tpu.memref_slice %arg2[%dma_wait3A_238, %dma_wait3A_239] : memref<10240x128xf32, #tpu.memory_space<hbm>> -> memref<10240x128xf32, #tpu.memory_space<hbm>>
      tpu.wait_indirect_dma semaphore(%arg14 : memref<!tpu.dma_semaphore, #tpu.memory_space<semaphore_mem>>) src(%dma_wait3A_240 : memref<10240x128xf32, #tpu.memory_space<hbm>>) dst(%arg11 : memref<128x128xf32, #tpu.memory_space<vmem>>)
      %dma_start3A_241 = arith.constant 2 : i32
      %dma_start3A_242 = arith.constant 0 : i32
      %dma_start3A_243 = tpu.memref_slice %arg9[%dma_start3A_241, %dma_start3A_242] : memref<8x128xi32, #tpu.memory_space<vmem>> -> memref<1x128xi32, #tpu.memory_space<vmem>>
      %dma_start3A_244 = tpu.memref_squeeze %dma_start3A_243 : memref<1x128xi32, #tpu.memory_space<vmem>> -> memref<128xi32, #tpu.memory_space<vmem>>
      %dma_start3A_245 = arith.constant 0 : i32
      %dma_start3A_246 = arith.constant 0 : i32
      %dma_start3A_247 = tpu.memref_slice %arg13[%dma_start3A_245, %dma_start3A_246] : memref<10240x128xf32, #tpu.memory_space<vmem_shared>> -> memref<10240x128xf32, #tpu.memory_space<vmem_shared>>
      tpu.enqueue_indirect_dma source(%arg11 : memref<128x128xf32, #tpu.memory_space<vmem>>) target(%dma_start3A_247 : memref<10240x128xf32, #tpu.memory_space<vmem_shared>>) offsets(%dma_start3A_244 : memref<128xi32, #tpu.memory_space<vmem>>) semaphore(%arg16 : memref<!tpu.dma_semaphore, #tpu.memory_space<semaphore_mem>>) {add = true}
      %dma_wait3A_248 = arith.constant 2 : i32
      %dma_wait3A_249 = arith.constant 0 : i32
      %dma_wait3A_250 = tpu.memref_slice %arg9[%dma_wait3A_248, %dma_wait3A_249] : memref<8x128xi32, #tpu.memory_space<vmem>> -> memref<1x128xi32, #tpu.memory_space<vmem>>
      %dma_wait3A_251 = tpu.memref_squeeze %dma_wait3A_250 : memref<1x128xi32, #tpu.memory_space<vmem>> -> memref<128xi32, #tpu.memory_space<vmem>>
      %dma_wait3A_252 = arith.constant 0 : i32
      %dma_wait3A_253 = arith.constant 0 : i32
      %dma_wait3A_254 = tpu.memref_slice %arg13[%dma_wait3A_252, %dma_wait3A_253] : memref<10240x128xf32, #tpu.memory_space<vmem_shared>> -> memref<10240x128xf32, #tpu.memory_space<vmem_shared>>
      tpu.wait_indirect_dma semaphore(%arg16 : memref<!tpu.dma_semaphore, #tpu.memory_space<semaphore_mem>>) src(%arg11 : memref<128x128xf32, #tpu.memory_space<vmem>>) dst(%dma_wait3A_254 : memref<10240x128xf32, #tpu.memory_space<vmem_shared>>)
      %dma_start3A_255 = arith.constant 4 : i32
      %dma_start3A_256 = arith.constant 0 : i32
      %dma_start3A_257 = tpu.memref_slice %arg7[%dma_start3A_255, %dma_start3A_256] : memref<8x128xi32, #tpu.memory_space<vmem>> -> memref<1x128xi32, #tpu.memory_space<vmem>>
      %dma_start3A_258 = tpu.memref_squeeze %dma_start3A_257 : memref<1x128xi32, #tpu.memory_space<vmem>> -> memref<128xi32, #tpu.memory_space<vmem>>
      %dma_start3A_259 = arith.constant 0 : i32
      %dma_start3A_260 = arith.constant 0 : i32
      %dma_start3A_261 = tpu.memref_slice %arg2[%dma_start3A_259, %dma_start3A_260] : memref<10240x128xf32, #tpu.memory_space<hbm>> -> memref<10240x128xf32, #tpu.memory_space<hbm>>
      tpu.enqueue_indirect_dma source(%dma_start3A_261 : memref<10240x128xf32, #tpu.memory_space<hbm>>) target(%arg11 : memref<128x128xf32, #tpu.memory_space<vmem>>) offsets(%dma_start3A_258 : memref<128xi32, #tpu.memory_space<vmem>>) semaphore(%arg14 : memref<!tpu.dma_semaphore, #tpu.memory_space<semaphore_mem>>)
      %dma_wait3A_262 = arith.constant 0 : i32
      %dma_wait3A_263 = arith.constant 0 : i32
      %dma_wait3A_264 = tpu.memref_slice %arg7[%dma_wait3A_262, %dma_wait3A_263] : memref<8x128xi32, #tpu.memory_space<vmem>> -> memref<1x128xi32, #tpu.memory_space<vmem>>
      %dma_wait3A_265 = tpu.memref_squeeze %dma_wait3A_264 : memref<1x128xi32, #tpu.memory_space<vmem>> -> memref<128xi32, #tpu.memory_space<vmem>>
      %dma_wait3A_266 = arith.constant 0 : i32
      %dma_wait3A_267 = arith.constant 0 : i32
      %dma_wait3A_268 = tpu.memref_slice %arg2[%dma_wait3A_266, %dma_wait3A_267] : memref<10240x128xf32, #tpu.memory_space<hbm>> -> memref<10240x128xf32, #tpu.memory_space<hbm>>
      tpu.wait_indirect_dma semaphore(%arg15 : memref<!tpu.dma_semaphore, #tpu.memory_space<semaphore_mem>>) src(%dma_wait3A_268 : memref<10240x128xf32, #tpu.memory_space<hbm>>) dst(%arg12 : memref<128x128xf32, #tpu.memory_space<vmem>>)
      %dma_start3A_269 = arith.constant 3 : i32
      %dma_start3A_270 = arith.constant 0 : i32
      %dma_start3A_271 = tpu.memref_slice %arg9[%dma_start3A_269, %dma_start3A_270] : memref<8x128xi32, #tpu.memory_space<vmem>> -> memref<1x128xi32, #tpu.memory_space<vmem>>
      %dma_start3A_272 = tpu.memref_squeeze %dma_start3A_271 : memref<1x128xi32, #tpu.memory_space<vmem>> -> memref<128xi32, #tpu.memory_space<vmem>>
      %dma_start3A_273 = arith.constant 0 : i32
      %dma_start3A_274 = arith.constant 0 : i32
      %dma_start3A_275 = tpu.memref_slice %arg13[%dma_start3A_273, %dma_start3A_274] : memref<10240x128xf32, #tpu.memory_space<vmem_shared>> -> memref<10240x128xf32, #tpu.memory_space<vmem_shared>>
      tpu.enqueue_indirect_dma source(%arg12 : memref<128x128xf32, #tpu.memory_space<vmem>>) target(%dma_start3A_275 : memref<10240x128xf32, #tpu.memory_space<vmem_shared>>) offsets(%dma_start3A_272 : memref<128xi32, #tpu.memory_space<vmem>>) semaphore(%arg17 : memref<!tpu.dma_semaphore, #tpu.memory_space<semaphore_mem>>) {add = true}
      %dma_wait3A_276 = arith.constant 3 : i32
      %dma_wait3A_277 = arith.constant 0 : i32
      %dma_wait3A_278 = tpu.memref_slice %arg9[%dma_wait3A_276, %dma_wait3A_277] : memref<8x128xi32, #tpu.memory_space<vmem>> -> memref<1x128xi32, #tpu.memory_space<vmem>>
      %dma_wait3A_279 = tpu.memref_squeeze %dma_wait3A_278 : memref<1x128xi32, #tpu.memory_space<vmem>> -> memref<128xi32, #tpu.memory_space<vmem>>
      %dma_wait3A_280 = arith.constant 0 : i32
      %dma_wait3A_281 = arith.constant 0 : i32
      %dma_wait3A_282 = tpu.memref_slice %arg13[%dma_wait3A_280, %dma_wait3A_281] : memref<10240x128xf32, #tpu.memory_space<vmem_shared>> -> memref<10240x128xf32, #tpu.memory_space<vmem_shared>>
      tpu.wait_indirect_dma semaphore(%arg17 : memref<!tpu.dma_semaphore, #tpu.memory_space<semaphore_mem>>) src(%arg12 : memref<128x128xf32, #tpu.memory_space<vmem>>) dst(%dma_wait3A_282 : memref<10240x128xf32, #tpu.memory_space<vmem_shared>>)
      %dma_start3A_283 = arith.constant 5 : i32
      %dma_start3A_284 = arith.constant 0 : i32
      %dma_start3A_285 = tpu.memref_slice %arg7[%dma_start3A_283, %dma_start3A_284] : memref<8x128xi32, #tpu.memory_space<vmem>> -> memref<1x128xi32, #tpu.memory_space<vmem>>
      %dma_start3A_286 = tpu.memref_squeeze %dma_start3A_285 : memref<1x128xi32, #tpu.memory_space<vmem>> -> memref<128xi32, #tpu.memory_space<vmem>>
      %dma_start3A_287 = arith.constant 0 : i32
      %dma_start3A_288 = arith.constant 0 : i32
      %dma_start3A_289 = tpu.memref_slice %arg2[%dma_start3A_287, %dma_start3A_288] : memref<10240x128xf32, #tpu.memory_space<hbm>> -> memref<10240x128xf32, #tpu.memory_space<hbm>>
      tpu.enqueue_indirect_dma source(%dma_start3A_289 : memref<10240x128xf32, #tpu.memory_space<hbm>>) target(%arg12 : memref<128x128xf32, #tpu.memory_space<vmem>>) offsets(%dma_start3A_286 : memref<128xi32, #tpu.memory_space<vmem>>) semaphore(%arg15 : memref<!tpu.dma_semaphore, #tpu.memory_space<semaphore_mem>>)
      %dma_wait3A_290 = arith.constant 0 : i32
      %dma_wait3A_291 = arith.constant 0 : i32
      %dma_wait3A_292 = tpu.memref_slice %arg7[%dma_wait3A_290, %dma_wait3A_291] : memref<8x128xi32, #tpu.memory_space<vmem>> -> memref<1x128xi32, #tpu.memory_space<vmem>>
      %dma_wait3A_293 = tpu.memref_squeeze %dma_wait3A_292 : memref<1x128xi32, #tpu.memory_space<vmem>> -> memref<128xi32, #tpu.memory_space<vmem>>
      %dma_wait3A_294 = arith.constant 0 : i32
      %dma_wait3A_295 = arith.constant 0 : i32
      %dma_wait3A_296 = tpu.memref_slice %arg2[%dma_wait3A_294, %dma_wait3A_295] : memref<10240x128xf32, #tpu.memory_space<hbm>> -> memref<10240x128xf32, #tpu.memory_space<hbm>>
      tpu.wait_indirect_dma semaphore(%arg14 : memref<!tpu.dma_semaphore, #tpu.memory_space<semaphore_mem>>) src(%dma_wait3A_296 : memref<10240x128xf32, #tpu.memory_space<hbm>>) dst(%arg11 : memref<128x128xf32, #tpu.memory_space<vmem>>)
      %dma_start3A_297 = arith.constant 4 : i32
      %dma_start3A_298 = arith.constant 0 : i32
      %dma_start3A_299 = tpu.memref_slice %arg9[%dma_start3A_297, %dma_start3A_298] : memref<8x128xi32, #tpu.memory_space<vmem>> -> memref<1x128xi32, #tpu.memory_space<vmem>>
      %dma_start3A_300 = tpu.memref_squeeze %dma_start3A_299 : memref<1x128xi32, #tpu.memory_space<vmem>> -> memref<128xi32, #tpu.memory_space<vmem>>
      %dma_start3A_301 = arith.constant 0 : i32
      %dma_start3A_302 = arith.constant 0 : i32
      %dma_start3A_303 = tpu.memref_slice %arg13[%dma_start3A_301, %dma_start3A_302] : memref<10240x128xf32, #tpu.memory_space<vmem_shared>> -> memref<10240x128xf32, #tpu.memory_space<vmem_shared>>
      tpu.enqueue_indirect_dma source(%arg11 : memref<128x128xf32, #tpu.memory_space<vmem>>) target(%dma_start3A_303 : memref<10240x128xf32, #tpu.memory_space<vmem_shared>>) offsets(%dma_start3A_300 : memref<128xi32, #tpu.memory_space<vmem>>) semaphore(%arg16 : memref<!tpu.dma_semaphore, #tpu.memory_space<semaphore_mem>>) {add = true}
      %dma_wait3A_304 = arith.constant 4 : i32
      %dma_wait3A_305 = arith.constant 0 : i32
      %dma_wait3A_306 = tpu.memref_slice %arg9[%dma_wait3A_304, %dma_wait3A_305] : memref<8x128xi32, #tpu.memory_space<vmem>> -> memref<1x128xi32, #tpu.memory_space<vmem>>
      %dma_wait3A_307 = tpu.memref_squeeze %dma_wait3A_306 : memref<1x128xi32, #tpu.memory_space<vmem>> -> memref<128xi32, #tpu.memory_space<vmem>>
      %dma_wait3A_308 = arith.constant 0 : i32
      %dma_wait3A_309 = arith.constant 0 : i32
      %dma_wait3A_310 = tpu.memref_slice %arg13[%dma_wait3A_308, %dma_wait3A_309] : memref<10240x128xf32, #tpu.memory_space<vmem_shared>> -> memref<10240x128xf32, #tpu.memory_space<vmem_shared>>
      tpu.wait_indirect_dma semaphore(%arg16 : memref<!tpu.dma_semaphore, #tpu.memory_space<semaphore_mem>>) src(%arg11 : memref<128x128xf32, #tpu.memory_space<vmem>>) dst(%dma_wait3A_310 : memref<10240x128xf32, #tpu.memory_space<vmem_shared>>)
      %dma_start3A_311 = arith.constant 6 : i32
      %dma_start3A_312 = arith.constant 0 : i32
      %dma_start3A_313 = tpu.memref_slice %arg7[%dma_start3A_311, %dma_start3A_312] : memref<8x128xi32, #tpu.memory_space<vmem>> -> memref<1x128xi32, #tpu.memory_space<vmem>>
      %dma_start3A_314 = tpu.memref_squeeze %dma_start3A_313 : memref<1x128xi32, #tpu.memory_space<vmem>> -> memref<128xi32, #tpu.memory_space<vmem>>
      %dma_start3A_315 = arith.constant 0 : i32
      %dma_start3A_316 = arith.constant 0 : i32
      %dma_start3A_317 = tpu.memref_slice %arg2[%dma_start3A_315, %dma_start3A_316] : memref<10240x128xf32, #tpu.memory_space<hbm>> -> memref<10240x128xf32, #tpu.memory_space<hbm>>
      tpu.enqueue_indirect_dma source(%dma_start3A_317 : memref<10240x128xf32, #tpu.memory_space<hbm>>) target(%arg11 : memref<128x128xf32, #tpu.memory_space<vmem>>) offsets(%dma_start3A_314 : memref<128xi32, #tpu.memory_space<vmem>>) semaphore(%arg14 : memref<!tpu.dma_semaphore, #tpu.memory_space<semaphore_mem>>)
      %dma_wait3A_318 = arith.constant 0 : i32
      %dma_wait3A_319 = arith.constant 0 : i32
      %dma_wait3A_320 = tpu.memref_slice %arg7[%dma_wait3A_318, %dma_wait3A_319] : memref<8x128xi32, #tpu.memory_space<vmem>> -> memref<1x128xi32, #tpu.memory_space<vmem>>
      %dma_wait3A_321 = tpu.memref_squeeze %dma_wait3A_320 : memref<1x128xi32, #tpu.memory_space<vmem>> -> memref<128xi32, #tpu.memory_space<vmem>>
      %dma_wait3A_322 = arith.constant 0 : i32
      %dma_wait3A_323 = arith.constant 0 : i32
      %dma_wait3A_324 = tpu.memref_slice %arg2[%dma_wait3A_322, %dma_wait3A_323] : memref<10240x128xf32, #tpu.memory_space<hbm>> -> memref<10240x128xf32, #tpu.memory_space<hbm>>
      tpu.wait_indirect_dma semaphore(%arg15 : memref<!tpu.dma_semaphore, #tpu.memory_space<semaphore_mem>>) src(%dma_wait3A_324 : memref<10240x128xf32, #tpu.memory_space<hbm>>) dst(%arg12 : memref<128x128xf32, #tpu.memory_space<vmem>>)
      %dma_start3A_325 = arith.constant 5 : i32
      %dma_start3A_326 = arith.constant 0 : i32
      %dma_start3A_327 = tpu.memref_slice %arg9[%dma_start3A_325, %dma_start3A_326] : memref<8x128xi32, #tpu.memory_space<vmem>> -> memref<1x128xi32, #tpu.memory_space<vmem>>
      %dma_start3A_328 = tpu.memref_squeeze %dma_start3A_327 : memref<1x128xi32, #tpu.memory_space<vmem>> -> memref<128xi32, #tpu.memory_space<vmem>>
      %dma_start3A_329 = arith.constant 0 : i32
      %dma_start3A_330 = arith.constant 0 : i32
      %dma_start3A_331 = tpu.memref_slice %arg13[%dma_start3A_329, %dma_start3A_330] : memref<10240x128xf32, #tpu.memory_space<vmem_shared>> -> memref<10240x128xf32, #tpu.memory_space<vmem_shared>>
      tpu.enqueue_indirect_dma source(%arg12 : memref<128x128xf32, #tpu.memory_space<vmem>>) target(%dma_start3A_331 : memref<10240x128xf32, #tpu.memory_space<vmem_shared>>) offsets(%dma_start3A_328 : memref<128xi32, #tpu.memory_space<vmem>>) semaphore(%arg17 : memref<!tpu.dma_semaphore, #tpu.memory_space<semaphore_mem>>) {add = true}
      %dma_wait3A_332 = arith.constant 5 : i32
      %dma_wait3A_333 = arith.constant 0 : i32
      %dma_wait3A_334 = tpu.memref_slice %arg9[%dma_wait3A_332, %dma_wait3A_333] : memref<8x128xi32, #tpu.memory_space<vmem>> -> memref<1x128xi32, #tpu.memory_space<vmem>>
      %dma_wait3A_335 = tpu.memref_squeeze %dma_wait3A_334 : memref<1x128xi32, #tpu.memory_space<vmem>> -> memref<128xi32, #tpu.memory_space<vmem>>
      %dma_wait3A_336 = arith.constant 0 : i32
      %dma_wait3A_337 = arith.constant 0 : i32
      %dma_wait3A_338 = tpu.memref_slice %arg13[%dma_wait3A_336, %dma_wait3A_337] : memref<10240x128xf32, #tpu.memory_space<vmem_shared>> -> memref<10240x128xf32, #tpu.memory_space<vmem_shared>>
      tpu.wait_indirect_dma semaphore(%arg17 : memref<!tpu.dma_semaphore, #tpu.memory_space<semaphore_mem>>) src(%arg12 : memref<128x128xf32, #tpu.memory_space<vmem>>) dst(%dma_wait3A_338 : memref<10240x128xf32, #tpu.memory_space<vmem_shared>>)
      %dma_start3A_339 = arith.constant 7 : i32
      %dma_start3A_340 = arith.constant 0 : i32
      %dma_start3A_341 = tpu.memref_slice %arg7[%dma_start3A_339, %dma_start3A_340] : memref<8x128xi32, #tpu.memory_space<vmem>> -> memref<1x128xi32, #tpu.memory_space<vmem>>
      %dma_start3A_342 = tpu.memref_squeeze %dma_start3A_341 : memref<1x128xi32, #tpu.memory_space<vmem>> -> memref<128xi32, #tpu.memory_space<vmem>>
      %dma_start3A_343 = arith.constant 0 : i32
      %dma_start3A_344 = arith.constant 0 : i32
      %dma_start3A_345 = tpu.memref_slice %arg2[%dma_start3A_343, %dma_start3A_344] : memref<10240x128xf32, #tpu.memory_space<hbm>> -> memref<10240x128xf32, #tpu.memory_space<hbm>>
      tpu.enqueue_indirect_dma source(%dma_start3A_345 : memref<10240x128xf32, #tpu.memory_space<hbm>>) target(%arg12 : memref<128x128xf32, #tpu.memory_space<vmem>>) offsets(%dma_start3A_342 : memref<128xi32, #tpu.memory_space<vmem>>) semaphore(%arg15 : memref<!tpu.dma_semaphore, #tpu.memory_space<semaphore_mem>>)
      %dma_wait3A_346 = arith.constant 0 : i32
      %dma_wait3A_347 = arith.constant 0 : i32
      %dma_wait3A_348 = tpu.memref_slice %arg7[%dma_wait3A_346, %dma_wait3A_347] : memref<8x128xi32, #tpu.memory_space<vmem>> -> memref<1x128xi32, #tpu.memory_space<vmem>>
      %dma_wait3A_349 = tpu.memref_squeeze %dma_wait3A_348 : memref<1x128xi32, #tpu.memory_space<vmem>> -> memref<128xi32, #tpu.memory_space<vmem>>
      %dma_wait3A_350 = arith.constant 0 : i32
      %dma_wait3A_351 = arith.constant 0 : i32
      %dma_wait3A_352 = tpu.memref_slice %arg2[%dma_wait3A_350, %dma_wait3A_351] : memref<10240x128xf32, #tpu.memory_space<hbm>> -> memref<10240x128xf32, #tpu.memory_space<hbm>>
      tpu.wait_indirect_dma semaphore(%arg14 : memref<!tpu.dma_semaphore, #tpu.memory_space<semaphore_mem>>) src(%dma_wait3A_352 : memref<10240x128xf32, #tpu.memory_space<hbm>>) dst(%arg11 : memref<128x128xf32, #tpu.memory_space<vmem>>)
      %dma_start3A_353 = arith.constant 6 : i32
      %dma_start3A_354 = arith.constant 0 : i32
      %dma_start3A_355 = tpu.memref_slice %arg9[%dma_start3A_353, %dma_start3A_354] : memref<8x128xi32, #tpu.memory_space<vmem>> -> memref<1x128xi32, #tpu.memory_space<vmem>>
      %dma_start3A_356 = tpu.memref_squeeze %dma_start3A_355 : memref<1x128xi32, #tpu.memory_space<vmem>> -> memref<128xi32, #tpu.memory_space<vmem>>
      %dma_start3A_357 = arith.constant 0 : i32
      %dma_start3A_358 = arith.constant 0 : i32
      %dma_start3A_359 = tpu.memref_slice %arg13[%dma_start3A_357, %dma_start3A_358] : memref<10240x128xf32, #tpu.memory_space<vmem_shared>> -> memref<10240x128xf32, #tpu.memory_space<vmem_shared>>
      tpu.enqueue_indirect_dma source(%arg11 : memref<128x128xf32, #tpu.memory_space<vmem>>) target(%dma_start3A_359 : memref<10240x128xf32, #tpu.memory_space<vmem_shared>>) offsets(%dma_start3A_356 : memref<128xi32, #tpu.memory_space<vmem>>) semaphore(%arg16 : memref<!tpu.dma_semaphore, #tpu.memory_space<semaphore_mem>>) {add = true}
      %dma_wait3A_360 = arith.constant 6 : i32
      %dma_wait3A_361 = arith.constant 0 : i32
      %dma_wait3A_362 = tpu.memref_slice %arg9[%dma_wait3A_360, %dma_wait3A_361] : memref<8x128xi32, #tpu.memory_space<vmem>> -> memref<1x128xi32, #tpu.memory_space<vmem>>
      %dma_wait3A_363 = tpu.memref_squeeze %dma_wait3A_362 : memref<1x128xi32, #tpu.memory_space<vmem>> -> memref<128xi32, #tpu.memory_space<vmem>>
      %dma_wait3A_364 = arith.constant 0 : i32
      %dma_wait3A_365 = arith.constant 0 : i32
      %dma_wait3A_366 = tpu.memref_slice %arg13[%dma_wait3A_364, %dma_wait3A_365] : memref<10240x128xf32, #tpu.memory_space<vmem_shared>> -> memref<10240x128xf32, #tpu.memory_space<vmem_shared>>
      tpu.wait_indirect_dma semaphore(%arg16 : memref<!tpu.dma_semaphore, #tpu.memory_space<semaphore_mem>>) src(%arg11 : memref<128x128xf32, #tpu.memory_space<vmem>>) dst(%dma_wait3A_366 : memref<10240x128xf32, #tpu.memory_space<vmem_shared>>)
      %sub3A_367 = arith.constant 1 : i32
      %sub3A_368 = arith.subi %select_n3A_19, %sub3A_367 : i32
      %lt3A = arith.cmpi slt, %mul3A_173, %sub3A_368 : i32
      %convert_element_type3A = arith.extui %lt3A : i1 to i32
      %cond3A = arith.constant 0 : i32
      %cond3A_369 = arith.cmpi ne, %convert_element_type3A, %cond3A : i32
      scf.if %cond3A_369 {
        %dma_wait3A_655 = arith.constant 0 : i32
        %dma_wait3A_656 = tpu.memref_slice %arg3[%select_n3A_26, %dma_wait3A_655] : memref<2560x128xi32, #tpu.memory_space<hbm>> -> memref<8x128xi32, #tpu.memory_space<hbm>>
        %dma_wait3A_657 = arith.constant 0 : i32
        %dma_wait3A_658 = tpu.memref_slice %arg3[%select_n3A_26, %dma_wait3A_657] : memref<2560x128xi32, #tpu.memory_space<hbm>> -> memref<8x128xi32, #tpu.memory_space<hbm>>
        tpu.wait_dma2 semaphore(%arg21 : memref<!tpu.dma_semaphore, #tpu.memory_space<semaphore_mem>>) src(%dma_wait3A_658 : memref<8x128xi32, #tpu.memory_space<hbm>>) dst(%arg8 : memref<8x128xi32, #tpu.memory_space<vmem>>)
      } else {
      }
      %dma_start3A_370 = arith.constant 0 : i32
      %dma_start3A_371 = arith.constant 0 : i32
      %dma_start3A_372 = tpu.memref_slice %arg8[%dma_start3A_370, %dma_start3A_371] : memref<8x128xi32, #tpu.memory_space<vmem>> -> memref<1x128xi32, #tpu.memory_space<vmem>>
      %dma_start3A_373 = tpu.memref_squeeze %dma_start3A_372 : memref<1x128xi32, #tpu.memory_space<vmem>> -> memref<128xi32, #tpu.memory_space<vmem>>
      %dma_start3A_374 = arith.constant 0 : i32
      %dma_start3A_375 = arith.constant 0 : i32
      %dma_start3A_376 = tpu.memref_slice %arg2[%dma_start3A_374, %dma_start3A_375] : memref<10240x128xf32, #tpu.memory_space<hbm>> -> memref<10240x128xf32, #tpu.memory_space<hbm>>
      tpu.enqueue_indirect_dma source(%dma_start3A_376 : memref<10240x128xf32, #tpu.memory_space<hbm>>) target(%arg11 : memref<128x128xf32, #tpu.memory_space<vmem>>) offsets(%dma_start3A_373 : memref<128xi32, #tpu.memory_space<vmem>>) semaphore(%arg14 : memref<!tpu.dma_semaphore, #tpu.memory_space<semaphore_mem>>)
      %dma_wait3A_377 = arith.constant 0 : i32
      %dma_wait3A_378 = arith.constant 0 : i32
      %dma_wait3A_379 = tpu.memref_slice %arg7[%dma_wait3A_377, %dma_wait3A_378] : memref<8x128xi32, #tpu.memory_space<vmem>> -> memref<1x128xi32, #tpu.memory_space<vmem>>
      %dma_wait3A_380 = tpu.memref_squeeze %dma_wait3A_379 : memref<1x128xi32, #tpu.memory_space<vmem>> -> memref<128xi32, #tpu.memory_space<vmem>>
      %dma_wait3A_381 = arith.constant 0 : i32
      %dma_wait3A_382 = arith.constant 0 : i32
      %dma_wait3A_383 = tpu.memref_slice %arg2[%dma_wait3A_381, %dma_wait3A_382] : memref<10240x128xf32, #tpu.memory_space<hbm>> -> memref<10240x128xf32, #tpu.memory_space<hbm>>
      tpu.wait_indirect_dma semaphore(%arg15 : memref<!tpu.dma_semaphore, #tpu.memory_space<semaphore_mem>>) src(%dma_wait3A_383 : memref<10240x128xf32, #tpu.memory_space<hbm>>) dst(%arg12 : memref<128x128xf32, #tpu.memory_space<vmem>>)
      %dma_start3A_384 = arith.constant 7 : i32
      %dma_start3A_385 = arith.constant 0 : i32
      %dma_start3A_386 = tpu.memref_slice %arg9[%dma_start3A_384, %dma_start3A_385] : memref<8x128xi32, #tpu.memory_space<vmem>> -> memref<1x128xi32, #tpu.memory_space<vmem>>
      %dma_start3A_387 = tpu.memref_squeeze %dma_start3A_386 : memref<1x128xi32, #tpu.memory_space<vmem>> -> memref<128xi32, #tpu.memory_space<vmem>>
      %dma_start3A_388 = arith.constant 0 : i32
      %dma_start3A_389 = arith.constant 0 : i32
      %dma_start3A_390 = tpu.memref_slice %arg13[%dma_start3A_388, %dma_start3A_389] : memref<10240x128xf32, #tpu.memory_space<vmem_shared>> -> memref<10240x128xf32, #tpu.memory_space<vmem_shared>>
      tpu.enqueue_indirect_dma source(%arg12 : memref<128x128xf32, #tpu.memory_space<vmem>>) target(%dma_start3A_390 : memref<10240x128xf32, #tpu.memory_space<vmem_shared>>) offsets(%dma_start3A_387 : memref<128xi32, #tpu.memory_space<vmem>>) semaphore(%arg17 : memref<!tpu.dma_semaphore, #tpu.memory_space<semaphore_mem>>) {add = true}
      %dma_wait3A_391 = arith.constant 7 : i32
      %dma_wait3A_392 = arith.constant 0 : i32
      %dma_wait3A_393 = tpu.memref_slice %arg9[%dma_wait3A_391, %dma_wait3A_392] : memref<8x128xi32, #tpu.memory_space<vmem>> -> memref<1x128xi32, #tpu.memory_space<vmem>>
      %dma_wait3A_394 = tpu.memref_squeeze %dma_wait3A_393 : memref<1x128xi32, #tpu.memory_space<vmem>> -> memref<128xi32, #tpu.memory_space<vmem>>
      %dma_wait3A_395 = arith.constant 0 : i32
      %dma_wait3A_396 = arith.constant 0 : i32
      %dma_wait3A_397 = tpu.memref_slice %arg13[%dma_wait3A_395, %dma_wait3A_396] : memref<10240x128xf32, #tpu.memory_space<vmem_shared>> -> memref<10240x128xf32, #tpu.memory_space<vmem_shared>>
      tpu.wait_indirect_dma semaphore(%arg17 : memref<!tpu.dma_semaphore, #tpu.memory_space<semaphore_mem>>) src(%arg12 : memref<128x128xf32, #tpu.memory_space<vmem>>) dst(%dma_wait3A_397 : memref<10240x128xf32, #tpu.memory_space<vmem_shared>>)
      %dma_start3A_398 = arith.constant 1 : i32
      %dma_start3A_399 = arith.constant 0 : i32
      %dma_start3A_400 = tpu.memref_slice %arg8[%dma_start3A_398, %dma_start3A_399] : memref<8x128xi32, #tpu.memory_space<vmem>> -> memref<1x128xi32, #tpu.memory_space<vmem>>
      %dma_start3A_401 = tpu.memref_squeeze %dma_start3A_400 : memref<1x128xi32, #tpu.memory_space<vmem>> -> memref<128xi32, #tpu.memory_space<vmem>>
      %dma_start3A_402 = arith.constant 0 : i32
      %dma_start3A_403 = arith.constant 0 : i32
      %dma_start3A_404 = tpu.memref_slice %arg2[%dma_start3A_402, %dma_start3A_403] : memref<10240x128xf32, #tpu.memory_space<hbm>> -> memref<10240x128xf32, #tpu.memory_space<hbm>>
      tpu.enqueue_indirect_dma source(%dma_start3A_404 : memref<10240x128xf32, #tpu.memory_space<hbm>>) target(%arg12 : memref<128x128xf32, #tpu.memory_space<vmem>>) offsets(%dma_start3A_401 : memref<128xi32, #tpu.memory_space<vmem>>) semaphore(%arg15 : memref<!tpu.dma_semaphore, #tpu.memory_space<semaphore_mem>>)
      %add3A_405 = arith.constant 2 : i32
      %add3A_406 = arith.addi %mul3A_173, %add3A_405 : i32
      %lt3A_407 = arith.cmpi slt, %add3A_406, %select_n3A_19 : i32
      %convert_element_type3A_408 = arith.extui %lt3A_407 : i1 to i32
      %cond3A_409 = arith.constant 0 : i32
      %cond3A_410 = arith.cmpi ne, %convert_element_type3A_408, %cond3A_409 : i32
      scf.if %cond3A_410 {
        %add3A_655 = arith.constant 2 : i32
        %add3A_656 = arith.addi %mul3A_173, %add3A_655 : i32
        %mul3A_657 = arith.constant 8 : i32
        %mul3A_658 = arith.muli %add3A_656, %mul3A_657 : i32
        %add3A_659 = arith.addi %select_n3A_26, %mul3A_658 : i32
        %dma_start3A_660 = arith.constant 0 : i32
        %dma_start3A_661 = tpu.memref_slice %arg3[%add3A_659, %dma_start3A_660] : memref<2560x128xi32, #tpu.memory_space<hbm>> -> memref<8x128xi32, #tpu.memory_space<hbm>>
        %dma_start3A_662 = arith.constant 0 : i32
        %dma_start3A_663 = tpu.memref_slice %arg3[%add3A_659, %dma_start3A_662] : memref<2560x128xi32, #tpu.memory_space<hbm>> -> memref<8x128xi32, #tpu.memory_space<hbm>>
        tpu.enqueue_dma source(%dma_start3A_663 : memref<8x128xi32, #tpu.memory_space<hbm>>) target(%arg7 : memref<8x128xi32, #tpu.memory_space<vmem>>) target_semaphore(%arg20 : memref<!tpu.dma_semaphore, #tpu.memory_space<semaphore_mem>>)
        %add3A_664 = arith.constant 2 : i32
        %add3A_665 = arith.addi %mul3A_173, %add3A_664 : i32
        %mul3A_666 = arith.constant 8 : i32
        %mul3A_667 = arith.muli %add3A_665, %mul3A_666 : i32
        %add3A_668 = arith.addi %select_n3A_26, %mul3A_667 : i32
        %dma_start3A_669 = arith.constant 0 : i32
        %dma_start3A_670 = tpu.memref_slice %arg4[%add3A_668, %dma_start3A_669] : memref<2560x128xi32, #tpu.memory_space<hbm>> -> memref<8x128xi32, #tpu.memory_space<hbm>>
        %dma_start3A_671 = arith.constant 0 : i32
        %dma_start3A_672 = tpu.memref_slice %arg4[%add3A_668, %dma_start3A_671] : memref<2560x128xi32, #tpu.memory_space<hbm>> -> memref<8x128xi32, #tpu.memory_space<hbm>>
        tpu.enqueue_dma source(%dma_start3A_672 : memref<8x128xi32, #tpu.memory_space<hbm>>) target(%arg9 : memref<8x128xi32, #tpu.memory_space<vmem>>) target_semaphore(%arg18 : memref<!tpu.dma_semaphore, #tpu.memory_space<semaphore_mem>>)
      } else {
      }
      %mul3A_411 = arith.constant 2 : i32
      %mul3A_412 = arith.muli %mul3A_411, %while3A_171 : i32
      %add3A_413 = arith.constant 1 : i32
      %add3A_414 = arith.addi %mul3A_412, %add3A_413 : i32
      %dma_wait3A_415 = arith.constant 0 : i32
      %dma_wait3A_416 = tpu.memref_slice %arg4[%select_n3A_26, %dma_wait3A_415] : memref<2560x128xi32, #tpu.memory_space<hbm>> -> memref<8x128xi32, #tpu.memory_space<hbm>>
      %dma_wait3A_417 = arith.constant 0 : i32
      %dma_wait3A_418 = tpu.memref_slice %arg4[%select_n3A_26, %dma_wait3A_417] : memref<2560x128xi32, #tpu.memory_space<hbm>> -> memref<8x128xi32, #tpu.memory_space<hbm>>
      tpu.wait_dma2 semaphore(%arg19 : memref<!tpu.dma_semaphore, #tpu.memory_space<semaphore_mem>>) src(%dma_wait3A_418 : memref<8x128xi32, #tpu.memory_space<hbm>>) dst(%arg10 : memref<8x128xi32, #tpu.memory_space<vmem>>)
      %dma_wait3A_419 = arith.constant 0 : i32
      %dma_wait3A_420 = arith.constant 0 : i32
      %dma_wait3A_421 = tpu.memref_slice %arg8[%dma_wait3A_419, %dma_wait3A_420] : memref<8x128xi32, #tpu.memory_space<vmem>> -> memref<1x128xi32, #tpu.memory_space<vmem>>
      %dma_wait3A_422 = tpu.memref_squeeze %dma_wait3A_421 : memref<1x128xi32, #tpu.memory_space<vmem>> -> memref<128xi32, #tpu.memory_space<vmem>>
      %dma_wait3A_423 = arith.constant 0 : i32
      %dma_wait3A_424 = arith.constant 0 : i32
      %dma_wait3A_425 = tpu.memref_slice %arg2[%dma_wait3A_423, %dma_wait3A_424] : memref<10240x128xf32, #tpu.memory_space<hbm>> -> memref<10240x128xf32, #tpu.memory_space<hbm>>
      tpu.wait_indirect_dma semaphore(%arg14 : memref<!tpu.dma_semaphore, #tpu.memory_space<semaphore_mem>>) src(%dma_wait3A_425 : memref<10240x128xf32, #tpu.memory_space<hbm>>) dst(%arg11 : memref<128x128xf32, #tpu.memory_space<vmem>>)
      %dma_start3A_426 = arith.constant 0 : i32
      %dma_start3A_427 = arith.constant 0 : i32
      %dma_start3A_428 = tpu.memref_slice %arg10[%dma_start3A_426, %dma_start3A_427] : memref<8x128xi32, #tpu.memory_space<vmem>> -> memref<1x128xi32, #tpu.memory_space<vmem>>
      %dma_start3A_429 = tpu.memref_squeeze %dma_start3A_428 : memref<1x128xi32, #tpu.memory_space<vmem>> -> memref<128xi32, #tpu.memory_space<vmem>>
      %dma_start3A_430 = arith.constant 0 : i32
      %dma_start3A_431 = arith.constant 0 : i32
      %dma_start3A_432 = tpu.memref_slice %arg13[%dma_start3A_430, %dma_start3A_431] : memref<10240x128xf32, #tpu.memory_space<vmem_shared>> -> memref<10240x128xf32, #tpu.memory_space<vmem_shared>>
      tpu.enqueue_indirect_dma source(%arg11 : memref<128x128xf32, #tpu.memory_space<vmem>>) target(%dma_start3A_432 : memref<10240x128xf32, #tpu.memory_space<vmem_shared>>) offsets(%dma_start3A_429 : memref<128xi32, #tpu.memory_space<vmem>>) semaphore(%arg16 : memref<!tpu.dma_semaphore, #tpu.memory_space<semaphore_mem>>) {add = true}
      %dma_wait3A_433 = arith.constant 0 : i32
      %dma_wait3A_434 = arith.constant 0 : i32
      %dma_wait3A_435 = tpu.memref_slice %arg10[%dma_wait3A_433, %dma_wait3A_434] : memref<8x128xi32, #tpu.memory_space<vmem>> -> memref<1x128xi32, #tpu.memory_space<vmem>>
      %dma_wait3A_436 = tpu.memref_squeeze %dma_wait3A_435 : memref<1x128xi32, #tpu.memory_space<vmem>> -> memref<128xi32, #tpu.memory_space<vmem>>
      %dma_wait3A_437 = arith.constant 0 : i32
      %dma_wait3A_438 = arith.constant 0 : i32
      %dma_wait3A_439 = tpu.memref_slice %arg13[%dma_wait3A_437, %dma_wait3A_438] : memref<10240x128xf32, #tpu.memory_space<vmem_shared>> -> memref<10240x128xf32, #tpu.memory_space<vmem_shared>>
      tpu.wait_indirect_dma semaphore(%arg16 : memref<!tpu.dma_semaphore, #tpu.memory_space<semaphore_mem>>) src(%arg11 : memref<128x128xf32, #tpu.memory_space<vmem>>) dst(%dma_wait3A_439 : memref<10240x128xf32, #tpu.memory_space<vmem_shared>>)
      %dma_start3A_440 = arith.constant 2 : i32
      %dma_start3A_441 = arith.constant 0 : i32
      %dma_start3A_442 = tpu.memref_slice %arg8[%dma_start3A_440, %dma_start3A_441] : memref<8x128xi32, #tpu.memory_space<vmem>> -> memref<1x128xi32, #tpu.memory_space<vmem>>
      %dma_start3A_443 = tpu.memref_squeeze %dma_start3A_442 : memref<1x128xi32, #tpu.memory_space<vmem>> -> memref<128xi32, #tpu.memory_space<vmem>>
      %dma_start3A_444 = arith.constant 0 : i32
      %dma_start3A_445 = arith.constant 0 : i32
      %dma_start3A_446 = tpu.memref_slice %arg2[%dma_start3A_444, %dma_start3A_445] : memref<10240x128xf32, #tpu.memory_space<hbm>> -> memref<10240x128xf32, #tpu.memory_space<hbm>>
      tpu.enqueue_indirect_dma source(%dma_start3A_446 : memref<10240x128xf32, #tpu.memory_space<hbm>>) target(%arg11 : memref<128x128xf32, #tpu.memory_space<vmem>>) offsets(%dma_start3A_443 : memref<128xi32, #tpu.memory_space<vmem>>) semaphore(%arg14 : memref<!tpu.dma_semaphore, #tpu.memory_space<semaphore_mem>>)
      %dma_wait3A_447 = arith.constant 0 : i32
      %dma_wait3A_448 = arith.constant 0 : i32
      %dma_wait3A_449 = tpu.memref_slice %arg8[%dma_wait3A_447, %dma_wait3A_448] : memref<8x128xi32, #tpu.memory_space<vmem>> -> memref<1x128xi32, #tpu.memory_space<vmem>>
      %dma_wait3A_450 = tpu.memref_squeeze %dma_wait3A_449 : memref<1x128xi32, #tpu.memory_space<vmem>> -> memref<128xi32, #tpu.memory_space<vmem>>
      %dma_wait3A_451 = arith.constant 0 : i32
      %dma_wait3A_452 = arith.constant 0 : i32
      %dma_wait3A_453 = tpu.memref_slice %arg2[%dma_wait3A_451, %dma_wait3A_452] : memref<10240x128xf32, #tpu.memory_space<hbm>> -> memref<10240x128xf32, #tpu.memory_space<hbm>>
      tpu.wait_indirect_dma semaphore(%arg15 : memref<!tpu.dma_semaphore, #tpu.memory_space<semaphore_mem>>) src(%dma_wait3A_453 : memref<10240x128xf32, #tpu.memory_space<hbm>>) dst(%arg12 : memref<128x128xf32, #tpu.memory_space<vmem>>)
      %dma_start3A_454 = arith.constant 1 : i32
      %dma_start3A_455 = arith.constant 0 : i32
      %dma_start3A_456 = tpu.memref_slice %arg10[%dma_start3A_454, %dma_start3A_455] : memref<8x128xi32, #tpu.memory_space<vmem>> -> memref<1x128xi32, #tpu.memory_space<vmem>>
      %dma_start3A_457 = tpu.memref_squeeze %dma_start3A_456 : memref<1x128xi32, #tpu.memory_space<vmem>> -> memref<128xi32, #tpu.memory_space<vmem>>
      %dma_start3A_458 = arith.constant 0 : i32
      %dma_start3A_459 = arith.constant 0 : i32
      %dma_start3A_460 = tpu.memref_slice %arg13[%dma_start3A_458, %dma_start3A_459] : memref<10240x128xf32, #tpu.memory_space<vmem_shared>> -> memref<10240x128xf32, #tpu.memory_space<vmem_shared>>
      tpu.enqueue_indirect_dma source(%arg12 : memref<128x128xf32, #tpu.memory_space<vmem>>) target(%dma_start3A_460 : memref<10240x128xf32, #tpu.memory_space<vmem_shared>>) offsets(%dma_start3A_457 : memref<128xi32, #tpu.memory_space<vmem>>) semaphore(%arg17 : memref<!tpu.dma_semaphore, #tpu.memory_space<semaphore_mem>>) {add = true}
      %dma_wait3A_461 = arith.constant 1 : i32
      %dma_wait3A_462 = arith.constant 0 : i32
      %dma_wait3A_463 = tpu.memref_slice %arg10[%dma_wait3A_461, %dma_wait3A_462] : memref<8x128xi32, #tpu.memory_space<vmem>> -> memref<1x128xi32, #tpu.memory_space<vmem>>
      %dma_wait3A_464 = tpu.memref_squeeze %dma_wait3A_463 : memref<1x128xi32, #tpu.memory_space<vmem>> -> memref<128xi32, #tpu.memory_space<vmem>>
      %dma_wait3A_465 = arith.constant 0 : i32
      %dma_wait3A_466 = arith.constant 0 : i32
      %dma_wait3A_467 = tpu.memref_slice %arg13[%dma_wait3A_465, %dma_wait3A_466] : memref<10240x128xf32, #tpu.memory_space<vmem_shared>> -> memref<10240x128xf32, #tpu.memory_space<vmem_shared>>
      tpu.wait_indirect_dma semaphore(%arg17 : memref<!tpu.dma_semaphore, #tpu.memory_space<semaphore_mem>>) src(%arg12 : memref<128x128xf32, #tpu.memory_space<vmem>>) dst(%dma_wait3A_467 : memref<10240x128xf32, #tpu.memory_space<vmem_shared>>)
      %dma_start3A_468 = arith.constant 3 : i32
      %dma_start3A_469 = arith.constant 0 : i32
      %dma_start3A_470 = tpu.memref_slice %arg8[%dma_start3A_468, %dma_start3A_469] : memref<8x128xi32, #tpu.memory_space<vmem>> -> memref<1x128xi32, #tpu.memory_space<vmem>>
      %dma_start3A_471 = tpu.memref_squeeze %dma_start3A_470 : memref<1x128xi32, #tpu.memory_space<vmem>> -> memref<128xi32, #tpu.memory_space<vmem>>
      %dma_start3A_472 = arith.constant 0 : i32
      %dma_start3A_473 = arith.constant 0 : i32
      %dma_start3A_474 = tpu.memref_slice %arg2[%dma_start3A_472, %dma_start3A_473] : memref<10240x128xf32, #tpu.memory_space<hbm>> -> memref<10240x128xf32, #tpu.memory_space<hbm>>
      tpu.enqueue_indirect_dma source(%dma_start3A_474 : memref<10240x128xf32, #tpu.memory_space<hbm>>) target(%arg12 : memref<128x128xf32, #tpu.memory_space<vmem>>) offsets(%dma_start3A_471 : memref<128xi32, #tpu.memory_space<vmem>>) semaphore(%arg15 : memref<!tpu.dma_semaphore, #tpu.memory_space<semaphore_mem>>)
      %dma_wait3A_475 = arith.constant 0 : i32
      %dma_wait3A_476 = arith.constant 0 : i32
      %dma_wait3A_477 = tpu.memref_slice %arg8[%dma_wait3A_475, %dma_wait3A_476] : memref<8x128xi32, #tpu.memory_space<vmem>> -> memref<1x128xi32, #tpu.memory_space<vmem>>
      %dma_wait3A_478 = tpu.memref_squeeze %dma_wait3A_477 : memref<1x128xi32, #tpu.memory_space<vmem>> -> memref<128xi32, #tpu.memory_space<vmem>>
      %dma_wait3A_479 = arith.constant 0 : i32
      %dma_wait3A_480 = arith.constant 0 : i32
      %dma_wait3A_481 = tpu.memref_slice %arg2[%dma_wait3A_479, %dma_wait3A_480] : memref<10240x128xf32, #tpu.memory_space<hbm>> -> memref<10240x128xf32, #tpu.memory_space<hbm>>
      tpu.wait_indirect_dma semaphore(%arg14 : memref<!tpu.dma_semaphore, #tpu.memory_space<semaphore_mem>>) src(%dma_wait3A_481 : memref<10240x128xf32, #tpu.memory_space<hbm>>) dst(%arg11 : memref<128x128xf32, #tpu.memory_space<vmem>>)
      %dma_start3A_482 = arith.constant 2 : i32
      %dma_start3A_483 = arith.constant 0 : i32
      %dma_start3A_484 = tpu.memref_slice %arg10[%dma_start3A_482, %dma_start3A_483] : memref<8x128xi32, #tpu.memory_space<vmem>> -> memref<1x128xi32, #tpu.memory_space<vmem>>
      %dma_start3A_485 = tpu.memref_squeeze %dma_start3A_484 : memref<1x128xi32, #tpu.memory_space<vmem>> -> memref<128xi32, #tpu.memory_space<vmem>>
      %dma_start3A_486 = arith.constant 0 : i32
      %dma_start3A_487 = arith.constant 0 : i32
      %dma_start3A_488 = tpu.memref_slice %arg13[%dma_start3A_486, %dma_start3A_487] : memref<10240x128xf32, #tpu.memory_space<vmem_shared>> -> memref<10240x128xf32, #tpu.memory_space<vmem_shared>>
      tpu.enqueue_indirect_dma source(%arg11 : memref<128x128xf32, #tpu.memory_space<vmem>>) target(%dma_start3A_488 : memref<10240x128xf32, #tpu.memory_space<vmem_shared>>) offsets(%dma_start3A_485 : memref<128xi32, #tpu.memory_space<vmem>>) semaphore(%arg16 : memref<!tpu.dma_semaphore, #tpu.memory_space<semaphore_mem>>) {add = true}
      %dma_wait3A_489 = arith.constant 2 : i32
      %dma_wait3A_490 = arith.constant 0 : i32
      %dma_wait3A_491 = tpu.memref_slice %arg10[%dma_wait3A_489, %dma_wait3A_490] : memref<8x128xi32, #tpu.memory_space<vmem>> -> memref<1x128xi32, #tpu.memory_space<vmem>>
      %dma_wait3A_492 = tpu.memref_squeeze %dma_wait3A_491 : memref<1x128xi32, #tpu.memory_space<vmem>> -> memref<128xi32, #tpu.memory_space<vmem>>
      %dma_wait3A_493 = arith.constant 0 : i32
      %dma_wait3A_494 = arith.constant 0 : i32
      %dma_wait3A_495 = tpu.memref_slice %arg13[%dma_wait3A_493, %dma_wait3A_494] : memref<10240x128xf32, #tpu.memory_space<vmem_shared>> -> memref<10240x128xf32, #tpu.memory_space<vmem_shared>>
      tpu.wait_indirect_dma semaphore(%arg16 : memref<!tpu.dma_semaphore, #tpu.memory_space<semaphore_mem>>) src(%arg11 : memref<128x128xf32, #tpu.memory_space<vmem>>) dst(%dma_wait3A_495 : memref<10240x128xf32, #tpu.memory_space<vmem_shared>>)
      %dma_start3A_496 = arith.constant 4 : i32
      %dma_start3A_497 = arith.constant 0 : i32
      %dma_start3A_498 = tpu.memref_slice %arg8[%dma_start3A_496, %dma_start3A_497] : memref<8x128xi32, #tpu.memory_space<vmem>> -> memref<1x128xi32, #tpu.memory_space<vmem>>
      %dma_start3A_499 = tpu.memref_squeeze %dma_start3A_498 : memref<1x128xi32, #tpu.memory_space<vmem>> -> memref<128xi32, #tpu.memory_space<vmem>>
      %dma_start3A_500 = arith.constant 0 : i32
      %dma_start3A_501 = arith.constant 0 : i32
      %dma_start3A_502 = tpu.memref_slice %arg2[%dma_start3A_500, %dma_start3A_501] : memref<10240x128xf32, #tpu.memory_space<hbm>> -> memref<10240x128xf32, #tpu.memory_space<hbm>>
      tpu.enqueue_indirect_dma source(%dma_start3A_502 : memref<10240x128xf32, #tpu.memory_space<hbm>>) target(%arg11 : memref<128x128xf32, #tpu.memory_space<vmem>>) offsets(%dma_start3A_499 : memref<128xi32, #tpu.memory_space<vmem>>) semaphore(%arg14 : memref<!tpu.dma_semaphore, #tpu.memory_space<semaphore_mem>>)
      %dma_wait3A_503 = arith.constant 0 : i32
      %dma_wait3A_504 = arith.constant 0 : i32
      %dma_wait3A_505 = tpu.memref_slice %arg8[%dma_wait3A_503, %dma_wait3A_504] : memref<8x128xi32, #tpu.memory_space<vmem>> -> memref<1x128xi32, #tpu.memory_space<vmem>>
      %dma_wait3A_506 = tpu.memref_squeeze %dma_wait3A_505 : memref<1x128xi32, #tpu.memory_space<vmem>> -> memref<128xi32, #tpu.memory_space<vmem>>
      %dma_wait3A_507 = arith.constant 0 : i32
      %dma_wait3A_508 = arith.constant 0 : i32
      %dma_wait3A_509 = tpu.memref_slice %arg2[%dma_wait3A_507, %dma_wait3A_508] : memref<10240x128xf32, #tpu.memory_space<hbm>> -> memref<10240x128xf32, #tpu.memory_space<hbm>>
      tpu.wait_indirect_dma semaphore(%arg15 : memref<!tpu.dma_semaphore, #tpu.memory_space<semaphore_mem>>) src(%dma_wait3A_509 : memref<10240x128xf32, #tpu.memory_space<hbm>>) dst(%arg12 : memref<128x128xf32, #tpu.memory_space<vmem>>)
      %dma_start3A_510 = arith.constant 3 : i32
      %dma_start3A_511 = arith.constant 0 : i32
      %dma_start3A_512 = tpu.memref_slice %arg10[%dma_start3A_510, %dma_start3A_511] : memref<8x128xi32, #tpu.memory_space<vmem>> -> memref<1x128xi32, #tpu.memory_space<vmem>>
      %dma_start3A_513 = tpu.memref_squeeze %dma_start3A_512 : memref<1x128xi32, #tpu.memory_space<vmem>> -> memref<128xi32, #tpu.memory_space<vmem>>
      %dma_start3A_514 = arith.constant 0 : i32
      %dma_start3A_515 = arith.constant 0 : i32
      %dma_start3A_516 = tpu.memref_slice %arg13[%dma_start3A_514, %dma_start3A_515] : memref<10240x128xf32, #tpu.memory_space<vmem_shared>> -> memref<10240x128xf32, #tpu.memory_space<vmem_shared>>
      tpu.enqueue_indirect_dma source(%arg12 : memref<128x128xf32, #tpu.memory_space<vmem>>) target(%dma_start3A_516 : memref<10240x128xf32, #tpu.memory_space<vmem_shared>>) offsets(%dma_start3A_513 : memref<128xi32, #tpu.memory_space<vmem>>) semaphore(%arg17 : memref<!tpu.dma_semaphore, #tpu.memory_space<semaphore_mem>>) {add = true}
      %dma_wait3A_517 = arith.constant 3 : i32
      %dma_wait3A_518 = arith.constant 0 : i32
      %dma_wait3A_519 = tpu.memref_slice %arg10[%dma_wait3A_517, %dma_wait3A_518] : memref<8x128xi32, #tpu.memory_space<vmem>> -> memref<1x128xi32, #tpu.memory_space<vmem>>
      %dma_wait3A_520 = tpu.memref_squeeze %dma_wait3A_519 : memref<1x128xi32, #tpu.memory_space<vmem>> -> memref<128xi32, #tpu.memory_space<vmem>>
      %dma_wait3A_521 = arith.constant 0 : i32
      %dma_wait3A_522 = arith.constant 0 : i32
      %dma_wait3A_523 = tpu.memref_slice %arg13[%dma_wait3A_521, %dma_wait3A_522] : memref<10240x128xf32, #tpu.memory_space<vmem_shared>> -> memref<10240x128xf32, #tpu.memory_space<vmem_shared>>
      tpu.wait_indirect_dma semaphore(%arg17 : memref<!tpu.dma_semaphore, #tpu.memory_space<semaphore_mem>>) src(%arg12 : memref<128x128xf32, #tpu.memory_space<vmem>>) dst(%dma_wait3A_523 : memref<10240x128xf32, #tpu.memory_space<vmem_shared>>)
      %dma_start3A_524 = arith.constant 5 : i32
      %dma_start3A_525 = arith.constant 0 : i32
      %dma_start3A_526 = tpu.memref_slice %arg8[%dma_start3A_524, %dma_start3A_525] : memref<8x128xi32, #tpu.memory_space<vmem>> -> memref<1x128xi32, #tpu.memory_space<vmem>>
      %dma_start3A_527 = tpu.memref_squeeze %dma_start3A_526 : memref<1x128xi32, #tpu.memory_space<vmem>> -> memref<128xi32, #tpu.memory_space<vmem>>
      %dma_start3A_528 = arith.constant 0 : i32
      %dma_start3A_529 = arith.constant 0 : i32
      %dma_start3A_530 = tpu.memref_slice %arg2[%dma_start3A_528, %dma_start3A_529] : memref<10240x128xf32, #tpu.memory_space<hbm>> -> memref<10240x128xf32, #tpu.memory_space<hbm>>
      tpu.enqueue_indirect_dma source(%dma_start3A_530 : memref<10240x128xf32, #tpu.memory_space<hbm>>) target(%arg12 : memref<128x128xf32, #tpu.memory_space<vmem>>) offsets(%dma_start3A_527 : memref<128xi32, #tpu.memory_space<vmem>>) semaphore(%arg15 : memref<!tpu.dma_semaphore, #tpu.memory_space<semaphore_mem>>)
      %dma_wait3A_531 = arith.constant 0 : i32
      %dma_wait3A_532 = arith.constant 0 : i32
      %dma_wait3A_533 = tpu.memref_slice %arg8[%dma_wait3A_531, %dma_wait3A_532] : memref<8x128xi32, #tpu.memory_space<vmem>> -> memref<1x128xi32, #tpu.memory_space<vmem>>
      %dma_wait3A_534 = tpu.memref_squeeze %dma_wait3A_533 : memref<1x128xi32, #tpu.memory_space<vmem>> -> memref<128xi32, #tpu.memory_space<vmem>>
      %dma_wait3A_535 = arith.constant 0 : i32
      %dma_wait3A_536 = arith.constant 0 : i32
      %dma_wait3A_537 = tpu.memref_slice %arg2[%dma_wait3A_535, %dma_wait3A_536] : memref<10240x128xf32, #tpu.memory_space<hbm>> -> memref<10240x128xf32, #tpu.memory_space<hbm>>
      tpu.wait_indirect_dma semaphore(%arg14 : memref<!tpu.dma_semaphore, #tpu.memory_space<semaphore_mem>>) src(%dma_wait3A_537 : memref<10240x128xf32, #tpu.memory_space<hbm>>) dst(%arg11 : memref<128x128xf32, #tpu.memory_space<vmem>>)
      %dma_start3A_538 = arith.constant 4 : i32
      %dma_start3A_539 = arith.constant 0 : i32
      %dma_start3A_540 = tpu.memref_slice %arg10[%dma_start3A_538, %dma_start3A_539] : memref<8x128xi32, #tpu.memory_space<vmem>> -> memref<1x128xi32, #tpu.memory_space<vmem>>
      %dma_start3A_541 = tpu.memref_squeeze %dma_start3A_540 : memref<1x128xi32, #tpu.memory_space<vmem>> -> memref<128xi32, #tpu.memory_space<vmem>>
      %dma_start3A_542 = arith.constant 0 : i32
      %dma_start3A_543 = arith.constant 0 : i32
      %dma_start3A_544 = tpu.memref_slice %arg13[%dma_start3A_542, %dma_start3A_543] : memref<10240x128xf32, #tpu.memory_space<vmem_shared>> -> memref<10240x128xf32, #tpu.memory_space<vmem_shared>>
      tpu.enqueue_indirect_dma source(%arg11 : memref<128x128xf32, #tpu.memory_space<vmem>>) target(%dma_start3A_544 : memref<10240x128xf32, #tpu.memory_space<vmem_shared>>) offsets(%dma_start3A_541 : memref<128xi32, #tpu.memory_space<vmem>>) semaphore(%arg16 : memref<!tpu.dma_semaphore, #tpu.memory_space<semaphore_mem>>) {add = true}
      %dma_wait3A_545 = arith.constant 4 : i32
      %dma_wait3A_546 = arith.constant 0 : i32
      %dma_wait3A_547 = tpu.memref_slice %arg10[%dma_wait3A_545, %dma_wait3A_546] : memref<8x128xi32, #tpu.memory_space<vmem>> -> memref<1x128xi32, #tpu.memory_space<vmem>>
      %dma_wait3A_548 = tpu.memref_squeeze %dma_wait3A_547 : memref<1x128xi32, #tpu.memory_space<vmem>> -> memref<128xi32, #tpu.memory_space<vmem>>
      %dma_wait3A_549 = arith.constant 0 : i32
      %dma_wait3A_550 = arith.constant 0 : i32
      %dma_wait3A_551 = tpu.memref_slice %arg13[%dma_wait3A_549, %dma_wait3A_550] : memref<10240x128xf32, #tpu.memory_space<vmem_shared>> -> memref<10240x128xf32, #tpu.memory_space<vmem_shared>>
      tpu.wait_indirect_dma semaphore(%arg16 : memref<!tpu.dma_semaphore, #tpu.memory_space<semaphore_mem>>) src(%arg11 : memref<128x128xf32, #tpu.memory_space<vmem>>) dst(%dma_wait3A_551 : memref<10240x128xf32, #tpu.memory_space<vmem_shared>>)
      %dma_start3A_552 = arith.constant 6 : i32
      %dma_start3A_553 = arith.constant 0 : i32
      %dma_start3A_554 = tpu.memref_slice %arg8[%dma_start3A_552, %dma_start3A_553] : memref<8x128xi32, #tpu.memory_space<vmem>> -> memref<1x128xi32, #tpu.memory_space<vmem>>
      %dma_start3A_555 = tpu.memref_squeeze %dma_start3A_554 : memref<1x128xi32, #tpu.memory_space<vmem>> -> memref<128xi32, #tpu.memory_space<vmem>>
      %dma_start3A_556 = arith.constant 0 : i32
      %dma_start3A_557 = arith.constant 0 : i32
      %dma_start3A_558 = tpu.memref_slice %arg2[%dma_start3A_556, %dma_start3A_557] : memref<10240x128xf32, #tpu.memory_space<hbm>> -> memref<10240x128xf32, #tpu.memory_space<hbm>>
      tpu.enqueue_indirect_dma source(%dma_start3A_558 : memref<10240x128xf32, #tpu.memory_space<hbm>>) target(%arg11 : memref<128x128xf32, #tpu.memory_space<vmem>>) offsets(%dma_start3A_555 : memref<128xi32, #tpu.memory_space<vmem>>) semaphore(%arg14 : memref<!tpu.dma_semaphore, #tpu.memory_space<semaphore_mem>>)
      %dma_wait3A_559 = arith.constant 0 : i32
      %dma_wait3A_560 = arith.constant 0 : i32
      %dma_wait3A_561 = tpu.memref_slice %arg8[%dma_wait3A_559, %dma_wait3A_560] : memref<8x128xi32, #tpu.memory_space<vmem>> -> memref<1x128xi32, #tpu.memory_space<vmem>>
      %dma_wait3A_562 = tpu.memref_squeeze %dma_wait3A_561 : memref<1x128xi32, #tpu.memory_space<vmem>> -> memref<128xi32, #tpu.memory_space<vmem>>
      %dma_wait3A_563 = arith.constant 0 : i32
      %dma_wait3A_564 = arith.constant 0 : i32
      %dma_wait3A_565 = tpu.memref_slice %arg2[%dma_wait3A_563, %dma_wait3A_564] : memref<10240x128xf32, #tpu.memory_space<hbm>> -> memref<10240x128xf32, #tpu.memory_space<hbm>>
      tpu.wait_indirect_dma semaphore(%arg15 : memref<!tpu.dma_semaphore, #tpu.memory_space<semaphore_mem>>) src(%dma_wait3A_565 : memref<10240x128xf32, #tpu.memory_space<hbm>>) dst(%arg12 : memref<128x128xf32, #tpu.memory_space<vmem>>)
      %dma_start3A_566 = arith.constant 5 : i32
      %dma_start3A_567 = arith.constant 0 : i32
      %dma_start3A_568 = tpu.memref_slice %arg10[%dma_start3A_566, %dma_start3A_567] : memref<8x128xi32, #tpu.memory_space<vmem>> -> memref<1x128xi32, #tpu.memory_space<vmem>>
      %dma_start3A_569 = tpu.memref_squeeze %dma_start3A_568 : memref<1x128xi32, #tpu.memory_space<vmem>> -> memref<128xi32, #tpu.memory_space<vmem>>
      %dma_start3A_570 = arith.constant 0 : i32
      %dma_start3A_571 = arith.constant 0 : i32
      %dma_start3A_572 = tpu.memref_slice %arg13[%dma_start3A_570, %dma_start3A_571] : memref<10240x128xf32, #tpu.memory_space<vmem_shared>> -> memref<10240x128xf32, #tpu.memory_space<vmem_shared>>
      tpu.enqueue_indirect_dma source(%arg12 : memref<128x128xf32, #tpu.memory_space<vmem>>) target(%dma_start3A_572 : memref<10240x128xf32, #tpu.memory_space<vmem_shared>>) offsets(%dma_start3A_569 : memref<128xi32, #tpu.memory_space<vmem>>) semaphore(%arg17 : memref<!tpu.dma_semaphore, #tpu.memory_space<semaphore_mem>>) {add = true}
      %dma_wait3A_573 = arith.constant 5 : i32
      %dma_wait3A_574 = arith.constant 0 : i32
      %dma_wait3A_575 = tpu.memref_slice %arg10[%dma_wait3A_573, %dma_wait3A_574] : memref<8x128xi32, #tpu.memory_space<vmem>> -> memref<1x128xi32, #tpu.memory_space<vmem>>
      %dma_wait3A_576 = tpu.memref_squeeze %dma_wait3A_575 : memref<1x128xi32, #tpu.memory_space<vmem>> -> memref<128xi32, #tpu.memory_space<vmem>>
      %dma_wait3A_577 = arith.constant 0 : i32
      %dma_wait3A_578 = arith.constant 0 : i32
      %dma_wait3A_579 = tpu.memref_slice %arg13[%dma_wait3A_577, %dma_wait3A_578] : memref<10240x128xf32, #tpu.memory_space<vmem_shared>> -> memref<10240x128xf32, #tpu.memory_space<vmem_shared>>
      tpu.wait_indirect_dma semaphore(%arg17 : memref<!tpu.dma_semaphore, #tpu.memory_space<semaphore_mem>>) src(%arg12 : memref<128x128xf32, #tpu.memory_space<vmem>>) dst(%dma_wait3A_579 : memref<10240x128xf32, #tpu.memory_space<vmem_shared>>)
      %dma_start3A_580 = arith.constant 7 : i32
      %dma_start3A_581 = arith.constant 0 : i32
      %dma_start3A_582 = tpu.memref_slice %arg8[%dma_start3A_580, %dma_start3A_581] : memref<8x128xi32, #tpu.memory_space<vmem>> -> memref<1x128xi32, #tpu.memory_space<vmem>>
      %dma_start3A_583 = tpu.memref_squeeze %dma_start3A_582 : memref<1x128xi32, #tpu.memory_space<vmem>> -> memref<128xi32, #tpu.memory_space<vmem>>
      %dma_start3A_584 = arith.constant 0 : i32
      %dma_start3A_585 = arith.constant 0 : i32
      %dma_start3A_586 = tpu.memref_slice %arg2[%dma_start3A_584, %dma_start3A_585] : memref<10240x128xf32, #tpu.memory_space<hbm>> -> memref<10240x128xf32, #tpu.memory_space<hbm>>
      tpu.enqueue_indirect_dma source(%dma_start3A_586 : memref<10240x128xf32, #tpu.memory_space<hbm>>) target(%arg12 : memref<128x128xf32, #tpu.memory_space<vmem>>) offsets(%dma_start3A_583 : memref<128xi32, #tpu.memory_space<vmem>>) semaphore(%arg15 : memref<!tpu.dma_semaphore, #tpu.memory_space<semaphore_mem>>)
      %dma_wait3A_587 = arith.constant 0 : i32
      %dma_wait3A_588 = arith.constant 0 : i32
      %dma_wait3A_589 = tpu.memref_slice %arg8[%dma_wait3A_587, %dma_wait3A_588] : memref<8x128xi32, #tpu.memory_space<vmem>> -> memref<1x128xi32, #tpu.memory_space<vmem>>
      %dma_wait3A_590 = tpu.memref_squeeze %dma_wait3A_589 : memref<1x128xi32, #tpu.memory_space<vmem>> -> memref<128xi32, #tpu.memory_space<vmem>>
      %dma_wait3A_591 = arith.constant 0 : i32
      %dma_wait3A_592 = arith.constant 0 : i32
      %dma_wait3A_593 = tpu.memref_slice %arg2[%dma_wait3A_591, %dma_wait3A_592] : memref<10240x128xf32, #tpu.memory_space<hbm>> -> memref<10240x128xf32, #tpu.memory_space<hbm>>
      tpu.wait_indirect_dma semaphore(%arg14 : memref<!tpu.dma_semaphore, #tpu.memory_space<semaphore_mem>>) src(%dma_wait3A_593 : memref<10240x128xf32, #tpu.memory_space<hbm>>) dst(%arg11 : memref<128x128xf32, #tpu.memory_space<vmem>>)
      %dma_start3A_594 = arith.constant 6 : i32
      %dma_start3A_595 = arith.constant 0 : i32
      %dma_start3A_596 = tpu.memref_slice %arg10[%dma_start3A_594, %dma_start3A_595] : memref<8x128xi32, #tpu.memory_space<vmem>> -> memref<1x128xi32, #tpu.memory_space<vmem>>
      %dma_start3A_597 = tpu.memref_squeeze %dma_start3A_596 : memref<1x128xi32, #tpu.memory_space<vmem>> -> memref<128xi32, #tpu.memory_space<vmem>>
      %dma_start3A_598 = arith.constant 0 : i32
      %dma_start3A_599 = arith.constant 0 : i32
      %dma_start3A_600 = tpu.memref_slice %arg13[%dma_start3A_598, %dma_start3A_599] : memref<10240x128xf32, #tpu.memory_space<vmem_shared>> -> memref<10240x128xf32, #tpu.memory_space<vmem_shared>>
      tpu.enqueue_indirect_dma source(%arg11 : memref<128x128xf32, #tpu.memory_space<vmem>>) target(%dma_start3A_600 : memref<10240x128xf32, #tpu.memory_space<vmem_shared>>) offsets(%dma_start3A_597 : memref<128xi32, #tpu.memory_space<vmem>>) semaphore(%arg16 : memref<!tpu.dma_semaphore, #tpu.memory_space<semaphore_mem>>) {add = true}
      %dma_wait3A_601 = arith.constant 6 : i32
      %dma_wait3A_602 = arith.constant 0 : i32
      %dma_wait3A_603 = tpu.memref_slice %arg10[%dma_wait3A_601, %dma_wait3A_602] : memref<8x128xi32, #tpu.memory_space<vmem>> -> memref<1x128xi32, #tpu.memory_space<vmem>>
      %dma_wait3A_604 = tpu.memref_squeeze %dma_wait3A_603 : memref<1x128xi32, #tpu.memory_space<vmem>> -> memref<128xi32, #tpu.memory_space<vmem>>
      %dma_wait3A_605 = arith.constant 0 : i32
      %dma_wait3A_606 = arith.constant 0 : i32
      %dma_wait3A_607 = tpu.memref_slice %arg13[%dma_wait3A_605, %dma_wait3A_606] : memref<10240x128xf32, #tpu.memory_space<vmem_shared>> -> memref<10240x128xf32, #tpu.memory_space<vmem_shared>>
      tpu.wait_indirect_dma semaphore(%arg16 : memref<!tpu.dma_semaphore, #tpu.memory_space<semaphore_mem>>) src(%arg11 : memref<128x128xf32, #tpu.memory_space<vmem>>) dst(%dma_wait3A_607 : memref<10240x128xf32, #tpu.memory_space<vmem_shared>>)
      %sub3A_608 = arith.constant 1 : i32
      %sub3A_609 = arith.subi %select_n3A_19, %sub3A_608 : i32
      %lt3A_610 = arith.cmpi slt, %add3A_414, %sub3A_609 : i32
      %convert_element_type3A_611 = arith.extui %lt3A_610 : i1 to i32
      %cond3A_612 = arith.constant 0 : i32
      %cond3A_613 = arith.cmpi ne, %convert_element_type3A_611, %cond3A_612 : i32
      scf.if %cond3A_613 {
        %dma_wait3A_655 = arith.constant 0 : i32
        %dma_wait3A_656 = tpu.memref_slice %arg3[%select_n3A_26, %dma_wait3A_655] : memref<2560x128xi32, #tpu.memory_space<hbm>> -> memref<8x128xi32, #tpu.memory_space<hbm>>
        %dma_wait3A_657 = arith.constant 0 : i32
        %dma_wait3A_658 = tpu.memref_slice %arg3[%select_n3A_26, %dma_wait3A_657] : memref<2560x128xi32, #tpu.memory_space<hbm>> -> memref<8x128xi32, #tpu.memory_space<hbm>>
        tpu.wait_dma2 semaphore(%arg20 : memref<!tpu.dma_semaphore, #tpu.memory_space<semaphore_mem>>) src(%dma_wait3A_658 : memref<8x128xi32, #tpu.memory_space<hbm>>) dst(%arg7 : memref<8x128xi32, #tpu.memory_space<vmem>>)
      } else {
      }
      %dma_start3A_614 = arith.constant 0 : i32
      %dma_start3A_615 = arith.constant 0 : i32
      %dma_start3A_616 = tpu.memref_slice %arg7[%dma_start3A_614, %dma_start3A_615] : memref<8x128xi32, #tpu.memory_space<vmem>> -> memref<1x128xi32, #tpu.memory_space<vmem>>
      %dma_start3A_617 = tpu.memref_squeeze %dma_start3A_616 : memref<1x128xi32, #tpu.memory_space<vmem>> -> memref<128xi32, #tpu.memory_space<vmem>>
      %dma_start3A_618 = arith.constant 0 : i32
      %dma_start3A_619 = arith.constant 0 : i32
      %dma_start3A_620 = tpu.memref_slice %arg2[%dma_start3A_618, %dma_start3A_619] : memref<10240x128xf32, #tpu.memory_space<hbm>> -> memref<10240x128xf32, #tpu.memory_space<hbm>>
      tpu.enqueue_indirect_dma source(%dma_start3A_620 : memref<10240x128xf32, #tpu.memory_space<hbm>>) target(%arg11 : memref<128x128xf32, #tpu.memory_space<vmem>>) offsets(%dma_start3A_617 : memref<128xi32, #tpu.memory_space<vmem>>) semaphore(%arg14 : memref<!tpu.dma_semaphore, #tpu.memory_space<semaphore_mem>>)
      %dma_wait3A_621 = arith.constant 0 : i32
      %dma_wait3A_622 = arith.constant 0 : i32
      %dma_wait3A_623 = tpu.memref_slice %arg8[%dma_wait3A_621, %dma_wait3A_622] : memref<8x128xi32, #tpu.memory_space<vmem>> -> memref<1x128xi32, #tpu.memory_space<vmem>>
      %dma_wait3A_624 = tpu.memref_squeeze %dma_wait3A_623 : memref<1x128xi32, #tpu.memory_space<vmem>> -> memref<128xi32, #tpu.memory_space<vmem>>
      %dma_wait3A_625 = arith.constant 0 : i32
      %dma_wait3A_626 = arith.constant 0 : i32
      %dma_wait3A_627 = tpu.memref_slice %arg2[%dma_wait3A_625, %dma_wait3A_626] : memref<10240x128xf32, #tpu.memory_space<hbm>> -> memref<10240x128xf32, #tpu.memory_space<hbm>>
      tpu.wait_indirect_dma semaphore(%arg15 : memref<!tpu.dma_semaphore, #tpu.memory_space<semaphore_mem>>) src(%dma_wait3A_627 : memref<10240x128xf32, #tpu.memory_space<hbm>>) dst(%arg12 : memref<128x128xf32, #tpu.memory_space<vmem>>)
      %dma_start3A_628 = arith.constant 7 : i32
      %dma_start3A_629 = arith.constant 0 : i32
      %dma_start3A_630 = tpu.memref_slice %arg10[%dma_start3A_628, %dma_start3A_629] : memref<8x128xi32, #tpu.memory_space<vmem>> -> memref<1x128xi32, #tpu.memory_space<vmem>>
      %dma_start3A_631 = tpu.memref_squeeze %dma_start3A_630 : memref<1x128xi32, #tpu.memory_space<vmem>> -> memref<128xi32, #tpu.memory_space<vmem>>
      %dma_start3A_632 = arith.constant 0 : i32
      %dma_start3A_633 = arith.constant 0 : i32
      %dma_start3A_634 = tpu.memref_slice %arg13[%dma_start3A_632, %dma_start3A_633] : memref<10240x128xf32, #tpu.memory_space<vmem_shared>> -> memref<10240x128xf32, #tpu.memory_space<vmem_shared>>
      tpu.enqueue_indirect_dma source(%arg12 : memref<128x128xf32, #tpu.memory_space<vmem>>) target(%dma_start3A_634 : memref<10240x128xf32, #tpu.memory_space<vmem_shared>>) offsets(%dma_start3A_631 : memref<128xi32, #tpu.memory_space<vmem>>) semaphore(%arg17 : memref<!tpu.dma_semaphore, #tpu.memory_space<semaphore_mem>>) {add = true}
      %dma_wait3A_635 = arith.constant 7 : i32
      %dma_wait3A_636 = arith.constant 0 : i32
      %dma_wait3A_637 = tpu.memref_slice %arg10[%dma_wait3A_635, %dma_wait3A_636] : memref<8x128xi32, #tpu.memory_space<vmem>> -> memref<1x128xi32, #tpu.memory_space<vmem>>
      %dma_wait3A_638 = tpu.memref_squeeze %dma_wait3A_637 : memref<1x128xi32, #tpu.memory_space<vmem>> -> memref<128xi32, #tpu.memory_space<vmem>>
      %dma_wait3A_639 = arith.constant 0 : i32
      %dma_wait3A_640 = arith.constant 0 : i32
      %dma_wait3A_641 = tpu.memref_slice %arg13[%dma_wait3A_639, %dma_wait3A_640] : memref<10240x128xf32, #tpu.memory_space<vmem_shared>> -> memref<10240x128xf32, #tpu.memory_space<vmem_shared>>
      tpu.wait_indirect_dma semaphore(%arg17 : memref<!tpu.dma_semaphore, #tpu.memory_space<semaphore_mem>>) src(%arg12 : memref<128x128xf32, #tpu.memory_space<vmem>>) dst(%dma_wait3A_641 : memref<10240x128xf32, #tpu.memory_space<vmem_shared>>)
      %dma_start3A_642 = arith.constant 1 : i32
      %dma_start3A_643 = arith.constant 0 : i32
      %dma_start3A_644 = tpu.memref_slice %arg7[%dma_start3A_642, %dma_start3A_643] : memref<8x128xi32, #tpu.memory_space<vmem>> -> memref<1x128xi32, #tpu.memory_space<vmem>>
      %dma_start3A_645 = tpu.memref_squeeze %dma_start3A_644 : memref<1x128xi32, #tpu.memory_space<vmem>> -> memref<128xi32, #tpu.memory_space<vmem>>
      %dma_start3A_646 = arith.constant 0 : i32
      %dma_start3A_647 = arith.constant 0 : i32
      %dma_start3A_648 = tpu.memref_slice %arg2[%dma_start3A_646, %dma_start3A_647] : memref<10240x128xf32, #tpu.memory_space<hbm>> -> memref<10240x128xf32, #tpu.memory_space<hbm>>
      tpu.enqueue_indirect_dma source(%dma_start3A_648 : memref<10240x128xf32, #tpu.memory_space<hbm>>) target(%arg12 : memref<128x128xf32, #tpu.memory_space<vmem>>) offsets(%dma_start3A_645 : memref<128xi32, #tpu.memory_space<vmem>>) semaphore(%arg15 : memref<!tpu.dma_semaphore, #tpu.memory_space<semaphore_mem>>)
      %add3A_649 = arith.constant 2 : i32
      %add3A_650 = arith.addi %add3A_414, %add3A_649 : i32
      %lt3A_651 = arith.cmpi slt, %add3A_650, %select_n3A_19 : i32
      %convert_element_type3A_652 = arith.extui %lt3A_651 : i1 to i32
      %cond3A_653 = arith.constant 0 : i32
      %cond3A_654 = arith.cmpi ne, %convert_element_type3A_652, %cond3A_653 : i32
      scf.if %cond3A_654 {
        %add3A_655 = arith.constant 2 : i32
        %add3A_656 = arith.addi %add3A_414, %add3A_655 : i32
        %mul3A_657 = arith.constant 8 : i32
        %mul3A_658 = arith.muli %add3A_656, %mul3A_657 : i32
        %add3A_659 = arith.addi %select_n3A_26, %mul3A_658 : i32
        %dma_start3A_660 = arith.constant 0 : i32
        %dma_start3A_661 = tpu.memref_slice %arg3[%add3A_659, %dma_start3A_660] : memref<2560x128xi32, #tpu.memory_space<hbm>> -> memref<8x128xi32, #tpu.memory_space<hbm>>
        %dma_start3A_662 = arith.constant 0 : i32
        %dma_start3A_663 = tpu.memref_slice %arg3[%add3A_659, %dma_start3A_662] : memref<2560x128xi32, #tpu.memory_space<hbm>> -> memref<8x128xi32, #tpu.memory_space<hbm>>
        tpu.enqueue_dma source(%dma_start3A_663 : memref<8x128xi32, #tpu.memory_space<hbm>>) target(%arg8 : memref<8x128xi32, #tpu.memory_space<vmem>>) target_semaphore(%arg21 : memref<!tpu.dma_semaphore, #tpu.memory_space<semaphore_mem>>)
        %add3A_664 = arith.constant 2 : i32
        %add3A_665 = arith.addi %add3A_414, %add3A_664 : i32
        %mul3A_666 = arith.constant 8 : i32
        %mul3A_667 = arith.muli %add3A_665, %mul3A_666 : i32
        %add3A_668 = arith.addi %select_n3A_26, %mul3A_667 : i32
        %dma_start3A_669 = arith.constant 0 : i32
        %dma_start3A_670 = tpu.memref_slice %arg4[%add3A_668, %dma_start3A_669] : memref<2560x128xi32, #tpu.memory_space<hbm>> -> memref<8x128xi32, #tpu.memory_space<hbm>>
        %dma_start3A_671 = arith.constant 0 : i32
        %dma_start3A_672 = tpu.memref_slice %arg4[%add3A_668, %dma_start3A_671] : memref<2560x128xi32, #tpu.memory_space<hbm>> -> memref<8x128xi32, #tpu.memory_space<hbm>>
        tpu.enqueue_dma source(%dma_start3A_672 : memref<8x128xi32, #tpu.memory_space<hbm>>) target(%arg10 : memref<8x128xi32, #tpu.memory_space<vmem>>) target_semaphore(%arg19 : memref<!tpu.dma_semaphore, #tpu.memory_space<semaphore_mem>>)
      } else {
      }
    }
    %dma_wait3A_116 = arith.constant 0 : i32
    %dma_wait3A_117 = arith.constant 0 : i32
    %dma_wait3A_118 = tpu.memref_slice %arg7[%dma_wait3A_116, %dma_wait3A_117] : memref<8x128xi32, #tpu.memory_space<vmem>> -> memref<1x128xi32, #tpu.memory_space<vmem>>
    %dma_wait3A_119 = tpu.memref_squeeze %dma_wait3A_118 : memref<1x128xi32, #tpu.memory_space<vmem>> -> memref<128xi32, #tpu.memory_space<vmem>>
    %dma_wait3A_120 = arith.constant 0 : i32
    %dma_wait3A_121 = arith.constant 0 : i32
    %dma_wait3A_122 = tpu.memref_slice %arg2[%dma_wait3A_120, %dma_wait3A_121] : memref<10240x128xf32, #tpu.memory_space<hbm>> -> memref<10240x128xf32, #tpu.memory_space<hbm>>
    tpu.wait_indirect_dma semaphore(%arg14 : memref<!tpu.dma_semaphore, #tpu.memory_space<semaphore_mem>>) src(%dma_wait3A_122 : memref<10240x128xf32, #tpu.memory_space<hbm>>) dst(%arg11 : memref<128x128xf32, #tpu.memory_space<vmem>>)
    %dma_wait3A_123 = arith.constant 0 : i32
    %dma_wait3A_124 = arith.constant 0 : i32
    %dma_wait3A_125 = tpu.memref_slice %arg7[%dma_wait3A_123, %dma_wait3A_124] : memref<8x128xi32, #tpu.memory_space<vmem>> -> memref<1x128xi32, #tpu.memory_space<vmem>>
    %dma_wait3A_126 = tpu.memref_squeeze %dma_wait3A_125 : memref<1x128xi32, #tpu.memory_space<vmem>> -> memref<128xi32, #tpu.memory_space<vmem>>
    %dma_wait3A_127 = arith.constant 0 : i32
    %dma_wait3A_128 = arith.constant 0 : i32
    %dma_wait3A_129 = tpu.memref_slice %arg2[%dma_wait3A_127, %dma_wait3A_128] : memref<10240x128xf32, #tpu.memory_space<hbm>> -> memref<10240x128xf32, #tpu.memory_space<hbm>>
    tpu.wait_indirect_dma semaphore(%arg15 : memref<!tpu.dma_semaphore, #tpu.memory_space<semaphore_mem>>) src(%dma_wait3A_129 : memref<10240x128xf32, #tpu.memory_space<hbm>>) dst(%arg12 : memref<128x128xf32, #tpu.memory_space<vmem>>)
    %barrier3A_130 = arith.constant 0 : index
    tpu.barrier barrier_id(%barrier3A_130)
    %mul3A_131 = arith.constant 640 : i32
    %mul3A_132 = arith.muli %arg1, %mul3A_131 : i32
    %add3A_133 = arith.constant 0 : i32
    %add3A_134 = arith.addi %mul3A_132, %add3A_133 : i32
    %mul3A_135 = arith.constant 640 : i32
    %mul3A_136 = arith.muli %arg1, %mul3A_135 : i32
    %add3A_137 = arith.constant 0 : i32
    %add3A_138 = arith.addi %mul3A_136, %add3A_137 : i32
    "tpu.region"() ({
      %run_scoped3A = tpu.sem_alloc : memref<!tpu.dma_semaphore, #tpu.memory_space<semaphore_mem>>
      %dma_start3A_171 = arith.constant 0 : i32
      %dma_start3A_172 = tpu.memref_slice %arg6[%arg0, %add3A_138, %dma_start3A_171] : memref<2x10240x128xf32, #tpu.memory_space<hbm>> -> memref<1x128x128xf32, #tpu.memory_space<hbm>>
      %dma_start3A_173 = tpu.memref_squeeze %dma_start3A_172 : memref<1x128x128xf32, #tpu.memory_space<hbm>> -> memref<128x128xf32, #tpu.memory_space<hbm>>
      %dma_start3A_174 = arith.constant 0 : i32
      %dma_start3A_175 = tpu.memref_slice %arg13[%add3A_134, %dma_start3A_174] : memref<10240x128xf32, #tpu.memory_space<vmem_shared>> -> memref<128x128xf32, #tpu.memory_space<vmem_shared>>
      tpu.enqueue_dma source(%dma_start3A_175 : memref<128x128xf32, #tpu.memory_space<vmem_shared>>) target(%dma_start3A_173 : memref<128x128xf32, #tpu.memory_space<hbm>>) target_semaphore(%run_scoped3A : memref<!tpu.dma_semaphore, #tpu.memory_space<semaphore_mem>>)
      %dma_wait3A_176 = arith.constant 0 : i32
      %dma_wait3A_177 = tpu.memref_slice %arg6[%arg0, %add3A_138, %dma_wait3A_176] : memref<2x10240x128xf32, #tpu.memory_space<hbm>> -> memref<1x128x128xf32, #tpu.memory_space<hbm>>
      %dma_wait3A_178 = tpu.memref_squeeze %dma_wait3A_177 : memref<1x128x128xf32, #tpu.memory_space<hbm>> -> memref<128x128xf32, #tpu.memory_space<hbm>>
      %dma_wait3A_179 = arith.constant 0 : i32
      %dma_wait3A_180 = tpu.memref_slice %arg13[%add3A_134, %dma_wait3A_179] : memref<10240x128xf32, #tpu.memory_space<vmem_shared>> -> memref<128x128xf32, #tpu.memory_space<vmem_shared>>
      tpu.wait_dma2 semaphore(%run_scoped3A : memref<!tpu.dma_semaphore, #tpu.memory_space<semaphore_mem>>) src(%dma_wait3A_180 : memref<128x128xf32, #tpu.memory_space<vmem_shared>>) dst(%dma_wait3A_178 : memref<128x128xf32, #tpu.memory_space<hbm>>)
      tpu.yield
    }) : () -> ()
    %mul3A_139 = arith.constant 640 : i32
    %mul3A_140 = arith.muli %arg1, %mul3A_139 : i32
    %add3A_141 = arith.constant 128 : i32
    %add3A_142 = arith.addi %mul3A_140, %add3A_141 : i32
    %mul3A_143 = arith.constant 640 : i32
    %mul3A_144 = arith.muli %arg1, %mul3A_143 : i32
    %add3A_145 = arith.constant 128 : i32
    %add3A_146 = arith.addi %mul3A_144, %add3A_145 : i32
    "tpu.region"() ({
      %run_scoped3A = tpu.sem_alloc : memref<!tpu.dma_semaphore, #tpu.memory_space<semaphore_mem>>
      %dma_start3A_171 = arith.constant 0 : i32
      %dma_start3A_172 = tpu.memref_slice %arg6[%arg0, %add3A_146, %dma_start3A_171] : memref<2x10240x128xf32, #tpu.memory_space<hbm>> -> memref<1x128x128xf32, #tpu.memory_space<hbm>>
      %dma_start3A_173 = tpu.memref_squeeze %dma_start3A_172 : memref<1x128x128xf32, #tpu.memory_space<hbm>> -> memref<128x128xf32, #tpu.memory_space<hbm>>
      %dma_start3A_174 = arith.constant 0 : i32
      %dma_start3A_175 = tpu.memref_slice %arg13[%add3A_142, %dma_start3A_174] : memref<10240x128xf32, #tpu.memory_space<vmem_shared>> -> memref<128x128xf32, #tpu.memory_space<vmem_shared>>
      tpu.enqueue_dma source(%dma_start3A_175 : memref<128x128xf32, #tpu.memory_space<vmem_shared>>) target(%dma_start3A_173 : memref<128x128xf32, #tpu.memory_space<hbm>>) target_semaphore(%run_scoped3A : memref<!tpu.dma_semaphore, #tpu.memory_space<semaphore_mem>>)
      %dma_wait3A_176 = arith.constant 0 : i32
      %dma_wait3A_177 = tpu.memref_slice %arg6[%arg0, %add3A_146, %dma_wait3A_176] : memref<2x10240x128xf32, #tpu.memory_space<hbm>> -> memref<1x128x128xf32, #tpu.memory_space<hbm>>
      %dma_wait3A_178 = tpu.memref_squeeze %dma_wait3A_177 : memref<1x128x128xf32, #tpu.memory_space<hbm>> -> memref<128x128xf32, #tpu.memory_space<hbm>>
      %dma_wait3A_179 = arith.constant 0 : i32
      %dma_wait3A_180 = tpu.memref_slice %arg13[%add3A_142, %dma_wait3A_179] : memref<10240x128xf32, #tpu.memory_space<vmem_shared>> -> memref<128x128xf32, #tpu.memory_space<vmem_shared>>
      tpu.wait_dma2 semaphore(%run_scoped3A : memref<!tpu.dma_semaphore, #tpu.memory_space<semaphore_mem>>) src(%dma_wait3A_180 : memref<128x128xf32, #tpu.memory_space<vmem_shared>>) dst(%dma_wait3A_178 : memref<128x128xf32, #tpu.memory_space<hbm>>)
      tpu.yield
    }) : () -> ()
    %mul3A_147 = arith.constant 640 : i32
    %mul3A_148 = arith.muli %arg1, %mul3A_147 : i32
    %add3A_149 = arith.constant 256 : i32
    %add3A_150 = arith.addi %mul3A_148, %add3A_149 : i32
    %mul3A_151 = arith.constant 640 : i32
    %mul3A_152 = arith.muli %arg1, %mul3A_151 : i32
    %add3A_153 = arith.constant 256 : i32
    %add3A_154 = arith.addi %mul3A_152, %add3A_153 : i32
    "tpu.region"() ({
      %run_scoped3A = tpu.sem_alloc : memref<!tpu.dma_semaphore, #tpu.memory_space<semaphore_mem>>
      %dma_start3A_171 = arith.constant 0 : i32
      %dma_start3A_172 = tpu.memref_slice %arg6[%arg0, %add3A_154, %dma_start3A_171] : memref<2x10240x128xf32, #tpu.memory_space<hbm>> -> memref<1x128x128xf32, #tpu.memory_space<hbm>>
      %dma_start3A_173 = tpu.memref_squeeze %dma_start3A_172 : memref<1x128x128xf32, #tpu.memory_space<hbm>> -> memref<128x128xf32, #tpu.memory_space<hbm>>
      %dma_start3A_174 = arith.constant 0 : i32
      %dma_start3A_175 = tpu.memref_slice %arg13[%add3A_150, %dma_start3A_174] : memref<10240x128xf32, #tpu.memory_space<vmem_shared>> -> memref<128x128xf32, #tpu.memory_space<vmem_shared>>
      tpu.enqueue_dma source(%dma_start3A_175 : memref<128x128xf32, #tpu.memory_space<vmem_shared>>) target(%dma_start3A_173 : memref<128x128xf32, #tpu.memory_space<hbm>>) target_semaphore(%run_scoped3A : memref<!tpu.dma_semaphore, #tpu.memory_space<semaphore_mem>>)
      %dma_wait3A_176 = arith.constant 0 : i32
      %dma_wait3A_177 = tpu.memref_slice %arg6[%arg0, %add3A_154, %dma_wait3A_176] : memref<2x10240x128xf32, #tpu.memory_space<hbm>> -> memref<1x128x128xf32, #tpu.memory_space<hbm>>
      %dma_wait3A_178 = tpu.memref_squeeze %dma_wait3A_177 : memref<1x128x128xf32, #tpu.memory_space<hbm>> -> memref<128x128xf32, #tpu.memory_space<hbm>>
      %dma_wait3A_179 = arith.constant 0 : i32
      %dma_wait3A_180 = tpu.memref_slice %arg13[%add3A_150, %dma_wait3A_179] : memref<10240x128xf32, #tpu.memory_space<vmem_shared>> -> memref<128x128xf32, #tpu.memory_space<vmem_shared>>
      tpu.wait_dma2 semaphore(%run_scoped3A : memref<!tpu.dma_semaphore, #tpu.memory_space<semaphore_mem>>) src(%dma_wait3A_180 : memref<128x128xf32, #tpu.memory_space<vmem_shared>>) dst(%dma_wait3A_178 : memref<128x128xf32, #tpu.memory_space<hbm>>)
      tpu.yield
    }) : () -> ()
    %mul3A_155 = arith.constant 640 : i32
    %mul3A_156 = arith.muli %arg1, %mul3A_155 : i32
    %add3A_157 = arith.constant 384 : i32
    %add3A_158 = arith.addi %mul3A_156, %add3A_157 : i32
    %mul3A_159 = arith.constant 640 : i32
    %mul3A_160 = arith.muli %arg1, %mul3A_159 : i32
    %add3A_161 = arith.constant 384 : i32
    %add3A_162 = arith.addi %mul3A_160, %add3A_161 : i32
    "tpu.region"() ({
      %run_scoped3A = tpu.sem_alloc : memref<!tpu.dma_semaphore, #tpu.memory_space<semaphore_mem>>
      %dma_start3A_171 = arith.constant 0 : i32
      %dma_start3A_172 = tpu.memref_slice %arg6[%arg0, %add3A_162, %dma_start3A_171] : memref<2x10240x128xf32, #tpu.memory_space<hbm>> -> memref<1x128x128xf32, #tpu.memory_space<hbm>>
      %dma_start3A_173 = tpu.memref_squeeze %dma_start3A_172 : memref<1x128x128xf32, #tpu.memory_space<hbm>> -> memref<128x128xf32, #tpu.memory_space<hbm>>
      %dma_start3A_174 = arith.constant 0 : i32
      %dma_start3A_175 = tpu.memref_slice %arg13[%add3A_158, %dma_start3A_174] : memref<10240x128xf32, #tpu.memory_space<vmem_shared>> -> memref<128x128xf32, #tpu.memory_space<vmem_shared>>
      tpu.enqueue_dma source(%dma_start3A_175 : memref<128x128xf32, #tpu.memory_space<vmem_shared>>) target(%dma_start3A_173 : memref<128x128xf32, #tpu.memory_space<hbm>>) target_semaphore(%run_scoped3A : memref<!tpu.dma_semaphore, #tpu.memory_space<semaphore_mem>>)
      %dma_wait3A_176 = arith.constant 0 : i32
      %dma_wait3A_177 = tpu.memref_slice %arg6[%arg0, %add3A_162, %dma_wait3A_176] : memref<2x10240x128xf32, #tpu.memory_space<hbm>> -> memref<1x128x128xf32, #tpu.memory_space<hbm>>
      %dma_wait3A_178 = tpu.memref_squeeze %dma_wait3A_177 : memref<1x128x128xf32, #tpu.memory_space<hbm>> -> memref<128x128xf32, #tpu.memory_space<hbm>>
      %dma_wait3A_179 = arith.constant 0 : i32
      %dma_wait3A_180 = tpu.memref_slice %arg13[%add3A_158, %dma_wait3A_179] : memref<10240x128xf32, #tpu.memory_space<vmem_shared>> -> memref<128x128xf32, #tpu.memory_space<vmem_shared>>
      tpu.wait_dma2 semaphore(%run_scoped3A : memref<!tpu.dma_semaphore, #tpu.memory_space<semaphore_mem>>) src(%dma_wait3A_180 : memref<128x128xf32, #tpu.memory_space<vmem_shared>>) dst(%dma_wait3A_178 : memref<128x128xf32, #tpu.memory_space<hbm>>)
      tpu.yield
    }) : () -> ()
    %mul3A_163 = arith.constant 640 : i32
    %mul3A_164 = arith.muli %arg1, %mul3A_163 : i32
    %add3A_165 = arith.constant 512 : i32
    %add3A_166 = arith.addi %mul3A_164, %add3A_165 : i32
    %mul3A_167 = arith.constant 640 : i32
    %mul3A_168 = arith.muli %arg1, %mul3A_167 : i32
    %add3A_169 = arith.constant 512 : i32
    %add3A_170 = arith.addi %mul3A_168, %add3A_169 : i32
    "tpu.region"() ({
      %run_scoped3A = tpu.sem_alloc : memref<!tpu.dma_semaphore, #tpu.memory_space<semaphore_mem>>
      %dma_start3A_171 = arith.constant 0 : i32
      %dma_start3A_172 = tpu.memref_slice %arg6[%arg0, %add3A_170, %dma_start3A_171] : memref<2x10240x128xf32, #tpu.memory_space<hbm>> -> memref<1x128x128xf32, #tpu.memory_space<hbm>>
      %dma_start3A_173 = tpu.memref_squeeze %dma_start3A_172 : memref<1x128x128xf32, #tpu.memory_space<hbm>> -> memref<128x128xf32, #tpu.memory_space<hbm>>
      %dma_start3A_174 = arith.constant 0 : i32
      %dma_start3A_175 = tpu.memref_slice %arg13[%add3A_166, %dma_start3A_174] : memref<10240x128xf32, #tpu.memory_space<vmem_shared>> -> memref<128x128xf32, #tpu.memory_space<vmem_shared>>
      tpu.enqueue_dma source(%dma_start3A_175 : memref<128x128xf32, #tpu.memory_space<vmem_shared>>) target(%dma_start3A_173 : memref<128x128xf32, #tpu.memory_space<hbm>>) target_semaphore(%run_scoped3A : memref<!tpu.dma_semaphore, #tpu.memory_space<semaphore_mem>>)
      %dma_wait3A_176 = arith.constant 0 : i32
      %dma_wait3A_177 = tpu.memref_slice %arg6[%arg0, %add3A_170, %dma_wait3A_176] : memref<2x10240x128xf32, #tpu.memory_space<hbm>> -> memref<1x128x128xf32, #tpu.memory_space<hbm>>
      %dma_wait3A_178 = tpu.memref_squeeze %dma_wait3A_177 : memref<1x128x128xf32, #tpu.memory_space<hbm>> -> memref<128x128xf32, #tpu.memory_space<hbm>>
      %dma_wait3A_179 = arith.constant 0 : i32
      %dma_wait3A_180 = tpu.memref_slice %arg13[%add3A_166, %dma_wait3A_179] : memref<10240x128xf32, #tpu.memory_space<vmem_shared>> -> memref<128x128xf32, #tpu.memory_space<vmem_shared>>
      tpu.wait_dma2 semaphore(%run_scoped3A : memref<!tpu.dma_semaphore, #tpu.memory_space<semaphore_mem>>) src(%dma_wait3A_180 : memref<128x128xf32, #tpu.memory_space<vmem_shared>>) dst(%dma_wait3A_178 : memref<128x128xf32, #tpu.memory_space<hbm>>)
      tpu.yield
    }) : () -> ()
    return
  }
}

#map = affine_map<(d0, d1) -> (0, 0)>
#map1 = affine_map<(d0, d1) -> (0, 0, 0)>
module attributes {stable_mosaic.version = 14 : i64} {
  func.func @_edge_body(%arg0: i32, %arg1: i32, %arg2: memref<10240x128xf32, #tpu.memory_space<hbm>>, %arg3: memref<2560x128xi32, #tpu.memory_space<hbm>>, %arg4: memref<2560x128xi32, #tpu.memory_space<hbm>>, %arg5: memref<128x128xf32, #tpu.memory_space<hbm>>, %arg6: memref<2x10240x128xf32, #tpu.memory_space<hbm>>, %arg7: memref<8x128xi32, #tpu.memory_space<vmem>>, %arg8: memref<8x128xi32, #tpu.memory_space<vmem>>, %arg9: memref<8x128xi32, #tpu.memory_space<vmem>>, %arg10: memref<8x128xi32, #tpu.memory_space<vmem>>, %arg11: memref<128x128xf32, #tpu.memory_space<vmem>>, %arg12: memref<128x128xf32, #tpu.memory_space<vmem>>, %arg13: memref<10240x128xf32, #tpu.memory_space<vmem_shared>>, %arg14: memref<!tpu.dma_semaphore, #tpu.memory_space<semaphore_mem>>, %arg15: memref<!tpu.dma_semaphore, #tpu.memory_space<semaphore_mem>>, %arg16: memref<!tpu.dma_semaphore, #tpu.memory_space<semaphore_mem>>, %arg17: memref<!tpu.dma_semaphore, #tpu.memory_space<semaphore_mem>>, %arg18: memref<!tpu.dma_semaphore, #tpu.memory_space<semaphore_mem>>, %arg19: memref<!tpu.dma_semaphore, #tpu.memory_space<semaphore_mem>>, %arg20: memref<!tpu.dma_semaphore, #tpu.memory_space<semaphore_mem>>, %arg21: memref<!tpu.dma_semaphore, #tpu.memory_space<semaphore_mem>>) attributes {dimension_semantics = [#tpu.dimension_semantics<core_parallel>, #tpu.dimension_semantics<subcore_parallel>], iteration_bounds = array<i64: 2, 16>, scalar_prefetch = 0 : i64, scratch_operands = 15 : i64, tpu.core_type = #tpu.core_type<sc_vector_subcore>, window_params = [{transform_indices = #map}, {transform_indices = #map}, {transform_indices = #map}, {transform_indices = #map}, {transform_indices = #map1}]} {
    %eq3A = arith.constant 0 : i32
    %eq3A_0 = arith.cmpi eq, %arg0, %eq3A : i32
    %jit3A = arith.constant 112 : i32
    %jit3A_1 = arith.constant 48 : i32
    %select_n3A = arith.select %eq3A_0, %jit3A, %jit3A_1 : i32
    %jit3A_2 = arith.constant 8 : i32
    %div3A = arith.divsi %select_n3A, %jit3A_2 : i32
    %sign3A = arith.constant 0 : i32
    %sign3A_3 = arith.cmpi sgt, %select_n3A, %sign3A : i32
    %sign3A_4 = arith.extui %sign3A_3 : i1 to i32
    %sign3A_5 = arith.constant 0 : i32
    %sign3A_6 = arith.cmpi slt, %select_n3A, %sign3A_5 : i32
    %sign3A_7 = arith.extui %sign3A_6 : i1 to i32
    %sign3A_8 = arith.subi %sign3A_4, %sign3A_7 : i32
    %sign3A_9 = arith.constant 0 : i32
    %sign3A_10 = arith.cmpi sgt, %jit3A_2, %sign3A_9 : i32
    %sign3A_11 = arith.extui %sign3A_10 : i1 to i32
    %sign3A_12 = arith.constant 0 : i32
    %sign3A_13 = arith.cmpi slt, %jit3A_2, %sign3A_12 : i32
    %sign3A_14 = arith.extui %sign3A_13 : i1 to i32
    %sign3A_15 = arith.subi %sign3A_11, %sign3A_14 : i32
    %ne3A = arith.cmpi ne, %sign3A_8, %sign3A_15 : i32
    %rem3A = arith.remsi %select_n3A, %jit3A_2 : i32
    %ne3A_16 = arith.constant 0 : i32
    %ne3A_17 = arith.cmpi ne, %rem3A, %ne3A_16 : i32
    %and3A = arith.andi %ne3A, %ne3A_17 : i1
    %sub3A = arith.constant 1 : i32
    %sub3A_18 = arith.subi %div3A, %sub3A : i32
    %select_n3A_19 = arith.select %and3A, %sub3A_18, %div3A : i32
    %eq3A_20 = arith.constant 0 : i32
    %eq3A_21 = arith.cmpi eq, %arg0, %eq3A_20 : i32
    %mul3A = arith.constant 112 : i32
    %mul3A_22 = arith.muli %arg1, %mul3A : i32
    %mul3A_23 = arith.constant 48 : i32
    %mul3A_24 = arith.muli %arg1, %mul3A_23 : i32
    %add3A = arith.constant 1792 : i32
    %add3A_25 = arith.addi %add3A, %mul3A_24 : i32
    %select_n3A_26 = arith.select %eq3A_21, %mul3A_22, %add3A_25 : i32
    "tpu.region"() ({
      %run_scoped3A = tpu.sem_alloc : memref<!tpu.dma_semaphore, #tpu.memory_space<semaphore_mem>>
      tpu.enqueue_dma source(%arg5 : memref<128x128xf32, #tpu.memory_space<hbm>>) target(%arg11 : memref<128x128xf32, #tpu.memory_space<vmem>>) target_semaphore(%run_scoped3A : memref<!tpu.dma_semaphore, #tpu.memory_space<semaphore_mem>>)
      tpu.wait_dma2 semaphore(%run_scoped3A : memref<!tpu.dma_semaphore, #tpu.memory_space<semaphore_mem>>) src(%arg5 : memref<128x128xf32, #tpu.memory_space<hbm>>) dst(%arg11 : memref<128x128xf32, #tpu.memory_space<vmem>>)
      tpu.yield
    }) : () -> ()
    %mul3A_27 = arith.constant 640 : i32
    %mul3A_28 = arith.muli %arg1, %mul3A_27 : i32
    %add3A_29 = arith.constant 0 : i32
    %add3A_30 = arith.addi %mul3A_28, %add3A_29 : i32
    "tpu.region"() ({
      %run_scoped3A = tpu.sem_alloc : memref<!tpu.dma_semaphore, #tpu.memory_space<semaphore_mem>>
      %dma_start3A_171 = arith.constant 0 : i32
      %dma_start3A_172 = tpu.memref_slice %arg13[%add3A_30, %dma_start3A_171] : memref<10240x128xf32, #tpu.memory_space<vmem_shared>> -> memref<128x128xf32, #tpu.memory_space<vmem_shared>>
      %dma_start3A_173 = arith.constant 0 : i32
      %dma_start3A_174 = tpu.memref_slice %arg13[%add3A_30, %dma_start3A_173] : memref<10240x128xf32, #tpu.memory_space<vmem_shared>> -> memref<128x128xf32, #tpu.memory_space<vmem_shared>>
      tpu.enqueue_dma source(%arg11 : memref<128x128xf32, #tpu.memory_space<vmem>>) target(%dma_start3A_174 : memref<128x128xf32, #tpu.memory_space<vmem_shared>>) target_semaphore(%run_scoped3A : memref<!tpu.dma_semaphore, #tpu.memory_space<semaphore_mem>>)
      %dma_wait3A_175 = arith.constant 0 : i32
      %dma_wait3A_176 = tpu.memref_slice %arg13[%add3A_30, %dma_wait3A_175] : memref<10240x128xf32, #tpu.memory_space<vmem_shared>> -> memref<128x128xf32, #tpu.memory_space<vmem_shared>>
      %dma_wait3A_177 = arith.constant 0 : i32
      %dma_wait3A_178 = tpu.memref_slice %arg13[%add3A_30, %dma_wait3A_177] : memref<10240x128xf32, #tpu.memory_space<vmem_shared>> -> memref<128x128xf32, #tpu.memory_space<vmem_shared>>
      tpu.wait_dma2 semaphore(%run_scoped3A : memref<!tpu.dma_semaphore, #tpu.memory_space<semaphore_mem>>) src(%arg11 : memref<128x128xf32, #tpu.memory_space<vmem>>) dst(%dma_wait3A_178 : memref<128x128xf32, #tpu.memory_space<vmem_shared>>)
      tpu.yield
    }) : () -> ()
    %mul3A_31 = arith.constant 640 : i32
    %mul3A_32 = arith.muli %arg1, %mul3A_31 : i32
    %add3A_33 = arith.constant 128 : i32
    %add3A_34 = arith.addi %mul3A_32, %add3A_33 : i32
    "tpu.region"() ({
      %run_scoped3A = tpu.sem_alloc : memref<!tpu.dma_semaphore, #tpu.memory_space<semaphore_mem>>
      %dma_start3A_171 = arith.constant 0 : i32
      %dma_start3A_172 = tpu.memref_slice %arg13[%add3A_34, %dma_start3A_171] : memref<10240x128xf32, #tpu.memory_space<vmem_shared>> -> memref<128x128xf32, #tpu.memory_space<vmem_shared>>
      %dma_start3A_173 = arith.constant 0 : i32
      %dma_start3A_174 = tpu.memref_slice %arg13[%add3A_34, %dma_start3A_173] : memref<10240x128xf32, #tpu.memory_space<vmem_shared>> -> memref<128x128xf32, #tpu.memory_space<vmem_shared>>
      tpu.enqueue_dma source(%arg11 : memref<128x128xf32, #tpu.memory_space<vmem>>) target(%dma_start3A_174 : memref<128x128xf32, #tpu.memory_space<vmem_shared>>) target_semaphore(%run_scoped3A : memref<!tpu.dma_semaphore, #tpu.memory_space<semaphore_mem>>)
      %dma_wait3A_175 = arith.constant 0 : i32
      %dma_wait3A_176 = tpu.memref_slice %arg13[%add3A_34, %dma_wait3A_175] : memref<10240x128xf32, #tpu.memory_space<vmem_shared>> -> memref<128x128xf32, #tpu.memory_space<vmem_shared>>
      %dma_wait3A_177 = arith.constant 0 : i32
      %dma_wait3A_178 = tpu.memref_slice %arg13[%add3A_34, %dma_wait3A_177] : memref<10240x128xf32, #tpu.memory_space<vmem_shared>> -> memref<128x128xf32, #tpu.memory_space<vmem_shared>>
      tpu.wait_dma2 semaphore(%run_scoped3A : memref<!tpu.dma_semaphore, #tpu.memory_space<semaphore_mem>>) src(%arg11 : memref<128x128xf32, #tpu.memory_space<vmem>>) dst(%dma_wait3A_178 : memref<128x128xf32, #tpu.memory_space<vmem_shared>>)
      tpu.yield
    }) : () -> ()
    %mul3A_35 = arith.constant 640 : i32
    %mul3A_36 = arith.muli %arg1, %mul3A_35 : i32
    %add3A_37 = arith.constant 256 : i32
    %add3A_38 = arith.addi %mul3A_36, %add3A_37 : i32
    "tpu.region"() ({
      %run_scoped3A = tpu.sem_alloc : memref<!tpu.dma_semaphore, #tpu.memory_space<semaphore_mem>>
      %dma_start3A_171 = arith.constant 0 : i32
      %dma_start3A_172 = tpu.memref_slice %arg13[%add3A_38, %dma_start3A_171] : memref<10240x128xf32, #tpu.memory_space<vmem_shared>> -> memref<128x128xf32, #tpu.memory_space<vmem_shared>>
      %dma_start3A_173 = arith.constant 0 : i32
      %dma_start3A_174 = tpu.memref_slice %arg13[%add3A_38, %dma_start3A_173] : memref<10240x128xf32, #tpu.memory_space<vmem_shared>> -> memref<128x128xf32, #tpu.memory_space<vmem_shared>>
      tpu.enqueue_dma source(%arg11 : memref<128x128xf32, #tpu.memory_space<vmem>>) target(%dma_start3A_174 : memref<128x128xf32, #tpu.memory_space<vmem_shared>>) target_semaphore(%run_scoped3A : memref<!tpu.dma_semaphore, #tpu.memory_space<semaphore_mem>>)
      %dma_wait3A_175 = arith.constant 0 : i32
      %dma_wait3A_176 = tpu.memref_slice %arg13[%add3A_38, %dma_wait3A_175] : memref<10240x128xf32, #tpu.memory_space<vmem_shared>> -> memref<128x128xf32, #tpu.memory_space<vmem_shared>>
      %dma_wait3A_177 = arith.constant 0 : i32
      %dma_wait3A_178 = tpu.memref_slice %arg13[%add3A_38, %dma_wait3A_177] : memref<10240x128xf32, #tpu.memory_space<vmem_shared>> -> memref<128x128xf32, #tpu.memory_space<vmem_shared>>
      tpu.wait_dma2 semaphore(%run_scoped3A : memref<!tpu.dma_semaphore, #tpu.memory_space<semaphore_mem>>) src(%arg11 : memref<128x128xf32, #tpu.memory_space<vmem>>) dst(%dma_wait3A_178 : memref<128x128xf32, #tpu.memory_space<vmem_shared>>)
      tpu.yield
    }) : () -> ()
    %mul3A_39 = arith.constant 640 : i32
    %mul3A_40 = arith.muli %arg1, %mul3A_39 : i32
    %add3A_41 = arith.constant 384 : i32
    %add3A_42 = arith.addi %mul3A_40, %add3A_41 : i32
    "tpu.region"() ({
      %run_scoped3A = tpu.sem_alloc : memref<!tpu.dma_semaphore, #tpu.memory_space<semaphore_mem>>
      %dma_start3A_171 = arith.constant 0 : i32
      %dma_start3A_172 = tpu.memref_slice %arg13[%add3A_42, %dma_start3A_171] : memref<10240x128xf32, #tpu.memory_space<vmem_shared>> -> memref<128x128xf32, #tpu.memory_space<vmem_shared>>
      %dma_start3A_173 = arith.constant 0 : i32
      %dma_start3A_174 = tpu.memref_slice %arg13[%add3A_42, %dma_start3A_173] : memref<10240x128xf32, #tpu.memory_space<vmem_shared>> -> memref<128x128xf32, #tpu.memory_space<vmem_shared>>
      tpu.enqueue_dma source(%arg11 : memref<128x128xf32, #tpu.memory_space<vmem>>) target(%dma_start3A_174 : memref<128x128xf32, #tpu.memory_space<vmem_shared>>) target_semaphore(%run_scoped3A : memref<!tpu.dma_semaphore, #tpu.memory_space<semaphore_mem>>)
      %dma_wait3A_175 = arith.constant 0 : i32
      %dma_wait3A_176 = tpu.memref_slice %arg13[%add3A_42, %dma_wait3A_175] : memref<10240x128xf32, #tpu.memory_space<vmem_shared>> -> memref<128x128xf32, #tpu.memory_space<vmem_shared>>
      %dma_wait3A_177 = arith.constant 0 : i32
      %dma_wait3A_178 = tpu.memref_slice %arg13[%add3A_42, %dma_wait3A_177] : memref<10240x128xf32, #tpu.memory_space<vmem_shared>> -> memref<128x128xf32, #tpu.memory_space<vmem_shared>>
      tpu.wait_dma2 semaphore(%run_scoped3A : memref<!tpu.dma_semaphore, #tpu.memory_space<semaphore_mem>>) src(%arg11 : memref<128x128xf32, #tpu.memory_space<vmem>>) dst(%dma_wait3A_178 : memref<128x128xf32, #tpu.memory_space<vmem_shared>>)
      tpu.yield
    }) : () -> ()
    %mul3A_43 = arith.constant 640 : i32
    %mul3A_44 = arith.muli %arg1, %mul3A_43 : i32
    %add3A_45 = arith.constant 512 : i32
    %add3A_46 = arith.addi %mul3A_44, %add3A_45 : i32
    "tpu.region"() ({
      %run_scoped3A = tpu.sem_alloc : memref<!tpu.dma_semaphore, #tpu.memory_space<semaphore_mem>>
      %dma_start3A_171 = arith.constant 0 : i32
      %dma_start3A_172 = tpu.memref_slice %arg13[%add3A_46, %dma_start3A_171] : memref<10240x128xf32, #tpu.memory_space<vmem_shared>> -> memref<128x128xf32, #tpu.memory_space<vmem_shared>>
      %dma_start3A_173 = arith.constant 0 : i32
      %dma_start3A_174 = tpu.memref_slice %arg13[%add3A_46, %dma_start3A_173] : memref<10240x128xf32, #tpu.memory_space<vmem_shared>> -> memref<128x128xf32, #tpu.memory_space<vmem_shared>>
      tpu.enqueue_dma source(%arg11 : memref<128x128xf32, #tpu.memory_space<vmem>>) target(%dma_start3A_174 : memref<128x128xf32, #tpu.memory_space<vmem_shared>>) target_semaphore(%run_scoped3A : memref<!tpu.dma_semaphore, #tpu.memory_space<semaphore_mem>>)
      %dma_wait3A_175 = arith.constant 0 : i32
      %dma_wait3A_176 = tpu.memref_slice %arg13[%add3A_46, %dma_wait3A_175] : memref<10240x128xf32, #tpu.memory_space<vmem_shared>> -> memref<128x128xf32, #tpu.memory_space<vmem_shared>>
      %dma_wait3A_177 = arith.constant 0 : i32
      %dma_wait3A_178 = tpu.memref_slice %arg13[%add3A_46, %dma_wait3A_177] : memref<10240x128xf32, #tpu.memory_space<vmem_shared>> -> memref<128x128xf32, #tpu.memory_space<vmem_shared>>
      tpu.wait_dma2 semaphore(%run_scoped3A : memref<!tpu.dma_semaphore, #tpu.memory_space<semaphore_mem>>) src(%arg11 : memref<128x128xf32, #tpu.memory_space<vmem>>) dst(%dma_wait3A_178 : memref<128x128xf32, #tpu.memory_space<vmem_shared>>)
      tpu.yield
    }) : () -> ()
    %dma_start3A = arith.constant 0 : i32
    %dma_start3A_47 = tpu.memref_slice %arg3[%select_n3A_26, %dma_start3A] : memref<2560x128xi32, #tpu.memory_space<hbm>> -> memref<8x128xi32, #tpu.memory_space<hbm>>
    %dma_start3A_48 = arith.constant 0 : i32
    %dma_start3A_49 = tpu.memref_slice %arg3[%select_n3A_26, %dma_start3A_48] : memref<2560x128xi32, #tpu.memory_space<hbm>> -> memref<8x128xi32, #tpu.memory_space<hbm>>
    tpu.enqueue_dma source(%dma_start3A_49 : memref<8x128xi32, #tpu.memory_space<hbm>>) target(%arg7 : memref<8x128xi32, #tpu.memory_space<vmem>>) target_semaphore(%arg20 : memref<!tpu.dma_semaphore, #tpu.memory_space<semaphore_mem>>)
    %add3A_50 = arith.constant 8 : i32
    %add3A_51 = arith.addi %select_n3A_26, %add3A_50 : i32
    %dma_start3A_52 = arith.constant 0 : i32
    %dma_start3A_53 = tpu.memref_slice %arg3[%add3A_51, %dma_start3A_52] : memref<2560x128xi32, #tpu.memory_space<hbm>> -> memref<8x128xi32, #tpu.memory_space<hbm>>
    %dma_start3A_54 = arith.constant 0 : i32
    %dma_start3A_55 = tpu.memref_slice %arg3[%add3A_51, %dma_start3A_54] : memref<2560x128xi32, #tpu.memory_space<hbm>> -> memref<8x128xi32, #tpu.memory_space<hbm>>
    tpu.enqueue_dma source(%dma_start3A_55 : memref<8x128xi32, #tpu.memory_space<hbm>>) target(%arg8 : memref<8x128xi32, #tpu.memory_space<vmem>>) target_semaphore(%arg21 : memref<!tpu.dma_semaphore, #tpu.memory_space<semaphore_mem>>)
    %dma_start3A_56 = arith.constant 0 : i32
    %dma_start3A_57 = tpu.memref_slice %arg4[%select_n3A_26, %dma_start3A_56] : memref<2560x128xi32, #tpu.memory_space<hbm>> -> memref<8x128xi32, #tpu.memory_space<hbm>>
    %dma_start3A_58 = arith.constant 0 : i32
    %dma_start3A_59 = tpu.memref_slice %arg4[%select_n3A_26, %dma_start3A_58] : memref<2560x128xi32, #tpu.memory_space<hbm>> -> memref<8x128xi32, #tpu.memory_space<hbm>>
    tpu.enqueue_dma source(%dma_start3A_59 : memref<8x128xi32, #tpu.memory_space<hbm>>) target(%arg9 : memref<8x128xi32, #tpu.memory_space<vmem>>) target_semaphore(%arg18 : memref<!tpu.dma_semaphore, #tpu.memory_space<semaphore_mem>>)
    %add3A_60 = arith.constant 8 : i32
    %add3A_61 = arith.addi %select_n3A_26, %add3A_60 : i32
    %dma_start3A_62 = arith.constant 0 : i32
    %dma_start3A_63 = tpu.memref_slice %arg4[%add3A_61, %dma_start3A_62] : memref<2560x128xi32, #tpu.memory_space<hbm>> -> memref<8x128xi32, #tpu.memory_space<hbm>>
    %dma_start3A_64 = arith.constant 0 : i32
    %dma_start3A_65 = tpu.memref_slice %arg4[%add3A_61, %dma_start3A_64] : memref<2560x128xi32, #tpu.memory_space<hbm>> -> memref<8x128xi32, #tpu.memory_space<hbm>>
    tpu.enqueue_dma source(%dma_start3A_65 : memref<8x128xi32, #tpu.memory_space<hbm>>) target(%arg10 : memref<8x128xi32, #tpu.memory_space<vmem>>) target_semaphore(%arg19 : memref<!tpu.dma_semaphore, #tpu.memory_space<semaphore_mem>>)
    %dma_wait3A = arith.constant 0 : i32
    %dma_wait3A_66 = tpu.memref_slice %arg3[%select_n3A_26, %dma_wait3A] : memref<2560x128xi32, #tpu.memory_space<hbm>> -> memref<8x128xi32, #tpu.memory_space<hbm>>
    %dma_wait3A_67 = arith.constant 0 : i32
    %dma_wait3A_68 = tpu.memref_slice %arg3[%select_n3A_26, %dma_wait3A_67] : memref<2560x128xi32, #tpu.memory_space<hbm>> -> memref<8x128xi32, #tpu.memory_space<hbm>>
    tpu.wait_dma2 semaphore(%arg20 : memref<!tpu.dma_semaphore, #tpu.memory_space<semaphore_mem>>) src(%dma_wait3A_68 : memref<8x128xi32, #tpu.memory_space<hbm>>) dst(%arg7 : memref<8x128xi32, #tpu.memory_space<vmem>>)
    %dma_start3A_69 = arith.constant 0 : i32
    %dma_start3A_70 = arith.constant 0 : i32
    %dma_start3A_71 = tpu.memref_slice %arg7[%dma_start3A_69, %dma_start3A_70] : memref<8x128xi32, #tpu.memory_space<vmem>> -> memref<1x128xi32, #tpu.memory_space<vmem>>
    %dma_start3A_72 = tpu.memref_squeeze %dma_start3A_71 : memref<1x128xi32, #tpu.memory_space<vmem>> -> memref<128xi32, #tpu.memory_space<vmem>>
    %dma_start3A_73 = arith.constant 0 : i32
    %dma_start3A_74 = arith.constant 0 : i32
    %dma_start3A_75 = tpu.memref_slice %arg2[%dma_start3A_73, %dma_start3A_74] : memref<10240x128xf32, #tpu.memory_space<hbm>> -> memref<10240x128xf32, #tpu.memory_space<hbm>>
    tpu.enqueue_indirect_dma source(%dma_start3A_75 : memref<10240x128xf32, #tpu.memory_space<hbm>>) target(%arg11 : memref<128x128xf32, #tpu.memory_space<vmem>>) offsets(%dma_start3A_72 : memref<128xi32, #tpu.memory_space<vmem>>) semaphore(%arg14 : memref<!tpu.dma_semaphore, #tpu.memory_space<semaphore_mem>>)
    %dma_start3A_76 = arith.constant 1 : i32
    %dma_start3A_77 = arith.constant 0 : i32
    %dma_start3A_78 = tpu.memref_slice %arg7[%dma_start3A_76, %dma_start3A_77] : memref<8x128xi32, #tpu.memory_space<vmem>> -> memref<1x128xi32, #tpu.memory_space<vmem>>
    %dma_start3A_79 = tpu.memref_squeeze %dma_start3A_78 : memref<1x128xi32, #tpu.memory_space<vmem>> -> memref<128xi32, #tpu.memory_space<vmem>>
    %dma_start3A_80 = arith.constant 0 : i32
    %dma_start3A_81 = arith.constant 0 : i32
    %dma_start3A_82 = tpu.memref_slice %arg2[%dma_start3A_80, %dma_start3A_81] : memref<10240x128xf32, #tpu.memory_space<hbm>> -> memref<10240x128xf32, #tpu.memory_space<hbm>>
    tpu.enqueue_indirect_dma source(%dma_start3A_82 : memref<10240x128xf32, #tpu.memory_space<hbm>>) target(%arg12 : memref<128x128xf32, #tpu.memory_space<vmem>>) offsets(%dma_start3A_79 : memref<128xi32, #tpu.memory_space<vmem>>) semaphore(%arg15 : memref<!tpu.dma_semaphore, #tpu.memory_space<semaphore_mem>>)
    %barrier3A = arith.constant 0 : index
    tpu.barrier barrier_id(%barrier3A)
    %jit3A_83 = arith.constant 2 : i32
    %div3A_84 = arith.divsi %select_n3A_19, %jit3A_83 : i32
    %sign3A_85 = arith.constant 0 : i32
    %sign3A_86 = arith.cmpi sgt, %select_n3A_19, %sign3A_85 : i32
    %sign3A_87 = arith.extui %sign3A_86 : i1 to i32
    %sign3A_88 = arith.constant 0 : i32
    %sign3A_89 = arith.cmpi slt, %select_n3A_19, %sign3A_88 : i32
    %sign3A_90 = arith.extui %sign3A_89 : i1 to i32
    %sign3A_91 = arith.subi %sign3A_87, %sign3A_90 : i32
    %sign3A_92 = arith.constant 0 : i32
    %sign3A_93 = arith.cmpi sgt, %jit3A_83, %sign3A_92 : i32
    %sign3A_94 = arith.extui %sign3A_93 : i1 to i32
    %sign3A_95 = arith.constant 0 : i32
    %sign3A_96 = arith.cmpi slt, %jit3A_83, %sign3A_95 : i32
    %sign3A_97 = arith.extui %sign3A_96 : i1 to i32
    %sign3A_98 = arith.subi %sign3A_94, %sign3A_97 : i32
    %ne3A_99 = arith.cmpi ne, %sign3A_91, %sign3A_98 : i32
    %rem3A_100 = arith.remsi %select_n3A_19, %jit3A_83 : i32
    %ne3A_101 = arith.constant 0 : i32
    %ne3A_102 = arith.cmpi ne, %rem3A_100, %ne3A_101 : i32
    %and3A_103 = arith.andi %ne3A_99, %ne3A_102 : i1
    %sub3A_104 = arith.constant 1 : i32
    %sub3A_105 = arith.subi %div3A_84, %sub3A_104 : i32
    %select_n3A_106 = arith.select %and3A_103, %sub3A_105, %div3A_84 : i32
    %while3A = arith.constant 0 : i32
    %while3A_107 = arith.constant 0 : i32
    %while3A_108 = arith.subi %select_n3A_106, %while3A_107 : i32
    %while3A_109 = arith.addi %while3A_107, %while3A_108 : i32
    %while3A_110 = arith.constant 1 : i32
    %while3A_111 = arith.divsi %while3A_108, %while3A_110 : i32
    %while3A_112 = arith.muli %while3A_111, %while3A_110 : i32
    %while3A_113 = arith.addi %while3A_107, %while3A_112 : i32
    %while3A_114 = arith.constant 1 : i32
    scf.for %while3A_171 = %while3A_107 to %while3A_113 step %while3A_114  : i32 {
      %mul3A_172 = arith.constant 2 : i32
      %mul3A_173 = arith.muli %mul3A_172, %while3A_171 : i32
      %dma_wait3A_174 = arith.constant 0 : i32
      %dma_wait3A_175 = tpu.memref_slice %arg4[%select_n3A_26, %dma_wait3A_174] : memref<2560x128xi32, #tpu.memory_space<hbm>> -> memref<8x128xi32, #tpu.memory_space<hbm>>
      %dma_wait3A_176 = arith.constant 0 : i32
      %dma_wait3A_177 = tpu.memref_slice %arg4[%select_n3A_26, %dma_wait3A_176] : memref<2560x128xi32, #tpu.memory_space<hbm>> -> memref<8x128xi32, #tpu.memory_space<hbm>>
      tpu.wait_dma2 semaphore(%arg18 : memref<!tpu.dma_semaphore, #tpu.memory_space<semaphore_mem>>) src(%dma_wait3A_177 : memref<8x128xi32, #tpu.memory_space<hbm>>) dst(%arg9 : memref<8x128xi32, #tpu.memory_space<vmem>>)
      %dma_wait3A_178 = arith.constant 0 : i32
      %dma_wait3A_179 = arith.constant 0 : i32
      %dma_wait3A_180 = tpu.memref_slice %arg7[%dma_wait3A_178, %dma_wait3A_179] : memref<8x128xi32, #tpu.memory_space<vmem>> -> memref<1x128xi32, #tpu.memory_space<vmem>>
      %dma_wait3A_181 = tpu.memref_squeeze %dma_wait3A_180 : memref<1x128xi32, #tpu.memory_space<vmem>> -> memref<128xi32, #tpu.memory_space<vmem>>
      %dma_wait3A_182 = arith.constant 0 : i32
      %dma_wait3A_183 = arith.constant 0 : i32
      %dma_wait3A_184 = tpu.memref_slice %arg2[%dma_wait3A_182, %dma_wait3A_183] : memref<10240x128xf32, #tpu.memory_space<hbm>> -> memref<10240x128xf32, #tpu.memory_space<hbm>>
      tpu.wait_indirect_dma semaphore(%arg14 : memref<!tpu.dma_semaphore, #tpu.memory_space<semaphore_mem>>) src(%dma_wait3A_184 : memref<10240x128xf32, #tpu.memory_space<hbm>>) dst(%arg11 : memref<128x128xf32, #tpu.memory_space<vmem>>)
      %dma_start3A_185 = arith.constant 0 : i32
      %dma_start3A_186 = arith.constant 0 : i32
      %dma_start3A_187 = tpu.memref_slice %arg9[%dma_start3A_185, %dma_start3A_186] : memref<8x128xi32, #tpu.memory_space<vmem>> -> memref<1x128xi32, #tpu.memory_space<vmem>>
      %dma_start3A_188 = tpu.memref_squeeze %dma_start3A_187 : memref<1x128xi32, #tpu.memory_space<vmem>> -> memref<128xi32, #tpu.memory_space<vmem>>
      %dma_start3A_189 = arith.constant 0 : i32
      %dma_start3A_190 = arith.constant 0 : i32
      %dma_start3A_191 = tpu.memref_slice %arg13[%dma_start3A_189, %dma_start3A_190] : memref<10240x128xf32, #tpu.memory_space<vmem_shared>> -> memref<10240x128xf32, #tpu.memory_space<vmem_shared>>
      tpu.enqueue_indirect_dma source(%arg11 : memref<128x128xf32, #tpu.memory_space<vmem>>) target(%dma_start3A_191 : memref<10240x128xf32, #tpu.memory_space<vmem_shared>>) offsets(%dma_start3A_188 : memref<128xi32, #tpu.memory_space<vmem>>) semaphore(%arg16 : memref<!tpu.dma_semaphore, #tpu.memory_space<semaphore_mem>>) {add = true}
      %dma_wait3A_192 = arith.constant 0 : i32
      %dma_wait3A_193 = arith.constant 0 : i32
      %dma_wait3A_194 = tpu.memref_slice %arg9[%dma_wait3A_192, %dma_wait3A_193] : memref<8x128xi32, #tpu.memory_space<vmem>> -> memref<1x128xi32, #tpu.memory_space<vmem>>
      %dma_wait3A_195 = tpu.memref_squeeze %dma_wait3A_194 : memref<1x128xi32, #tpu.memory_space<vmem>> -> memref<128xi32, #tpu.memory_space<vmem>>
      %dma_wait3A_196 = arith.constant 0 : i32
      %dma_wait3A_197 = arith.constant 0 : i32
      %dma_wait3A_198 = tpu.memref_slice %arg13[%dma_wait3A_196, %dma_wait3A_197] : memref<10240x128xf32, #tpu.memory_space<vmem_shared>> -> memref<10240x128xf32, #tpu.memory_space<vmem_shared>>
      tpu.wait_indirect_dma semaphore(%arg16 : memref<!tpu.dma_semaphore, #tpu.memory_space<semaphore_mem>>) src(%arg11 : memref<128x128xf32, #tpu.memory_space<vmem>>) dst(%dma_wait3A_198 : memref<10240x128xf32, #tpu.memory_space<vmem_shared>>)
      %dma_start3A_199 = arith.constant 2 : i32
      %dma_start3A_200 = arith.constant 0 : i32
      %dma_start3A_201 = tpu.memref_slice %arg7[%dma_start3A_199, %dma_start3A_200] : memref<8x128xi32, #tpu.memory_space<vmem>> -> memref<1x128xi32, #tpu.memory_space<vmem>>
      %dma_start3A_202 = tpu.memref_squeeze %dma_start3A_201 : memref<1x128xi32, #tpu.memory_space<vmem>> -> memref<128xi32, #tpu.memory_space<vmem>>
      %dma_start3A_203 = arith.constant 0 : i32
      %dma_start3A_204 = arith.constant 0 : i32
      %dma_start3A_205 = tpu.memref_slice %arg2[%dma_start3A_203, %dma_start3A_204] : memref<10240x128xf32, #tpu.memory_space<hbm>> -> memref<10240x128xf32, #tpu.memory_space<hbm>>
      tpu.enqueue_indirect_dma source(%dma_start3A_205 : memref<10240x128xf32, #tpu.memory_space<hbm>>) target(%arg11 : memref<128x128xf32, #tpu.memory_space<vmem>>) offsets(%dma_start3A_202 : memref<128xi32, #tpu.memory_space<vmem>>) semaphore(%arg14 : memref<!tpu.dma_semaphore, #tpu.memory_space<semaphore_mem>>)
      %dma_wait3A_206 = arith.constant 0 : i32
      %dma_wait3A_207 = arith.constant 0 : i32
      %dma_wait3A_208 = tpu.memref_slice %arg7[%dma_wait3A_206, %dma_wait3A_207] : memref<8x128xi32, #tpu.memory_space<vmem>> -> memref<1x128xi32, #tpu.memory_space<vmem>>
      %dma_wait3A_209 = tpu.memref_squeeze %dma_wait3A_208 : memref<1x128xi32, #tpu.memory_space<vmem>> -> memref<128xi32, #tpu.memory_space<vmem>>
      %dma_wait3A_210 = arith.constant 0 : i32
      %dma_wait3A_211 = arith.constant 0 : i32
      %dma_wait3A_212 = tpu.memref_slice %arg2[%dma_wait3A_210, %dma_wait3A_211] : memref<10240x128xf32, #tpu.memory_space<hbm>> -> memref<10240x128xf32, #tpu.memory_space<hbm>>
      tpu.wait_indirect_dma semaphore(%arg15 : memref<!tpu.dma_semaphore, #tpu.memory_space<semaphore_mem>>) src(%dma_wait3A_212 : memref<10240x128xf32, #tpu.memory_space<hbm>>) dst(%arg12 : memref<128x128xf32, #tpu.memory_space<vmem>>)
      %dma_start3A_213 = arith.constant 1 : i32
      %dma_start3A_214 = arith.constant 0 : i32
      %dma_start3A_215 = tpu.memref_slice %arg9[%dma_start3A_213, %dma_start3A_214] : memref<8x128xi32, #tpu.memory_space<vmem>> -> memref<1x128xi32, #tpu.memory_space<vmem>>
      %dma_start3A_216 = tpu.memref_squeeze %dma_start3A_215 : memref<1x128xi32, #tpu.memory_space<vmem>> -> memref<128xi32, #tpu.memory_space<vmem>>
      %dma_start3A_217 = arith.constant 0 : i32
      %dma_start3A_218 = arith.constant 0 : i32
      %dma_start3A_219 = tpu.memref_slice %arg13[%dma_start3A_217, %dma_start3A_218] : memref<10240x128xf32, #tpu.memory_space<vmem_shared>> -> memref<10240x128xf32, #tpu.memory_space<vmem_shared>>
      tpu.enqueue_indirect_dma source(%arg12 : memref<128x128xf32, #tpu.memory_space<vmem>>) target(%dma_start3A_219 : memref<10240x128xf32, #tpu.memory_space<vmem_shared>>) offsets(%dma_start3A_216 : memref<128xi32, #tpu.memory_space<vmem>>) semaphore(%arg17 : memref<!tpu.dma_semaphore, #tpu.memory_space<semaphore_mem>>) {add = true}
      %dma_wait3A_220 = arith.constant 1 : i32
      %dma_wait3A_221 = arith.constant 0 : i32
      %dma_wait3A_222 = tpu.memref_slice %arg9[%dma_wait3A_220, %dma_wait3A_221] : memref<8x128xi32, #tpu.memory_space<vmem>> -> memref<1x128xi32, #tpu.memory_space<vmem>>
      %dma_wait3A_223 = tpu.memref_squeeze %dma_wait3A_222 : memref<1x128xi32, #tpu.memory_space<vmem>> -> memref<128xi32, #tpu.memory_space<vmem>>
      %dma_wait3A_224 = arith.constant 0 : i32
      %dma_wait3A_225 = arith.constant 0 : i32
      %dma_wait3A_226 = tpu.memref_slice %arg13[%dma_wait3A_224, %dma_wait3A_225] : memref<10240x128xf32, #tpu.memory_space<vmem_shared>> -> memref<10240x128xf32, #tpu.memory_space<vmem_shared>>
      tpu.wait_indirect_dma semaphore(%arg17 : memref<!tpu.dma_semaphore, #tpu.memory_space<semaphore_mem>>) src(%arg12 : memref<128x128xf32, #tpu.memory_space<vmem>>) dst(%dma_wait3A_226 : memref<10240x128xf32, #tpu.memory_space<vmem_shared>>)
      %dma_start3A_227 = arith.constant 3 : i32
      %dma_start3A_228 = arith.constant 0 : i32
      %dma_start3A_229 = tpu.memref_slice %arg7[%dma_start3A_227, %dma_start3A_228] : memref<8x128xi32, #tpu.memory_space<vmem>> -> memref<1x128xi32, #tpu.memory_space<vmem>>
      %dma_start3A_230 = tpu.memref_squeeze %dma_start3A_229 : memref<1x128xi32, #tpu.memory_space<vmem>> -> memref<128xi32, #tpu.memory_space<vmem>>
      %dma_start3A_231 = arith.constant 0 : i32
      %dma_start3A_232 = arith.constant 0 : i32
      %dma_start3A_233 = tpu.memref_slice %arg2[%dma_start3A_231, %dma_start3A_232] : memref<10240x128xf32, #tpu.memory_space<hbm>> -> memref<10240x128xf32, #tpu.memory_space<hbm>>
      tpu.enqueue_indirect_dma source(%dma_start3A_233 : memref<10240x128xf32, #tpu.memory_space<hbm>>) target(%arg12 : memref<128x128xf32, #tpu.memory_space<vmem>>) offsets(%dma_start3A_230 : memref<128xi32, #tpu.memory_space<vmem>>) semaphore(%arg15 : memref<!tpu.dma_semaphore, #tpu.memory_space<semaphore_mem>>)
      %dma_wait3A_234 = arith.constant 0 : i32
      %dma_wait3A_235 = arith.constant 0 : i32
      %dma_wait3A_236 = tpu.memref_slice %arg7[%dma_wait3A_234, %dma_wait3A_235] : memref<8x128xi32, #tpu.memory_space<vmem>> -> memref<1x128xi32, #tpu.memory_space<vmem>>
      %dma_wait3A_237 = tpu.memref_squeeze %dma_wait3A_236 : memref<1x128xi32, #tpu.memory_space<vmem>> -> memref<128xi32, #tpu.memory_space<vmem>>
      %dma_wait3A_238 = arith.constant 0 : i32
      %dma_wait3A_239 = arith.constant 0 : i32
      %dma_wait3A_240 = tpu.memref_slice %arg2[%dma_wait3A_238, %dma_wait3A_239] : memref<10240x128xf32, #tpu.memory_space<hbm>> -> memref<10240x128xf32, #tpu.memory_space<hbm>>
      tpu.wait_indirect_dma semaphore(%arg14 : memref<!tpu.dma_semaphore, #tpu.memory_space<semaphore_mem>>) src(%dma_wait3A_240 : memref<10240x128xf32, #tpu.memory_space<hbm>>) dst(%arg11 : memref<128x128xf32, #tpu.memory_space<vmem>>)
      %dma_start3A_241 = arith.constant 2 : i32
      %dma_start3A_242 = arith.constant 0 : i32
      %dma_start3A_243 = tpu.memref_slice %arg9[%dma_start3A_241, %dma_start3A_242] : memref<8x128xi32, #tpu.memory_space<vmem>> -> memref<1x128xi32, #tpu.memory_space<vmem>>
      %dma_start3A_244 = tpu.memref_squeeze %dma_start3A_243 : memref<1x128xi32, #tpu.memory_space<vmem>> -> memref<128xi32, #tpu.memory_space<vmem>>
      %dma_start3A_245 = arith.constant 0 : i32
      %dma_start3A_246 = arith.constant 0 : i32
      %dma_start3A_247 = tpu.memref_slice %arg13[%dma_start3A_245, %dma_start3A_246] : memref<10240x128xf32, #tpu.memory_space<vmem_shared>> -> memref<10240x128xf32, #tpu.memory_space<vmem_shared>>
      tpu.enqueue_indirect_dma source(%arg11 : memref<128x128xf32, #tpu.memory_space<vmem>>) target(%dma_start3A_247 : memref<10240x128xf32, #tpu.memory_space<vmem_shared>>) offsets(%dma_start3A_244 : memref<128xi32, #tpu.memory_space<vmem>>) semaphore(%arg16 : memref<!tpu.dma_semaphore, #tpu.memory_space<semaphore_mem>>) {add = true}
      %dma_wait3A_248 = arith.constant 2 : i32
      %dma_wait3A_249 = arith.constant 0 : i32
      %dma_wait3A_250 = tpu.memref_slice %arg9[%dma_wait3A_248, %dma_wait3A_249] : memref<8x128xi32, #tpu.memory_space<vmem>> -> memref<1x128xi32, #tpu.memory_space<vmem>>
      %dma_wait3A_251 = tpu.memref_squeeze %dma_wait3A_250 : memref<1x128xi32, #tpu.memory_space<vmem>> -> memref<128xi32, #tpu.memory_space<vmem>>
      %dma_wait3A_252 = arith.constant 0 : i32
      %dma_wait3A_253 = arith.constant 0 : i32
      %dma_wait3A_254 = tpu.memref_slice %arg13[%dma_wait3A_252, %dma_wait3A_253] : memref<10240x128xf32, #tpu.memory_space<vmem_shared>> -> memref<10240x128xf32, #tpu.memory_space<vmem_shared>>
      tpu.wait_indirect_dma semaphore(%arg16 : memref<!tpu.dma_semaphore, #tpu.memory_space<semaphore_mem>>) src(%arg11 : memref<128x128xf32, #tpu.memory_space<vmem>>) dst(%dma_wait3A_254 : memref<10240x128xf32, #tpu.memory_space<vmem_shared>>)
      %dma_start3A_255 = arith.constant 4 : i32
      %dma_start3A_256 = arith.constant 0 : i32
      %dma_start3A_257 = tpu.memref_slice %arg7[%dma_start3A_255, %dma_start3A_256] : memref<8x128xi32, #tpu.memory_space<vmem>> -> memref<1x128xi32, #tpu.memory_space<vmem>>
      %dma_start3A_258 = tpu.memref_squeeze %dma_start3A_257 : memref<1x128xi32, #tpu.memory_space<vmem>> -> memref<128xi32, #tpu.memory_space<vmem>>
      %dma_start3A_259 = arith.constant 0 : i32
      %dma_start3A_260 = arith.constant 0 : i32
      %dma_start3A_261 = tpu.memref_slice %arg2[%dma_start3A_259, %dma_start3A_260] : memref<10240x128xf32, #tpu.memory_space<hbm>> -> memref<10240x128xf32, #tpu.memory_space<hbm>>
      tpu.enqueue_indirect_dma source(%dma_start3A_261 : memref<10240x128xf32, #tpu.memory_space<hbm>>) target(%arg11 : memref<128x128xf32, #tpu.memory_space<vmem>>) offsets(%dma_start3A_258 : memref<128xi32, #tpu.memory_space<vmem>>) semaphore(%arg14 : memref<!tpu.dma_semaphore, #tpu.memory_space<semaphore_mem>>)
      %dma_wait3A_262 = arith.constant 0 : i32
      %dma_wait3A_263 = arith.constant 0 : i32
      %dma_wait3A_264 = tpu.memref_slice %arg7[%dma_wait3A_262, %dma_wait3A_263] : memref<8x128xi32, #tpu.memory_space<vmem>> -> memref<1x128xi32, #tpu.memory_space<vmem>>
      %dma_wait3A_265 = tpu.memref_squeeze %dma_wait3A_264 : memref<1x128xi32, #tpu.memory_space<vmem>> -> memref<128xi32, #tpu.memory_space<vmem>>
      %dma_wait3A_266 = arith.constant 0 : i32
      %dma_wait3A_267 = arith.constant 0 : i32
      %dma_wait3A_268 = tpu.memref_slice %arg2[%dma_wait3A_266, %dma_wait3A_267] : memref<10240x128xf32, #tpu.memory_space<hbm>> -> memref<10240x128xf32, #tpu.memory_space<hbm>>
      tpu.wait_indirect_dma semaphore(%arg15 : memref<!tpu.dma_semaphore, #tpu.memory_space<semaphore_mem>>) src(%dma_wait3A_268 : memref<10240x128xf32, #tpu.memory_space<hbm>>) dst(%arg12 : memref<128x128xf32, #tpu.memory_space<vmem>>)
      %dma_start3A_269 = arith.constant 3 : i32
      %dma_start3A_270 = arith.constant 0 : i32
      %dma_start3A_271 = tpu.memref_slice %arg9[%dma_start3A_269, %dma_start3A_270] : memref<8x128xi32, #tpu.memory_space<vmem>> -> memref<1x128xi32, #tpu.memory_space<vmem>>
      %dma_start3A_272 = tpu.memref_squeeze %dma_start3A_271 : memref<1x128xi32, #tpu.memory_space<vmem>> -> memref<128xi32, #tpu.memory_space<vmem>>
      %dma_start3A_273 = arith.constant 0 : i32
      %dma_start3A_274 = arith.constant 0 : i32
      %dma_start3A_275 = tpu.memref_slice %arg13[%dma_start3A_273, %dma_start3A_274] : memref<10240x128xf32, #tpu.memory_space<vmem_shared>> -> memref<10240x128xf32, #tpu.memory_space<vmem_shared>>
      tpu.enqueue_indirect_dma source(%arg12 : memref<128x128xf32, #tpu.memory_space<vmem>>) target(%dma_start3A_275 : memref<10240x128xf32, #tpu.memory_space<vmem_shared>>) offsets(%dma_start3A_272 : memref<128xi32, #tpu.memory_space<vmem>>) semaphore(%arg17 : memref<!tpu.dma_semaphore, #tpu.memory_space<semaphore_mem>>) {add = true}
      %dma_wait3A_276 = arith.constant 3 : i32
      %dma_wait3A_277 = arith.constant 0 : i32
      %dma_wait3A_278 = tpu.memref_slice %arg9[%dma_wait3A_276, %dma_wait3A_277] : memref<8x128xi32, #tpu.memory_space<vmem>> -> memref<1x128xi32, #tpu.memory_space<vmem>>
      %dma_wait3A_279 = tpu.memref_squeeze %dma_wait3A_278 : memref<1x128xi32, #tpu.memory_space<vmem>> -> memref<128xi32, #tpu.memory_space<vmem>>
      %dma_wait3A_280 = arith.constant 0 : i32
      %dma_wait3A_281 = arith.constant 0 : i32
      %dma_wait3A_282 = tpu.memref_slice %arg13[%dma_wait3A_280, %dma_wait3A_281] : memref<10240x128xf32, #tpu.memory_space<vmem_shared>> -> memref<10240x128xf32, #tpu.memory_space<vmem_shared>>
      tpu.wait_indirect_dma semaphore(%arg17 : memref<!tpu.dma_semaphore, #tpu.memory_space<semaphore_mem>>) src(%arg12 : memref<128x128xf32, #tpu.memory_space<vmem>>) dst(%dma_wait3A_282 : memref<10240x128xf32, #tpu.memory_space<vmem_shared>>)
      %dma_start3A_283 = arith.constant 5 : i32
      %dma_start3A_284 = arith.constant 0 : i32
      %dma_start3A_285 = tpu.memref_slice %arg7[%dma_start3A_283, %dma_start3A_284] : memref<8x128xi32, #tpu.memory_space<vmem>> -> memref<1x128xi32, #tpu.memory_space<vmem>>
      %dma_start3A_286 = tpu.memref_squeeze %dma_start3A_285 : memref<1x128xi32, #tpu.memory_space<vmem>> -> memref<128xi32, #tpu.memory_space<vmem>>
      %dma_start3A_287 = arith.constant 0 : i32
      %dma_start3A_288 = arith.constant 0 : i32
      %dma_start3A_289 = tpu.memref_slice %arg2[%dma_start3A_287, %dma_start3A_288] : memref<10240x128xf32, #tpu.memory_space<hbm>> -> memref<10240x128xf32, #tpu.memory_space<hbm>>
      tpu.enqueue_indirect_dma source(%dma_start3A_289 : memref<10240x128xf32, #tpu.memory_space<hbm>>) target(%arg12 : memref<128x128xf32, #tpu.memory_space<vmem>>) offsets(%dma_start3A_286 : memref<128xi32, #tpu.memory_space<vmem>>) semaphore(%arg15 : memref<!tpu.dma_semaphore, #tpu.memory_space<semaphore_mem>>)
      %dma_wait3A_290 = arith.constant 0 : i32
      %dma_wait3A_291 = arith.constant 0 : i32
      %dma_wait3A_292 = tpu.memref_slice %arg7[%dma_wait3A_290, %dma_wait3A_291] : memref<8x128xi32, #tpu.memory_space<vmem>> -> memref<1x128xi32, #tpu.memory_space<vmem>>
      %dma_wait3A_293 = tpu.memref_squeeze %dma_wait3A_292 : memref<1x128xi32, #tpu.memory_space<vmem>> -> memref<128xi32, #tpu.memory_space<vmem>>
      %dma_wait3A_294 = arith.constant 0 : i32
      %dma_wait3A_295 = arith.constant 0 : i32
      %dma_wait3A_296 = tpu.memref_slice %arg2[%dma_wait3A_294, %dma_wait3A_295] : memref<10240x128xf32, #tpu.memory_space<hbm>> -> memref<10240x128xf32, #tpu.memory_space<hbm>>
      tpu.wait_indirect_dma semaphore(%arg14 : memref<!tpu.dma_semaphore, #tpu.memory_space<semaphore_mem>>) src(%dma_wait3A_296 : memref<10240x128xf32, #tpu.memory_space<hbm>>) dst(%arg11 : memref<128x128xf32, #tpu.memory_space<vmem>>)
      %dma_start3A_297 = arith.constant 4 : i32
      %dma_start3A_298 = arith.constant 0 : i32
      %dma_start3A_299 = tpu.memref_slice %arg9[%dma_start3A_297, %dma_start3A_298] : memref<8x128xi32, #tpu.memory_space<vmem>> -> memref<1x128xi32, #tpu.memory_space<vmem>>
      %dma_start3A_300 = tpu.memref_squeeze %dma_start3A_299 : memref<1x128xi32, #tpu.memory_space<vmem>> -> memref<128xi32, #tpu.memory_space<vmem>>
      %dma_start3A_301 = arith.constant 0 : i32
      %dma_start3A_302 = arith.constant 0 : i32
      %dma_start3A_303 = tpu.memref_slice %arg13[%dma_start3A_301, %dma_start3A_302] : memref<10240x128xf32, #tpu.memory_space<vmem_shared>> -> memref<10240x128xf32, #tpu.memory_space<vmem_shared>>
      tpu.enqueue_indirect_dma source(%arg11 : memref<128x128xf32, #tpu.memory_space<vmem>>) target(%dma_start3A_303 : memref<10240x128xf32, #tpu.memory_space<vmem_shared>>) offsets(%dma_start3A_300 : memref<128xi32, #tpu.memory_space<vmem>>) semaphore(%arg16 : memref<!tpu.dma_semaphore, #tpu.memory_space<semaphore_mem>>) {add = true}
      %dma_wait3A_304 = arith.constant 4 : i32
      %dma_wait3A_305 = arith.constant 0 : i32
      %dma_wait3A_306 = tpu.memref_slice %arg9[%dma_wait3A_304, %dma_wait3A_305] : memref<8x128xi32, #tpu.memory_space<vmem>> -> memref<1x128xi32, #tpu.memory_space<vmem>>
      %dma_wait3A_307 = tpu.memref_squeeze %dma_wait3A_306 : memref<1x128xi32, #tpu.memory_space<vmem>> -> memref<128xi32, #tpu.memory_space<vmem>>
      %dma_wait3A_308 = arith.constant 0 : i32
      %dma_wait3A_309 = arith.constant 0 : i32
      %dma_wait3A_310 = tpu.memref_slice %arg13[%dma_wait3A_308, %dma_wait3A_309] : memref<10240x128xf32, #tpu.memory_space<vmem_shared>> -> memref<10240x128xf32, #tpu.memory_space<vmem_shared>>
      tpu.wait_indirect_dma semaphore(%arg16 : memref<!tpu.dma_semaphore, #tpu.memory_space<semaphore_mem>>) src(%arg11 : memref<128x128xf32, #tpu.memory_space<vmem>>) dst(%dma_wait3A_310 : memref<10240x128xf32, #tpu.memory_space<vmem_shared>>)
      %dma_start3A_311 = arith.constant 6 : i32
      %dma_start3A_312 = arith.constant 0 : i32
      %dma_start3A_313 = tpu.memref_slice %arg7[%dma_start3A_311, %dma_start3A_312] : memref<8x128xi32, #tpu.memory_space<vmem>> -> memref<1x128xi32, #tpu.memory_space<vmem>>
      %dma_start3A_314 = tpu.memref_squeeze %dma_start3A_313 : memref<1x128xi32, #tpu.memory_space<vmem>> -> memref<128xi32, #tpu.memory_space<vmem>>
      %dma_start3A_315 = arith.constant 0 : i32
      %dma_start3A_316 = arith.constant 0 : i32
      %dma_start3A_317 = tpu.memref_slice %arg2[%dma_start3A_315, %dma_start3A_316] : memref<10240x128xf32, #tpu.memory_space<hbm>> -> memref<10240x128xf32, #tpu.memory_space<hbm>>
      tpu.enqueue_indirect_dma source(%dma_start3A_317 : memref<10240x128xf32, #tpu.memory_space<hbm>>) target(%arg11 : memref<128x128xf32, #tpu.memory_space<vmem>>) offsets(%dma_start3A_314 : memref<128xi32, #tpu.memory_space<vmem>>) semaphore(%arg14 : memref<!tpu.dma_semaphore, #tpu.memory_space<semaphore_mem>>)
      %dma_wait3A_318 = arith.constant 0 : i32
      %dma_wait3A_319 = arith.constant 0 : i32
      %dma_wait3A_320 = tpu.memref_slice %arg7[%dma_wait3A_318, %dma_wait3A_319] : memref<8x128xi32, #tpu.memory_space<vmem>> -> memref<1x128xi32, #tpu.memory_space<vmem>>
      %dma_wait3A_321 = tpu.memref_squeeze %dma_wait3A_320 : memref<1x128xi32, #tpu.memory_space<vmem>> -> memref<128xi32, #tpu.memory_space<vmem>>
      %dma_wait3A_322 = arith.constant 0 : i32
      %dma_wait3A_323 = arith.constant 0 : i32
      %dma_wait3A_324 = tpu.memref_slice %arg2[%dma_wait3A_322, %dma_wait3A_323] : memref<10240x128xf32, #tpu.memory_space<hbm>> -> memref<10240x128xf32, #tpu.memory_space<hbm>>
      tpu.wait_indirect_dma semaphore(%arg15 : memref<!tpu.dma_semaphore, #tpu.memory_space<semaphore_mem>>) src(%dma_wait3A_324 : memref<10240x128xf32, #tpu.memory_space<hbm>>) dst(%arg12 : memref<128x128xf32, #tpu.memory_space<vmem>>)
      %dma_start3A_325 = arith.constant 5 : i32
      %dma_start3A_326 = arith.constant 0 : i32
      %dma_start3A_327 = tpu.memref_slice %arg9[%dma_start3A_325, %dma_start3A_326] : memref<8x128xi32, #tpu.memory_space<vmem>> -> memref<1x128xi32, #tpu.memory_space<vmem>>
      %dma_start3A_328 = tpu.memref_squeeze %dma_start3A_327 : memref<1x128xi32, #tpu.memory_space<vmem>> -> memref<128xi32, #tpu.memory_space<vmem>>
      %dma_start3A_329 = arith.constant 0 : i32
      %dma_start3A_330 = arith.constant 0 : i32
      %dma_start3A_331 = tpu.memref_slice %arg13[%dma_start3A_329, %dma_start3A_330] : memref<10240x128xf32, #tpu.memory_space<vmem_shared>> -> memref<10240x128xf32, #tpu.memory_space<vmem_shared>>
      tpu.enqueue_indirect_dma source(%arg12 : memref<128x128xf32, #tpu.memory_space<vmem>>) target(%dma_start3A_331 : memref<10240x128xf32, #tpu.memory_space<vmem_shared>>) offsets(%dma_start3A_328 : memref<128xi32, #tpu.memory_space<vmem>>) semaphore(%arg17 : memref<!tpu.dma_semaphore, #tpu.memory_space<semaphore_mem>>) {add = true}
      %dma_wait3A_332 = arith.constant 5 : i32
      %dma_wait3A_333 = arith.constant 0 : i32
      %dma_wait3A_334 = tpu.memref_slice %arg9[%dma_wait3A_332, %dma_wait3A_333] : memref<8x128xi32, #tpu.memory_space<vmem>> -> memref<1x128xi32, #tpu.memory_space<vmem>>
      %dma_wait3A_335 = tpu.memref_squeeze %dma_wait3A_334 : memref<1x128xi32, #tpu.memory_space<vmem>> -> memref<128xi32, #tpu.memory_space<vmem>>
      %dma_wait3A_336 = arith.constant 0 : i32
      %dma_wait3A_337 = arith.constant 0 : i32
      %dma_wait3A_338 = tpu.memref_slice %arg13[%dma_wait3A_336, %dma_wait3A_337] : memref<10240x128xf32, #tpu.memory_space<vmem_shared>> -> memref<10240x128xf32, #tpu.memory_space<vmem_shared>>
      tpu.wait_indirect_dma semaphore(%arg17 : memref<!tpu.dma_semaphore, #tpu.memory_space<semaphore_mem>>) src(%arg12 : memref<128x128xf32, #tpu.memory_space<vmem>>) dst(%dma_wait3A_338 : memref<10240x128xf32, #tpu.memory_space<vmem_shared>>)
      %dma_start3A_339 = arith.constant 7 : i32
      %dma_start3A_340 = arith.constant 0 : i32
      %dma_start3A_341 = tpu.memref_slice %arg7[%dma_start3A_339, %dma_start3A_340] : memref<8x128xi32, #tpu.memory_space<vmem>> -> memref<1x128xi32, #tpu.memory_space<vmem>>
      %dma_start3A_342 = tpu.memref_squeeze %dma_start3A_341 : memref<1x128xi32, #tpu.memory_space<vmem>> -> memref<128xi32, #tpu.memory_space<vmem>>
      %dma_start3A_343 = arith.constant 0 : i32
      %dma_start3A_344 = arith.constant 0 : i32
      %dma_start3A_345 = tpu.memref_slice %arg2[%dma_start3A_343, %dma_start3A_344] : memref<10240x128xf32, #tpu.memory_space<hbm>> -> memref<10240x128xf32, #tpu.memory_space<hbm>>
      tpu.enqueue_indirect_dma source(%dma_start3A_345 : memref<10240x128xf32, #tpu.memory_space<hbm>>) target(%arg12 : memref<128x128xf32, #tpu.memory_space<vmem>>) offsets(%dma_start3A_342 : memref<128xi32, #tpu.memory_space<vmem>>) semaphore(%arg15 : memref<!tpu.dma_semaphore, #tpu.memory_space<semaphore_mem>>)
      %dma_wait3A_346 = arith.constant 0 : i32
      %dma_wait3A_347 = arith.constant 0 : i32
      %dma_wait3A_348 = tpu.memref_slice %arg7[%dma_wait3A_346, %dma_wait3A_347] : memref<8x128xi32, #tpu.memory_space<vmem>> -> memref<1x128xi32, #tpu.memory_space<vmem>>
      %dma_wait3A_349 = tpu.memref_squeeze %dma_wait3A_348 : memref<1x128xi32, #tpu.memory_space<vmem>> -> memref<128xi32, #tpu.memory_space<vmem>>
      %dma_wait3A_350 = arith.constant 0 : i32
      %dma_wait3A_351 = arith.constant 0 : i32
      %dma_wait3A_352 = tpu.memref_slice %arg2[%dma_wait3A_350, %dma_wait3A_351] : memref<10240x128xf32, #tpu.memory_space<hbm>> -> memref<10240x128xf32, #tpu.memory_space<hbm>>
      tpu.wait_indirect_dma semaphore(%arg14 : memref<!tpu.dma_semaphore, #tpu.memory_space<semaphore_mem>>) src(%dma_wait3A_352 : memref<10240x128xf32, #tpu.memory_space<hbm>>) dst(%arg11 : memref<128x128xf32, #tpu.memory_space<vmem>>)
      %dma_start3A_353 = arith.constant 6 : i32
      %dma_start3A_354 = arith.constant 0 : i32
      %dma_start3A_355 = tpu.memref_slice %arg9[%dma_start3A_353, %dma_start3A_354] : memref<8x128xi32, #tpu.memory_space<vmem>> -> memref<1x128xi32, #tpu.memory_space<vmem>>
      %dma_start3A_356 = tpu.memref_squeeze %dma_start3A_355 : memref<1x128xi32, #tpu.memory_space<vmem>> -> memref<128xi32, #tpu.memory_space<vmem>>
      %dma_start3A_357 = arith.constant 0 : i32
      %dma_start3A_358 = arith.constant 0 : i32
      %dma_start3A_359 = tpu.memref_slice %arg13[%dma_start3A_357, %dma_start3A_358] : memref<10240x128xf32, #tpu.memory_space<vmem_shared>> -> memref<10240x128xf32, #tpu.memory_space<vmem_shared>>
      tpu.enqueue_indirect_dma source(%arg11 : memref<128x128xf32, #tpu.memory_space<vmem>>) target(%dma_start3A_359 : memref<10240x128xf32, #tpu.memory_space<vmem_shared>>) offsets(%dma_start3A_356 : memref<128xi32, #tpu.memory_space<vmem>>) semaphore(%arg16 : memref<!tpu.dma_semaphore, #tpu.memory_space<semaphore_mem>>) {add = true}
      %dma_wait3A_360 = arith.constant 6 : i32
      %dma_wait3A_361 = arith.constant 0 : i32
      %dma_wait3A_362 = tpu.memref_slice %arg9[%dma_wait3A_360, %dma_wait3A_361] : memref<8x128xi32, #tpu.memory_space<vmem>> -> memref<1x128xi32, #tpu.memory_space<vmem>>
      %dma_wait3A_363 = tpu.memref_squeeze %dma_wait3A_362 : memref<1x128xi32, #tpu.memory_space<vmem>> -> memref<128xi32, #tpu.memory_space<vmem>>
      %dma_wait3A_364 = arith.constant 0 : i32
      %dma_wait3A_365 = arith.constant 0 : i32
      %dma_wait3A_366 = tpu.memref_slice %arg13[%dma_wait3A_364, %dma_wait3A_365] : memref<10240x128xf32, #tpu.memory_space<vmem_shared>> -> memref<10240x128xf32, #tpu.memory_space<vmem_shared>>
      tpu.wait_indirect_dma semaphore(%arg16 : memref<!tpu.dma_semaphore, #tpu.memory_space<semaphore_mem>>) src(%arg11 : memref<128x128xf32, #tpu.memory_space<vmem>>) dst(%dma_wait3A_366 : memref<10240x128xf32, #tpu.memory_space<vmem_shared>>)
      %sub3A_367 = arith.constant 1 : i32
      %sub3A_368 = arith.subi %select_n3A_19, %sub3A_367 : i32
      %lt3A = arith.cmpi slt, %mul3A_173, %sub3A_368 : i32
      %convert_element_type3A = arith.extui %lt3A : i1 to i32
      %cond3A = arith.constant 0 : i32
      %cond3A_369 = arith.cmpi ne, %convert_element_type3A, %cond3A : i32
      scf.if %cond3A_369 {
        %dma_wait3A_655 = arith.constant 0 : i32
        %dma_wait3A_656 = tpu.memref_slice %arg3[%select_n3A_26, %dma_wait3A_655] : memref<2560x128xi32, #tpu.memory_space<hbm>> -> memref<8x128xi32, #tpu.memory_space<hbm>>
        %dma_wait3A_657 = arith.constant 0 : i32
        %dma_wait3A_658 = tpu.memref_slice %arg3[%select_n3A_26, %dma_wait3A_657] : memref<2560x128xi32, #tpu.memory_space<hbm>> -> memref<8x128xi32, #tpu.memory_space<hbm>>
        tpu.wait_dma2 semaphore(%arg21 : memref<!tpu.dma_semaphore, #tpu.memory_space<semaphore_mem>>) src(%dma_wait3A_658 : memref<8x128xi32, #tpu.memory_space<hbm>>) dst(%arg8 : memref<8x128xi32, #tpu.memory_space<vmem>>)
      } else {
      }
      %dma_start3A_370 = arith.constant 0 : i32
      %dma_start3A_371 = arith.constant 0 : i32
      %dma_start3A_372 = tpu.memref_slice %arg8[%dma_start3A_370, %dma_start3A_371] : memref<8x128xi32, #tpu.memory_space<vmem>> -> memref<1x128xi32, #tpu.memory_space<vmem>>
      %dma_start3A_373 = tpu.memref_squeeze %dma_start3A_372 : memref<1x128xi32, #tpu.memory_space<vmem>> -> memref<128xi32, #tpu.memory_space<vmem>>
      %dma_start3A_374 = arith.constant 0 : i32
      %dma_start3A_375 = arith.constant 0 : i32
      %dma_start3A_376 = tpu.memref_slice %arg2[%dma_start3A_374, %dma_start3A_375] : memref<10240x128xf32, #tpu.memory_space<hbm>> -> memref<10240x128xf32, #tpu.memory_space<hbm>>
      tpu.enqueue_indirect_dma source(%dma_start3A_376 : memref<10240x128xf32, #tpu.memory_space<hbm>>) target(%arg11 : memref<128x128xf32, #tpu.memory_space<vmem>>) offsets(%dma_start3A_373 : memref<128xi32, #tpu.memory_space<vmem>>) semaphore(%arg14 : memref<!tpu.dma_semaphore, #tpu.memory_space<semaphore_mem>>)
      %dma_wait3A_377 = arith.constant 0 : i32
      %dma_wait3A_378 = arith.constant 0 : i32
      %dma_wait3A_379 = tpu.memref_slice %arg7[%dma_wait3A_377, %dma_wait3A_378] : memref<8x128xi32, #tpu.memory_space<vmem>> -> memref<1x128xi32, #tpu.memory_space<vmem>>
      %dma_wait3A_380 = tpu.memref_squeeze %dma_wait3A_379 : memref<1x128xi32, #tpu.memory_space<vmem>> -> memref<128xi32, #tpu.memory_space<vmem>>
      %dma_wait3A_381 = arith.constant 0 : i32
      %dma_wait3A_382 = arith.constant 0 : i32
      %dma_wait3A_383 = tpu.memref_slice %arg2[%dma_wait3A_381, %dma_wait3A_382] : memref<10240x128xf32, #tpu.memory_space<hbm>> -> memref<10240x128xf32, #tpu.memory_space<hbm>>
      tpu.wait_indirect_dma semaphore(%arg15 : memref<!tpu.dma_semaphore, #tpu.memory_space<semaphore_mem>>) src(%dma_wait3A_383 : memref<10240x128xf32, #tpu.memory_space<hbm>>) dst(%arg12 : memref<128x128xf32, #tpu.memory_space<vmem>>)
      %dma_start3A_384 = arith.constant 7 : i32
      %dma_start3A_385 = arith.constant 0 : i32
      %dma_start3A_386 = tpu.memref_slice %arg9[%dma_start3A_384, %dma_start3A_385] : memref<8x128xi32, #tpu.memory_space<vmem>> -> memref<1x128xi32, #tpu.memory_space<vmem>>
      %dma_start3A_387 = tpu.memref_squeeze %dma_start3A_386 : memref<1x128xi32, #tpu.memory_space<vmem>> -> memref<128xi32, #tpu.memory_space<vmem>>
      %dma_start3A_388 = arith.constant 0 : i32
      %dma_start3A_389 = arith.constant 0 : i32
      %dma_start3A_390 = tpu.memref_slice %arg13[%dma_start3A_388, %dma_start3A_389] : memref<10240x128xf32, #tpu.memory_space<vmem_shared>> -> memref<10240x128xf32, #tpu.memory_space<vmem_shared>>
      tpu.enqueue_indirect_dma source(%arg12 : memref<128x128xf32, #tpu.memory_space<vmem>>) target(%dma_start3A_390 : memref<10240x128xf32, #tpu.memory_space<vmem_shared>>) offsets(%dma_start3A_387 : memref<128xi32, #tpu.memory_space<vmem>>) semaphore(%arg17 : memref<!tpu.dma_semaphore, #tpu.memory_space<semaphore_mem>>) {add = true}
      %dma_wait3A_391 = arith.constant 7 : i32
      %dma_wait3A_392 = arith.constant 0 : i32
      %dma_wait3A_393 = tpu.memref_slice %arg9[%dma_wait3A_391, %dma_wait3A_392] : memref<8x128xi32, #tpu.memory_space<vmem>> -> memref<1x128xi32, #tpu.memory_space<vmem>>
      %dma_wait3A_394 = tpu.memref_squeeze %dma_wait3A_393 : memref<1x128xi32, #tpu.memory_space<vmem>> -> memref<128xi32, #tpu.memory_space<vmem>>
      %dma_wait3A_395 = arith.constant 0 : i32
      %dma_wait3A_396 = arith.constant 0 : i32
      %dma_wait3A_397 = tpu.memref_slice %arg13[%dma_wait3A_395, %dma_wait3A_396] : memref<10240x128xf32, #tpu.memory_space<vmem_shared>> -> memref<10240x128xf32, #tpu.memory_space<vmem_shared>>
      tpu.wait_indirect_dma semaphore(%arg17 : memref<!tpu.dma_semaphore, #tpu.memory_space<semaphore_mem>>) src(%arg12 : memref<128x128xf32, #tpu.memory_space<vmem>>) dst(%dma_wait3A_397 : memref<10240x128xf32, #tpu.memory_space<vmem_shared>>)
      %dma_start3A_398 = arith.constant 1 : i32
      %dma_start3A_399 = arith.constant 0 : i32
      %dma_start3A_400 = tpu.memref_slice %arg8[%dma_start3A_398, %dma_start3A_399] : memref<8x128xi32, #tpu.memory_space<vmem>> -> memref<1x128xi32, #tpu.memory_space<vmem>>
      %dma_start3A_401 = tpu.memref_squeeze %dma_start3A_400 : memref<1x128xi32, #tpu.memory_space<vmem>> -> memref<128xi32, #tpu.memory_space<vmem>>
      %dma_start3A_402 = arith.constant 0 : i32
      %dma_start3A_403 = arith.constant 0 : i32
      %dma_start3A_404 = tpu.memref_slice %arg2[%dma_start3A_402, %dma_start3A_403] : memref<10240x128xf32, #tpu.memory_space<hbm>> -> memref<10240x128xf32, #tpu.memory_space<hbm>>
      tpu.enqueue_indirect_dma source(%dma_start3A_404 : memref<10240x128xf32, #tpu.memory_space<hbm>>) target(%arg12 : memref<128x128xf32, #tpu.memory_space<vmem>>) offsets(%dma_start3A_401 : memref<128xi32, #tpu.memory_space<vmem>>) semaphore(%arg15 : memref<!tpu.dma_semaphore, #tpu.memory_space<semaphore_mem>>)
      %add3A_405 = arith.constant 2 : i32
      %add3A_406 = arith.addi %mul3A_173, %add3A_405 : i32
      %lt3A_407 = arith.cmpi slt, %add3A_406, %select_n3A_19 : i32
      %convert_element_type3A_408 = arith.extui %lt3A_407 : i1 to i32
      %cond3A_409 = arith.constant 0 : i32
      %cond3A_410 = arith.cmpi ne, %convert_element_type3A_408, %cond3A_409 : i32
      scf.if %cond3A_410 {
        %add3A_655 = arith.constant 2 : i32
        %add3A_656 = arith.addi %mul3A_173, %add3A_655 : i32
        %mul3A_657 = arith.constant 8 : i32
        %mul3A_658 = arith.muli %add3A_656, %mul3A_657 : i32
        %add3A_659 = arith.addi %select_n3A_26, %mul3A_658 : i32
        %dma_start3A_660 = arith.constant 0 : i32
        %dma_start3A_661 = tpu.memref_slice %arg3[%add3A_659, %dma_start3A_660] : memref<2560x128xi32, #tpu.memory_space<hbm>> -> memref<8x128xi32, #tpu.memory_space<hbm>>
        %dma_start3A_662 = arith.constant 0 : i32
        %dma_start3A_663 = tpu.memref_slice %arg3[%add3A_659, %dma_start3A_662] : memref<2560x128xi32, #tpu.memory_space<hbm>> -> memref<8x128xi32, #tpu.memory_space<hbm>>
        tpu.enqueue_dma source(%dma_start3A_663 : memref<8x128xi32, #tpu.memory_space<hbm>>) target(%arg7 : memref<8x128xi32, #tpu.memory_space<vmem>>) target_semaphore(%arg20 : memref<!tpu.dma_semaphore, #tpu.memory_space<semaphore_mem>>)
        %add3A_664 = arith.constant 2 : i32
        %add3A_665 = arith.addi %mul3A_173, %add3A_664 : i32
        %mul3A_666 = arith.constant 8 : i32
        %mul3A_667 = arith.muli %add3A_665, %mul3A_666 : i32
        %add3A_668 = arith.addi %select_n3A_26, %mul3A_667 : i32
        %dma_start3A_669 = arith.constant 0 : i32
        %dma_start3A_670 = tpu.memref_slice %arg4[%add3A_668, %dma_start3A_669] : memref<2560x128xi32, #tpu.memory_space<hbm>> -> memref<8x128xi32, #tpu.memory_space<hbm>>
        %dma_start3A_671 = arith.constant 0 : i32
        %dma_start3A_672 = tpu.memref_slice %arg4[%add3A_668, %dma_start3A_671] : memref<2560x128xi32, #tpu.memory_space<hbm>> -> memref<8x128xi32, #tpu.memory_space<hbm>>
        tpu.enqueue_dma source(%dma_start3A_672 : memref<8x128xi32, #tpu.memory_space<hbm>>) target(%arg9 : memref<8x128xi32, #tpu.memory_space<vmem>>) target_semaphore(%arg18 : memref<!tpu.dma_semaphore, #tpu.memory_space<semaphore_mem>>)
      } else {
      }
      %mul3A_411 = arith.constant 2 : i32
      %mul3A_412 = arith.muli %mul3A_411, %while3A_171 : i32
      %add3A_413 = arith.constant 1 : i32
      %add3A_414 = arith.addi %mul3A_412, %add3A_413 : i32
      %dma_wait3A_415 = arith.constant 0 : i32
      %dma_wait3A_416 = tpu.memref_slice %arg4[%select_n3A_26, %dma_wait3A_415] : memref<2560x128xi32, #tpu.memory_space<hbm>> -> memref<8x128xi32, #tpu.memory_space<hbm>>
      %dma_wait3A_417 = arith.constant 0 : i32
      %dma_wait3A_418 = tpu.memref_slice %arg4[%select_n3A_26, %dma_wait3A_417] : memref<2560x128xi32, #tpu.memory_space<hbm>> -> memref<8x128xi32, #tpu.memory_space<hbm>>
      tpu.wait_dma2 semaphore(%arg19 : memref<!tpu.dma_semaphore, #tpu.memory_space<semaphore_mem>>) src(%dma_wait3A_418 : memref<8x128xi32, #tpu.memory_space<hbm>>) dst(%arg10 : memref<8x128xi32, #tpu.memory_space<vmem>>)
      %dma_wait3A_419 = arith.constant 0 : i32
      %dma_wait3A_420 = arith.constant 0 : i32
      %dma_wait3A_421 = tpu.memref_slice %arg8[%dma_wait3A_419, %dma_wait3A_420] : memref<8x128xi32, #tpu.memory_space<vmem>> -> memref<1x128xi32, #tpu.memory_space<vmem>>
      %dma_wait3A_422 = tpu.memref_squeeze %dma_wait3A_421 : memref<1x128xi32, #tpu.memory_space<vmem>> -> memref<128xi32, #tpu.memory_space<vmem>>
      %dma_wait3A_423 = arith.constant 0 : i32
      %dma_wait3A_424 = arith.constant 0 : i32
      %dma_wait3A_425 = tpu.memref_slice %arg2[%dma_wait3A_423, %dma_wait3A_424] : memref<10240x128xf32, #tpu.memory_space<hbm>> -> memref<10240x128xf32, #tpu.memory_space<hbm>>
      tpu.wait_indirect_dma semaphore(%arg14 : memref<!tpu.dma_semaphore, #tpu.memory_space<semaphore_mem>>) src(%dma_wait3A_425 : memref<10240x128xf32, #tpu.memory_space<hbm>>) dst(%arg11 : memref<128x128xf32, #tpu.memory_space<vmem>>)
      %dma_start3A_426 = arith.constant 0 : i32
      %dma_start3A_427 = arith.constant 0 : i32
      %dma_start3A_428 = tpu.memref_slice %arg10[%dma_start3A_426, %dma_start3A_427] : memref<8x128xi32, #tpu.memory_space<vmem>> -> memref<1x128xi32, #tpu.memory_space<vmem>>
      %dma_start3A_429 = tpu.memref_squeeze %dma_start3A_428 : memref<1x128xi32, #tpu.memory_space<vmem>> -> memref<128xi32, #tpu.memory_space<vmem>>
      %dma_start3A_430 = arith.constant 0 : i32
      %dma_start3A_431 = arith.constant 0 : i32
      %dma_start3A_432 = tpu.memref_slice %arg13[%dma_start3A_430, %dma_start3A_431] : memref<10240x128xf32, #tpu.memory_space<vmem_shared>> -> memref<10240x128xf32, #tpu.memory_space<vmem_shared>>
      tpu.enqueue_indirect_dma source(%arg11 : memref<128x128xf32, #tpu.memory_space<vmem>>) target(%dma_start3A_432 : memref<10240x128xf32, #tpu.memory_space<vmem_shared>>) offsets(%dma_start3A_429 : memref<128xi32, #tpu.memory_space<vmem>>) semaphore(%arg16 : memref<!tpu.dma_semaphore, #tpu.memory_space<semaphore_mem>>) {add = true}
      %dma_wait3A_433 = arith.constant 0 : i32
      %dma_wait3A_434 = arith.constant 0 : i32
      %dma_wait3A_435 = tpu.memref_slice %arg10[%dma_wait3A_433, %dma_wait3A_434] : memref<8x128xi32, #tpu.memory_space<vmem>> -> memref<1x128xi32, #tpu.memory_space<vmem>>
      %dma_wait3A_436 = tpu.memref_squeeze %dma_wait3A_435 : memref<1x128xi32, #tpu.memory_space<vmem>> -> memref<128xi32, #tpu.memory_space<vmem>>
      %dma_wait3A_437 = arith.constant 0 : i32
      %dma_wait3A_438 = arith.constant 0 : i32
      %dma_wait3A_439 = tpu.memref_slice %arg13[%dma_wait3A_437, %dma_wait3A_438] : memref<10240x128xf32, #tpu.memory_space<vmem_shared>> -> memref<10240x128xf32, #tpu.memory_space<vmem_shared>>
      tpu.wait_indirect_dma semaphore(%arg16 : memref<!tpu.dma_semaphore, #tpu.memory_space<semaphore_mem>>) src(%arg11 : memref<128x128xf32, #tpu.memory_space<vmem>>) dst(%dma_wait3A_439 : memref<10240x128xf32, #tpu.memory_space<vmem_shared>>)
      %dma_start3A_440 = arith.constant 2 : i32
      %dma_start3A_441 = arith.constant 0 : i32
      %dma_start3A_442 = tpu.memref_slice %arg8[%dma_start3A_440, %dma_start3A_441] : memref<8x128xi32, #tpu.memory_space<vmem>> -> memref<1x128xi32, #tpu.memory_space<vmem>>
      %dma_start3A_443 = tpu.memref_squeeze %dma_start3A_442 : memref<1x128xi32, #tpu.memory_space<vmem>> -> memref<128xi32, #tpu.memory_space<vmem>>
      %dma_start3A_444 = arith.constant 0 : i32
      %dma_start3A_445 = arith.constant 0 : i32
      %dma_start3A_446 = tpu.memref_slice %arg2[%dma_start3A_444, %dma_start3A_445] : memref<10240x128xf32, #tpu.memory_space<hbm>> -> memref<10240x128xf32, #tpu.memory_space<hbm>>
      tpu.enqueue_indirect_dma source(%dma_start3A_446 : memref<10240x128xf32, #tpu.memory_space<hbm>>) target(%arg11 : memref<128x128xf32, #tpu.memory_space<vmem>>) offsets(%dma_start3A_443 : memref<128xi32, #tpu.memory_space<vmem>>) semaphore(%arg14 : memref<!tpu.dma_semaphore, #tpu.memory_space<semaphore_mem>>)
      %dma_wait3A_447 = arith.constant 0 : i32
      %dma_wait3A_448 = arith.constant 0 : i32
      %dma_wait3A_449 = tpu.memref_slice %arg8[%dma_wait3A_447, %dma_wait3A_448] : memref<8x128xi32, #tpu.memory_space<vmem>> -> memref<1x128xi32, #tpu.memory_space<vmem>>
      %dma_wait3A_450 = tpu.memref_squeeze %dma_wait3A_449 : memref<1x128xi32, #tpu.memory_space<vmem>> -> memref<128xi32, #tpu.memory_space<vmem>>
      %dma_wait3A_451 = arith.constant 0 : i32
      %dma_wait3A_452 = arith.constant 0 : i32
      %dma_wait3A_453 = tpu.memref_slice %arg2[%dma_wait3A_451, %dma_wait3A_452] : memref<10240x128xf32, #tpu.memory_space<hbm>> -> memref<10240x128xf32, #tpu.memory_space<hbm>>
      tpu.wait_indirect_dma semaphore(%arg15 : memref<!tpu.dma_semaphore, #tpu.memory_space<semaphore_mem>>) src(%dma_wait3A_453 : memref<10240x128xf32, #tpu.memory_space<hbm>>) dst(%arg12 : memref<128x128xf32, #tpu.memory_space<vmem>>)
      %dma_start3A_454 = arith.constant 1 : i32
      %dma_start3A_455 = arith.constant 0 : i32
      %dma_start3A_456 = tpu.memref_slice %arg10[%dma_start3A_454, %dma_start3A_455] : memref<8x128xi32, #tpu.memory_space<vmem>> -> memref<1x128xi32, #tpu.memory_space<vmem>>
      %dma_start3A_457 = tpu.memref_squeeze %dma_start3A_456 : memref<1x128xi32, #tpu.memory_space<vmem>> -> memref<128xi32, #tpu.memory_space<vmem>>
      %dma_start3A_458 = arith.constant 0 : i32
      %dma_start3A_459 = arith.constant 0 : i32
      %dma_start3A_460 = tpu.memref_slice %arg13[%dma_start3A_458, %dma_start3A_459] : memref<10240x128xf32, #tpu.memory_space<vmem_shared>> -> memref<10240x128xf32, #tpu.memory_space<vmem_shared>>
      tpu.enqueue_indirect_dma source(%arg12 : memref<128x128xf32, #tpu.memory_space<vmem>>) target(%dma_start3A_460 : memref<10240x128xf32, #tpu.memory_space<vmem_shared>>) offsets(%dma_start3A_457 : memref<128xi32, #tpu.memory_space<vmem>>) semaphore(%arg17 : memref<!tpu.dma_semaphore, #tpu.memory_space<semaphore_mem>>) {add = true}
      %dma_wait3A_461 = arith.constant 1 : i32
      %dma_wait3A_462 = arith.constant 0 : i32
      %dma_wait3A_463 = tpu.memref_slice %arg10[%dma_wait3A_461, %dma_wait3A_462] : memref<8x128xi32, #tpu.memory_space<vmem>> -> memref<1x128xi32, #tpu.memory_space<vmem>>
      %dma_wait3A_464 = tpu.memref_squeeze %dma_wait3A_463 : memref<1x128xi32, #tpu.memory_space<vmem>> -> memref<128xi32, #tpu.memory_space<vmem>>
      %dma_wait3A_465 = arith.constant 0 : i32
      %dma_wait3A_466 = arith.constant 0 : i32
      %dma_wait3A_467 = tpu.memref_slice %arg13[%dma_wait3A_465, %dma_wait3A_466] : memref<10240x128xf32, #tpu.memory_space<vmem_shared>> -> memref<10240x128xf32, #tpu.memory_space<vmem_shared>>
      tpu.wait_indirect_dma semaphore(%arg17 : memref<!tpu.dma_semaphore, #tpu.memory_space<semaphore_mem>>) src(%arg12 : memref<128x128xf32, #tpu.memory_space<vmem>>) dst(%dma_wait3A_467 : memref<10240x128xf32, #tpu.memory_space<vmem_shared>>)
      %dma_start3A_468 = arith.constant 3 : i32
      %dma_start3A_469 = arith.constant 0 : i32
      %dma_start3A_470 = tpu.memref_slice %arg8[%dma_start3A_468, %dma_start3A_469] : memref<8x128xi32, #tpu.memory_space<vmem>> -> memref<1x128xi32, #tpu.memory_space<vmem>>
      %dma_start3A_471 = tpu.memref_squeeze %dma_start3A_470 : memref<1x128xi32, #tpu.memory_space<vmem>> -> memref<128xi32, #tpu.memory_space<vmem>>
      %dma_start3A_472 = arith.constant 0 : i32
      %dma_start3A_473 = arith.constant 0 : i32
      %dma_start3A_474 = tpu.memref_slice %arg2[%dma_start3A_472, %dma_start3A_473] : memref<10240x128xf32, #tpu.memory_space<hbm>> -> memref<10240x128xf32, #tpu.memory_space<hbm>>
      tpu.enqueue_indirect_dma source(%dma_start3A_474 : memref<10240x128xf32, #tpu.memory_space<hbm>>) target(%arg12 : memref<128x128xf32, #tpu.memory_space<vmem>>) offsets(%dma_start3A_471 : memref<128xi32, #tpu.memory_space<vmem>>) semaphore(%arg15 : memref<!tpu.dma_semaphore, #tpu.memory_space<semaphore_mem>>)
      %dma_wait3A_475 = arith.constant 0 : i32
      %dma_wait3A_476 = arith.constant 0 : i32
      %dma_wait3A_477 = tpu.memref_slice %arg8[%dma_wait3A_475, %dma_wait3A_476] : memref<8x128xi32, #tpu.memory_space<vmem>> -> memref<1x128xi32, #tpu.memory_space<vmem>>
      %dma_wait3A_478 = tpu.memref_squeeze %dma_wait3A_477 : memref<1x128xi32, #tpu.memory_space<vmem>> -> memref<128xi32, #tpu.memory_space<vmem>>
      %dma_wait3A_479 = arith.constant 0 : i32
      %dma_wait3A_480 = arith.constant 0 : i32
      %dma_wait3A_481 = tpu.memref_slice %arg2[%dma_wait3A_479, %dma_wait3A_480] : memref<10240x128xf32, #tpu.memory_space<hbm>> -> memref<10240x128xf32, #tpu.memory_space<hbm>>
      tpu.wait_indirect_dma semaphore(%arg14 : memref<!tpu.dma_semaphore, #tpu.memory_space<semaphore_mem>>) src(%dma_wait3A_481 : memref<10240x128xf32, #tpu.memory_space<hbm>>) dst(%arg11 : memref<128x128xf32, #tpu.memory_space<vmem>>)
      %dma_start3A_482 = arith.constant 2 : i32
      %dma_start3A_483 = arith.constant 0 : i32
      %dma_start3A_484 = tpu.memref_slice %arg10[%dma_start3A_482, %dma_start3A_483] : memref<8x128xi32, #tpu.memory_space<vmem>> -> memref<1x128xi32, #tpu.memory_space<vmem>>
      %dma_start3A_485 = tpu.memref_squeeze %dma_start3A_484 : memref<1x128xi32, #tpu.memory_space<vmem>> -> memref<128xi32, #tpu.memory_space<vmem>>
      %dma_start3A_486 = arith.constant 0 : i32
      %dma_start3A_487 = arith.constant 0 : i32
      %dma_start3A_488 = tpu.memref_slice %arg13[%dma_start3A_486, %dma_start3A_487] : memref<10240x128xf32, #tpu.memory_space<vmem_shared>> -> memref<10240x128xf32, #tpu.memory_space<vmem_shared>>
      tpu.enqueue_indirect_dma source(%arg11 : memref<128x128xf32, #tpu.memory_space<vmem>>) target(%dma_start3A_488 : memref<10240x128xf32, #tpu.memory_space<vmem_shared>>) offsets(%dma_start3A_485 : memref<128xi32, #tpu.memory_space<vmem>>) semaphore(%arg16 : memref<!tpu.dma_semaphore, #tpu.memory_space<semaphore_mem>>) {add = true}
      %dma_wait3A_489 = arith.constant 2 : i32
      %dma_wait3A_490 = arith.constant 0 : i32
      %dma_wait3A_491 = tpu.memref_slice %arg10[%dma_wait3A_489, %dma_wait3A_490] : memref<8x128xi32, #tpu.memory_space<vmem>> -> memref<1x128xi32, #tpu.memory_space<vmem>>
      %dma_wait3A_492 = tpu.memref_squeeze %dma_wait3A_491 : memref<1x128xi32, #tpu.memory_space<vmem>> -> memref<128xi32, #tpu.memory_space<vmem>>
      %dma_wait3A_493 = arith.constant 0 : i32
      %dma_wait3A_494 = arith.constant 0 : i32
      %dma_wait3A_495 = tpu.memref_slice %arg13[%dma_wait3A_493, %dma_wait3A_494] : memref<10240x128xf32, #tpu.memory_space<vmem_shared>> -> memref<10240x128xf32, #tpu.memory_space<vmem_shared>>
      tpu.wait_indirect_dma semaphore(%arg16 : memref<!tpu.dma_semaphore, #tpu.memory_space<semaphore_mem>>) src(%arg11 : memref<128x128xf32, #tpu.memory_space<vmem>>) dst(%dma_wait3A_495 : memref<10240x128xf32, #tpu.memory_space<vmem_shared>>)
      %dma_start3A_496 = arith.constant 4 : i32
      %dma_start3A_497 = arith.constant 0 : i32
      %dma_start3A_498 = tpu.memref_slice %arg8[%dma_start3A_496, %dma_start3A_497] : memref<8x128xi32, #tpu.memory_space<vmem>> -> memref<1x128xi32, #tpu.memory_space<vmem>>
      %dma_start3A_499 = tpu.memref_squeeze %dma_start3A_498 : memref<1x128xi32, #tpu.memory_space<vmem>> -> memref<128xi32, #tpu.memory_space<vmem>>
      %dma_start3A_500 = arith.constant 0 : i32
      %dma_start3A_501 = arith.constant 0 : i32
      %dma_start3A_502 = tpu.memref_slice %arg2[%dma_start3A_500, %dma_start3A_501] : memref<10240x128xf32, #tpu.memory_space<hbm>> -> memref<10240x128xf32, #tpu.memory_space<hbm>>
      tpu.enqueue_indirect_dma source(%dma_start3A_502 : memref<10240x128xf32, #tpu.memory_space<hbm>>) target(%arg11 : memref<128x128xf32, #tpu.memory_space<vmem>>) offsets(%dma_start3A_499 : memref<128xi32, #tpu.memory_space<vmem>>) semaphore(%arg14 : memref<!tpu.dma_semaphore, #tpu.memory_space<semaphore_mem>>)
      %dma_wait3A_503 = arith.constant 0 : i32
      %dma_wait3A_504 = arith.constant 0 : i32
      %dma_wait3A_505 = tpu.memref_slice %arg8[%dma_wait3A_503, %dma_wait3A_504] : memref<8x128xi32, #tpu.memory_space<vmem>> -> memref<1x128xi32, #tpu.memory_space<vmem>>
      %dma_wait3A_506 = tpu.memref_squeeze %dma_wait3A_505 : memref<1x128xi32, #tpu.memory_space<vmem>> -> memref<128xi32, #tpu.memory_space<vmem>>
      %dma_wait3A_507 = arith.constant 0 : i32
      %dma_wait3A_508 = arith.constant 0 : i32
      %dma_wait3A_509 = tpu.memref_slice %arg2[%dma_wait3A_507, %dma_wait3A_508] : memref<10240x128xf32, #tpu.memory_space<hbm>> -> memref<10240x128xf32, #tpu.memory_space<hbm>>
      tpu.wait_indirect_dma semaphore(%arg15 : memref<!tpu.dma_semaphore, #tpu.memory_space<semaphore_mem>>) src(%dma_wait3A_509 : memref<10240x128xf32, #tpu.memory_space<hbm>>) dst(%arg12 : memref<128x128xf32, #tpu.memory_space<vmem>>)
      %dma_start3A_510 = arith.constant 3 : i32
      %dma_start3A_511 = arith.constant 0 : i32
      %dma_start3A_512 = tpu.memref_slice %arg10[%dma_start3A_510, %dma_start3A_511] : memref<8x128xi32, #tpu.memory_space<vmem>> -> memref<1x128xi32, #tpu.memory_space<vmem>>
      %dma_start3A_513 = tpu.memref_squeeze %dma_start3A_512 : memref<1x128xi32, #tpu.memory_space<vmem>> -> memref<128xi32, #tpu.memory_space<vmem>>
      %dma_start3A_514 = arith.constant 0 : i32
      %dma_start3A_515 = arith.constant 0 : i32
      %dma_start3A_516 = tpu.memref_slice %arg13[%dma_start3A_514, %dma_start3A_515] : memref<10240x128xf32, #tpu.memory_space<vmem_shared>> -> memref<10240x128xf32, #tpu.memory_space<vmem_shared>>
      tpu.enqueue_indirect_dma source(%arg12 : memref<128x128xf32, #tpu.memory_space<vmem>>) target(%dma_start3A_516 : memref<10240x128xf32, #tpu.memory_space<vmem_shared>>) offsets(%dma_start3A_513 : memref<128xi32, #tpu.memory_space<vmem>>) semaphore(%arg17 : memref<!tpu.dma_semaphore, #tpu.memory_space<semaphore_mem>>) {add = true}
      %dma_wait3A_517 = arith.constant 3 : i32
      %dma_wait3A_518 = arith.constant 0 : i32
      %dma_wait3A_519 = tpu.memref_slice %arg10[%dma_wait3A_517, %dma_wait3A_518] : memref<8x128xi32, #tpu.memory_space<vmem>> -> memref<1x128xi32, #tpu.memory_space<vmem>>
      %dma_wait3A_520 = tpu.memref_squeeze %dma_wait3A_519 : memref<1x128xi32, #tpu.memory_space<vmem>> -> memref<128xi32, #tpu.memory_space<vmem>>
      %dma_wait3A_521 = arith.constant 0 : i32
      %dma_wait3A_522 = arith.constant 0 : i32
      %dma_wait3A_523 = tpu.memref_slice %arg13[%dma_wait3A_521, %dma_wait3A_522] : memref<10240x128xf32, #tpu.memory_space<vmem_shared>> -> memref<10240x128xf32, #tpu.memory_space<vmem_shared>>
      tpu.wait_indirect_dma semaphore(%arg17 : memref<!tpu.dma_semaphore, #tpu.memory_space<semaphore_mem>>) src(%arg12 : memref<128x128xf32, #tpu.memory_space<vmem>>) dst(%dma_wait3A_523 : memref<10240x128xf32, #tpu.memory_space<vmem_shared>>)
      %dma_start3A_524 = arith.constant 5 : i32
      %dma_start3A_525 = arith.constant 0 : i32
      %dma_start3A_526 = tpu.memref_slice %arg8[%dma_start3A_524, %dma_start3A_525] : memref<8x128xi32, #tpu.memory_space<vmem>> -> memref<1x128xi32, #tpu.memory_space<vmem>>
      %dma_start3A_527 = tpu.memref_squeeze %dma_start3A_526 : memref<1x128xi32, #tpu.memory_space<vmem>> -> memref<128xi32, #tpu.memory_space<vmem>>
      %dma_start3A_528 = arith.constant 0 : i32
      %dma_start3A_529 = arith.constant 0 : i32
      %dma_start3A_530 = tpu.memref_slice %arg2[%dma_start3A_528, %dma_start3A_529] : memref<10240x128xf32, #tpu.memory_space<hbm>> -> memref<10240x128xf32, #tpu.memory_space<hbm>>
      tpu.enqueue_indirect_dma source(%dma_start3A_530 : memref<10240x128xf32, #tpu.memory_space<hbm>>) target(%arg12 : memref<128x128xf32, #tpu.memory_space<vmem>>) offsets(%dma_start3A_527 : memref<128xi32, #tpu.memory_space<vmem>>) semaphore(%arg15 : memref<!tpu.dma_semaphore, #tpu.memory_space<semaphore_mem>>)
      %dma_wait3A_531 = arith.constant 0 : i32
      %dma_wait3A_532 = arith.constant 0 : i32
      %dma_wait3A_533 = tpu.memref_slice %arg8[%dma_wait3A_531, %dma_wait3A_532] : memref<8x128xi32, #tpu.memory_space<vmem>> -> memref<1x128xi32, #tpu.memory_space<vmem>>
      %dma_wait3A_534 = tpu.memref_squeeze %dma_wait3A_533 : memref<1x128xi32, #tpu.memory_space<vmem>> -> memref<128xi32, #tpu.memory_space<vmem>>
      %dma_wait3A_535 = arith.constant 0 : i32
      %dma_wait3A_536 = arith.constant 0 : i32
      %dma_wait3A_537 = tpu.memref_slice %arg2[%dma_wait3A_535, %dma_wait3A_536] : memref<10240x128xf32, #tpu.memory_space<hbm>> -> memref<10240x128xf32, #tpu.memory_space<hbm>>
      tpu.wait_indirect_dma semaphore(%arg14 : memref<!tpu.dma_semaphore, #tpu.memory_space<semaphore_mem>>) src(%dma_wait3A_537 : memref<10240x128xf32, #tpu.memory_space<hbm>>) dst(%arg11 : memref<128x128xf32, #tpu.memory_space<vmem>>)
      %dma_start3A_538 = arith.constant 4 : i32
      %dma_start3A_539 = arith.constant 0 : i32
      %dma_start3A_540 = tpu.memref_slice %arg10[%dma_start3A_538, %dma_start3A_539] : memref<8x128xi32, #tpu.memory_space<vmem>> -> memref<1x128xi32, #tpu.memory_space<vmem>>
      %dma_start3A_541 = tpu.memref_squeeze %dma_start3A_540 : memref<1x128xi32, #tpu.memory_space<vmem>> -> memref<128xi32, #tpu.memory_space<vmem>>
      %dma_start3A_542 = arith.constant 0 : i32
      %dma_start3A_543 = arith.constant 0 : i32
      %dma_start3A_544 = tpu.memref_slice %arg13[%dma_start3A_542, %dma_start3A_543] : memref<10240x128xf32, #tpu.memory_space<vmem_shared>> -> memref<10240x128xf32, #tpu.memory_space<vmem_shared>>
      tpu.enqueue_indirect_dma source(%arg11 : memref<128x128xf32, #tpu.memory_space<vmem>>) target(%dma_start3A_544 : memref<10240x128xf32, #tpu.memory_space<vmem_shared>>) offsets(%dma_start3A_541 : memref<128xi32, #tpu.memory_space<vmem>>) semaphore(%arg16 : memref<!tpu.dma_semaphore, #tpu.memory_space<semaphore_mem>>) {add = true}
      %dma_wait3A_545 = arith.constant 4 : i32
      %dma_wait3A_546 = arith.constant 0 : i32
      %dma_wait3A_547 = tpu.memref_slice %arg10[%dma_wait3A_545, %dma_wait3A_546] : memref<8x128xi32, #tpu.memory_space<vmem>> -> memref<1x128xi32, #tpu.memory_space<vmem>>
      %dma_wait3A_548 = tpu.memref_squeeze %dma_wait3A_547 : memref<1x128xi32, #tpu.memory_space<vmem>> -> memref<128xi32, #tpu.memory_space<vmem>>
      %dma_wait3A_549 = arith.constant 0 : i32
      %dma_wait3A_550 = arith.constant 0 : i32
      %dma_wait3A_551 = tpu.memref_slice %arg13[%dma_wait3A_549, %dma_wait3A_550] : memref<10240x128xf32, #tpu.memory_space<vmem_shared>> -> memref<10240x128xf32, #tpu.memory_space<vmem_shared>>
      tpu.wait_indirect_dma semaphore(%arg16 : memref<!tpu.dma_semaphore, #tpu.memory_space<semaphore_mem>>) src(%arg11 : memref<128x128xf32, #tpu.memory_space<vmem>>) dst(%dma_wait3A_551 : memref<10240x128xf32, #tpu.memory_space<vmem_shared>>)
      %dma_start3A_552 = arith.constant 6 : i32
      %dma_start3A_553 = arith.constant 0 : i32
      %dma_start3A_554 = tpu.memref_slice %arg8[%dma_start3A_552, %dma_start3A_553] : memref<8x128xi32, #tpu.memory_space<vmem>> -> memref<1x128xi32, #tpu.memory_space<vmem>>
      %dma_start3A_555 = tpu.memref_squeeze %dma_start3A_554 : memref<1x128xi32, #tpu.memory_space<vmem>> -> memref<128xi32, #tpu.memory_space<vmem>>
      %dma_start3A_556 = arith.constant 0 : i32
      %dma_start3A_557 = arith.constant 0 : i32
      %dma_start3A_558 = tpu.memref_slice %arg2[%dma_start3A_556, %dma_start3A_557] : memref<10240x128xf32, #tpu.memory_space<hbm>> -> memref<10240x128xf32, #tpu.memory_space<hbm>>
      tpu.enqueue_indirect_dma source(%dma_start3A_558 : memref<10240x128xf32, #tpu.memory_space<hbm>>) target(%arg11 : memref<128x128xf32, #tpu.memory_space<vmem>>) offsets(%dma_start3A_555 : memref<128xi32, #tpu.memory_space<vmem>>) semaphore(%arg14 : memref<!tpu.dma_semaphore, #tpu.memory_space<semaphore_mem>>)
      %dma_wait3A_559 = arith.constant 0 : i32
      %dma_wait3A_560 = arith.constant 0 : i32
      %dma_wait3A_561 = tpu.memref_slice %arg8[%dma_wait3A_559, %dma_wait3A_560] : memref<8x128xi32, #tpu.memory_space<vmem>> -> memref<1x128xi32, #tpu.memory_space<vmem>>
      %dma_wait3A_562 = tpu.memref_squeeze %dma_wait3A_561 : memref<1x128xi32, #tpu.memory_space<vmem>> -> memref<128xi32, #tpu.memory_space<vmem>>
      %dma_wait3A_563 = arith.constant 0 : i32
      %dma_wait3A_564 = arith.constant 0 : i32
      %dma_wait3A_565 = tpu.memref_slice %arg2[%dma_wait3A_563, %dma_wait3A_564] : memref<10240x128xf32, #tpu.memory_space<hbm>> -> memref<10240x128xf32, #tpu.memory_space<hbm>>
      tpu.wait_indirect_dma semaphore(%arg15 : memref<!tpu.dma_semaphore, #tpu.memory_space<semaphore_mem>>) src(%dma_wait3A_565 : memref<10240x128xf32, #tpu.memory_space<hbm>>) dst(%arg12 : memref<128x128xf32, #tpu.memory_space<vmem>>)
      %dma_start3A_566 = arith.constant 5 : i32
      %dma_start3A_567 = arith.constant 0 : i32
      %dma_start3A_568 = tpu.memref_slice %arg10[%dma_start3A_566, %dma_start3A_567] : memref<8x128xi32, #tpu.memory_space<vmem>> -> memref<1x128xi32, #tpu.memory_space<vmem>>
      %dma_start3A_569 = tpu.memref_squeeze %dma_start3A_568 : memref<1x128xi32, #tpu.memory_space<vmem>> -> memref<128xi32, #tpu.memory_space<vmem>>
      %dma_start3A_570 = arith.constant 0 : i32
      %dma_start3A_571 = arith.constant 0 : i32
      %dma_start3A_572 = tpu.memref_slice %arg13[%dma_start3A_570, %dma_start3A_571] : memref<10240x128xf32, #tpu.memory_space<vmem_shared>> -> memref<10240x128xf32, #tpu.memory_space<vmem_shared>>
      tpu.enqueue_indirect_dma source(%arg12 : memref<128x128xf32, #tpu.memory_space<vmem>>) target(%dma_start3A_572 : memref<10240x128xf32, #tpu.memory_space<vmem_shared>>) offsets(%dma_start3A_569 : memref<128xi32, #tpu.memory_space<vmem>>) semaphore(%arg17 : memref<!tpu.dma_semaphore, #tpu.memory_space<semaphore_mem>>) {add = true}
      %dma_wait3A_573 = arith.constant 5 : i32
      %dma_wait3A_574 = arith.constant 0 : i32
      %dma_wait3A_575 = tpu.memref_slice %arg10[%dma_wait3A_573, %dma_wait3A_574] : memref<8x128xi32, #tpu.memory_space<vmem>> -> memref<1x128xi32, #tpu.memory_space<vmem>>
      %dma_wait3A_576 = tpu.memref_squeeze %dma_wait3A_575 : memref<1x128xi32, #tpu.memory_space<vmem>> -> memref<128xi32, #tpu.memory_space<vmem>>
      %dma_wait3A_577 = arith.constant 0 : i32
      %dma_wait3A_578 = arith.constant 0 : i32
      %dma_wait3A_579 = tpu.memref_slice %arg13[%dma_wait3A_577, %dma_wait3A_578] : memref<10240x128xf32, #tpu.memory_space<vmem_shared>> -> memref<10240x128xf32, #tpu.memory_space<vmem_shared>>
      tpu.wait_indirect_dma semaphore(%arg17 : memref<!tpu.dma_semaphore, #tpu.memory_space<semaphore_mem>>) src(%arg12 : memref<128x128xf32, #tpu.memory_space<vmem>>) dst(%dma_wait3A_579 : memref<10240x128xf32, #tpu.memory_space<vmem_shared>>)
      %dma_start3A_580 = arith.constant 7 : i32
      %dma_start3A_581 = arith.constant 0 : i32
      %dma_start3A_582 = tpu.memref_slice %arg8[%dma_start3A_580, %dma_start3A_581] : memref<8x128xi32, #tpu.memory_space<vmem>> -> memref<1x128xi32, #tpu.memory_space<vmem>>
      %dma_start3A_583 = tpu.memref_squeeze %dma_start3A_582 : memref<1x128xi32, #tpu.memory_space<vmem>> -> memref<128xi32, #tpu.memory_space<vmem>>
      %dma_start3A_584 = arith.constant 0 : i32
      %dma_start3A_585 = arith.constant 0 : i32
      %dma_start3A_586 = tpu.memref_slice %arg2[%dma_start3A_584, %dma_start3A_585] : memref<10240x128xf32, #tpu.memory_space<hbm>> -> memref<10240x128xf32, #tpu.memory_space<hbm>>
      tpu.enqueue_indirect_dma source(%dma_start3A_586 : memref<10240x128xf32, #tpu.memory_space<hbm>>) target(%arg12 : memref<128x128xf32, #tpu.memory_space<vmem>>) offsets(%dma_start3A_583 : memref<128xi32, #tpu.memory_space<vmem>>) semaphore(%arg15 : memref<!tpu.dma_semaphore, #tpu.memory_space<semaphore_mem>>)
      %dma_wait3A_587 = arith.constant 0 : i32
      %dma_wait3A_588 = arith.constant 0 : i32
      %dma_wait3A_589 = tpu.memref_slice %arg8[%dma_wait3A_587, %dma_wait3A_588] : memref<8x128xi32, #tpu.memory_space<vmem>> -> memref<1x128xi32, #tpu.memory_space<vmem>>
      %dma_wait3A_590 = tpu.memref_squeeze %dma_wait3A_589 : memref<1x128xi32, #tpu.memory_space<vmem>> -> memref<128xi32, #tpu.memory_space<vmem>>
      %dma_wait3A_591 = arith.constant 0 : i32
      %dma_wait3A_592 = arith.constant 0 : i32
      %dma_wait3A_593 = tpu.memref_slice %arg2[%dma_wait3A_591, %dma_wait3A_592] : memref<10240x128xf32, #tpu.memory_space<hbm>> -> memref<10240x128xf32, #tpu.memory_space<hbm>>
      tpu.wait_indirect_dma semaphore(%arg14 : memref<!tpu.dma_semaphore, #tpu.memory_space<semaphore_mem>>) src(%dma_wait3A_593 : memref<10240x128xf32, #tpu.memory_space<hbm>>) dst(%arg11 : memref<128x128xf32, #tpu.memory_space<vmem>>)
      %dma_start3A_594 = arith.constant 6 : i32
      %dma_start3A_595 = arith.constant 0 : i32
      %dma_start3A_596 = tpu.memref_slice %arg10[%dma_start3A_594, %dma_start3A_595] : memref<8x128xi32, #tpu.memory_space<vmem>> -> memref<1x128xi32, #tpu.memory_space<vmem>>
      %dma_start3A_597 = tpu.memref_squeeze %dma_start3A_596 : memref<1x128xi32, #tpu.memory_space<vmem>> -> memref<128xi32, #tpu.memory_space<vmem>>
      %dma_start3A_598 = arith.constant 0 : i32
      %dma_start3A_599 = arith.constant 0 : i32
      %dma_start3A_600 = tpu.memref_slice %arg13[%dma_start3A_598, %dma_start3A_599] : memref<10240x128xf32, #tpu.memory_space<vmem_shared>> -> memref<10240x128xf32, #tpu.memory_space<vmem_shared>>
      tpu.enqueue_indirect_dma source(%arg11 : memref<128x128xf32, #tpu.memory_space<vmem>>) target(%dma_start3A_600 : memref<10240x128xf32, #tpu.memory_space<vmem_shared>>) offsets(%dma_start3A_597 : memref<128xi32, #tpu.memory_space<vmem>>) semaphore(%arg16 : memref<!tpu.dma_semaphore, #tpu.memory_space<semaphore_mem>>) {add = true}
      %dma_wait3A_601 = arith.constant 6 : i32
      %dma_wait3A_602 = arith.constant 0 : i32
      %dma_wait3A_603 = tpu.memref_slice %arg10[%dma_wait3A_601, %dma_wait3A_602] : memref<8x128xi32, #tpu.memory_space<vmem>> -> memref<1x128xi32, #tpu.memory_space<vmem>>
      %dma_wait3A_604 = tpu.memref_squeeze %dma_wait3A_603 : memref<1x128xi32, #tpu.memory_space<vmem>> -> memref<128xi32, #tpu.memory_space<vmem>>
      %dma_wait3A_605 = arith.constant 0 : i32
      %dma_wait3A_606 = arith.constant 0 : i32
      %dma_wait3A_607 = tpu.memref_slice %arg13[%dma_wait3A_605, %dma_wait3A_606] : memref<10240x128xf32, #tpu.memory_space<vmem_shared>> -> memref<10240x128xf32, #tpu.memory_space<vmem_shared>>
      tpu.wait_indirect_dma semaphore(%arg16 : memref<!tpu.dma_semaphore, #tpu.memory_space<semaphore_mem>>) src(%arg11 : memref<128x128xf32, #tpu.memory_space<vmem>>) dst(%dma_wait3A_607 : memref<10240x128xf32, #tpu.memory_space<vmem_shared>>)
      %sub3A_608 = arith.constant 1 : i32
      %sub3A_609 = arith.subi %select_n3A_19, %sub3A_608 : i32
      %lt3A_610 = arith.cmpi slt, %add3A_414, %sub3A_609 : i32
      %convert_element_type3A_611 = arith.extui %lt3A_610 : i1 to i32
      %cond3A_612 = arith.constant 0 : i32
      %cond3A_613 = arith.cmpi ne, %convert_element_type3A_611, %cond3A_612 : i32
      scf.if %cond3A_613 {
        %dma_wait3A_655 = arith.constant 0 : i32
        %dma_wait3A_656 = tpu.memref_slice %arg3[%select_n3A_26, %dma_wait3A_655] : memref<2560x128xi32, #tpu.memory_space<hbm>> -> memref<8x128xi32, #tpu.memory_space<hbm>>
        %dma_wait3A_657 = arith.constant 0 : i32
        %dma_wait3A_658 = tpu.memref_slice %arg3[%select_n3A_26, %dma_wait3A_657] : memref<2560x128xi32, #tpu.memory_space<hbm>> -> memref<8x128xi32, #tpu.memory_space<hbm>>
        tpu.wait_dma2 semaphore(%arg20 : memref<!tpu.dma_semaphore, #tpu.memory_space<semaphore_mem>>) src(%dma_wait3A_658 : memref<8x128xi32, #tpu.memory_space<hbm>>) dst(%arg7 : memref<8x128xi32, #tpu.memory_space<vmem>>)
      } else {
      }
      %dma_start3A_614 = arith.constant 0 : i32
      %dma_start3A_615 = arith.constant 0 : i32
      %dma_start3A_616 = tpu.memref_slice %arg7[%dma_start3A_614, %dma_start3A_615] : memref<8x128xi32, #tpu.memory_space<vmem>> -> memref<1x128xi32, #tpu.memory_space<vmem>>
      %dma_start3A_617 = tpu.memref_squeeze %dma_start3A_616 : memref<1x128xi32, #tpu.memory_space<vmem>> -> memref<128xi32, #tpu.memory_space<vmem>>
      %dma_start3A_618 = arith.constant 0 : i32
      %dma_start3A_619 = arith.constant 0 : i32
      %dma_start3A_620 = tpu.memref_slice %arg2[%dma_start3A_618, %dma_start3A_619] : memref<10240x128xf32, #tpu.memory_space<hbm>> -> memref<10240x128xf32, #tpu.memory_space<hbm>>
      tpu.enqueue_indirect_dma source(%dma_start3A_620 : memref<10240x128xf32, #tpu.memory_space<hbm>>) target(%arg11 : memref<128x128xf32, #tpu.memory_space<vmem>>) offsets(%dma_start3A_617 : memref<128xi32, #tpu.memory_space<vmem>>) semaphore(%arg14 : memref<!tpu.dma_semaphore, #tpu.memory_space<semaphore_mem>>)
      %dma_wait3A_621 = arith.constant 0 : i32
      %dma_wait3A_622 = arith.constant 0 : i32
      %dma_wait3A_623 = tpu.memref_slice %arg8[%dma_wait3A_621, %dma_wait3A_622] : memref<8x128xi32, #tpu.memory_space<vmem>> -> memref<1x128xi32, #tpu.memory_space<vmem>>
      %dma_wait3A_624 = tpu.memref_squeeze %dma_wait3A_623 : memref<1x128xi32, #tpu.memory_space<vmem>> -> memref<128xi32, #tpu.memory_space<vmem>>
      %dma_wait3A_625 = arith.constant 0 : i32
      %dma_wait3A_626 = arith.constant 0 : i32
      %dma_wait3A_627 = tpu.memref_slice %arg2[%dma_wait3A_625, %dma_wait3A_626] : memref<10240x128xf32, #tpu.memory_space<hbm>> -> memref<10240x128xf32, #tpu.memory_space<hbm>>
      tpu.wait_indirect_dma semaphore(%arg15 : memref<!tpu.dma_semaphore, #tpu.memory_space<semaphore_mem>>) src(%dma_wait3A_627 : memref<10240x128xf32, #tpu.memory_space<hbm>>) dst(%arg12 : memref<128x128xf32, #tpu.memory_space<vmem>>)
      %dma_start3A_628 = arith.constant 7 : i32
      %dma_start3A_629 = arith.constant 0 : i32
      %dma_start3A_630 = tpu.memref_slice %arg10[%dma_start3A_628, %dma_start3A_629] : memref<8x128xi32, #tpu.memory_space<vmem>> -> memref<1x128xi32, #tpu.memory_space<vmem>>
      %dma_start3A_631 = tpu.memref_squeeze %dma_start3A_630 : memref<1x128xi32, #tpu.memory_space<vmem>> -> memref<128xi32, #tpu.memory_space<vmem>>
      %dma_start3A_632 = arith.constant 0 : i32
      %dma_start3A_633 = arith.constant 0 : i32
      %dma_start3A_634 = tpu.memref_slice %arg13[%dma_start3A_632, %dma_start3A_633] : memref<10240x128xf32, #tpu.memory_space<vmem_shared>> -> memref<10240x128xf32, #tpu.memory_space<vmem_shared>>
      tpu.enqueue_indirect_dma source(%arg12 : memref<128x128xf32, #tpu.memory_space<vmem>>) target(%dma_start3A_634 : memref<10240x128xf32, #tpu.memory_space<vmem_shared>>) offsets(%dma_start3A_631 : memref<128xi32, #tpu.memory_space<vmem>>) semaphore(%arg17 : memref<!tpu.dma_semaphore, #tpu.memory_space<semaphore_mem>>) {add = true}
      %dma_wait3A_635 = arith.constant 7 : i32
      %dma_wait3A_636 = arith.constant 0 : i32
      %dma_wait3A_637 = tpu.memref_slice %arg10[%dma_wait3A_635, %dma_wait3A_636] : memref<8x128xi32, #tpu.memory_space<vmem>> -> memref<1x128xi32, #tpu.memory_space<vmem>>
      %dma_wait3A_638 = tpu.memref_squeeze %dma_wait3A_637 : memref<1x128xi32, #tpu.memory_space<vmem>> -> memref<128xi32, #tpu.memory_space<vmem>>
      %dma_wait3A_639 = arith.constant 0 : i32
      %dma_wait3A_640 = arith.constant 0 : i32
      %dma_wait3A_641 = tpu.memref_slice %arg13[%dma_wait3A_639, %dma_wait3A_640] : memref<10240x128xf32, #tpu.memory_space<vmem_shared>> -> memref<10240x128xf32, #tpu.memory_space<vmem_shared>>
      tpu.wait_indirect_dma semaphore(%arg17 : memref<!tpu.dma_semaphore, #tpu.memory_space<semaphore_mem>>) src(%arg12 : memref<128x128xf32, #tpu.memory_space<vmem>>) dst(%dma_wait3A_641 : memref<10240x128xf32, #tpu.memory_space<vmem_shared>>)
      %dma_start3A_642 = arith.constant 1 : i32
      %dma_start3A_643 = arith.constant 0 : i32
      %dma_start3A_644 = tpu.memref_slice %arg7[%dma_start3A_642, %dma_start3A_643] : memref<8x128xi32, #tpu.memory_space<vmem>> -> memref<1x128xi32, #tpu.memory_space<vmem>>
      %dma_start3A_645 = tpu.memref_squeeze %dma_start3A_644 : memref<1x128xi32, #tpu.memory_space<vmem>> -> memref<128xi32, #tpu.memory_space<vmem>>
      %dma_start3A_646 = arith.constant 0 : i32
      %dma_start3A_647 = arith.constant 0 : i32
      %dma_start3A_648 = tpu.memref_slice %arg2[%dma_start3A_646, %dma_start3A_647] : memref<10240x128xf32, #tpu.memory_space<hbm>> -> memref<10240x128xf32, #tpu.memory_space<hbm>>
      tpu.enqueue_indirect_dma source(%dma_start3A_648 : memref<10240x128xf32, #tpu.memory_space<hbm>>) target(%arg12 : memref<128x128xf32, #tpu.memory_space<vmem>>) offsets(%dma_start3A_645 : memref<128xi32, #tpu.memory_space<vmem>>) semaphore(%arg15 : memref<!tpu.dma_semaphore, #tpu.memory_space<semaphore_mem>>)
      %add3A_649 = arith.constant 2 : i32
      %add3A_650 = arith.addi %add3A_414, %add3A_649 : i32
      %lt3A_651 = arith.cmpi slt, %add3A_650, %select_n3A_19 : i32
      %convert_element_type3A_652 = arith.extui %lt3A_651 : i1 to i32
      %cond3A_653 = arith.constant 0 : i32
      %cond3A_654 = arith.cmpi ne, %convert_element_type3A_652, %cond3A_653 : i32
      scf.if %cond3A_654 {
        %add3A_655 = arith.constant 2 : i32
        %add3A_656 = arith.addi %add3A_414, %add3A_655 : i32
        %mul3A_657 = arith.constant 8 : i32
        %mul3A_658 = arith.muli %add3A_656, %mul3A_657 : i32
        %add3A_659 = arith.addi %select_n3A_26, %mul3A_658 : i32
        %dma_start3A_660 = arith.constant 0 : i32
        %dma_start3A_661 = tpu.memref_slice %arg3[%add3A_659, %dma_start3A_660] : memref<2560x128xi32, #tpu.memory_space<hbm>> -> memref<8x128xi32, #tpu.memory_space<hbm>>
        %dma_start3A_662 = arith.constant 0 : i32
        %dma_start3A_663 = tpu.memref_slice %arg3[%add3A_659, %dma_start3A_662] : memref<2560x128xi32, #tpu.memory_space<hbm>> -> memref<8x128xi32, #tpu.memory_space<hbm>>
        tpu.enqueue_dma source(%dma_start3A_663 : memref<8x128xi32, #tpu.memory_space<hbm>>) target(%arg8 : memref<8x128xi32, #tpu.memory_space<vmem>>) target_semaphore(%arg21 : memref<!tpu.dma_semaphore, #tpu.memory_space<semaphore_mem>>)
        %add3A_664 = arith.constant 2 : i32
        %add3A_665 = arith.addi %add3A_414, %add3A_664 : i32
        %mul3A_666 = arith.constant 8 : i32
        %mul3A_667 = arith.muli %add3A_665, %mul3A_666 : i32
        %add3A_668 = arith.addi %select_n3A_26, %mul3A_667 : i32
        %dma_start3A_669 = arith.constant 0 : i32
        %dma_start3A_670 = tpu.memref_slice %arg4[%add3A_668, %dma_start3A_669] : memref<2560x128xi32, #tpu.memory_space<hbm>> -> memref<8x128xi32, #tpu.memory_space<hbm>>
        %dma_start3A_671 = arith.constant 0 : i32
        %dma_start3A_672 = tpu.memref_slice %arg4[%add3A_668, %dma_start3A_671] : memref<2560x128xi32, #tpu.memory_space<hbm>> -> memref<8x128xi32, #tpu.memory_space<hbm>>
        tpu.enqueue_dma source(%dma_start3A_672 : memref<8x128xi32, #tpu.memory_space<hbm>>) target(%arg10 : memref<8x128xi32, #tpu.memory_space<vmem>>) target_semaphore(%arg19 : memref<!tpu.dma_semaphore, #tpu.memory_space<semaphore_mem>>)
      } else {
      }
    }
    %while3A_115 = arith.constant 1 : i32
    scf.for %while3A_171 = %while3A_113 to %while3A_109 step %while3A_115  : i32 {
      %mul3A_172 = arith.constant 2 : i32
      %mul3A_173 = arith.muli %mul3A_172, %while3A_171 : i32
      %dma_wait3A_174 = arith.constant 0 : i32
      %dma_wait3A_175 = tpu.memref_slice %arg4[%select_n3A_26, %dma_wait3A_174] : memref<2560x128xi32, #tpu.memory_space<hbm>> -> memref<8x128xi32, #tpu.memory_space<hbm>>
      %dma_wait3A_176 = arith.constant 0 : i32
      %dma_wait3A_177 = tpu.memref_slice %arg4[%select_n3A_26, %dma_wait3A_176] : memref<2560x128xi32, #tpu.memory_space<hbm>> -> memref<8x128xi32, #tpu.memory_space<hbm>>
      tpu.wait_dma2 semaphore(%arg18 : memref<!tpu.dma_semaphore, #tpu.memory_space<semaphore_mem>>) src(%dma_wait3A_177 : memref<8x128xi32, #tpu.memory_space<hbm>>) dst(%arg9 : memref<8x128xi32, #tpu.memory_space<vmem>>)
      %dma_wait3A_178 = arith.constant 0 : i32
      %dma_wait3A_179 = arith.constant 0 : i32
      %dma_wait3A_180 = tpu.memref_slice %arg7[%dma_wait3A_178, %dma_wait3A_179] : memref<8x128xi32, #tpu.memory_space<vmem>> -> memref<1x128xi32, #tpu.memory_space<vmem>>
      %dma_wait3A_181 = tpu.memref_squeeze %dma_wait3A_180 : memref<1x128xi32, #tpu.memory_space<vmem>> -> memref<128xi32, #tpu.memory_space<vmem>>
      %dma_wait3A_182 = arith.constant 0 : i32
      %dma_wait3A_183 = arith.constant 0 : i32
      %dma_wait3A_184 = tpu.memref_slice %arg2[%dma_wait3A_182, %dma_wait3A_183] : memref<10240x128xf32, #tpu.memory_space<hbm>> -> memref<10240x128xf32, #tpu.memory_space<hbm>>
      tpu.wait_indirect_dma semaphore(%arg14 : memref<!tpu.dma_semaphore, #tpu.memory_space<semaphore_mem>>) src(%dma_wait3A_184 : memref<10240x128xf32, #tpu.memory_space<hbm>>) dst(%arg11 : memref<128x128xf32, #tpu.memory_space<vmem>>)
      %dma_start3A_185 = arith.constant 0 : i32
      %dma_start3A_186 = arith.constant 0 : i32
      %dma_start3A_187 = tpu.memref_slice %arg9[%dma_start3A_185, %dma_start3A_186] : memref<8x128xi32, #tpu.memory_space<vmem>> -> memref<1x128xi32, #tpu.memory_space<vmem>>
      %dma_start3A_188 = tpu.memref_squeeze %dma_start3A_187 : memref<1x128xi32, #tpu.memory_space<vmem>> -> memref<128xi32, #tpu.memory_space<vmem>>
      %dma_start3A_189 = arith.constant 0 : i32
      %dma_start3A_190 = arith.constant 0 : i32
      %dma_start3A_191 = tpu.memref_slice %arg13[%dma_start3A_189, %dma_start3A_190] : memref<10240x128xf32, #tpu.memory_space<vmem_shared>> -> memref<10240x128xf32, #tpu.memory_space<vmem_shared>>
      tpu.enqueue_indirect_dma source(%arg11 : memref<128x128xf32, #tpu.memory_space<vmem>>) target(%dma_start3A_191 : memref<10240x128xf32, #tpu.memory_space<vmem_shared>>) offsets(%dma_start3A_188 : memref<128xi32, #tpu.memory_space<vmem>>) semaphore(%arg16 : memref<!tpu.dma_semaphore, #tpu.memory_space<semaphore_mem>>) {add = true}
      %dma_wait3A_192 = arith.constant 0 : i32
      %dma_wait3A_193 = arith.constant 0 : i32
      %dma_wait3A_194 = tpu.memref_slice %arg9[%dma_wait3A_192, %dma_wait3A_193] : memref<8x128xi32, #tpu.memory_space<vmem>> -> memref<1x128xi32, #tpu.memory_space<vmem>>
      %dma_wait3A_195 = tpu.memref_squeeze %dma_wait3A_194 : memref<1x128xi32, #tpu.memory_space<vmem>> -> memref<128xi32, #tpu.memory_space<vmem>>
      %dma_wait3A_196 = arith.constant 0 : i32
      %dma_wait3A_197 = arith.constant 0 : i32
      %dma_wait3A_198 = tpu.memref_slice %arg13[%dma_wait3A_196, %dma_wait3A_197] : memref<10240x128xf32, #tpu.memory_space<vmem_shared>> -> memref<10240x128xf32, #tpu.memory_space<vmem_shared>>
      tpu.wait_indirect_dma semaphore(%arg16 : memref<!tpu.dma_semaphore, #tpu.memory_space<semaphore_mem>>) src(%arg11 : memref<128x128xf32, #tpu.memory_space<vmem>>) dst(%dma_wait3A_198 : memref<10240x128xf32, #tpu.memory_space<vmem_shared>>)
      %dma_start3A_199 = arith.constant 2 : i32
      %dma_start3A_200 = arith.constant 0 : i32
      %dma_start3A_201 = tpu.memref_slice %arg7[%dma_start3A_199, %dma_start3A_200] : memref<8x128xi32, #tpu.memory_space<vmem>> -> memref<1x128xi32, #tpu.memory_space<vmem>>
      %dma_start3A_202 = tpu.memref_squeeze %dma_start3A_201 : memref<1x128xi32, #tpu.memory_space<vmem>> -> memref<128xi32, #tpu.memory_space<vmem>>
      %dma_start3A_203 = arith.constant 0 : i32
      %dma_start3A_204 = arith.constant 0 : i32
      %dma_start3A_205 = tpu.memref_slice %arg2[%dma_start3A_203, %dma_start3A_204] : memref<10240x128xf32, #tpu.memory_space<hbm>> -> memref<10240x128xf32, #tpu.memory_space<hbm>>
      tpu.enqueue_indirect_dma source(%dma_start3A_205 : memref<10240x128xf32, #tpu.memory_space<hbm>>) target(%arg11 : memref<128x128xf32, #tpu.memory_space<vmem>>) offsets(%dma_start3A_202 : memref<128xi32, #tpu.memory_space<vmem>>) semaphore(%arg14 : memref<!tpu.dma_semaphore, #tpu.memory_space<semaphore_mem>>)
      %dma_wait3A_206 = arith.constant 0 : i32
      %dma_wait3A_207 = arith.constant 0 : i32
      %dma_wait3A_208 = tpu.memref_slice %arg7[%dma_wait3A_206, %dma_wait3A_207] : memref<8x128xi32, #tpu.memory_space<vmem>> -> memref<1x128xi32, #tpu.memory_space<vmem>>
      %dma_wait3A_209 = tpu.memref_squeeze %dma_wait3A_208 : memref<1x128xi32, #tpu.memory_space<vmem>> -> memref<128xi32, #tpu.memory_space<vmem>>
      %dma_wait3A_210 = arith.constant 0 : i32
      %dma_wait3A_211 = arith.constant 0 : i32
      %dma_wait3A_212 = tpu.memref_slice %arg2[%dma_wait3A_210, %dma_wait3A_211] : memref<10240x128xf32, #tpu.memory_space<hbm>> -> memref<10240x128xf32, #tpu.memory_space<hbm>>
      tpu.wait_indirect_dma semaphore(%arg15 : memref<!tpu.dma_semaphore, #tpu.memory_space<semaphore_mem>>) src(%dma_wait3A_212 : memref<10240x128xf32, #tpu.memory_space<hbm>>) dst(%arg12 : memref<128x128xf32, #tpu.memory_space<vmem>>)
      %dma_start3A_213 = arith.constant 1 : i32
      %dma_start3A_214 = arith.constant 0 : i32
      %dma_start3A_215 = tpu.memref_slice %arg9[%dma_start3A_213, %dma_start3A_214] : memref<8x128xi32, #tpu.memory_space<vmem>> -> memref<1x128xi32, #tpu.memory_space<vmem>>
      %dma_start3A_216 = tpu.memref_squeeze %dma_start3A_215 : memref<1x128xi32, #tpu.memory_space<vmem>> -> memref<128xi32, #tpu.memory_space<vmem>>
      %dma_start3A_217 = arith.constant 0 : i32
      %dma_start3A_218 = arith.constant 0 : i32
      %dma_start3A_219 = tpu.memref_slice %arg13[%dma_start3A_217, %dma_start3A_218] : memref<10240x128xf32, #tpu.memory_space<vmem_shared>> -> memref<10240x128xf32, #tpu.memory_space<vmem_shared>>
      tpu.enqueue_indirect_dma source(%arg12 : memref<128x128xf32, #tpu.memory_space<vmem>>) target(%dma_start3A_219 : memref<10240x128xf32, #tpu.memory_space<vmem_shared>>) offsets(%dma_start3A_216 : memref<128xi32, #tpu.memory_space<vmem>>) semaphore(%arg17 : memref<!tpu.dma_semaphore, #tpu.memory_space<semaphore_mem>>) {add = true}
      %dma_wait3A_220 = arith.constant 1 : i32
      %dma_wait3A_221 = arith.constant 0 : i32
      %dma_wait3A_222 = tpu.memref_slice %arg9[%dma_wait3A_220, %dma_wait3A_221] : memref<8x128xi32, #tpu.memory_space<vmem>> -> memref<1x128xi32, #tpu.memory_space<vmem>>
      %dma_wait3A_223 = tpu.memref_squeeze %dma_wait3A_222 : memref<1x128xi32, #tpu.memory_space<vmem>> -> memref<128xi32, #tpu.memory_space<vmem>>
      %dma_wait3A_224 = arith.constant 0 : i32
      %dma_wait3A_225 = arith.constant 0 : i32
      %dma_wait3A_226 = tpu.memref_slice %arg13[%dma_wait3A_224, %dma_wait3A_225] : memref<10240x128xf32, #tpu.memory_space<vmem_shared>> -> memref<10240x128xf32, #tpu.memory_space<vmem_shared>>
      tpu.wait_indirect_dma semaphore(%arg17 : memref<!tpu.dma_semaphore, #tpu.memory_space<semaphore_mem>>) src(%arg12 : memref<128x128xf32, #tpu.memory_space<vmem>>) dst(%dma_wait3A_226 : memref<10240x128xf32, #tpu.memory_space<vmem_shared>>)
      %dma_start3A_227 = arith.constant 3 : i32
      %dma_start3A_228 = arith.constant 0 : i32
      %dma_start3A_229 = tpu.memref_slice %arg7[%dma_start3A_227, %dma_start3A_228] : memref<8x128xi32, #tpu.memory_space<vmem>> -> memref<1x128xi32, #tpu.memory_space<vmem>>
      %dma_start3A_230 = tpu.memref_squeeze %dma_start3A_229 : memref<1x128xi32, #tpu.memory_space<vmem>> -> memref<128xi32, #tpu.memory_space<vmem>>
      %dma_start3A_231 = arith.constant 0 : i32
      %dma_start3A_232 = arith.constant 0 : i32
      %dma_start3A_233 = tpu.memref_slice %arg2[%dma_start3A_231, %dma_start3A_232] : memref<10240x128xf32, #tpu.memory_space<hbm>> -> memref<10240x128xf32, #tpu.memory_space<hbm>>
      tpu.enqueue_indirect_dma source(%dma_start3A_233 : memref<10240x128xf32, #tpu.memory_space<hbm>>) target(%arg12 : memref<128x128xf32, #tpu.memory_space<vmem>>) offsets(%dma_start3A_230 : memref<128xi32, #tpu.memory_space<vmem>>) semaphore(%arg15 : memref<!tpu.dma_semaphore, #tpu.memory_space<semaphore_mem>>)
      %dma_wait3A_234 = arith.constant 0 : i32
      %dma_wait3A_235 = arith.constant 0 : i32
      %dma_wait3A_236 = tpu.memref_slice %arg7[%dma_wait3A_234, %dma_wait3A_235] : memref<8x128xi32, #tpu.memory_space<vmem>> -> memref<1x128xi32, #tpu.memory_space<vmem>>
      %dma_wait3A_237 = tpu.memref_squeeze %dma_wait3A_236 : memref<1x128xi32, #tpu.memory_space<vmem>> -> memref<128xi32, #tpu.memory_space<vmem>>
      %dma_wait3A_238 = arith.constant 0 : i32
      %dma_wait3A_239 = arith.constant 0 : i32
      %dma_wait3A_240 = tpu.memref_slice %arg2[%dma_wait3A_238, %dma_wait3A_239] : memref<10240x128xf32, #tpu.memory_space<hbm>> -> memref<10240x128xf32, #tpu.memory_space<hbm>>
      tpu.wait_indirect_dma semaphore(%arg14 : memref<!tpu.dma_semaphore, #tpu.memory_space<semaphore_mem>>) src(%dma_wait3A_240 : memref<10240x128xf32, #tpu.memory_space<hbm>>) dst(%arg11 : memref<128x128xf32, #tpu.memory_space<vmem>>)
      %dma_start3A_241 = arith.constant 2 : i32
      %dma_start3A_242 = arith.constant 0 : i32
      %dma_start3A_243 = tpu.memref_slice %arg9[%dma_start3A_241, %dma_start3A_242] : memref<8x128xi32, #tpu.memory_space<vmem>> -> memref<1x128xi32, #tpu.memory_space<vmem>>
      %dma_start3A_244 = tpu.memref_squeeze %dma_start3A_243 : memref<1x128xi32, #tpu.memory_space<vmem>> -> memref<128xi32, #tpu.memory_space<vmem>>
      %dma_start3A_245 = arith.constant 0 : i32
      %dma_start3A_246 = arith.constant 0 : i32
      %dma_start3A_247 = tpu.memref_slice %arg13[%dma_start3A_245, %dma_start3A_246] : memref<10240x128xf32, #tpu.memory_space<vmem_shared>> -> memref<10240x128xf32, #tpu.memory_space<vmem_shared>>
      tpu.enqueue_indirect_dma source(%arg11 : memref<128x128xf32, #tpu.memory_space<vmem>>) target(%dma_start3A_247 : memref<10240x128xf32, #tpu.memory_space<vmem_shared>>) offsets(%dma_start3A_244 : memref<128xi32, #tpu.memory_space<vmem>>) semaphore(%arg16 : memref<!tpu.dma_semaphore, #tpu.memory_space<semaphore_mem>>) {add = true}
      %dma_wait3A_248 = arith.constant 2 : i32
      %dma_wait3A_249 = arith.constant 0 : i32
      %dma_wait3A_250 = tpu.memref_slice %arg9[%dma_wait3A_248, %dma_wait3A_249] : memref<8x128xi32, #tpu.memory_space<vmem>> -> memref<1x128xi32, #tpu.memory_space<vmem>>
      %dma_wait3A_251 = tpu.memref_squeeze %dma_wait3A_250 : memref<1x128xi32, #tpu.memory_space<vmem>> -> memref<128xi32, #tpu.memory_space<vmem>>
      %dma_wait3A_252 = arith.constant 0 : i32
      %dma_wait3A_253 = arith.constant 0 : i32
      %dma_wait3A_254 = tpu.memref_slice %arg13[%dma_wait3A_252, %dma_wait3A_253] : memref<10240x128xf32, #tpu.memory_space<vmem_shared>> -> memref<10240x128xf32, #tpu.memory_space<vmem_shared>>
      tpu.wait_indirect_dma semaphore(%arg16 : memref<!tpu.dma_semaphore, #tpu.memory_space<semaphore_mem>>) src(%arg11 : memref<128x128xf32, #tpu.memory_space<vmem>>) dst(%dma_wait3A_254 : memref<10240x128xf32, #tpu.memory_space<vmem_shared>>)
      %dma_start3A_255 = arith.constant 4 : i32
      %dma_start3A_256 = arith.constant 0 : i32
      %dma_start3A_257 = tpu.memref_slice %arg7[%dma_start3A_255, %dma_start3A_256] : memref<8x128xi32, #tpu.memory_space<vmem>> -> memref<1x128xi32, #tpu.memory_space<vmem>>
      %dma_start3A_258 = tpu.memref_squeeze %dma_start3A_257 : memref<1x128xi32, #tpu.memory_space<vmem>> -> memref<128xi32, #tpu.memory_space<vmem>>
      %dma_start3A_259 = arith.constant 0 : i32
      %dma_start3A_260 = arith.constant 0 : i32
      %dma_start3A_261 = tpu.memref_slice %arg2[%dma_start3A_259, %dma_start3A_260] : memref<10240x128xf32, #tpu.memory_space<hbm>> -> memref<10240x128xf32, #tpu.memory_space<hbm>>
      tpu.enqueue_indirect_dma source(%dma_start3A_261 : memref<10240x128xf32, #tpu.memory_space<hbm>>) target(%arg11 : memref<128x128xf32, #tpu.memory_space<vmem>>) offsets(%dma_start3A_258 : memref<128xi32, #tpu.memory_space<vmem>>) semaphore(%arg14 : memref<!tpu.dma_semaphore, #tpu.memory_space<semaphore_mem>>)
      %dma_wait3A_262 = arith.constant 0 : i32
      %dma_wait3A_263 = arith.constant 0 : i32
      %dma_wait3A_264 = tpu.memref_slice %arg7[%dma_wait3A_262, %dma_wait3A_263] : memref<8x128xi32, #tpu.memory_space<vmem>> -> memref<1x128xi32, #tpu.memory_space<vmem>>
      %dma_wait3A_265 = tpu.memref_squeeze %dma_wait3A_264 : memref<1x128xi32, #tpu.memory_space<vmem>> -> memref<128xi32, #tpu.memory_space<vmem>>
      %dma_wait3A_266 = arith.constant 0 : i32
      %dma_wait3A_267 = arith.constant 0 : i32
      %dma_wait3A_268 = tpu.memref_slice %arg2[%dma_wait3A_266, %dma_wait3A_267] : memref<10240x128xf32, #tpu.memory_space<hbm>> -> memref<10240x128xf32, #tpu.memory_space<hbm>>
      tpu.wait_indirect_dma semaphore(%arg15 : memref<!tpu.dma_semaphore, #tpu.memory_space<semaphore_mem>>) src(%dma_wait3A_268 : memref<10240x128xf32, #tpu.memory_space<hbm>>) dst(%arg12 : memref<128x128xf32, #tpu.memory_space<vmem>>)
      %dma_start3A_269 = arith.constant 3 : i32
      %dma_start3A_270 = arith.constant 0 : i32
      %dma_start3A_271 = tpu.memref_slice %arg9[%dma_start3A_269, %dma_start3A_270] : memref<8x128xi32, #tpu.memory_space<vmem>> -> memref<1x128xi32, #tpu.memory_space<vmem>>
      %dma_start3A_272 = tpu.memref_squeeze %dma_start3A_271 : memref<1x128xi32, #tpu.memory_space<vmem>> -> memref<128xi32, #tpu.memory_space<vmem>>
      %dma_start3A_273 = arith.constant 0 : i32
      %dma_start3A_274 = arith.constant 0 : i32
      %dma_start3A_275 = tpu.memref_slice %arg13[%dma_start3A_273, %dma_start3A_274] : memref<10240x128xf32, #tpu.memory_space<vmem_shared>> -> memref<10240x128xf32, #tpu.memory_space<vmem_shared>>
      tpu.enqueue_indirect_dma source(%arg12 : memref<128x128xf32, #tpu.memory_space<vmem>>) target(%dma_start3A_275 : memref<10240x128xf32, #tpu.memory_space<vmem_shared>>) offsets(%dma_start3A_272 : memref<128xi32, #tpu.memory_space<vmem>>) semaphore(%arg17 : memref<!tpu.dma_semaphore, #tpu.memory_space<semaphore_mem>>) {add = true}
      %dma_wait3A_276 = arith.constant 3 : i32
      %dma_wait3A_277 = arith.constant 0 : i32
      %dma_wait3A_278 = tpu.memref_slice %arg9[%dma_wait3A_276, %dma_wait3A_277] : memref<8x128xi32, #tpu.memory_space<vmem>> -> memref<1x128xi32, #tpu.memory_space<vmem>>
      %dma_wait3A_279 = tpu.memref_squeeze %dma_wait3A_278 : memref<1x128xi32, #tpu.memory_space<vmem>> -> memref<128xi32, #tpu.memory_space<vmem>>
      %dma_wait3A_280 = arith.constant 0 : i32
      %dma_wait3A_281 = arith.constant 0 : i32
      %dma_wait3A_282 = tpu.memref_slice %arg13[%dma_wait3A_280, %dma_wait3A_281] : memref<10240x128xf32, #tpu.memory_space<vmem_shared>> -> memref<10240x128xf32, #tpu.memory_space<vmem_shared>>
      tpu.wait_indirect_dma semaphore(%arg17 : memref<!tpu.dma_semaphore, #tpu.memory_space<semaphore_mem>>) src(%arg12 : memref<128x128xf32, #tpu.memory_space<vmem>>) dst(%dma_wait3A_282 : memref<10240x128xf32, #tpu.memory_space<vmem_shared>>)
      %dma_start3A_283 = arith.constant 5 : i32
      %dma_start3A_284 = arith.constant 0 : i32
      %dma_start3A_285 = tpu.memref_slice %arg7[%dma_start3A_283, %dma_start3A_284] : memref<8x128xi32, #tpu.memory_space<vmem>> -> memref<1x128xi32, #tpu.memory_space<vmem>>
      %dma_start3A_286 = tpu.memref_squeeze %dma_start3A_285 : memref<1x128xi32, #tpu.memory_space<vmem>> -> memref<128xi32, #tpu.memory_space<vmem>>
      %dma_start3A_287 = arith.constant 0 : i32
      %dma_start3A_288 = arith.constant 0 : i32
      %dma_start3A_289 = tpu.memref_slice %arg2[%dma_start3A_287, %dma_start3A_288] : memref<10240x128xf32, #tpu.memory_space<hbm>> -> memref<10240x128xf32, #tpu.memory_space<hbm>>
      tpu.enqueue_indirect_dma source(%dma_start3A_289 : memref<10240x128xf32, #tpu.memory_space<hbm>>) target(%arg12 : memref<128x128xf32, #tpu.memory_space<vmem>>) offsets(%dma_start3A_286 : memref<128xi32, #tpu.memory_space<vmem>>) semaphore(%arg15 : memref<!tpu.dma_semaphore, #tpu.memory_space<semaphore_mem>>)
      %dma_wait3A_290 = arith.constant 0 : i32
      %dma_wait3A_291 = arith.constant 0 : i32
      %dma_wait3A_292 = tpu.memref_slice %arg7[%dma_wait3A_290, %dma_wait3A_291] : memref<8x128xi32, #tpu.memory_space<vmem>> -> memref<1x128xi32, #tpu.memory_space<vmem>>
      %dma_wait3A_293 = tpu.memref_squeeze %dma_wait3A_292 : memref<1x128xi32, #tpu.memory_space<vmem>> -> memref<128xi32, #tpu.memory_space<vmem>>
      %dma_wait3A_294 = arith.constant 0 : i32
      %dma_wait3A_295 = arith.constant 0 : i32
      %dma_wait3A_296 = tpu.memref_slice %arg2[%dma_wait3A_294, %dma_wait3A_295] : memref<10240x128xf32, #tpu.memory_space<hbm>> -> memref<10240x128xf32, #tpu.memory_space<hbm>>
      tpu.wait_indirect_dma semaphore(%arg14 : memref<!tpu.dma_semaphore, #tpu.memory_space<semaphore_mem>>) src(%dma_wait3A_296 : memref<10240x128xf32, #tpu.memory_space<hbm>>) dst(%arg11 : memref<128x128xf32, #tpu.memory_space<vmem>>)
      %dma_start3A_297 = arith.constant 4 : i32
      %dma_start3A_298 = arith.constant 0 : i32
      %dma_start3A_299 = tpu.memref_slice %arg9[%dma_start3A_297, %dma_start3A_298] : memref<8x128xi32, #tpu.memory_space<vmem>> -> memref<1x128xi32, #tpu.memory_space<vmem>>
      %dma_start3A_300 = tpu.memref_squeeze %dma_start3A_299 : memref<1x128xi32, #tpu.memory_space<vmem>> -> memref<128xi32, #tpu.memory_space<vmem>>
      %dma_start3A_301 = arith.constant 0 : i32
      %dma_start3A_302 = arith.constant 0 : i32
      %dma_start3A_303 = tpu.memref_slice %arg13[%dma_start3A_301, %dma_start3A_302] : memref<10240x128xf32, #tpu.memory_space<vmem_shared>> -> memref<10240x128xf32, #tpu.memory_space<vmem_shared>>
      tpu.enqueue_indirect_dma source(%arg11 : memref<128x128xf32, #tpu.memory_space<vmem>>) target(%dma_start3A_303 : memref<10240x128xf32, #tpu.memory_space<vmem_shared>>) offsets(%dma_start3A_300 : memref<128xi32, #tpu.memory_space<vmem>>) semaphore(%arg16 : memref<!tpu.dma_semaphore, #tpu.memory_space<semaphore_mem>>) {add = true}
      %dma_wait3A_304 = arith.constant 4 : i32
      %dma_wait3A_305 = arith.constant 0 : i32
      %dma_wait3A_306 = tpu.memref_slice %arg9[%dma_wait3A_304, %dma_wait3A_305] : memref<8x128xi32, #tpu.memory_space<vmem>> -> memref<1x128xi32, #tpu.memory_space<vmem>>
      %dma_wait3A_307 = tpu.memref_squeeze %dma_wait3A_306 : memref<1x128xi32, #tpu.memory_space<vmem>> -> memref<128xi32, #tpu.memory_space<vmem>>
      %dma_wait3A_308 = arith.constant 0 : i32
      %dma_wait3A_309 = arith.constant 0 : i32
      %dma_wait3A_310 = tpu.memref_slice %arg13[%dma_wait3A_308, %dma_wait3A_309] : memref<10240x128xf32, #tpu.memory_space<vmem_shared>> -> memref<10240x128xf32, #tpu.memory_space<vmem_shared>>
      tpu.wait_indirect_dma semaphore(%arg16 : memref<!tpu.dma_semaphore, #tpu.memory_space<semaphore_mem>>) src(%arg11 : memref<128x128xf32, #tpu.memory_space<vmem>>) dst(%dma_wait3A_310 : memref<10240x128xf32, #tpu.memory_space<vmem_shared>>)
      %dma_start3A_311 = arith.constant 6 : i32
      %dma_start3A_312 = arith.constant 0 : i32
      %dma_start3A_313 = tpu.memref_slice %arg7[%dma_start3A_311, %dma_start3A_312] : memref<8x128xi32, #tpu.memory_space<vmem>> -> memref<1x128xi32, #tpu.memory_space<vmem>>
      %dma_start3A_314 = tpu.memref_squeeze %dma_start3A_313 : memref<1x128xi32, #tpu.memory_space<vmem>> -> memref<128xi32, #tpu.memory_space<vmem>>
      %dma_start3A_315 = arith.constant 0 : i32
      %dma_start3A_316 = arith.constant 0 : i32
      %dma_start3A_317 = tpu.memref_slice %arg2[%dma_start3A_315, %dma_start3A_316] : memref<10240x128xf32, #tpu.memory_space<hbm>> -> memref<10240x128xf32, #tpu.memory_space<hbm>>
      tpu.enqueue_indirect_dma source(%dma_start3A_317 : memref<10240x128xf32, #tpu.memory_space<hbm>>) target(%arg11 : memref<128x128xf32, #tpu.memory_space<vmem>>) offsets(%dma_start3A_314 : memref<128xi32, #tpu.memory_space<vmem>>) semaphore(%arg14 : memref<!tpu.dma_semaphore, #tpu.memory_space<semaphore_mem>>)
      %dma_wait3A_318 = arith.constant 0 : i32
      %dma_wait3A_319 = arith.constant 0 : i32
      %dma_wait3A_320 = tpu.memref_slice %arg7[%dma_wait3A_318, %dma_wait3A_319] : memref<8x128xi32, #tpu.memory_space<vmem>> -> memref<1x128xi32, #tpu.memory_space<vmem>>
      %dma_wait3A_321 = tpu.memref_squeeze %dma_wait3A_320 : memref<1x128xi32, #tpu.memory_space<vmem>> -> memref<128xi32, #tpu.memory_space<vmem>>
      %dma_wait3A_322 = arith.constant 0 : i32
      %dma_wait3A_323 = arith.constant 0 : i32
      %dma_wait3A_324 = tpu.memref_slice %arg2[%dma_wait3A_322, %dma_wait3A_323] : memref<10240x128xf32, #tpu.memory_space<hbm>> -> memref<10240x128xf32, #tpu.memory_space<hbm>>
      tpu.wait_indirect_dma semaphore(%arg15 : memref<!tpu.dma_semaphore, #tpu.memory_space<semaphore_mem>>) src(%dma_wait3A_324 : memref<10240x128xf32, #tpu.memory_space<hbm>>) dst(%arg12 : memref<128x128xf32, #tpu.memory_space<vmem>>)
      %dma_start3A_325 = arith.constant 5 : i32
      %dma_start3A_326 = arith.constant 0 : i32
      %dma_start3A_327 = tpu.memref_slice %arg9[%dma_start3A_325, %dma_start3A_326] : memref<8x128xi32, #tpu.memory_space<vmem>> -> memref<1x128xi32, #tpu.memory_space<vmem>>
      %dma_start3A_328 = tpu.memref_squeeze %dma_start3A_327 : memref<1x128xi32, #tpu.memory_space<vmem>> -> memref<128xi32, #tpu.memory_space<vmem>>
      %dma_start3A_329 = arith.constant 0 : i32
      %dma_start3A_330 = arith.constant 0 : i32
      %dma_start3A_331 = tpu.memref_slice %arg13[%dma_start3A_329, %dma_start3A_330] : memref<10240x128xf32, #tpu.memory_space<vmem_shared>> -> memref<10240x128xf32, #tpu.memory_space<vmem_shared>>
      tpu.enqueue_indirect_dma source(%arg12 : memref<128x128xf32, #tpu.memory_space<vmem>>) target(%dma_start3A_331 : memref<10240x128xf32, #tpu.memory_space<vmem_shared>>) offsets(%dma_start3A_328 : memref<128xi32, #tpu.memory_space<vmem>>) semaphore(%arg17 : memref<!tpu.dma_semaphore, #tpu.memory_space<semaphore_mem>>) {add = true}
      %dma_wait3A_332 = arith.constant 5 : i32
      %dma_wait3A_333 = arith.constant 0 : i32
      %dma_wait3A_334 = tpu.memref_slice %arg9[%dma_wait3A_332, %dma_wait3A_333] : memref<8x128xi32, #tpu.memory_space<vmem>> -> memref<1x128xi32, #tpu.memory_space<vmem>>
      %dma_wait3A_335 = tpu.memref_squeeze %dma_wait3A_334 : memref<1x128xi32, #tpu.memory_space<vmem>> -> memref<128xi32, #tpu.memory_space<vmem>>
      %dma_wait3A_336 = arith.constant 0 : i32
      %dma_wait3A_337 = arith.constant 0 : i32
      %dma_wait3A_338 = tpu.memref_slice %arg13[%dma_wait3A_336, %dma_wait3A_337] : memref<10240x128xf32, #tpu.memory_space<vmem_shared>> -> memref<10240x128xf32, #tpu.memory_space<vmem_shared>>
      tpu.wait_indirect_dma semaphore(%arg17 : memref<!tpu.dma_semaphore, #tpu.memory_space<semaphore_mem>>) src(%arg12 : memref<128x128xf32, #tpu.memory_space<vmem>>) dst(%dma_wait3A_338 : memref<10240x128xf32, #tpu.memory_space<vmem_shared>>)
      %dma_start3A_339 = arith.constant 7 : i32
      %dma_start3A_340 = arith.constant 0 : i32
      %dma_start3A_341 = tpu.memref_slice %arg7[%dma_start3A_339, %dma_start3A_340] : memref<8x128xi32, #tpu.memory_space<vmem>> -> memref<1x128xi32, #tpu.memory_space<vmem>>
      %dma_start3A_342 = tpu.memref_squeeze %dma_start3A_341 : memref<1x128xi32, #tpu.memory_space<vmem>> -> memref<128xi32, #tpu.memory_space<vmem>>
      %dma_start3A_343 = arith.constant 0 : i32
      %dma_start3A_344 = arith.constant 0 : i32
      %dma_start3A_345 = tpu.memref_slice %arg2[%dma_start3A_343, %dma_start3A_344] : memref<10240x128xf32, #tpu.memory_space<hbm>> -> memref<10240x128xf32, #tpu.memory_space<hbm>>
      tpu.enqueue_indirect_dma source(%dma_start3A_345 : memref<10240x128xf32, #tpu.memory_space<hbm>>) target(%arg12 : memref<128x128xf32, #tpu.memory_space<vmem>>) offsets(%dma_start3A_342 : memref<128xi32, #tpu.memory_space<vmem>>) semaphore(%arg15 : memref<!tpu.dma_semaphore, #tpu.memory_space<semaphore_mem>>)
      %dma_wait3A_346 = arith.constant 0 : i32
      %dma_wait3A_347 = arith.constant 0 : i32
      %dma_wait3A_348 = tpu.memref_slice %arg7[%dma_wait3A_346, %dma_wait3A_347] : memref<8x128xi32, #tpu.memory_space<vmem>> -> memref<1x128xi32, #tpu.memory_space<vmem>>
      %dma_wait3A_349 = tpu.memref_squeeze %dma_wait3A_348 : memref<1x128xi32, #tpu.memory_space<vmem>> -> memref<128xi32, #tpu.memory_space<vmem>>
      %dma_wait3A_350 = arith.constant 0 : i32
      %dma_wait3A_351 = arith.constant 0 : i32
      %dma_wait3A_352 = tpu.memref_slice %arg2[%dma_wait3A_350, %dma_wait3A_351] : memref<10240x128xf32, #tpu.memory_space<hbm>> -> memref<10240x128xf32, #tpu.memory_space<hbm>>
      tpu.wait_indirect_dma semaphore(%arg14 : memref<!tpu.dma_semaphore, #tpu.memory_space<semaphore_mem>>) src(%dma_wait3A_352 : memref<10240x128xf32, #tpu.memory_space<hbm>>) dst(%arg11 : memref<128x128xf32, #tpu.memory_space<vmem>>)
      %dma_start3A_353 = arith.constant 6 : i32
      %dma_start3A_354 = arith.constant 0 : i32
      %dma_start3A_355 = tpu.memref_slice %arg9[%dma_start3A_353, %dma_start3A_354] : memref<8x128xi32, #tpu.memory_space<vmem>> -> memref<1x128xi32, #tpu.memory_space<vmem>>
      %dma_start3A_356 = tpu.memref_squeeze %dma_start3A_355 : memref<1x128xi32, #tpu.memory_space<vmem>> -> memref<128xi32, #tpu.memory_space<vmem>>
      %dma_start3A_357 = arith.constant 0 : i32
      %dma_start3A_358 = arith.constant 0 : i32
      %dma_start3A_359 = tpu.memref_slice %arg13[%dma_start3A_357, %dma_start3A_358] : memref<10240x128xf32, #tpu.memory_space<vmem_shared>> -> memref<10240x128xf32, #tpu.memory_space<vmem_shared>>
      tpu.enqueue_indirect_dma source(%arg11 : memref<128x128xf32, #tpu.memory_space<vmem>>) target(%dma_start3A_359 : memref<10240x128xf32, #tpu.memory_space<vmem_shared>>) offsets(%dma_start3A_356 : memref<128xi32, #tpu.memory_space<vmem>>) semaphore(%arg16 : memref<!tpu.dma_semaphore, #tpu.memory_space<semaphore_mem>>) {add = true}
      %dma_wait3A_360 = arith.constant 6 : i32
      %dma_wait3A_361 = arith.constant 0 : i32
      %dma_wait3A_362 = tpu.memref_slice %arg9[%dma_wait3A_360, %dma_wait3A_361] : memref<8x128xi32, #tpu.memory_space<vmem>> -> memref<1x128xi32, #tpu.memory_space<vmem>>
      %dma_wait3A_363 = tpu.memref_squeeze %dma_wait3A_362 : memref<1x128xi32, #tpu.memory_space<vmem>> -> memref<128xi32, #tpu.memory_space<vmem>>
      %dma_wait3A_364 = arith.constant 0 : i32
      %dma_wait3A_365 = arith.constant 0 : i32
      %dma_wait3A_366 = tpu.memref_slice %arg13[%dma_wait3A_364, %dma_wait3A_365] : memref<10240x128xf32, #tpu.memory_space<vmem_shared>> -> memref<10240x128xf32, #tpu.memory_space<vmem_shared>>
      tpu.wait_indirect_dma semaphore(%arg16 : memref<!tpu.dma_semaphore, #tpu.memory_space<semaphore_mem>>) src(%arg11 : memref<128x128xf32, #tpu.memory_space<vmem>>) dst(%dma_wait3A_366 : memref<10240x128xf32, #tpu.memory_space<vmem_shared>>)
      %sub3A_367 = arith.constant 1 : i32
      %sub3A_368 = arith.subi %select_n3A_19, %sub3A_367 : i32
      %lt3A = arith.cmpi slt, %mul3A_173, %sub3A_368 : i32
      %convert_element_type3A = arith.extui %lt3A : i1 to i32
      %cond3A = arith.constant 0 : i32
      %cond3A_369 = arith.cmpi ne, %convert_element_type3A, %cond3A : i32
      scf.if %cond3A_369 {
        %dma_wait3A_655 = arith.constant 0 : i32
        %dma_wait3A_656 = tpu.memref_slice %arg3[%select_n3A_26, %dma_wait3A_655] : memref<2560x128xi32, #tpu.memory_space<hbm>> -> memref<8x128xi32, #tpu.memory_space<hbm>>
        %dma_wait3A_657 = arith.constant 0 : i32
        %dma_wait3A_658 = tpu.memref_slice %arg3[%select_n3A_26, %dma_wait3A_657] : memref<2560x128xi32, #tpu.memory_space<hbm>> -> memref<8x128xi32, #tpu.memory_space<hbm>>
        tpu.wait_dma2 semaphore(%arg21 : memref<!tpu.dma_semaphore, #tpu.memory_space<semaphore_mem>>) src(%dma_wait3A_658 : memref<8x128xi32, #tpu.memory_space<hbm>>) dst(%arg8 : memref<8x128xi32, #tpu.memory_space<vmem>>)
      } else {
      }
      %dma_start3A_370 = arith.constant 0 : i32
      %dma_start3A_371 = arith.constant 0 : i32
      %dma_start3A_372 = tpu.memref_slice %arg8[%dma_start3A_370, %dma_start3A_371] : memref<8x128xi32, #tpu.memory_space<vmem>> -> memref<1x128xi32, #tpu.memory_space<vmem>>
      %dma_start3A_373 = tpu.memref_squeeze %dma_start3A_372 : memref<1x128xi32, #tpu.memory_space<vmem>> -> memref<128xi32, #tpu.memory_space<vmem>>
      %dma_start3A_374 = arith.constant 0 : i32
      %dma_start3A_375 = arith.constant 0 : i32
      %dma_start3A_376 = tpu.memref_slice %arg2[%dma_start3A_374, %dma_start3A_375] : memref<10240x128xf32, #tpu.memory_space<hbm>> -> memref<10240x128xf32, #tpu.memory_space<hbm>>
      tpu.enqueue_indirect_dma source(%dma_start3A_376 : memref<10240x128xf32, #tpu.memory_space<hbm>>) target(%arg11 : memref<128x128xf32, #tpu.memory_space<vmem>>) offsets(%dma_start3A_373 : memref<128xi32, #tpu.memory_space<vmem>>) semaphore(%arg14 : memref<!tpu.dma_semaphore, #tpu.memory_space<semaphore_mem>>)
      %dma_wait3A_377 = arith.constant 0 : i32
      %dma_wait3A_378 = arith.constant 0 : i32
      %dma_wait3A_379 = tpu.memref_slice %arg7[%dma_wait3A_377, %dma_wait3A_378] : memref<8x128xi32, #tpu.memory_space<vmem>> -> memref<1x128xi32, #tpu.memory_space<vmem>>
      %dma_wait3A_380 = tpu.memref_squeeze %dma_wait3A_379 : memref<1x128xi32, #tpu.memory_space<vmem>> -> memref<128xi32, #tpu.memory_space<vmem>>
      %dma_wait3A_381 = arith.constant 0 : i32
      %dma_wait3A_382 = arith.constant 0 : i32
      %dma_wait3A_383 = tpu.memref_slice %arg2[%dma_wait3A_381, %dma_wait3A_382] : memref<10240x128xf32, #tpu.memory_space<hbm>> -> memref<10240x128xf32, #tpu.memory_space<hbm>>
      tpu.wait_indirect_dma semaphore(%arg15 : memref<!tpu.dma_semaphore, #tpu.memory_space<semaphore_mem>>) src(%dma_wait3A_383 : memref<10240x128xf32, #tpu.memory_space<hbm>>) dst(%arg12 : memref<128x128xf32, #tpu.memory_space<vmem>>)
      %dma_start3A_384 = arith.constant 7 : i32
      %dma_start3A_385 = arith.constant 0 : i32
      %dma_start3A_386 = tpu.memref_slice %arg9[%dma_start3A_384, %dma_start3A_385] : memref<8x128xi32, #tpu.memory_space<vmem>> -> memref<1x128xi32, #tpu.memory_space<vmem>>
      %dma_start3A_387 = tpu.memref_squeeze %dma_start3A_386 : memref<1x128xi32, #tpu.memory_space<vmem>> -> memref<128xi32, #tpu.memory_space<vmem>>
      %dma_start3A_388 = arith.constant 0 : i32
      %dma_start3A_389 = arith.constant 0 : i32
      %dma_start3A_390 = tpu.memref_slice %arg13[%dma_start3A_388, %dma_start3A_389] : memref<10240x128xf32, #tpu.memory_space<vmem_shared>> -> memref<10240x128xf32, #tpu.memory_space<vmem_shared>>
      tpu.enqueue_indirect_dma source(%arg12 : memref<128x128xf32, #tpu.memory_space<vmem>>) target(%dma_start3A_390 : memref<10240x128xf32, #tpu.memory_space<vmem_shared>>) offsets(%dma_start3A_387 : memref<128xi32, #tpu.memory_space<vmem>>) semaphore(%arg17 : memref<!tpu.dma_semaphore, #tpu.memory_space<semaphore_mem>>) {add = true}
      %dma_wait3A_391 = arith.constant 7 : i32
      %dma_wait3A_392 = arith.constant 0 : i32
      %dma_wait3A_393 = tpu.memref_slice %arg9[%dma_wait3A_391, %dma_wait3A_392] : memref<8x128xi32, #tpu.memory_space<vmem>> -> memref<1x128xi32, #tpu.memory_space<vmem>>
      %dma_wait3A_394 = tpu.memref_squeeze %dma_wait3A_393 : memref<1x128xi32, #tpu.memory_space<vmem>> -> memref<128xi32, #tpu.memory_space<vmem>>
      %dma_wait3A_395 = arith.constant 0 : i32
      %dma_wait3A_396 = arith.constant 0 : i32
      %dma_wait3A_397 = tpu.memref_slice %arg13[%dma_wait3A_395, %dma_wait3A_396] : memref<10240x128xf32, #tpu.memory_space<vmem_shared>> -> memref<10240x128xf32, #tpu.memory_space<vmem_shared>>
      tpu.wait_indirect_dma semaphore(%arg17 : memref<!tpu.dma_semaphore, #tpu.memory_space<semaphore_mem>>) src(%arg12 : memref<128x128xf32, #tpu.memory_space<vmem>>) dst(%dma_wait3A_397 : memref<10240x128xf32, #tpu.memory_space<vmem_shared>>)
      %dma_start3A_398 = arith.constant 1 : i32
      %dma_start3A_399 = arith.constant 0 : i32
      %dma_start3A_400 = tpu.memref_slice %arg8[%dma_start3A_398, %dma_start3A_399] : memref<8x128xi32, #tpu.memory_space<vmem>> -> memref<1x128xi32, #tpu.memory_space<vmem>>
      %dma_start3A_401 = tpu.memref_squeeze %dma_start3A_400 : memref<1x128xi32, #tpu.memory_space<vmem>> -> memref<128xi32, #tpu.memory_space<vmem>>
      %dma_start3A_402 = arith.constant 0 : i32
      %dma_start3A_403 = arith.constant 0 : i32
      %dma_start3A_404 = tpu.memref_slice %arg2[%dma_start3A_402, %dma_start3A_403] : memref<10240x128xf32, #tpu.memory_space<hbm>> -> memref<10240x128xf32, #tpu.memory_space<hbm>>
      tpu.enqueue_indirect_dma source(%dma_start3A_404 : memref<10240x128xf32, #tpu.memory_space<hbm>>) target(%arg12 : memref<128x128xf32, #tpu.memory_space<vmem>>) offsets(%dma_start3A_401 : memref<128xi32, #tpu.memory_space<vmem>>) semaphore(%arg15 : memref<!tpu.dma_semaphore, #tpu.memory_space<semaphore_mem>>)
      %add3A_405 = arith.constant 2 : i32
      %add3A_406 = arith.addi %mul3A_173, %add3A_405 : i32
      %lt3A_407 = arith.cmpi slt, %add3A_406, %select_n3A_19 : i32
      %convert_element_type3A_408 = arith.extui %lt3A_407 : i1 to i32
      %cond3A_409 = arith.constant 0 : i32
      %cond3A_410 = arith.cmpi ne, %convert_element_type3A_408, %cond3A_409 : i32
      scf.if %cond3A_410 {
        %add3A_655 = arith.constant 2 : i32
        %add3A_656 = arith.addi %mul3A_173, %add3A_655 : i32
        %mul3A_657 = arith.constant 8 : i32
        %mul3A_658 = arith.muli %add3A_656, %mul3A_657 : i32
        %add3A_659 = arith.addi %select_n3A_26, %mul3A_658 : i32
        %dma_start3A_660 = arith.constant 0 : i32
        %dma_start3A_661 = tpu.memref_slice %arg3[%add3A_659, %dma_start3A_660] : memref<2560x128xi32, #tpu.memory_space<hbm>> -> memref<8x128xi32, #tpu.memory_space<hbm>>
        %dma_start3A_662 = arith.constant 0 : i32
        %dma_start3A_663 = tpu.memref_slice %arg3[%add3A_659, %dma_start3A_662] : memref<2560x128xi32, #tpu.memory_space<hbm>> -> memref<8x128xi32, #tpu.memory_space<hbm>>
        tpu.enqueue_dma source(%dma_start3A_663 : memref<8x128xi32, #tpu.memory_space<hbm>>) target(%arg7 : memref<8x128xi32, #tpu.memory_space<vmem>>) target_semaphore(%arg20 : memref<!tpu.dma_semaphore, #tpu.memory_space<semaphore_mem>>)
        %add3A_664 = arith.constant 2 : i32
        %add3A_665 = arith.addi %mul3A_173, %add3A_664 : i32
        %mul3A_666 = arith.constant 8 : i32
        %mul3A_667 = arith.muli %add3A_665, %mul3A_666 : i32
        %add3A_668 = arith.addi %select_n3A_26, %mul3A_667 : i32
        %dma_start3A_669 = arith.constant 0 : i32
        %dma_start3A_670 = tpu.memref_slice %arg4[%add3A_668, %dma_start3A_669] : memref<2560x128xi32, #tpu.memory_space<hbm>> -> memref<8x128xi32, #tpu.memory_space<hbm>>
        %dma_start3A_671 = arith.constant 0 : i32
        %dma_start3A_672 = tpu.memref_slice %arg4[%add3A_668, %dma_start3A_671] : memref<2560x128xi32, #tpu.memory_space<hbm>> -> memref<8x128xi32, #tpu.memory_space<hbm>>
        tpu.enqueue_dma source(%dma_start3A_672 : memref<8x128xi32, #tpu.memory_space<hbm>>) target(%arg9 : memref<8x128xi32, #tpu.memory_space<vmem>>) target_semaphore(%arg18 : memref<!tpu.dma_semaphore, #tpu.memory_space<semaphore_mem>>)
      } else {
      }
      %mul3A_411 = arith.constant 2 : i32
      %mul3A_412 = arith.muli %mul3A_411, %while3A_171 : i32
      %add3A_413 = arith.constant 1 : i32
      %add3A_414 = arith.addi %mul3A_412, %add3A_413 : i32
      %dma_wait3A_415 = arith.constant 0 : i32
      %dma_wait3A_416 = tpu.memref_slice %arg4[%select_n3A_26, %dma_wait3A_415] : memref<2560x128xi32, #tpu.memory_space<hbm>> -> memref<8x128xi32, #tpu.memory_space<hbm>>
      %dma_wait3A_417 = arith.constant 0 : i32
      %dma_wait3A_418 = tpu.memref_slice %arg4[%select_n3A_26, %dma_wait3A_417] : memref<2560x128xi32, #tpu.memory_space<hbm>> -> memref<8x128xi32, #tpu.memory_space<hbm>>
      tpu.wait_dma2 semaphore(%arg19 : memref<!tpu.dma_semaphore, #tpu.memory_space<semaphore_mem>>) src(%dma_wait3A_418 : memref<8x128xi32, #tpu.memory_space<hbm>>) dst(%arg10 : memref<8x128xi32, #tpu.memory_space<vmem>>)
      %dma_wait3A_419 = arith.constant 0 : i32
      %dma_wait3A_420 = arith.constant 0 : i32
      %dma_wait3A_421 = tpu.memref_slice %arg8[%dma_wait3A_419, %dma_wait3A_420] : memref<8x128xi32, #tpu.memory_space<vmem>> -> memref<1x128xi32, #tpu.memory_space<vmem>>
      %dma_wait3A_422 = tpu.memref_squeeze %dma_wait3A_421 : memref<1x128xi32, #tpu.memory_space<vmem>> -> memref<128xi32, #tpu.memory_space<vmem>>
      %dma_wait3A_423 = arith.constant 0 : i32
      %dma_wait3A_424 = arith.constant 0 : i32
      %dma_wait3A_425 = tpu.memref_slice %arg2[%dma_wait3A_423, %dma_wait3A_424] : memref<10240x128xf32, #tpu.memory_space<hbm>> -> memref<10240x128xf32, #tpu.memory_space<hbm>>
      tpu.wait_indirect_dma semaphore(%arg14 : memref<!tpu.dma_semaphore, #tpu.memory_space<semaphore_mem>>) src(%dma_wait3A_425 : memref<10240x128xf32, #tpu.memory_space<hbm>>) dst(%arg11 : memref<128x128xf32, #tpu.memory_space<vmem>>)
      %dma_start3A_426 = arith.constant 0 : i32
      %dma_start3A_427 = arith.constant 0 : i32
      %dma_start3A_428 = tpu.memref_slice %arg10[%dma_start3A_426, %dma_start3A_427] : memref<8x128xi32, #tpu.memory_space<vmem>> -> memref<1x128xi32, #tpu.memory_space<vmem>>
      %dma_start3A_429 = tpu.memref_squeeze %dma_start3A_428 : memref<1x128xi32, #tpu.memory_space<vmem>> -> memref<128xi32, #tpu.memory_space<vmem>>
      %dma_start3A_430 = arith.constant 0 : i32
      %dma_start3A_431 = arith.constant 0 : i32
      %dma_start3A_432 = tpu.memref_slice %arg13[%dma_start3A_430, %dma_start3A_431] : memref<10240x128xf32, #tpu.memory_space<vmem_shared>> -> memref<10240x128xf32, #tpu.memory_space<vmem_shared>>
      tpu.enqueue_indirect_dma source(%arg11 : memref<128x128xf32, #tpu.memory_space<vmem>>) target(%dma_start3A_432 : memref<10240x128xf32, #tpu.memory_space<vmem_shared>>) offsets(%dma_start3A_429 : memref<128xi32, #tpu.memory_space<vmem>>) semaphore(%arg16 : memref<!tpu.dma_semaphore, #tpu.memory_space<semaphore_mem>>) {add = true}
      %dma_wait3A_433 = arith.constant 0 : i32
      %dma_wait3A_434 = arith.constant 0 : i32
      %dma_wait3A_435 = tpu.memref_slice %arg10[%dma_wait3A_433, %dma_wait3A_434] : memref<8x128xi32, #tpu.memory_space<vmem>> -> memref<1x128xi32, #tpu.memory_space<vmem>>
      %dma_wait3A_436 = tpu.memref_squeeze %dma_wait3A_435 : memref<1x128xi32, #tpu.memory_space<vmem>> -> memref<128xi32, #tpu.memory_space<vmem>>
      %dma_wait3A_437 = arith.constant 0 : i32
      %dma_wait3A_438 = arith.constant 0 : i32
      %dma_wait3A_439 = tpu.memref_slice %arg13[%dma_wait3A_437, %dma_wait3A_438] : memref<10240x128xf32, #tpu.memory_space<vmem_shared>> -> memref<10240x128xf32, #tpu.memory_space<vmem_shared>>
      tpu.wait_indirect_dma semaphore(%arg16 : memref<!tpu.dma_semaphore, #tpu.memory_space<semaphore_mem>>) src(%arg11 : memref<128x128xf32, #tpu.memory_space<vmem>>) dst(%dma_wait3A_439 : memref<10240x128xf32, #tpu.memory_space<vmem_shared>>)
      %dma_start3A_440 = arith.constant 2 : i32
      %dma_start3A_441 = arith.constant 0 : i32
      %dma_start3A_442 = tpu.memref_slice %arg8[%dma_start3A_440, %dma_start3A_441] : memref<8x128xi32, #tpu.memory_space<vmem>> -> memref<1x128xi32, #tpu.memory_space<vmem>>
      %dma_start3A_443 = tpu.memref_squeeze %dma_start3A_442 : memref<1x128xi32, #tpu.memory_space<vmem>> -> memref<128xi32, #tpu.memory_space<vmem>>
      %dma_start3A_444 = arith.constant 0 : i32
      %dma_start3A_445 = arith.constant 0 : i32
      %dma_start3A_446 = tpu.memref_slice %arg2[%dma_start3A_444, %dma_start3A_445] : memref<10240x128xf32, #tpu.memory_space<hbm>> -> memref<10240x128xf32, #tpu.memory_space<hbm>>
      tpu.enqueue_indirect_dma source(%dma_start3A_446 : memref<10240x128xf32, #tpu.memory_space<hbm>>) target(%arg11 : memref<128x128xf32, #tpu.memory_space<vmem>>) offsets(%dma_start3A_443 : memref<128xi32, #tpu.memory_space<vmem>>) semaphore(%arg14 : memref<!tpu.dma_semaphore, #tpu.memory_space<semaphore_mem>>)
      %dma_wait3A_447 = arith.constant 0 : i32
      %dma_wait3A_448 = arith.constant 0 : i32
      %dma_wait3A_449 = tpu.memref_slice %arg8[%dma_wait3A_447, %dma_wait3A_448] : memref<8x128xi32, #tpu.memory_space<vmem>> -> memref<1x128xi32, #tpu.memory_space<vmem>>
      %dma_wait3A_450 = tpu.memref_squeeze %dma_wait3A_449 : memref<1x128xi32, #tpu.memory_space<vmem>> -> memref<128xi32, #tpu.memory_space<vmem>>
      %dma_wait3A_451 = arith.constant 0 : i32
      %dma_wait3A_452 = arith.constant 0 : i32
      %dma_wait3A_453 = tpu.memref_slice %arg2[%dma_wait3A_451, %dma_wait3A_452] : memref<10240x128xf32, #tpu.memory_space<hbm>> -> memref<10240x128xf32, #tpu.memory_space<hbm>>
      tpu.wait_indirect_dma semaphore(%arg15 : memref<!tpu.dma_semaphore, #tpu.memory_space<semaphore_mem>>) src(%dma_wait3A_453 : memref<10240x128xf32, #tpu.memory_space<hbm>>) dst(%arg12 : memref<128x128xf32, #tpu.memory_space<vmem>>)
      %dma_start3A_454 = arith.constant 1 : i32
      %dma_start3A_455 = arith.constant 0 : i32
      %dma_start3A_456 = tpu.memref_slice %arg10[%dma_start3A_454, %dma_start3A_455] : memref<8x128xi32, #tpu.memory_space<vmem>> -> memref<1x128xi32, #tpu.memory_space<vmem>>
      %dma_start3A_457 = tpu.memref_squeeze %dma_start3A_456 : memref<1x128xi32, #tpu.memory_space<vmem>> -> memref<128xi32, #tpu.memory_space<vmem>>
      %dma_start3A_458 = arith.constant 0 : i32
      %dma_start3A_459 = arith.constant 0 : i32
      %dma_start3A_460 = tpu.memref_slice %arg13[%dma_start3A_458, %dma_start3A_459] : memref<10240x128xf32, #tpu.memory_space<vmem_shared>> -> memref<10240x128xf32, #tpu.memory_space<vmem_shared>>
      tpu.enqueue_indirect_dma source(%arg12 : memref<128x128xf32, #tpu.memory_space<vmem>>) target(%dma_start3A_460 : memref<10240x128xf32, #tpu.memory_space<vmem_shared>>) offsets(%dma_start3A_457 : memref<128xi32, #tpu.memory_space<vmem>>) semaphore(%arg17 : memref<!tpu.dma_semaphore, #tpu.memory_space<semaphore_mem>>) {add = true}
      %dma_wait3A_461 = arith.constant 1 : i32
      %dma_wait3A_462 = arith.constant 0 : i32
      %dma_wait3A_463 = tpu.memref_slice %arg10[%dma_wait3A_461, %dma_wait3A_462] : memref<8x128xi32, #tpu.memory_space<vmem>> -> memref<1x128xi32, #tpu.memory_space<vmem>>
      %dma_wait3A_464 = tpu.memref_squeeze %dma_wait3A_463 : memref<1x128xi32, #tpu.memory_space<vmem>> -> memref<128xi32, #tpu.memory_space<vmem>>
      %dma_wait3A_465 = arith.constant 0 : i32
      %dma_wait3A_466 = arith.constant 0 : i32
      %dma_wait3A_467 = tpu.memref_slice %arg13[%dma_wait3A_465, %dma_wait3A_466] : memref<10240x128xf32, #tpu.memory_space<vmem_shared>> -> memref<10240x128xf32, #tpu.memory_space<vmem_shared>>
      tpu.wait_indirect_dma semaphore(%arg17 : memref<!tpu.dma_semaphore, #tpu.memory_space<semaphore_mem>>) src(%arg12 : memref<128x128xf32, #tpu.memory_space<vmem>>) dst(%dma_wait3A_467 : memref<10240x128xf32, #tpu.memory_space<vmem_shared>>)
      %dma_start3A_468 = arith.constant 3 : i32
      %dma_start3A_469 = arith.constant 0 : i32
      %dma_start3A_470 = tpu.memref_slice %arg8[%dma_start3A_468, %dma_start3A_469] : memref<8x128xi32, #tpu.memory_space<vmem>> -> memref<1x128xi32, #tpu.memory_space<vmem>>
      %dma_start3A_471 = tpu.memref_squeeze %dma_start3A_470 : memref<1x128xi32, #tpu.memory_space<vmem>> -> memref<128xi32, #tpu.memory_space<vmem>>
      %dma_start3A_472 = arith.constant 0 : i32
      %dma_start3A_473 = arith.constant 0 : i32
      %dma_start3A_474 = tpu.memref_slice %arg2[%dma_start3A_472, %dma_start3A_473] : memref<10240x128xf32, #tpu.memory_space<hbm>> -> memref<10240x128xf32, #tpu.memory_space<hbm>>
      tpu.enqueue_indirect_dma source(%dma_start3A_474 : memref<10240x128xf32, #tpu.memory_space<hbm>>) target(%arg12 : memref<128x128xf32, #tpu.memory_space<vmem>>) offsets(%dma_start3A_471 : memref<128xi32, #tpu.memory_space<vmem>>) semaphore(%arg15 : memref<!tpu.dma_semaphore, #tpu.memory_space<semaphore_mem>>)
      %dma_wait3A_475 = arith.constant 0 : i32
      %dma_wait3A_476 = arith.constant 0 : i32
      %dma_wait3A_477 = tpu.memref_slice %arg8[%dma_wait3A_475, %dma_wait3A_476] : memref<8x128xi32, #tpu.memory_space<vmem>> -> memref<1x128xi32, #tpu.memory_space<vmem>>
      %dma_wait3A_478 = tpu.memref_squeeze %dma_wait3A_477 : memref<1x128xi32, #tpu.memory_space<vmem>> -> memref<128xi32, #tpu.memory_space<vmem>>
      %dma_wait3A_479 = arith.constant 0 : i32
      %dma_wait3A_480 = arith.constant 0 : i32
      %dma_wait3A_481 = tpu.memref_slice %arg2[%dma_wait3A_479, %dma_wait3A_480] : memref<10240x128xf32, #tpu.memory_space<hbm>> -> memref<10240x128xf32, #tpu.memory_space<hbm>>
      tpu.wait_indirect_dma semaphore(%arg14 : memref<!tpu.dma_semaphore, #tpu.memory_space<semaphore_mem>>) src(%dma_wait3A_481 : memref<10240x128xf32, #tpu.memory_space<hbm>>) dst(%arg11 : memref<128x128xf32, #tpu.memory_space<vmem>>)
      %dma_start3A_482 = arith.constant 2 : i32
      %dma_start3A_483 = arith.constant 0 : i32
      %dma_start3A_484 = tpu.memref_slice %arg10[%dma_start3A_482, %dma_start3A_483] : memref<8x128xi32, #tpu.memory_space<vmem>> -> memref<1x128xi32, #tpu.memory_space<vmem>>
      %dma_start3A_485 = tpu.memref_squeeze %dma_start3A_484 : memref<1x128xi32, #tpu.memory_space<vmem>> -> memref<128xi32, #tpu.memory_space<vmem>>
      %dma_start3A_486 = arith.constant 0 : i32
      %dma_start3A_487 = arith.constant 0 : i32
      %dma_start3A_488 = tpu.memref_slice %arg13[%dma_start3A_486, %dma_start3A_487] : memref<10240x128xf32, #tpu.memory_space<vmem_shared>> -> memref<10240x128xf32, #tpu.memory_space<vmem_shared>>
      tpu.enqueue_indirect_dma source(%arg11 : memref<128x128xf32, #tpu.memory_space<vmem>>) target(%dma_start3A_488 : memref<10240x128xf32, #tpu.memory_space<vmem_shared>>) offsets(%dma_start3A_485 : memref<128xi32, #tpu.memory_space<vmem>>) semaphore(%arg16 : memref<!tpu.dma_semaphore, #tpu.memory_space<semaphore_mem>>) {add = true}
      %dma_wait3A_489 = arith.constant 2 : i32
      %dma_wait3A_490 = arith.constant 0 : i32
      %dma_wait3A_491 = tpu.memref_slice %arg10[%dma_wait3A_489, %dma_wait3A_490] : memref<8x128xi32, #tpu.memory_space<vmem>> -> memref<1x128xi32, #tpu.memory_space<vmem>>
      %dma_wait3A_492 = tpu.memref_squeeze %dma_wait3A_491 : memref<1x128xi32, #tpu.memory_space<vmem>> -> memref<128xi32, #tpu.memory_space<vmem>>
      %dma_wait3A_493 = arith.constant 0 : i32
      %dma_wait3A_494 = arith.constant 0 : i32
      %dma_wait3A_495 = tpu.memref_slice %arg13[%dma_wait3A_493, %dma_wait3A_494] : memref<10240x128xf32, #tpu.memory_space<vmem_shared>> -> memref<10240x128xf32, #tpu.memory_space<vmem_shared>>
      tpu.wait_indirect_dma semaphore(%arg16 : memref<!tpu.dma_semaphore, #tpu.memory_space<semaphore_mem>>) src(%arg11 : memref<128x128xf32, #tpu.memory_space<vmem>>) dst(%dma_wait3A_495 : memref<10240x128xf32, #tpu.memory_space<vmem_shared>>)
      %dma_start3A_496 = arith.constant 4 : i32
      %dma_start3A_497 = arith.constant 0 : i32
      %dma_start3A_498 = tpu.memref_slice %arg8[%dma_start3A_496, %dma_start3A_497] : memref<8x128xi32, #tpu.memory_space<vmem>> -> memref<1x128xi32, #tpu.memory_space<vmem>>
      %dma_start3A_499 = tpu.memref_squeeze %dma_start3A_498 : memref<1x128xi32, #tpu.memory_space<vmem>> -> memref<128xi32, #tpu.memory_space<vmem>>
      %dma_start3A_500 = arith.constant 0 : i32
      %dma_start3A_501 = arith.constant 0 : i32
      %dma_start3A_502 = tpu.memref_slice %arg2[%dma_start3A_500, %dma_start3A_501] : memref<10240x128xf32, #tpu.memory_space<hbm>> -> memref<10240x128xf32, #tpu.memory_space<hbm>>
      tpu.enqueue_indirect_dma source(%dma_start3A_502 : memref<10240x128xf32, #tpu.memory_space<hbm>>) target(%arg11 : memref<128x128xf32, #tpu.memory_space<vmem>>) offsets(%dma_start3A_499 : memref<128xi32, #tpu.memory_space<vmem>>) semaphore(%arg14 : memref<!tpu.dma_semaphore, #tpu.memory_space<semaphore_mem>>)
      %dma_wait3A_503 = arith.constant 0 : i32
      %dma_wait3A_504 = arith.constant 0 : i32
      %dma_wait3A_505 = tpu.memref_slice %arg8[%dma_wait3A_503, %dma_wait3A_504] : memref<8x128xi32, #tpu.memory_space<vmem>> -> memref<1x128xi32, #tpu.memory_space<vmem>>
      %dma_wait3A_506 = tpu.memref_squeeze %dma_wait3A_505 : memref<1x128xi32, #tpu.memory_space<vmem>> -> memref<128xi32, #tpu.memory_space<vmem>>
      %dma_wait3A_507 = arith.constant 0 : i32
      %dma_wait3A_508 = arith.constant 0 : i32
      %dma_wait3A_509 = tpu.memref_slice %arg2[%dma_wait3A_507, %dma_wait3A_508] : memref<10240x128xf32, #tpu.memory_space<hbm>> -> memref<10240x128xf32, #tpu.memory_space<hbm>>
      tpu.wait_indirect_dma semaphore(%arg15 : memref<!tpu.dma_semaphore, #tpu.memory_space<semaphore_mem>>) src(%dma_wait3A_509 : memref<10240x128xf32, #tpu.memory_space<hbm>>) dst(%arg12 : memref<128x128xf32, #tpu.memory_space<vmem>>)
      %dma_start3A_510 = arith.constant 3 : i32
      %dma_start3A_511 = arith.constant 0 : i32
      %dma_start3A_512 = tpu.memref_slice %arg10[%dma_start3A_510, %dma_start3A_511] : memref<8x128xi32, #tpu.memory_space<vmem>> -> memref<1x128xi32, #tpu.memory_space<vmem>>
      %dma_start3A_513 = tpu.memref_squeeze %dma_start3A_512 : memref<1x128xi32, #tpu.memory_space<vmem>> -> memref<128xi32, #tpu.memory_space<vmem>>
      %dma_start3A_514 = arith.constant 0 : i32
      %dma_start3A_515 = arith.constant 0 : i32
      %dma_start3A_516 = tpu.memref_slice %arg13[%dma_start3A_514, %dma_start3A_515] : memref<10240x128xf32, #tpu.memory_space<vmem_shared>> -> memref<10240x128xf32, #tpu.memory_space<vmem_shared>>
      tpu.enqueue_indirect_dma source(%arg12 : memref<128x128xf32, #tpu.memory_space<vmem>>) target(%dma_start3A_516 : memref<10240x128xf32, #tpu.memory_space<vmem_shared>>) offsets(%dma_start3A_513 : memref<128xi32, #tpu.memory_space<vmem>>) semaphore(%arg17 : memref<!tpu.dma_semaphore, #tpu.memory_space<semaphore_mem>>) {add = true}
      %dma_wait3A_517 = arith.constant 3 : i32
      %dma_wait3A_518 = arith.constant 0 : i32
      %dma_wait3A_519 = tpu.memref_slice %arg10[%dma_wait3A_517, %dma_wait3A_518] : memref<8x128xi32, #tpu.memory_space<vmem>> -> memref<1x128xi32, #tpu.memory_space<vmem>>
      %dma_wait3A_520 = tpu.memref_squeeze %dma_wait3A_519 : memref<1x128xi32, #tpu.memory_space<vmem>> -> memref<128xi32, #tpu.memory_space<vmem>>
      %dma_wait3A_521 = arith.constant 0 : i32
      %dma_wait3A_522 = arith.constant 0 : i32
      %dma_wait3A_523 = tpu.memref_slice %arg13[%dma_wait3A_521, %dma_wait3A_522] : memref<10240x128xf32, #tpu.memory_space<vmem_shared>> -> memref<10240x128xf32, #tpu.memory_space<vmem_shared>>
      tpu.wait_indirect_dma semaphore(%arg17 : memref<!tpu.dma_semaphore, #tpu.memory_space<semaphore_mem>>) src(%arg12 : memref<128x128xf32, #tpu.memory_space<vmem>>) dst(%dma_wait3A_523 : memref<10240x128xf32, #tpu.memory_space<vmem_shared>>)
      %dma_start3A_524 = arith.constant 5 : i32
      %dma_start3A_525 = arith.constant 0 : i32
      %dma_start3A_526 = tpu.memref_slice %arg8[%dma_start3A_524, %dma_start3A_525] : memref<8x128xi32, #tpu.memory_space<vmem>> -> memref<1x128xi32, #tpu.memory_space<vmem>>
      %dma_start3A_527 = tpu.memref_squeeze %dma_start3A_526 : memref<1x128xi32, #tpu.memory_space<vmem>> -> memref<128xi32, #tpu.memory_space<vmem>>
      %dma_start3A_528 = arith.constant 0 : i32
      %dma_start3A_529 = arith.constant 0 : i32
      %dma_start3A_530 = tpu.memref_slice %arg2[%dma_start3A_528, %dma_start3A_529] : memref<10240x128xf32, #tpu.memory_space<hbm>> -> memref<10240x128xf32, #tpu.memory_space<hbm>>
      tpu.enqueue_indirect_dma source(%dma_start3A_530 : memref<10240x128xf32, #tpu.memory_space<hbm>>) target(%arg12 : memref<128x128xf32, #tpu.memory_space<vmem>>) offsets(%dma_start3A_527 : memref<128xi32, #tpu.memory_space<vmem>>) semaphore(%arg15 : memref<!tpu.dma_semaphore, #tpu.memory_space<semaphore_mem>>)
      %dma_wait3A_531 = arith.constant 0 : i32
      %dma_wait3A_532 = arith.constant 0 : i32
      %dma_wait3A_533 = tpu.memref_slice %arg8[%dma_wait3A_531, %dma_wait3A_532] : memref<8x128xi32, #tpu.memory_space<vmem>> -> memref<1x128xi32, #tpu.memory_space<vmem>>
      %dma_wait3A_534 = tpu.memref_squeeze %dma_wait3A_533 : memref<1x128xi32, #tpu.memory_space<vmem>> -> memref<128xi32, #tpu.memory_space<vmem>>
      %dma_wait3A_535 = arith.constant 0 : i32
      %dma_wait3A_536 = arith.constant 0 : i32
      %dma_wait3A_537 = tpu.memref_slice %arg2[%dma_wait3A_535, %dma_wait3A_536] : memref<10240x128xf32, #tpu.memory_space<hbm>> -> memref<10240x128xf32, #tpu.memory_space<hbm>>
      tpu.wait_indirect_dma semaphore(%arg14 : memref<!tpu.dma_semaphore, #tpu.memory_space<semaphore_mem>>) src(%dma_wait3A_537 : memref<10240x128xf32, #tpu.memory_space<hbm>>) dst(%arg11 : memref<128x128xf32, #tpu.memory_space<vmem>>)
      %dma_start3A_538 = arith.constant 4 : i32
      %dma_start3A_539 = arith.constant 0 : i32
      %dma_start3A_540 = tpu.memref_slice %arg10[%dma_start3A_538, %dma_start3A_539] : memref<8x128xi32, #tpu.memory_space<vmem>> -> memref<1x128xi32, #tpu.memory_space<vmem>>
      %dma_start3A_541 = tpu.memref_squeeze %dma_start3A_540 : memref<1x128xi32, #tpu.memory_space<vmem>> -> memref<128xi32, #tpu.memory_space<vmem>>
      %dma_start3A_542 = arith.constant 0 : i32
      %dma_start3A_543 = arith.constant 0 : i32
      %dma_start3A_544 = tpu.memref_slice %arg13[%dma_start3A_542, %dma_start3A_543] : memref<10240x128xf32, #tpu.memory_space<vmem_shared>> -> memref<10240x128xf32, #tpu.memory_space<vmem_shared>>
      tpu.enqueue_indirect_dma source(%arg11 : memref<128x128xf32, #tpu.memory_space<vmem>>) target(%dma_start3A_544 : memref<10240x128xf32, #tpu.memory_space<vmem_shared>>) offsets(%dma_start3A_541 : memref<128xi32, #tpu.memory_space<vmem>>) semaphore(%arg16 : memref<!tpu.dma_semaphore, #tpu.memory_space<semaphore_mem>>) {add = true}
      %dma_wait3A_545 = arith.constant 4 : i32
      %dma_wait3A_546 = arith.constant 0 : i32
      %dma_wait3A_547 = tpu.memref_slice %arg10[%dma_wait3A_545, %dma_wait3A_546] : memref<8x128xi32, #tpu.memory_space<vmem>> -> memref<1x128xi32, #tpu.memory_space<vmem>>
      %dma_wait3A_548 = tpu.memref_squeeze %dma_wait3A_547 : memref<1x128xi32, #tpu.memory_space<vmem>> -> memref<128xi32, #tpu.memory_space<vmem>>
      %dma_wait3A_549 = arith.constant 0 : i32
      %dma_wait3A_550 = arith.constant 0 : i32
      %dma_wait3A_551 = tpu.memref_slice %arg13[%dma_wait3A_549, %dma_wait3A_550] : memref<10240x128xf32, #tpu.memory_space<vmem_shared>> -> memref<10240x128xf32, #tpu.memory_space<vmem_shared>>
      tpu.wait_indirect_dma semaphore(%arg16 : memref<!tpu.dma_semaphore, #tpu.memory_space<semaphore_mem>>) src(%arg11 : memref<128x128xf32, #tpu.memory_space<vmem>>) dst(%dma_wait3A_551 : memref<10240x128xf32, #tpu.memory_space<vmem_shared>>)
      %dma_start3A_552 = arith.constant 6 : i32
      %dma_start3A_553 = arith.constant 0 : i32
      %dma_start3A_554 = tpu.memref_slice %arg8[%dma_start3A_552, %dma_start3A_553] : memref<8x128xi32, #tpu.memory_space<vmem>> -> memref<1x128xi32, #tpu.memory_space<vmem>>
      %dma_start3A_555 = tpu.memref_squeeze %dma_start3A_554 : memref<1x128xi32, #tpu.memory_space<vmem>> -> memref<128xi32, #tpu.memory_space<vmem>>
      %dma_start3A_556 = arith.constant 0 : i32
      %dma_start3A_557 = arith.constant 0 : i32
      %dma_start3A_558 = tpu.memref_slice %arg2[%dma_start3A_556, %dma_start3A_557] : memref<10240x128xf32, #tpu.memory_space<hbm>> -> memref<10240x128xf32, #tpu.memory_space<hbm>>
      tpu.enqueue_indirect_dma source(%dma_start3A_558 : memref<10240x128xf32, #tpu.memory_space<hbm>>) target(%arg11 : memref<128x128xf32, #tpu.memory_space<vmem>>) offsets(%dma_start3A_555 : memref<128xi32, #tpu.memory_space<vmem>>) semaphore(%arg14 : memref<!tpu.dma_semaphore, #tpu.memory_space<semaphore_mem>>)
      %dma_wait3A_559 = arith.constant 0 : i32
      %dma_wait3A_560 = arith.constant 0 : i32
      %dma_wait3A_561 = tpu.memref_slice %arg8[%dma_wait3A_559, %dma_wait3A_560] : memref<8x128xi32, #tpu.memory_space<vmem>> -> memref<1x128xi32, #tpu.memory_space<vmem>>
      %dma_wait3A_562 = tpu.memref_squeeze %dma_wait3A_561 : memref<1x128xi32, #tpu.memory_space<vmem>> -> memref<128xi32, #tpu.memory_space<vmem>>
      %dma_wait3A_563 = arith.constant 0 : i32
      %dma_wait3A_564 = arith.constant 0 : i32
      %dma_wait3A_565 = tpu.memref_slice %arg2[%dma_wait3A_563, %dma_wait3A_564] : memref<10240x128xf32, #tpu.memory_space<hbm>> -> memref<10240x128xf32, #tpu.memory_space<hbm>>
      tpu.wait_indirect_dma semaphore(%arg15 : memref<!tpu.dma_semaphore, #tpu.memory_space<semaphore_mem>>) src(%dma_wait3A_565 : memref<10240x128xf32, #tpu.memory_space<hbm>>) dst(%arg12 : memref<128x128xf32, #tpu.memory_space<vmem>>)
      %dma_start3A_566 = arith.constant 5 : i32
      %dma_start3A_567 = arith.constant 0 : i32
      %dma_start3A_568 = tpu.memref_slice %arg10[%dma_start3A_566, %dma_start3A_567] : memref<8x128xi32, #tpu.memory_space<vmem>> -> memref<1x128xi32, #tpu.memory_space<vmem>>
      %dma_start3A_569 = tpu.memref_squeeze %dma_start3A_568 : memref<1x128xi32, #tpu.memory_space<vmem>> -> memref<128xi32, #tpu.memory_space<vmem>>
      %dma_start3A_570 = arith.constant 0 : i32
      %dma_start3A_571 = arith.constant 0 : i32
      %dma_start3A_572 = tpu.memref_slice %arg13[%dma_start3A_570, %dma_start3A_571] : memref<10240x128xf32, #tpu.memory_space<vmem_shared>> -> memref<10240x128xf32, #tpu.memory_space<vmem_shared>>
      tpu.enqueue_indirect_dma source(%arg12 : memref<128x128xf32, #tpu.memory_space<vmem>>) target(%dma_start3A_572 : memref<10240x128xf32, #tpu.memory_space<vmem_shared>>) offsets(%dma_start3A_569 : memref<128xi32, #tpu.memory_space<vmem>>) semaphore(%arg17 : memref<!tpu.dma_semaphore, #tpu.memory_space<semaphore_mem>>) {add = true}
      %dma_wait3A_573 = arith.constant 5 : i32
      %dma_wait3A_574 = arith.constant 0 : i32
      %dma_wait3A_575 = tpu.memref_slice %arg10[%dma_wait3A_573, %dma_wait3A_574] : memref<8x128xi32, #tpu.memory_space<vmem>> -> memref<1x128xi32, #tpu.memory_space<vmem>>
      %dma_wait3A_576 = tpu.memref_squeeze %dma_wait3A_575 : memref<1x128xi32, #tpu.memory_space<vmem>> -> memref<128xi32, #tpu.memory_space<vmem>>
      %dma_wait3A_577 = arith.constant 0 : i32
      %dma_wait3A_578 = arith.constant 0 : i32
      %dma_wait3A_579 = tpu.memref_slice %arg13[%dma_wait3A_577, %dma_wait3A_578] : memref<10240x128xf32, #tpu.memory_space<vmem_shared>> -> memref<10240x128xf32, #tpu.memory_space<vmem_shared>>
      tpu.wait_indirect_dma semaphore(%arg17 : memref<!tpu.dma_semaphore, #tpu.memory_space<semaphore_mem>>) src(%arg12 : memref<128x128xf32, #tpu.memory_space<vmem>>) dst(%dma_wait3A_579 : memref<10240x128xf32, #tpu.memory_space<vmem_shared>>)
      %dma_start3A_580 = arith.constant 7 : i32
      %dma_start3A_581 = arith.constant 0 : i32
      %dma_start3A_582 = tpu.memref_slice %arg8[%dma_start3A_580, %dma_start3A_581] : memref<8x128xi32, #tpu.memory_space<vmem>> -> memref<1x128xi32, #tpu.memory_space<vmem>>
      %dma_start3A_583 = tpu.memref_squeeze %dma_start3A_582 : memref<1x128xi32, #tpu.memory_space<vmem>> -> memref<128xi32, #tpu.memory_space<vmem>>
      %dma_start3A_584 = arith.constant 0 : i32
      %dma_start3A_585 = arith.constant 0 : i32
      %dma_start3A_586 = tpu.memref_slice %arg2[%dma_start3A_584, %dma_start3A_585] : memref<10240x128xf32, #tpu.memory_space<hbm>> -> memref<10240x128xf32, #tpu.memory_space<hbm>>
      tpu.enqueue_indirect_dma source(%dma_start3A_586 : memref<10240x128xf32, #tpu.memory_space<hbm>>) target(%arg12 : memref<128x128xf32, #tpu.memory_space<vmem>>) offsets(%dma_start3A_583 : memref<128xi32, #tpu.memory_space<vmem>>) semaphore(%arg15 : memref<!tpu.dma_semaphore, #tpu.memory_space<semaphore_mem>>)
      %dma_wait3A_587 = arith.constant 0 : i32
      %dma_wait3A_588 = arith.constant 0 : i32
      %dma_wait3A_589 = tpu.memref_slice %arg8[%dma_wait3A_587, %dma_wait3A_588] : memref<8x128xi32, #tpu.memory_space<vmem>> -> memref<1x128xi32, #tpu.memory_space<vmem>>
      %dma_wait3A_590 = tpu.memref_squeeze %dma_wait3A_589 : memref<1x128xi32, #tpu.memory_space<vmem>> -> memref<128xi32, #tpu.memory_space<vmem>>
      %dma_wait3A_591 = arith.constant 0 : i32
      %dma_wait3A_592 = arith.constant 0 : i32
      %dma_wait3A_593 = tpu.memref_slice %arg2[%dma_wait3A_591, %dma_wait3A_592] : memref<10240x128xf32, #tpu.memory_space<hbm>> -> memref<10240x128xf32, #tpu.memory_space<hbm>>
      tpu.wait_indirect_dma semaphore(%arg14 : memref<!tpu.dma_semaphore, #tpu.memory_space<semaphore_mem>>) src(%dma_wait3A_593 : memref<10240x128xf32, #tpu.memory_space<hbm>>) dst(%arg11 : memref<128x128xf32, #tpu.memory_space<vmem>>)
      %dma_start3A_594 = arith.constant 6 : i32
      %dma_start3A_595 = arith.constant 0 : i32
      %dma_start3A_596 = tpu.memref_slice %arg10[%dma_start3A_594, %dma_start3A_595] : memref<8x128xi32, #tpu.memory_space<vmem>> -> memref<1x128xi32, #tpu.memory_space<vmem>>
      %dma_start3A_597 = tpu.memref_squeeze %dma_start3A_596 : memref<1x128xi32, #tpu.memory_space<vmem>> -> memref<128xi32, #tpu.memory_space<vmem>>
      %dma_start3A_598 = arith.constant 0 : i32
      %dma_start3A_599 = arith.constant 0 : i32
      %dma_start3A_600 = tpu.memref_slice %arg13[%dma_start3A_598, %dma_start3A_599] : memref<10240x128xf32, #tpu.memory_space<vmem_shared>> -> memref<10240x128xf32, #tpu.memory_space<vmem_shared>>
      tpu.enqueue_indirect_dma source(%arg11 : memref<128x128xf32, #tpu.memory_space<vmem>>) target(%dma_start3A_600 : memref<10240x128xf32, #tpu.memory_space<vmem_shared>>) offsets(%dma_start3A_597 : memref<128xi32, #tpu.memory_space<vmem>>) semaphore(%arg16 : memref<!tpu.dma_semaphore, #tpu.memory_space<semaphore_mem>>) {add = true}
      %dma_wait3A_601 = arith.constant 6 : i32
      %dma_wait3A_602 = arith.constant 0 : i32
      %dma_wait3A_603 = tpu.memref_slice %arg10[%dma_wait3A_601, %dma_wait3A_602] : memref<8x128xi32, #tpu.memory_space<vmem>> -> memref<1x128xi32, #tpu.memory_space<vmem>>
      %dma_wait3A_604 = tpu.memref_squeeze %dma_wait3A_603 : memref<1x128xi32, #tpu.memory_space<vmem>> -> memref<128xi32, #tpu.memory_space<vmem>>
      %dma_wait3A_605 = arith.constant 0 : i32
      %dma_wait3A_606 = arith.constant 0 : i32
      %dma_wait3A_607 = tpu.memref_slice %arg13[%dma_wait3A_605, %dma_wait3A_606] : memref<10240x128xf32, #tpu.memory_space<vmem_shared>> -> memref<10240x128xf32, #tpu.memory_space<vmem_shared>>
      tpu.wait_indirect_dma semaphore(%arg16 : memref<!tpu.dma_semaphore, #tpu.memory_space<semaphore_mem>>) src(%arg11 : memref<128x128xf32, #tpu.memory_space<vmem>>) dst(%dma_wait3A_607 : memref<10240x128xf32, #tpu.memory_space<vmem_shared>>)
      %sub3A_608 = arith.constant 1 : i32
      %sub3A_609 = arith.subi %select_n3A_19, %sub3A_608 : i32
      %lt3A_610 = arith.cmpi slt, %add3A_414, %sub3A_609 : i32
      %convert_element_type3A_611 = arith.extui %lt3A_610 : i1 to i32
      %cond3A_612 = arith.constant 0 : i32
      %cond3A_613 = arith.cmpi ne, %convert_element_type3A_611, %cond3A_612 : i32
      scf.if %cond3A_613 {
        %dma_wait3A_655 = arith.constant 0 : i32
        %dma_wait3A_656 = tpu.memref_slice %arg3[%select_n3A_26, %dma_wait3A_655] : memref<2560x128xi32, #tpu.memory_space<hbm>> -> memref<8x128xi32, #tpu.memory_space<hbm>>
        %dma_wait3A_657 = arith.constant 0 : i32
        %dma_wait3A_658 = tpu.memref_slice %arg3[%select_n3A_26, %dma_wait3A_657] : memref<2560x128xi32, #tpu.memory_space<hbm>> -> memref<8x128xi32, #tpu.memory_space<hbm>>
        tpu.wait_dma2 semaphore(%arg20 : memref<!tpu.dma_semaphore, #tpu.memory_space<semaphore_mem>>) src(%dma_wait3A_658 : memref<8x128xi32, #tpu.memory_space<hbm>>) dst(%arg7 : memref<8x128xi32, #tpu.memory_space<vmem>>)
      } else {
      }
      %dma_start3A_614 = arith.constant 0 : i32
      %dma_start3A_615 = arith.constant 0 : i32
      %dma_start3A_616 = tpu.memref_slice %arg7[%dma_start3A_614, %dma_start3A_615] : memref<8x128xi32, #tpu.memory_space<vmem>> -> memref<1x128xi32, #tpu.memory_space<vmem>>
      %dma_start3A_617 = tpu.memref_squeeze %dma_start3A_616 : memref<1x128xi32, #tpu.memory_space<vmem>> -> memref<128xi32, #tpu.memory_space<vmem>>
      %dma_start3A_618 = arith.constant 0 : i32
      %dma_start3A_619 = arith.constant 0 : i32
      %dma_start3A_620 = tpu.memref_slice %arg2[%dma_start3A_618, %dma_start3A_619] : memref<10240x128xf32, #tpu.memory_space<hbm>> -> memref<10240x128xf32, #tpu.memory_space<hbm>>
      tpu.enqueue_indirect_dma source(%dma_start3A_620 : memref<10240x128xf32, #tpu.memory_space<hbm>>) target(%arg11 : memref<128x128xf32, #tpu.memory_space<vmem>>) offsets(%dma_start3A_617 : memref<128xi32, #tpu.memory_space<vmem>>) semaphore(%arg14 : memref<!tpu.dma_semaphore, #tpu.memory_space<semaphore_mem>>)
      %dma_wait3A_621 = arith.constant 0 : i32
      %dma_wait3A_622 = arith.constant 0 : i32
      %dma_wait3A_623 = tpu.memref_slice %arg8[%dma_wait3A_621, %dma_wait3A_622] : memref<8x128xi32, #tpu.memory_space<vmem>> -> memref<1x128xi32, #tpu.memory_space<vmem>>
      %dma_wait3A_624 = tpu.memref_squeeze %dma_wait3A_623 : memref<1x128xi32, #tpu.memory_space<vmem>> -> memref<128xi32, #tpu.memory_space<vmem>>
      %dma_wait3A_625 = arith.constant 0 : i32
      %dma_wait3A_626 = arith.constant 0 : i32
      %dma_wait3A_627 = tpu.memref_slice %arg2[%dma_wait3A_625, %dma_wait3A_626] : memref<10240x128xf32, #tpu.memory_space<hbm>> -> memref<10240x128xf32, #tpu.memory_space<hbm>>
      tpu.wait_indirect_dma semaphore(%arg15 : memref<!tpu.dma_semaphore, #tpu.memory_space<semaphore_mem>>) src(%dma_wait3A_627 : memref<10240x128xf32, #tpu.memory_space<hbm>>) dst(%arg12 : memref<128x128xf32, #tpu.memory_space<vmem>>)
      %dma_start3A_628 = arith.constant 7 : i32
      %dma_start3A_629 = arith.constant 0 : i32
      %dma_start3A_630 = tpu.memref_slice %arg10[%dma_start3A_628, %dma_start3A_629] : memref<8x128xi32, #tpu.memory_space<vmem>> -> memref<1x128xi32, #tpu.memory_space<vmem>>
      %dma_start3A_631 = tpu.memref_squeeze %dma_start3A_630 : memref<1x128xi32, #tpu.memory_space<vmem>> -> memref<128xi32, #tpu.memory_space<vmem>>
      %dma_start3A_632 = arith.constant 0 : i32
      %dma_start3A_633 = arith.constant 0 : i32
      %dma_start3A_634 = tpu.memref_slice %arg13[%dma_start3A_632, %dma_start3A_633] : memref<10240x128xf32, #tpu.memory_space<vmem_shared>> -> memref<10240x128xf32, #tpu.memory_space<vmem_shared>>
      tpu.enqueue_indirect_dma source(%arg12 : memref<128x128xf32, #tpu.memory_space<vmem>>) target(%dma_start3A_634 : memref<10240x128xf32, #tpu.memory_space<vmem_shared>>) offsets(%dma_start3A_631 : memref<128xi32, #tpu.memory_space<vmem>>) semaphore(%arg17 : memref<!tpu.dma_semaphore, #tpu.memory_space<semaphore_mem>>) {add = true}
      %dma_wait3A_635 = arith.constant 7 : i32
      %dma_wait3A_636 = arith.constant 0 : i32
      %dma_wait3A_637 = tpu.memref_slice %arg10[%dma_wait3A_635, %dma_wait3A_636] : memref<8x128xi32, #tpu.memory_space<vmem>> -> memref<1x128xi32, #tpu.memory_space<vmem>>
      %dma_wait3A_638 = tpu.memref_squeeze %dma_wait3A_637 : memref<1x128xi32, #tpu.memory_space<vmem>> -> memref<128xi32, #tpu.memory_space<vmem>>
      %dma_wait3A_639 = arith.constant 0 : i32
      %dma_wait3A_640 = arith.constant 0 : i32
      %dma_wait3A_641 = tpu.memref_slice %arg13[%dma_wait3A_639, %dma_wait3A_640] : memref<10240x128xf32, #tpu.memory_space<vmem_shared>> -> memref<10240x128xf32, #tpu.memory_space<vmem_shared>>
      tpu.wait_indirect_dma semaphore(%arg17 : memref<!tpu.dma_semaphore, #tpu.memory_space<semaphore_mem>>) src(%arg12 : memref<128x128xf32, #tpu.memory_space<vmem>>) dst(%dma_wait3A_641 : memref<10240x128xf32, #tpu.memory_space<vmem_shared>>)
      %dma_start3A_642 = arith.constant 1 : i32
      %dma_start3A_643 = arith.constant 0 : i32
      %dma_start3A_644 = tpu.memref_slice %arg7[%dma_start3A_642, %dma_start3A_643] : memref<8x128xi32, #tpu.memory_space<vmem>> -> memref<1x128xi32, #tpu.memory_space<vmem>>
      %dma_start3A_645 = tpu.memref_squeeze %dma_start3A_644 : memref<1x128xi32, #tpu.memory_space<vmem>> -> memref<128xi32, #tpu.memory_space<vmem>>
      %dma_start3A_646 = arith.constant 0 : i32
      %dma_start3A_647 = arith.constant 0 : i32
      %dma_start3A_648 = tpu.memref_slice %arg2[%dma_start3A_646, %dma_start3A_647] : memref<10240x128xf32, #tpu.memory_space<hbm>> -> memref<10240x128xf32, #tpu.memory_space<hbm>>
      tpu.enqueue_indirect_dma source(%dma_start3A_648 : memref<10240x128xf32, #tpu.memory_space<hbm>>) target(%arg12 : memref<128x128xf32, #tpu.memory_space<vmem>>) offsets(%dma_start3A_645 : memref<128xi32, #tpu.memory_space<vmem>>) semaphore(%arg15 : memref<!tpu.dma_semaphore, #tpu.memory_space<semaphore_mem>>)
      %add3A_649 = arith.constant 2 : i32
      %add3A_650 = arith.addi %add3A_414, %add3A_649 : i32
      %lt3A_651 = arith.cmpi slt, %add3A_650, %select_n3A_19 : i32
      %convert_element_type3A_652 = arith.extui %lt3A_651 : i1 to i32
      %cond3A_653 = arith.constant 0 : i32
      %cond3A_654 = arith.cmpi ne, %convert_element_type3A_652, %cond3A_653 : i32
      scf.if %cond3A_654 {
        %add3A_655 = arith.constant 2 : i32
        %add3A_656 = arith.addi %add3A_414, %add3A_655 : i32
        %mul3A_657 = arith.constant 8 : i32
        %mul3A_658 = arith.muli %add3A_656, %mul3A_657 : i32
        %add3A_659 = arith.addi %select_n3A_26, %mul3A_658 : i32
        %dma_start3A_660 = arith.constant 0 : i32
        %dma_start3A_661 = tpu.memref_slice %arg3[%add3A_659, %dma_start3A_660] : memref<2560x128xi32, #tpu.memory_space<hbm>> -> memref<8x128xi32, #tpu.memory_space<hbm>>
        %dma_start3A_662 = arith.constant 0 : i32
        %dma_start3A_663 = tpu.memref_slice %arg3[%add3A_659, %dma_start3A_662] : memref<2560x128xi32, #tpu.memory_space<hbm>> -> memref<8x128xi32, #tpu.memory_space<hbm>>
        tpu.enqueue_dma source(%dma_start3A_663 : memref<8x128xi32, #tpu.memory_space<hbm>>) target(%arg8 : memref<8x128xi32, #tpu.memory_space<vmem>>) target_semaphore(%arg21 : memref<!tpu.dma_semaphore, #tpu.memory_space<semaphore_mem>>)
        %add3A_664 = arith.constant 2 : i32
        %add3A_665 = arith.addi %add3A_414, %add3A_664 : i32
        %mul3A_666 = arith.constant 8 : i32
        %mul3A_667 = arith.muli %add3A_665, %mul3A_666 : i32
        %add3A_668 = arith.addi %select_n3A_26, %mul3A_667 : i32
        %dma_start3A_669 = arith.constant 0 : i32
        %dma_start3A_670 = tpu.memref_slice %arg4[%add3A_668, %dma_start3A_669] : memref<2560x128xi32, #tpu.memory_space<hbm>> -> memref<8x128xi32, #tpu.memory_space<hbm>>
        %dma_start3A_671 = arith.constant 0 : i32
        %dma_start3A_672 = tpu.memref_slice %arg4[%add3A_668, %dma_start3A_671] : memref<2560x128xi32, #tpu.memory_space<hbm>> -> memref<8x128xi32, #tpu.memory_space<hbm>>
        tpu.enqueue_dma source(%dma_start3A_672 : memref<8x128xi32, #tpu.memory_space<hbm>>) target(%arg10 : memref<8x128xi32, #tpu.memory_space<vmem>>) target_semaphore(%arg19 : memref<!tpu.dma_semaphore, #tpu.memory_space<semaphore_mem>>)
      } else {
      }
    }
    %dma_wait3A_116 = arith.constant 0 : i32
    %dma_wait3A_117 = arith.constant 0 : i32
    %dma_wait3A_118 = tpu.memref_slice %arg7[%dma_wait3A_116, %dma_wait3A_117] : memref<8x128xi32, #tpu.memory_space<vmem>> -> memref<1x128xi32, #tpu.memory_space<vmem>>
    %dma_wait3A_119 = tpu.memref_squeeze %dma_wait3A_118 : memref<1x128xi32, #tpu.memory_space<vmem>> -> memref<128xi32, #tpu.memory_space<vmem>>
    %dma_wait3A_120 = arith.constant 0 : i32
    %dma_wait3A_121 = arith.constant 0 : i32
    %dma_wait3A_122 = tpu.memref_slice %arg2[%dma_wait3A_120, %dma_wait3A_121] : memref<10240x128xf32, #tpu.memory_space<hbm>> -> memref<10240x128xf32, #tpu.memory_space<hbm>>
    tpu.wait_indirect_dma semaphore(%arg14 : memref<!tpu.dma_semaphore, #tpu.memory_space<semaphore_mem>>) src(%dma_wait3A_122 : memref<10240x128xf32, #tpu.memory_space<hbm>>) dst(%arg11 : memref<128x128xf32, #tpu.memory_space<vmem>>)
    %dma_wait3A_123 = arith.constant 0 : i32
    %dma_wait3A_124 = arith.constant 0 : i32
    %dma_wait3A_125 = tpu.memref_slice %arg7[%dma_wait3A_123, %dma_wait3A_124] : memref<8x128xi32, #tpu.memory_space<vmem>> -> memref<1x128xi32, #tpu.memory_space<vmem>>
    %dma_wait3A_126 = tpu.memref_squeeze %dma_wait3A_125 : memref<1x128xi32, #tpu.memory_space<vmem>> -> memref<128xi32, #tpu.memory_space<vmem>>
    %dma_wait3A_127 = arith.constant 0 : i32
    %dma_wait3A_128 = arith.constant 0 : i32
    %dma_wait3A_129 = tpu.memref_slice %arg2[%dma_wait3A_127, %dma_wait3A_128] : memref<10240x128xf32, #tpu.memory_space<hbm>> -> memref<10240x128xf32, #tpu.memory_space<hbm>>
    tpu.wait_indirect_dma semaphore(%arg15 : memref<!tpu.dma_semaphore, #tpu.memory_space<semaphore_mem>>) src(%dma_wait3A_129 : memref<10240x128xf32, #tpu.memory_space<hbm>>) dst(%arg12 : memref<128x128xf32, #tpu.memory_space<vmem>>)
    %barrier3A_130 = arith.constant 0 : index
    tpu.barrier barrier_id(%barrier3A_130)
    %mul3A_131 = arith.constant 640 : i32
    %mul3A_132 = arith.muli %arg1, %mul3A_131 : i32
    %add3A_133 = arith.constant 0 : i32
    %add3A_134 = arith.addi %mul3A_132, %add3A_133 : i32
    %mul3A_135 = arith.constant 640 : i32
    %mul3A_136 = arith.muli %arg1, %mul3A_135 : i32
    %add3A_137 = arith.constant 0 : i32
    %add3A_138 = arith.addi %mul3A_136, %add3A_137 : i32
    "tpu.region"() ({
      %run_scoped3A = tpu.sem_alloc : memref<!tpu.dma_semaphore, #tpu.memory_space<semaphore_mem>>
      %dma_start3A_171 = arith.constant 0 : i32
      %dma_start3A_172 = tpu.memref_slice %arg6[%arg0, %add3A_138, %dma_start3A_171] : memref<2x10240x128xf32, #tpu.memory_space<hbm>> -> memref<1x128x128xf32, #tpu.memory_space<hbm>>
      %dma_start3A_173 = tpu.memref_squeeze %dma_start3A_172 : memref<1x128x128xf32, #tpu.memory_space<hbm>> -> memref<128x128xf32, #tpu.memory_space<hbm>>
      %dma_start3A_174 = arith.constant 0 : i32
      %dma_start3A_175 = tpu.memref_slice %arg13[%add3A_134, %dma_start3A_174] : memref<10240x128xf32, #tpu.memory_space<vmem_shared>> -> memref<128x128xf32, #tpu.memory_space<vmem_shared>>
      tpu.enqueue_dma source(%dma_start3A_175 : memref<128x128xf32, #tpu.memory_space<vmem_shared>>) target(%dma_start3A_173 : memref<128x128xf32, #tpu.memory_space<hbm>>) target_semaphore(%run_scoped3A : memref<!tpu.dma_semaphore, #tpu.memory_space<semaphore_mem>>)
      %dma_wait3A_176 = arith.constant 0 : i32
      %dma_wait3A_177 = tpu.memref_slice %arg6[%arg0, %add3A_138, %dma_wait3A_176] : memref<2x10240x128xf32, #tpu.memory_space<hbm>> -> memref<1x128x128xf32, #tpu.memory_space<hbm>>
      %dma_wait3A_178 = tpu.memref_squeeze %dma_wait3A_177 : memref<1x128x128xf32, #tpu.memory_space<hbm>> -> memref<128x128xf32, #tpu.memory_space<hbm>>
      %dma_wait3A_179 = arith.constant 0 : i32
      %dma_wait3A_180 = tpu.memref_slice %arg13[%add3A_134, %dma_wait3A_179] : memref<10240x128xf32, #tpu.memory_space<vmem_shared>> -> memref<128x128xf32, #tpu.memory_space<vmem_shared>>
      tpu.wait_dma2 semaphore(%run_scoped3A : memref<!tpu.dma_semaphore, #tpu.memory_space<semaphore_mem>>) src(%dma_wait3A_180 : memref<128x128xf32, #tpu.memory_space<vmem_shared>>) dst(%dma_wait3A_178 : memref<128x128xf32, #tpu.memory_space<hbm>>)
      tpu.yield
    }) : () -> ()
    %mul3A_139 = arith.constant 640 : i32
    %mul3A_140 = arith.muli %arg1, %mul3A_139 : i32
    %add3A_141 = arith.constant 128 : i32
    %add3A_142 = arith.addi %mul3A_140, %add3A_141 : i32
    %mul3A_143 = arith.constant 640 : i32
    %mul3A_144 = arith.muli %arg1, %mul3A_143 : i32
    %add3A_145 = arith.constant 128 : i32
    %add3A_146 = arith.addi %mul3A_144, %add3A_145 : i32
    "tpu.region"() ({
      %run_scoped3A = tpu.sem_alloc : memref<!tpu.dma_semaphore, #tpu.memory_space<semaphore_mem>>
      %dma_start3A_171 = arith.constant 0 : i32
      %dma_start3A_172 = tpu.memref_slice %arg6[%arg0, %add3A_146, %dma_start3A_171] : memref<2x10240x128xf32, #tpu.memory_space<hbm>> -> memref<1x128x128xf32, #tpu.memory_space<hbm>>
      %dma_start3A_173 = tpu.memref_squeeze %dma_start3A_172 : memref<1x128x128xf32, #tpu.memory_space<hbm>> -> memref<128x128xf32, #tpu.memory_space<hbm>>
      %dma_start3A_174 = arith.constant 0 : i32
      %dma_start3A_175 = tpu.memref_slice %arg13[%add3A_142, %dma_start3A_174] : memref<10240x128xf32, #tpu.memory_space<vmem_shared>> -> memref<128x128xf32, #tpu.memory_space<vmem_shared>>
      tpu.enqueue_dma source(%dma_start3A_175 : memref<128x128xf32, #tpu.memory_space<vmem_shared>>) target(%dma_start3A_173 : memref<128x128xf32, #tpu.memory_space<hbm>>) target_semaphore(%run_scoped3A : memref<!tpu.dma_semaphore, #tpu.memory_space<semaphore_mem>>)
      %dma_wait3A_176 = arith.constant 0 : i32
      %dma_wait3A_177 = tpu.memref_slice %arg6[%arg0, %add3A_146, %dma_wait3A_176] : memref<2x10240x128xf32, #tpu.memory_space<hbm>> -> memref<1x128x128xf32, #tpu.memory_space<hbm>>
      %dma_wait3A_178 = tpu.memref_squeeze %dma_wait3A_177 : memref<1x128x128xf32, #tpu.memory_space<hbm>> -> memref<128x128xf32, #tpu.memory_space<hbm>>
      %dma_wait3A_179 = arith.constant 0 : i32
      %dma_wait3A_180 = tpu.memref_slice %arg13[%add3A_142, %dma_wait3A_179] : memref<10240x128xf32, #tpu.memory_space<vmem_shared>> -> memref<128x128xf32, #tpu.memory_space<vmem_shared>>
      tpu.wait_dma2 semaphore(%run_scoped3A : memref<!tpu.dma_semaphore, #tpu.memory_space<semaphore_mem>>) src(%dma_wait3A_180 : memref<128x128xf32, #tpu.memory_space<vmem_shared>>) dst(%dma_wait3A_178 : memref<128x128xf32, #tpu.memory_space<hbm>>)
      tpu.yield
    }) : () -> ()
    %mul3A_147 = arith.constant 640 : i32
    %mul3A_148 = arith.muli %arg1, %mul3A_147 : i32
    %add3A_149 = arith.constant 256 : i32
    %add3A_150 = arith.addi %mul3A_148, %add3A_149 : i32
    %mul3A_151 = arith.constant 640 : i32
    %mul3A_152 = arith.muli %arg1, %mul3A_151 : i32
    %add3A_153 = arith.constant 256 : i32
    %add3A_154 = arith.addi %mul3A_152, %add3A_153 : i32
    "tpu.region"() ({
      %run_scoped3A = tpu.sem_alloc : memref<!tpu.dma_semaphore, #tpu.memory_space<semaphore_mem>>
      %dma_start3A_171 = arith.constant 0 : i32
      %dma_start3A_172 = tpu.memref_slice %arg6[%arg0, %add3A_154, %dma_start3A_171] : memref<2x10240x128xf32, #tpu.memory_space<hbm>> -> memref<1x128x128xf32, #tpu.memory_space<hbm>>
      %dma_start3A_173 = tpu.memref_squeeze %dma_start3A_172 : memref<1x128x128xf32, #tpu.memory_space<hbm>> -> memref<128x128xf32, #tpu.memory_space<hbm>>
      %dma_start3A_174 = arith.constant 0 : i32
      %dma_start3A_175 = tpu.memref_slice %arg13[%add3A_150, %dma_start3A_174] : memref<10240x128xf32, #tpu.memory_space<vmem_shared>> -> memref<128x128xf32, #tpu.memory_space<vmem_shared>>
      tpu.enqueue_dma source(%dma_start3A_175 : memref<128x128xf32, #tpu.memory_space<vmem_shared>>) target(%dma_start3A_173 : memref<128x128xf32, #tpu.memory_space<hbm>>) target_semaphore(%run_scoped3A : memref<!tpu.dma_semaphore, #tpu.memory_space<semaphore_mem>>)
      %dma_wait3A_176 = arith.constant 0 : i32
      %dma_wait3A_177 = tpu.memref_slice %arg6[%arg0, %add3A_154, %dma_wait3A_176] : memref<2x10240x128xf32, #tpu.memory_space<hbm>> -> memref<1x128x128xf32, #tpu.memory_space<hbm>>
      %dma_wait3A_178 = tpu.memref_squeeze %dma_wait3A_177 : memref<1x128x128xf32, #tpu.memory_space<hbm>> -> memref<128x128xf32, #tpu.memory_space<hbm>>
      %dma_wait3A_179 = arith.constant 0 : i32
      %dma_wait3A_180 = tpu.memref_slice %arg13[%add3A_150, %dma_wait3A_179] : memref<10240x128xf32, #tpu.memory_space<vmem_shared>> -> memref<128x128xf32, #tpu.memory_space<vmem_shared>>
      tpu.wait_dma2 semaphore(%run_scoped3A : memref<!tpu.dma_semaphore, #tpu.memory_space<semaphore_mem>>) src(%dma_wait3A_180 : memref<128x128xf32, #tpu.memory_space<vmem_shared>>) dst(%dma_wait3A_178 : memref<128x128xf32, #tpu.memory_space<hbm>>)
      tpu.yield
    }) : () -> ()
    %mul3A_155 = arith.constant 640 : i32
    %mul3A_156 = arith.muli %arg1, %mul3A_155 : i32
    %add3A_157 = arith.constant 384 : i32
    %add3A_158 = arith.addi %mul3A_156, %add3A_157 : i32
    %mul3A_159 = arith.constant 640 : i32
    %mul3A_160 = arith.muli %arg1, %mul3A_159 : i32
    %add3A_161 = arith.constant 384 : i32
    %add3A_162 = arith.addi %mul3A_160, %add3A_161 : i32
    "tpu.region"() ({
      %run_scoped3A = tpu.sem_alloc : memref<!tpu.dma_semaphore, #tpu.memory_space<semaphore_mem>>
      %dma_start3A_171 = arith.constant 0 : i32
      %dma_start3A_172 = tpu.memref_slice %arg6[%arg0, %add3A_162, %dma_start3A_171] : memref<2x10240x128xf32, #tpu.memory_space<hbm>> -> memref<1x128x128xf32, #tpu.memory_space<hbm>>
      %dma_start3A_173 = tpu.memref_squeeze %dma_start3A_172 : memref<1x128x128xf32, #tpu.memory_space<hbm>> -> memref<128x128xf32, #tpu.memory_space<hbm>>
      %dma_start3A_174 = arith.constant 0 : i32
      %dma_start3A_175 = tpu.memref_slice %arg13[%add3A_158, %dma_start3A_174] : memref<10240x128xf32, #tpu.memory_space<vmem_shared>> -> memref<128x128xf32, #tpu.memory_space<vmem_shared>>
      tpu.enqueue_dma source(%dma_start3A_175 : memref<128x128xf32, #tpu.memory_space<vmem_shared>>) target(%dma_start3A_173 : memref<128x128xf32, #tpu.memory_space<hbm>>) target_semaphore(%run_scoped3A : memref<!tpu.dma_semaphore, #tpu.memory_space<semaphore_mem>>)
      %dma_wait3A_176 = arith.constant 0 : i32
      %dma_wait3A_177 = tpu.memref_slice %arg6[%arg0, %add3A_162, %dma_wait3A_176] : memref<2x10240x128xf32, #tpu.memory_space<hbm>> -> memref<1x128x128xf32, #tpu.memory_space<hbm>>
      %dma_wait3A_178 = tpu.memref_squeeze %dma_wait3A_177 : memref<1x128x128xf32, #tpu.memory_space<hbm>> -> memref<128x128xf32, #tpu.memory_space<hbm>>
      %dma_wait3A_179 = arith.constant 0 : i32
      %dma_wait3A_180 = tpu.memref_slice %arg13[%add3A_158, %dma_wait3A_179] : memref<10240x128xf32, #tpu.memory_space<vmem_shared>> -> memref<128x128xf32, #tpu.memory_space<vmem_shared>>
      tpu.wait_dma2 semaphore(%run_scoped3A : memref<!tpu.dma_semaphore, #tpu.memory_space<semaphore_mem>>) src(%dma_wait3A_180 : memref<128x128xf32, #tpu.memory_space<vmem_shared>>) dst(%dma_wait3A_178 : memref<128x128xf32, #tpu.memory_space<hbm>>)
      tpu.yield
    }) : () -> ()
    %mul3A_163 = arith.constant 640 : i32
    %mul3A_164 = arith.muli %arg1, %mul3A_163 : i32
    %add3A_165 = arith.constant 512 : i32
    %add3A_166 = arith.addi %mul3A_164, %add3A_165 : i32
    %mul3A_167 = arith.constant 640 : i32
    %mul3A_168 = arith.muli %arg1, %mul3A_167 : i32
    %add3A_169 = arith.constant 512 : i32
    %add3A_170 = arith.addi %mul3A_168, %add3A_169 : i32
    "tpu.region"() ({
      %run_scoped3A = tpu.sem_alloc : memref<!tpu.dma_semaphore, #tpu.memory_space<semaphore_mem>>
      %dma_start3A_171 = arith.constant 0 : i32
      %dma_start3A_172 = tpu.memref_slice %arg6[%arg0, %add3A_170, %dma_start3A_171] : memref<2x10240x128xf32, #tpu.memory_space<hbm>> -> memref<1x128x128xf32, #tpu.memory_space<hbm>>
      %dma_start3A_173 = tpu.memref_squeeze %dma_start3A_172 : memref<1x128x128xf32, #tpu.memory_space<hbm>> -> memref<128x128xf32, #tpu.memory_space<hbm>>
      %dma_start3A_174 = arith.constant 0 : i32
      %dma_start3A_175 = tpu.memref_slice %arg13[%add3A_166, %dma_start3A_174] : memref<10240x128xf32, #tpu.memory_space<vmem_shared>> -> memref<128x128xf32, #tpu.memory_space<vmem_shared>>
      tpu.enqueue_dma source(%dma_start3A_175 : memref<128x128xf32, #tpu.memory_space<vmem_shared>>) target(%dma_start3A_173 : memref<128x128xf32, #tpu.memory_space<hbm>>) target_semaphore(%run_scoped3A : memref<!tpu.dma_semaphore, #tpu.memory_space<semaphore_mem>>)
      %dma_wait3A_176 = arith.constant 0 : i32
      %dma_wait3A_177 = tpu.memref_slice %arg6[%arg0, %add3A_170, %dma_wait3A_176] : memref<2x10240x128xf32, #tpu.memory_space<hbm>> -> memref<1x128x128xf32, #tpu.memory_space<hbm>>
      %dma_wait3A_178 = tpu.memref_squeeze %dma_wait3A_177 : memref<1x128x128xf32, #tpu.memory_space<hbm>> -> memref<128x128xf32, #tpu.memory_space<hbm>>
      %dma_wait3A_179 = arith.constant 0 : i32
      %dma_wait3A_180 = tpu.memref_slice %arg13[%add3A_166, %dma_wait3A_179] : memref<10240x128xf32, #tpu.memory_space<vmem_shared>> -> memref<128x128xf32, #tpu.memory_space<vmem_shared>>
      tpu.wait_dma2 semaphore(%run_scoped3A : memref<!tpu.dma_semaphore, #tpu.memory_space<semaphore_mem>>) src(%dma_wait3A_180 : memref<128x128xf32, #tpu.memory_space<vmem_shared>>) dst(%dma_wait3A_178 : memref<128x128xf32, #tpu.memory_space<hbm>>)
      tpu.yield
    }) : () -> ()
    return
  }
}

module attributes {stable_mosaic.version = 14 : i64} {
  func.func @_k1_body(%arg0: i32, %arg1: memref<1024x128xf32, #tpu.memory_space<vmem>>, %arg2: memref<128x128xf32, #tpu.memory_space<vmem>>, %arg3: memref<2x1024xf32, #tpu.memory_space<vmem>>, %arg4: memref<1024x128xf32, #tpu.memory_space<vmem>>) attributes {dimension_semantics = [#tpu.dimension_semantics<arbitrary>], iteration_bounds = array<i64: 10>, scalar_prefetch = 0 : i64, scratch_operands = 0 : i64, tpu.core_type = #tpu.core_type<tc>, window_params = [{transform_indices = @transform_0, window_bounds = array<i64: 1024, 128>}, {pipeline_mode = #tpu.pipeline_mode<synchronous>, transform_indices = @transform_1, window_bounds = array<i64: 128, 128>}, {transform_indices = @transform_2, window_bounds = array<i64: 2, 1024>}, {transform_indices = @transform_3, window_bounds = array<i64: 1024, 128>}]} {
    %get3A = arith.constant 0 : index
    %get3A_0 = arith.constant 0 : index
    %get3A_1 = vector.load %arg3[%get3A, %get3A_0] : memref<2x1024xf32, #tpu.memory_space<vmem>>, vector<2x1024xf32>
    %broadcast_in_dim3A = arith.constant 1.000000e+00 : f32
    %broadcast_in_dim3A_2 = vector.broadcast %broadcast_in_dim3A : f32 to vector<2x1xf32>
    %dot_general3A = arith.constant dense<0.000000e+00> : vector<1024x1xf32>
    %dot_general3A_3 = tpu.matmul %get3A_1, %broadcast_in_dim3A_2, %dot_general3A {dimension_numbers = #tpu.dot_dimension_numbers<[0], [0], [1], [1], [0, 1, 1, 1], [], []>, transpose_lhs_hint = false} : vector<2x1024xf32>, vector<2x1xf32>, vector<1024x1xf32> -> vector<1024x1xf32>
    %add3A = arith.constant 1.000000e+00 : f32
    %add3A_4 = vector.broadcast %add3A : f32 to vector<1024x1xf32>
    %add3A_5 = arith.addf %dot_general3A_3, %add3A_4 : vector<1024x1xf32>
    %rsqrt3A = math.rsqrt %add3A_5 : vector<1024x1xf32>
    %get3A_6 = arith.constant 0 : index
    %get3A_7 = arith.constant 0 : index
    %get3A_8 = vector.load %arg1[%get3A_6, %get3A_7] : memref<1024x128xf32, #tpu.memory_space<vmem>>, vector<1024x128xf32>
    %get3A_9 = arith.constant 0 : index
    %get3A_10 = arith.constant 0 : index
    %get3A_11 = vector.load %arg2[%get3A_9, %get3A_10] : memref<128x128xf32, #tpu.memory_space<vmem>>, vector<128x128xf32>
    %dot_general3A_12 = arith.constant dense<0.000000e+00> : vector<1024x128xf32>
    %dot_general3A_13 = tpu.matmul %get3A_8, %get3A_11, %dot_general3A_12 {dimension_numbers = #tpu.dot_dimension_numbers<[1], [0], [0], [1], [0, 0, 1, 1], [], []>, transpose_lhs_hint = false} : vector<1024x128xf32>, vector<128x128xf32>, vector<1024x128xf32> -> vector<1024x128xf32>
    %mul3A = vector.broadcast %rsqrt3A : vector<1024x1xf32> to vector<1024x128xf32>
    %mul3A_14 = arith.mulf %dot_general3A_13, %mul3A : vector<1024x128xf32>
    %swap3A = arith.constant 0 : index
    %swap3A_15 = arith.constant 0 : index
    %swap3A_16 = vector.load %arg4[%swap3A, %swap3A_15] : memref<1024x128xf32, #tpu.memory_space<vmem>>, vector<1024x128xf32>
    tpu.vector_store %arg4[%swap3A, %swap3A_15], %mul3A_14 {strides = array<i32>} : memref<1024x128xf32, #tpu.memory_space<vmem>>, vector<1024x128xf32>,
    return
  }
  func.func @transform_0(%arg0: i32) -> (i32, i32) {
    %c0_i32 = arith.constant 0 : i32
    %c0_i32_0 = arith.constant 0 : i32
    return %arg0, %c0_i32 : i32, i32
  }
  func.func @transform_1(%arg0: i32) -> (i32, i32) {
    %c0_i32 = arith.constant 0 : i32
    %c0_i32_0 = arith.constant 0 : i32
    %c0_i32_1 = arith.constant 0 : i32
    return %c0_i32, %c0_i32_0 : i32, i32
  }
  func.func @transform_2(%arg0: i32) -> (i32, i32) {
    %c0_i32 = arith.constant 0 : i32
    %c0_i32_0 = arith.constant 0 : i32
    return %c0_i32, %arg0 : i32, i32
  }
  func.func @transform_3(%arg0: i32) -> (i32, i32) {
    %c0_i32 = arith.constant 0 : i32
    %c0_i32_0 = arith.constant 0 : i32
    return %arg0, %c0_i32 : i32, i32
  }
}

module attributes {stable_mosaic.version = 14 : i64} {
  func.func @_k2_body(%arg0: i32, %arg1: memref<2x1024x128xf32, #tpu.memory_space<vmem>>, %arg2: memref<1024x128xf32, #tpu.memory_space<vmem>>, %arg3: memref<2x1024xf32, #tpu.memory_space<vmem>>, %arg4: memref<1x128xf32, #tpu.memory_space<vmem>>, %arg5: memref<128x128xf32, #tpu.memory_space<vmem>>, %arg6: memref<1024x128xf32, #tpu.memory_space<vmem>>) attributes {dimension_semantics = [#tpu.dimension_semantics<arbitrary>], iteration_bounds = array<i64: 10>, scalar_prefetch = 0 : i64, scratch_operands = 0 : i64, tpu.core_type = #tpu.core_type<tc>, window_params = [{transform_indices = @transform_0, window_bounds = array<i64: 2, 1024, 128>}, {transform_indices = @transform_1, window_bounds = array<i64: 1024, 128>}, {transform_indices = @transform_2, window_bounds = array<i64: 2, 1024>}, {pipeline_mode = #tpu.pipeline_mode<synchronous>, transform_indices = @transform_3, window_bounds = array<i64: 1, 128>}, {pipeline_mode = #tpu.pipeline_mode<synchronous>, transform_indices = @transform_4, window_bounds = array<i64: 128, 128>}, {transform_indices = @transform_5, window_bounds = array<i64: 1024, 128>}]} {
    %get3A = arith.constant 0 : index
    %get3A_0 = arith.constant 0 : index
    %get3A_1 = vector.load %arg3[%get3A, %get3A_0] : memref<2x1024xf32, #tpu.memory_space<vmem>>, vector<2x1024xf32>
    %broadcast_in_dim3A = arith.constant 1.000000e+00 : f32
    %broadcast_in_dim3A_2 = vector.broadcast %broadcast_in_dim3A : f32 to vector<2x1xf32>
    %dot_general3A = arith.constant dense<0.000000e+00> : vector<1024x1xf32>
    %dot_general3A_3 = tpu.matmul %get3A_1, %broadcast_in_dim3A_2, %dot_general3A {dimension_numbers = #tpu.dot_dimension_numbers<[0], [0], [1], [1], [0, 1, 1, 1], [], []>, transpose_lhs_hint = false} : vector<2x1024xf32>, vector<2x1xf32>, vector<1024x1xf32> -> vector<1024x1xf32>
    %add3A = arith.constant 1.000000e+00 : f32
    %add3A_4 = vector.broadcast %add3A : f32 to vector<1024x1xf32>
    %add3A_5 = arith.addf %dot_general3A_3, %add3A_4 : vector<1024x1xf32>
    %rsqrt3A = math.rsqrt %add3A_5 : vector<1024x1xf32>
    %get3A_6 = arith.constant 0 : index
    %get3A_7 = arith.constant 0 : index
    %get3A_8 = arith.constant 0 : index
    %get3A_9 = vector.load %arg1[%get3A_6, %get3A_7, %get3A_8] : memref<2x1024x128xf32, #tpu.memory_space<vmem>>, vector<1x1024x128xf32>
    %get3A_10 = vector.shape_cast %get3A_9 : vector<1x1024x128xf32> to vector<1024x128xf32>
    %get3A_11 = arith.constant 1 : index
    %get3A_12 = arith.constant 0 : index
    %get3A_13 = arith.constant 0 : index
    %get3A_14 = vector.load %arg1[%get3A_11, %get3A_12, %get3A_13] : memref<2x1024x128xf32, #tpu.memory_space<vmem>>, vector<1x1024x128xf32>
    %get3A_15 = vector.shape_cast %get3A_14 : vector<1x1024x128xf32> to vector<1024x128xf32>
    %add3A_16 = arith.addf %get3A_10, %get3A_15 : vector<1024x128xf32>
    %get3A_17 = arith.constant 0 : index
    %get3A_18 = arith.constant 0 : index
    %get3A_19 = vector.load %arg2[%get3A_17, %get3A_18] : memref<1024x128xf32, #tpu.memory_space<vmem>>, vector<1024x128xf32>
    %add3A_20 = arith.addf %add3A_16, %get3A_19 : vector<1024x128xf32>
    %mul3A = vector.broadcast %rsqrt3A : vector<1024x1xf32> to vector<1024x128xf32>
    %mul3A_21 = arith.mulf %mul3A, %add3A_20 : vector<1024x128xf32>
    %get3A_22 = arith.constant 0 : index
    %get3A_23 = arith.constant 0 : index
    %get3A_24 = vector.load %arg4[%get3A_22, %get3A_23] : memref<1x128xf32, #tpu.memory_space<vmem>>, vector<1x128xf32>
    %add3A_25 = vector.broadcast %get3A_24 : vector<1x128xf32> to vector<1024x128xf32>
    %add3A_26 = arith.addf %mul3A_21, %add3A_25 : vector<1024x128xf32>
    %max3A = arith.constant 0.000000e+00 : f32
    %max3A_27 = vector.broadcast %max3A : f32 to vector<1024x128xf32>
    %max3A_28 = arith.maximumf %add3A_26, %max3A_27 : vector<1024x128xf32>
    %get3A_29 = arith.constant 0 : index
    %get3A_30 = arith.constant 0 : index
    %get3A_31 = vector.load %arg5[%get3A_29, %get3A_30] : memref<128x128xf32, #tpu.memory_space<vmem>>, vector<128x128xf32>
    %dot_general3A_32 = arith.constant dense<0.000000e+00> : vector<1024x128xf32>
    %dot_general3A_33 = tpu.matmul %max3A_28, %get3A_31, %dot_general3A_32 {dimension_numbers = #tpu.dot_dimension_numbers<[1], [0], [0], [1], [0, 0, 1, 1], [], []>, transpose_lhs_hint = false} : vector<1024x128xf32>, vector<128x128xf32>, vector<1024x128xf32> -> vector<1024x128xf32>
    %mul3A_34 = vector.broadcast %rsqrt3A : vector<1024x1xf32> to vector<1024x128xf32>
    %mul3A_35 = arith.mulf %dot_general3A_33, %mul3A_34 : vector<1024x128xf32>
    %swap3A = arith.constant 0 : index
    %swap3A_36 = arith.constant 0 : index
    %swap3A_37 = vector.load %arg6[%swap3A, %swap3A_36] : memref<1024x128xf32, #tpu.memory_space<vmem>>, vector<1024x128xf32>
    tpu.vector_store %arg6[%swap3A, %swap3A_36], %mul3A_35 {strides = array<i32>} : memref<1024x128xf32, #tpu.memory_space<vmem>>, vector<1024x128xf32>,
    return
  }
  func.func @transform_0(%arg0: i32) -> (i32, i32, i32) {
    %c0_i32 = arith.constant 0 : i32
    %c0_i32_0 = arith.constant 0 : i32
    %c0_i32_1 = arith.constant 0 : i32
    return %c0_i32, %arg0, %c0_i32_0 : i32, i32, i32
  }
  func.func @transform_1(%arg0: i32) -> (i32, i32) {
    %c0_i32 = arith.constant 0 : i32
    %c0_i32_0 = arith.constant 0 : i32
    return %arg0, %c0_i32 : i32, i32
  }
  func.func @transform_2(%arg0: i32) -> (i32, i32) {
    %c0_i32 = arith.constant 0 : i32
    %c0_i32_0 = arith.constant 0 : i32
    return %c0_i32, %arg0 : i32, i32
  }
  func.func @transform_3(%arg0: i32) -> (i32, i32) {
    %c0_i32 = arith.constant 0 : i32
    %c0_i32_0 = arith.constant 0 : i32
    %c0_i32_1 = arith.constant 0 : i32
    return %c0_i32, %c0_i32_0 : i32, i32
  }
  func.func @transform_4(%arg0: i32) -> (i32, i32) {
    %c0_i32 = arith.constant 0 : i32
    %c0_i32_0 = arith.constant 0 : i32
    %c0_i32_1 = arith.constant 0 : i32
    return %c0_i32, %c0_i32_0 : i32, i32
  }
  func.func @transform_5(%arg0: i32) -> (i32, i32) {
    %c0_i32 = arith.constant 0 : i32
    %c0_i32_0 = arith.constant 0 : i32
    return %arg0, %c0_i32 : i32, i32
  }
}

module attributes {stable_mosaic.version = 14 : i64} {
  func.func @_k3_body(%arg0: i32, %arg1: memref<2x1024x128xf32, #tpu.memory_space<vmem>>, %arg2: memref<1024x128xf32, #tpu.memory_space<vmem>>, %arg3: memref<2x1024xf32, #tpu.memory_space<vmem>>, %arg4: memref<1x128xf32, #tpu.memory_space<vmem>>, %arg5: memref<1x1x1024xi32, #tpu.memory_space<vmem>>, %arg6: memref<128x64xf32, #tpu.memory_space<vmem>>, %arg7: memref<1x64xf32, #tpu.memory_space<vmem>>, %arg8: memref<64x10xf32, #tpu.memory_space<vmem>>, %arg9: memref<1x10xf32, #tpu.memory_space<vmem>>, %arg10: memref<128x10xf32, #tpu.memory_space<vmem>>, %arg11: memref<128x128xf32, #tpu.memory_space<vmem>>, %arg12: memref<128x128xf32, #tpu.memory_space<vmem>>) attributes {dimension_semantics = [#tpu.dimension_semantics<arbitrary>], iteration_bounds = array<i64: 10>, scalar_prefetch = 0 : i64, scratch_operands = 2 : i64, tpu.core_type = #tpu.core_type<tc>, window_params = [{transform_indices = @transform_0, window_bounds = array<i64: 2, 1024, 128>}, {transform_indices = @transform_1, window_bounds = array<i64: 1024, 128>}, {transform_indices = @transform_2, window_bounds = array<i64: 2, 1024>}, {pipeline_mode = #tpu.pipeline_mode<synchronous>, transform_indices = @transform_3, window_bounds = array<i64: 1, 128>}, {transform_indices = @transform_4, window_bounds = array<i64: 1, 1, 1024>}, {pipeline_mode = #tpu.pipeline_mode<synchronous>, transform_indices = @transform_5, window_bounds = array<i64: 128, 64>}, {pipeline_mode = #tpu.pipeline_mode<synchronous>, transform_indices = @transform_6, window_bounds = array<i64: 1, 64>}, {pipeline_mode = #tpu.pipeline_mode<synchronous>, transform_indices = @transform_7, window_bounds = array<i64: 64, 10>}, {pipeline_mode = #tpu.pipeline_mode<synchronous>, transform_indices = @transform_8, window_bounds = array<i64: 1, 10>}, {pipeline_mode = #tpu.pipeline_mode<synchronous>, transform_indices = @transform_9, window_bounds = array<i64: 128, 10>}]} {
    %get3A = arith.constant 0 : index
    %get3A_0 = arith.constant 0 : index
    %get3A_1 = vector.load %arg3[%get3A, %get3A_0] : memref<2x1024xf32, #tpu.memory_space<vmem>>, vector<2x1024xf32>
    %broadcast_in_dim3A = arith.constant 1.000000e+00 : f32
    %broadcast_in_dim3A_2 = vector.broadcast %broadcast_in_dim3A : f32 to vector<2x1xf32>
    %dot_general3A = arith.constant dense<0.000000e+00> : vector<1024x1xf32>
    %dot_general3A_3 = tpu.matmul %get3A_1, %broadcast_in_dim3A_2, %dot_general3A {dimension_numbers = #tpu.dot_dimension_numbers<[0], [0], [1], [1], [0, 1, 1, 1], [], []>, transpose_lhs_hint = false} : vector<2x1024xf32>, vector<2x1xf32>, vector<1024x1xf32> -> vector<1024x1xf32>
    %add3A = arith.constant 1.000000e+00 : f32
    %add3A_4 = vector.broadcast %add3A : f32 to vector<1024x1xf32>
    %add3A_5 = arith.addf %dot_general3A_3, %add3A_4 : vector<1024x1xf32>
    %rsqrt3A = math.rsqrt %add3A_5 : vector<1024x1xf32>
    %get3A_6 = arith.constant 0 : index
    %get3A_7 = arith.constant 0 : index
    %get3A_8 = arith.constant 0 : index
    %get3A_9 = vector.load %arg1[%get3A_6, %get3A_7, %get3A_8] : memref<2x1024x128xf32, #tpu.memory_space<vmem>>, vector<1x1024x128xf32>
    %get3A_10 = vector.shape_cast %get3A_9 : vector<1x1024x128xf32> to vector<1024x128xf32>
    %get3A_11 = arith.constant 1 : index
    %get3A_12 = arith.constant 0 : index
    %get3A_13 = arith.constant 0 : index
    %get3A_14 = vector.load %arg1[%get3A_11, %get3A_12, %get3A_13] : memref<2x1024x128xf32, #tpu.memory_space<vmem>>, vector<1x1024x128xf32>
    %get3A_15 = vector.shape_cast %get3A_14 : vector<1x1024x128xf32> to vector<1024x128xf32>
    %add3A_16 = arith.addf %get3A_10, %get3A_15 : vector<1024x128xf32>
    %get3A_17 = arith.constant 0 : index
    %get3A_18 = arith.constant 0 : index
    %get3A_19 = vector.load %arg2[%get3A_17, %get3A_18] : memref<1024x128xf32, #tpu.memory_space<vmem>>, vector<1024x128xf32>
    %add3A_20 = arith.addf %add3A_16, %get3A_19 : vector<1024x128xf32>
    %mul3A = vector.broadcast %rsqrt3A : vector<1024x1xf32> to vector<1024x128xf32>
    %mul3A_21 = arith.mulf %mul3A, %add3A_20 : vector<1024x128xf32>
    %get3A_22 = arith.constant 0 : index
    %get3A_23 = arith.constant 0 : index
    %get3A_24 = vector.load %arg4[%get3A_22, %get3A_23] : memref<1x128xf32, #tpu.memory_space<vmem>>, vector<1x128xf32>
    %add3A_25 = vector.broadcast %get3A_24 : vector<1x128xf32> to vector<1024x128xf32>
    %add3A_26 = arith.addf %mul3A_21, %add3A_25 : vector<1024x128xf32>
    %max3A = arith.constant 0.000000e+00 : f32
    %max3A_27 = vector.broadcast %max3A : f32 to vector<1024x128xf32>
    %max3A_28 = arith.maximumf %add3A_26, %max3A_27 : vector<1024x128xf32>
    %iota3A = tpu.iota {dimensions = array<i32: 0>} : vector<1024x128xi32>
    %mul3A_29 = arith.constant 1024 : i32
    %mul3A_30 = arith.muli %arg0, %mul3A_29 : i32
    %add3A_31 = vector.broadcast %mul3A_30 : i32 to vector<1024x128xi32>
    %add3A_32 = arith.addi %iota3A, %add3A_31 : vector<1024x128xi32>
    %lt3A = arith.constant 10000 : i32
    %lt3A_33 = vector.broadcast %lt3A : i32 to vector<1024x128xi32>
    %lt3A_34 = arith.cmpi slt, %add3A_32, %lt3A_33 : vector<1024x128xi32>
    %jit3A = arith.constant 0.000000e+00 : f32
    %broadcast_in_dim3A_35 = vector.broadcast %jit3A : f32 to vector<1024x128xf32>
    %select_n3A = arith.select %lt3A_34, %max3A_28, %broadcast_in_dim3A_35 : vector<1024x128xi1>, vector<1024x128xf32>
    %get3A_36 = arith.constant 0 : index
    %get3A_37 = arith.constant 0 : index
    %get3A_38 = arith.constant 0 : index
    %get3A_39 = vector.load %arg5[%get3A_36, %get3A_37, %get3A_38] : memref<1x1x1024xi32, #tpu.memory_space<vmem>>, vector<1x1x1024xi32>
    %get3A_40 = vector.shape_cast %get3A_39 : vector<1x1x1024xi32> to vector<1x1024xi32>
    %iota3A_41 = tpu.iota {dimensions = array<i32: 0>} : vector<128x1024xi32>
    %eq3A = vector.broadcast %get3A_40 : vector<1x1024xi32> to vector<128x1024xi32>
    %eq3A_42 = arith.cmpi eq, %iota3A_41, %eq3A : vector<128x1024xi32>
    %convert_element_type3A = arith.extui %eq3A_42 : vector<128x1024xi1> to vector<128x1024xi32>
    %convert_element_type3A_43 = arith.sitofp %convert_element_type3A : vector<128x1024xi32> to vector<128x1024xf32>
    %dot_general3A_44 = arith.constant dense<0.000000e+00> : vector<128x128xf32>
    %dot_general3A_45 = tpu.matmul %convert_element_type3A_43, %select_n3A, %dot_general3A_44 {dimension_numbers = #tpu.dot_dimension_numbers<[1], [0], [0], [1], [0, 0, 1, 1], [], []>, transpose_lhs_hint = false} : vector<128x1024xf32>, vector<1024x128xf32>, vector<128x128xf32> -> vector<128x128xf32>
    %reduce_sum3A = arith.constant dense<0.000000e+00> : vector<128xf32>
    %reduce_sum3A_46 = vector.multi_reduction <add>, %convert_element_type3A_43, %reduce_sum3A [1] : vector<128x1024xf32> to vector<128xf32>
    %broadcast_in_dim3A_47 = vector.shape_cast %reduce_sum3A_46 : vector<128xf32> to vector<128x1xf32>
    %eq3A_48 = arith.constant 0 : i32
    %eq3A_49 = arith.cmpi eq, %arg0, %eq3A_48 : i32
    %convert_element_type3A_50 = arith.extui %eq3A_49 : i1 to i32
    %cond3A = arith.constant 0 : i32
    %cond3A_51 = arith.cmpi ne, %convert_element_type3A_50, %cond3A : i32
    scf.if %cond3A_51 {
      %broadcast_in_dim3A_71 = arith.constant 0.000000e+00 : f32
      %broadcast_in_dim3A_72 = vector.broadcast %broadcast_in_dim3A_71 : f32 to vector<128x128xf32>
      %swap3A_73 = arith.constant 0 : index
      %swap3A_74 = arith.constant 0 : index
      %swap3A_75 = vector.load %arg11[%swap3A_73, %swap3A_74] : memref<128x128xf32, #tpu.memory_space<vmem>>, vector<128x128xf32>
      tpu.vector_store %arg11[%swap3A_73, %swap3A_74], %broadcast_in_dim3A_72 {strides = array<i32>} : memref<128x128xf32, #tpu.memory_space<vmem>>, vector<128x128xf32>,
      %broadcast_in_dim3A_76 = arith.constant 0.000000e+00 : f32
      %broadcast_in_dim3A_77 = vector.broadcast %broadcast_in_dim3A_76 : f32 to vector<128x128xf32>
      %swap3A_78 = arith.constant 0 : index
      %swap3A_79 = arith.constant 0 : index
      %swap3A_80 = vector.load %arg12[%swap3A_78, %swap3A_79] : memref<128x128xf32, #tpu.memory_space<vmem>>, vector<128x128xf32>
      tpu.vector_store %arg12[%swap3A_78, %swap3A_79], %broadcast_in_dim3A_77 {strides = array<i32>} : memref<128x128xf32, #tpu.memory_space<vmem>>, vector<128x128xf32>,
    } else {
    }
    %get3A_52 = arith.constant 0 : index
    %get3A_53 = arith.constant 0 : index
    %get3A_54 = vector.load %arg11[%get3A_52, %get3A_53] : memref<128x128xf32, #tpu.memory_space<vmem>>, vector<128x128xf32>
    %add3A_55 = arith.addf %get3A_54, %dot_general3A_45 : vector<128x128xf32>
    %swap3A = arith.constant 0 : index
    %swap3A_56 = arith.constant 0 : index
    %swap3A_57 = vector.load %arg11[%swap3A, %swap3A_56] : memref<128x128xf32, #tpu.memory_space<vmem>>, vector<128x128xf32>
    tpu.vector_store %arg11[%swap3A, %swap3A_56], %add3A_55 {strides = array<i32>} : memref<128x128xf32, #tpu.memory_space<vmem>>, vector<128x128xf32>,
    %get3A_58 = arith.constant 0 : index
    %get3A_59 = arith.constant 0 : index
    %get3A_60 = vector.load %arg12[%get3A_58, %get3A_59] : memref<128x128xf32, #tpu.memory_space<vmem>>, vector<128x128xf32>
    %add3A_61 = vector.broadcast %broadcast_in_dim3A_47 : vector<128x1xf32> to vector<128x128xf32>
    %add3A_62 = arith.addf %get3A_60, %add3A_61 : vector<128x128xf32>
    %swap3A_63 = arith.constant 0 : index
    %swap3A_64 = arith.constant 0 : index
    %swap3A_65 = vector.load %arg12[%swap3A_63, %swap3A_64] : memref<128x128xf32, #tpu.memory_space<vmem>>, vector<128x128xf32>
    tpu.vector_store %arg12[%swap3A_63, %swap3A_64], %add3A_62 {strides = array<i32>} : memref<128x128xf32, #tpu.memory_space<vmem>>, vector<128x128xf32>,
    %eq3A_66 = arith.constant 9 : i32
    %eq3A_67 = arith.cmpi eq, %arg0, %eq3A_66 : i32
    %convert_element_type3A_68 = arith.extui %eq3A_67 : i1 to i32
    %cond3A_69 = arith.constant 0 : i32
    %cond3A_70 = arith.cmpi ne, %convert_element_type3A_68, %cond3A_69 : i32
    scf.if %cond3A_70 {
      %get3A_71 = arith.constant 0 : index
      %get3A_72 = arith.constant 0 : index
      %get3A_73 = vector.load %arg12[%get3A_71, %get3A_72] : memref<128x128xf32, #tpu.memory_space<vmem>>, vector<128x1xf32>
      %get3A_74 = arith.constant 0 : index
      %get3A_75 = arith.constant 0 : index
      %get3A_76 = vector.load %arg11[%get3A_74, %get3A_75] : memref<128x128xf32, #tpu.memory_space<vmem>>, vector<128x128xf32>
      %max3A_77 = arith.constant 1.000000e+00 : f32
      %max3A_78 = vector.broadcast %max3A_77 : f32 to vector<128x1xf32>
      %max3A_79 = arith.maximumf %get3A_73, %max3A_78 : vector<128x1xf32>
      %div3A = vector.broadcast %max3A_79 : vector<128x1xf32> to vector<128x128xf32>
      %div3A_80 = arith.divf %get3A_76, %div3A : vector<128x128xf32>
      %get3A_81 = arith.constant 0 : index
      %get3A_82 = arith.constant 0 : index
      %get3A_83 = vector.load %arg6[%get3A_81, %get3A_82] : memref<128x64xf32, #tpu.memory_space<vmem>>, vector<128x64xf32>
      %dot_general3A_84 = arith.constant dense<0.000000e+00> : vector<128x64xf32>
      %dot_general3A_85 = tpu.matmul %div3A_80, %get3A_83, %dot_general3A_84 {dimension_numbers = #tpu.dot_dimension_numbers<[1], [0], [0], [1], [0, 0, 1, 1], [], []>, transpose_lhs_hint = false} : vector<128x128xf32>, vector<128x64xf32>, vector<128x64xf32> -> vector<128x64xf32>
      %get3A_86 = arith.constant 0 : index
      %get3A_87 = arith.constant 0 : index
      %get3A_88 = vector.load %arg7[%get3A_86, %get3A_87] : memref<1x64xf32, #tpu.memory_space<vmem>>, vector<1x64xf32>
      %add3A_89 = vector.broadcast %get3A_88 : vector<1x64xf32> to vector<128x64xf32>
      %add3A_90 = arith.addf %dot_general3A_85, %add3A_89 : vector<128x64xf32>
      %max3A_91 = arith.constant 0.000000e+00 : f32
      %max3A_92 = vector.broadcast %max3A_91 : f32 to vector<128x64xf32>
      %max3A_93 = arith.maximumf %add3A_90, %max3A_92 : vector<128x64xf32>
      %get3A_94 = arith.constant 0 : index
      %get3A_95 = arith.constant 0 : index
      %get3A_96 = vector.load %arg8[%get3A_94, %get3A_95] : memref<64x10xf32, #tpu.memory_space<vmem>>, vector<64x10xf32>
      %dot_general3A_97 = arith.constant dense<0.000000e+00> : vector<128x10xf32>
      %dot_general3A_98 = tpu.matmul %max3A_93, %get3A_96, %dot_general3A_97 {dimension_numbers = #tpu.dot_dimension_numbers<[1], [0], [0], [1], [0, 0, 1, 1], [], []>, transpose_lhs_hint = false} : vector<128x64xf32>, vector<64x10xf32>, vector<128x10xf32> -> vector<128x10xf32>
      %get3A_99 = arith.constant 0 : index
      %get3A_100 = arith.constant 0 : index
      %get3A_101 = vector.load %arg9[%get3A_99, %get3A_100] : memref<1x10xf32, #tpu.memory_space<vmem>>, vector<1x10xf32>
      %add3A_102 = vector.broadcast %get3A_101 : vector<1x10xf32> to vector<128x10xf32>
      %add3A_103 = arith.addf %dot_general3A_98, %add3A_102 : vector<128x10xf32>
      %reduce_max3A = arith.constant dense<0xFF800000> : vector<128xf32>
      %reduce_max3A_104 = vector.multi_reduction <maximumf>, %add3A_103, %reduce_max3A [1] : vector<128x10xf32> to vector<128xf32>
      %broadcast_in_dim3A_105 = vector.shape_cast %reduce_max3A_104 : vector<128xf32> to vector<128x1xf32>
      %sub3A = vector.broadcast %broadcast_in_dim3A_105 : vector<128x1xf32> to vector<128x10xf32>
      %sub3A_106 = arith.subf %add3A_103, %sub3A : vector<128x10xf32>
      %exp3A = math.exp %sub3A_106 : vector<128x10xf32>
      %reduce_sum3A_107 = arith.constant dense<0.000000e+00> : vector<128xf32>
      %reduce_sum3A_108 = vector.multi_reduction <add>, %exp3A, %reduce_sum3A_107 [1] : vector<128x10xf32> to vector<128xf32>
      %broadcast_in_dim3A_109 = vector.shape_cast %reduce_sum3A_108 : vector<128xf32> to vector<128x1xf32>
      %log3A = math.log %broadcast_in_dim3A_109 : vector<128x1xf32>
      %sub3A_110 = vector.broadcast %log3A : vector<128x1xf32> to vector<128x10xf32>
      %sub3A_111 = arith.subf %sub3A_106, %sub3A_110 : vector<128x10xf32>
      %swap3A_112 = arith.constant 0 : index
      %swap3A_113 = arith.constant 0 : index
      %swap3A_114 = vector.load %arg10[%swap3A_112, %swap3A_113] : memref<128x10xf32, #tpu.memory_space<vmem>>, vector<128x10xf32>
      tpu.vector_store %arg10[%swap3A_112, %swap3A_113], %sub3A_111 {strides = array<i32>} : memref<128x10xf32, #tpu.memory_space<vmem>>, vector<128x10xf32>,
    } else {
    }
    return
  }
  func.func @transform_0(%arg0: i32) -> (i32, i32, i32) {
    %c0_i32 = arith.constant 0 : i32
    %c0_i32_0 = arith.constant 0 : i32
    %c0_i32_1 = arith.constant 0 : i32
    return %c0_i32, %arg0, %c0_i32_0 : i32, i32, i32
  }
  func.func @transform_1(%arg0: i32) -> (i32, i32) {
    %c0_i32 = arith.constant 0 : i32
    %c0_i32_0 = arith.constant 0 : i32
    return %arg0, %c0_i32 : i32, i32
  }
  func.func @transform_2(%arg0: i32) -> (i32, i32) {
    %c0_i32 = arith.constant 0 : i32
    %c0_i32_0 = arith.constant 0 : i32
    return %c0_i32, %arg0 : i32, i32
  }
  func.func @transform_3(%arg0: i32) -> (i32, i32) {
    %c0_i32 = arith.constant 0 : i32
    %c0_i32_0 = arith.constant 0 : i32
    %c0_i32_1 = arith.constant 0 : i32
    return %c0_i32, %c0_i32_0 : i32, i32
  }
  func.func @transform_4(%arg0: i32) -> (i32, i32, i32) {
    %c0_i32 = arith.constant 0 : i32
    %c0_i32_0 = arith.constant 0 : i32
    %c0_i32_1 = arith.constant 0 : i32
    return %arg0, %c0_i32, %c0_i32_0 : i32, i32, i32
  }
  func.func @transform_5(%arg0: i32) -> (i32, i32) {
    %c0_i32 = arith.constant 0 : i32
    %c0_i32_0 = arith.constant 0 : i32
    %c0_i32_1 = arith.constant 0 : i32
    return %c0_i32, %c0_i32_0 : i32, i32
  }
  func.func @transform_6(%arg0: i32) -> (i32, i32) {
    %c0_i32 = arith.constant 0 : i32
    %c0_i32_0 = arith.constant 0 : i32
    %c0_i32_1 = arith.constant 0 : i32
    return %c0_i32, %c0_i32_0 : i32, i32
  }
  func.func @transform_7(%arg0: i32) -> (i32, i32) {
    %c0_i32 = arith.constant 0 : i32
    %c0_i32_0 = arith.constant 0 : i32
    %c0_i32_1 = arith.constant 0 : i32
    return %c0_i32, %c0_i32_0 : i32, i32
  }
  func.func @transform_8(%arg0: i32) -> (i32, i32) {
    %c0_i32 = arith.constant 0 : i32
    %c0_i32_0 = arith.constant 0 : i32
    %c0_i32_1 = arith.constant 0 : i32
    return %c0_i32, %c0_i32_0 : i32, i32
  }
  func.func @transform_9(%arg0: i32) -> (i32, i32) {
    %c0_i32 = arith.constant 0 : i32
    %c0_i32_0 = arith.constant 0 : i32
    %c0_i32_1 = arith.constant 0 : i32
    return %c0_i32, %c0_i32_0 : i32, i32
  }
}

</mosaic_0001>

<sc_bundles>
// kernel: kernel.11.cloned.1.call-start
scs
__scs_entry_jumppad:
0x0: {  	(pc) =	sbr.rel $0x88, $3  }
0x1: {  	(tag) =	ssettag $0x0;
	lr =	simm.s32 $0x1  }
0x2: {  	[smem:$0x3F96] =	sst lr;
	_ =	strace $0xD0000000  }
0x3: {  	_ = 	snop  }
0x4: {  	_ = 	snop  }
0x5: {  	_ = 	snop  }
0x6: {  	_ = 	snop  }
0x7: {  	_ = 	snop  }
__scs_overlays_trampoline_lowered:
0x8: {  	[smem:$0x3FA5] =	sst s0  }
0x9: {  	[smem:$0x3FA6] =	sst s1  }
0xa: {  	[smem:$0x3FA7] =	sst s2  }
0xb: {  	[smem:$0x3FA8] =	sst s3  }
0xc: {  	[smem:$0x3FA9] =	sst s4  }
0xd: {  	[smem:$0x3FAA] =	sst s5  }
0xe: {  	[smem:$0x3FAB] =	sst s6  }
0xf: {  	[smem:$0x3FAC] =	sst s7  }
0x10: {  	[smem:$0x3FAD] =	sst s8  }
0x11: {  	[smem:$0x3FAE] =	sst s9;
	s0 =	simm.s32 @!p0 $0x0  }
0x12: {  	s1 =	sld [smem:$0x3F94];
	s0 =	simm.s32 @p0 $0x1  }
0x13: {  	[smem:$0x3FAF] =	sst s0;
	s0 =	simm.s32 @!p1 $0x0  }
0x14: {  	s2 =	sld [smem:$0x3F93];
	s0 =	simm.s32 @p1 $0x1  }
0x15: {  	[smem:$0x3FB0] =	sst s0;
	s0 =	simm.s32 @!p2 $0x0  }
0x16: {  	s3 =	sld [smem:$0x3FDB];
	s0 =	simm.s32 @p2 $0x1  }
0x17: {  	s4 =	simm.s32 $0x1BF5;
	[smem:$0x3FB2] =	sst s0  }
0x18: {  	s0 =	sld [smem:$0x3F95];
	_ =	swait.ge [sflag:s4], $0x0  }
0x19: {  	s7 =	sld [smem:$0x3F96]  }
0x1a: {  	s8 =	sadd.s32 $0xFFFFE003, lr  }
0x1b: {  	s9 =	sadd.s32 $0xFFFFFEF7, lr;
	s5 =	simm.s32 $0xFFFFFFFF;
	p2 =	slt.u32 s8, $0xFFFFF086  }
0x1c: {  	p1 =	slt.u32 s9, $0xF7A;
	s5 =	simm.s32 @!p2 $0x0  }
0x1d: {  	s5 =	simm.s32 @p1 $0x1;
	p0 =	seq.s32 s7, s2  }
0x1e: {  	s7 =	smul.u32 @!p0 $0xF7A, s2;
	p2 =	seq.s32 @!p0 s5, $0x0  }
0x1f: {  	s9 =	smul.u32 $0xF7A, s1;
	s8 =	simm.s32 @!p0 $0x1BF5;
	p2 =	por !p2, p0  }
0x20: {  	[sflag:s8] =	ssyncset.s32 @!p0 $0xFFFFF086;
	s6 =	sadd.s32 @!p0 s3, s7;
	s7 =	simm.s32 @!p0 $0x108  }
0x21: {  	s3 =	sadd.s32 s3, s9;
	s6 =	sadd.s32 @!p0 $0x88, s6;
	s7 =	simm.s32 @p2 $0x1082  }
0x22: {  	[simem:s7], [sflag:s8] =	dma.local @!p0 [hbm:s6], $0xF7A  }
0x23: {  	s9 =	sor.u32 $0xD0000000, s2;
	s6 =	simm.s32 $0x108;
	_ =	swait.ge @!p0 [sflag:s8], $0x0  }
0x24: {  	s3 =	sadd.s32 $0x88, s3;
	s6 =	simm.s32 @!p1 $0x1082;
	[sflag:s4] =	ssyncset.s32 $0xFFFFF086  }
0x25: {  	[simem:s6], [sflag:s4] =	dma.local [hbm:s3], $0xF7A  }
0x26: {  	[smem:$0x3F96] =	sst s1;
	(tag) =	ssettag s2;
	_ =	strace s9  }
0x27: {  	s1 =	sld [smem:$0x3FA6]  }
0x28: {  	s2 =	sld [smem:$0x3FA7]  }
0x29: {  	s4 =	sld [smem:$0x3FA9]  }
0x2a: {  	p0 =	seq.s32 s5, $0x0;
	s5 =	sld [smem:$0x3FAA]  }
0x2b: {  	s6 =	sld [smem:$0x3FAB]  }
0x2c: {  	s7 =	sld [smem:$0x3FAC]  }
0x2d: {  	s3 =	simm.s32 $0x108;
	s8 =	sld [smem:$0x3FAD]  }
0x2e: {  	s3 =	simm.s32 @!p0 $0x1082;
	s9 =	sld [smem:$0x3FAE]  }
0x2f: {  	lr =	sadd.s32 s0, s3;
	s0 =	sld [smem:$0x3FA5]  }
0x30: {  	s3 =	sld [smem:$0x3FA8]  }
0x31: {  	[smem:$0x3FB1] =	sst s10  }
0x32: {  	s10 =	sld [smem:$0x3FAF];
	_ =	sdelay $0x3  }
0x33: {  	p0 =	seq.s32 s10, $0x1;
	s10 =	sld [smem:$0x3FB1];
	_ =	sdelay $0x3  }
0x34: {  	[smem:$0x3FB1] =	sst s10  }
0x35: {  	s10 =	sld [smem:$0x3FB0];
	_ =	sdelay $0x3  }
0x36: {  	p1 =	seq.s32 s10, $0x1;
	s10 =	sld [smem:$0x3FB1];
	_ =	sdelay $0x3  }
0x37: {  	[smem:$0x3FB1] =	sst s10  }
0x38: {  	s10 =	sld [smem:$0x3FB2]  }
0x39: {  	_ = 	snop;
	(pc) =	sbr.ind lr, $3  }
0x3a: {  	_ = 	snop  }
0x3b: {  	_ = 	snop  }
0x3c: {  	p2 =	seq.s32 s10, $0x1;
	s10 =	sld [smem:$0x3FB1]  }
0x3d: {  	_ =	shalt  }
0x3e: {  	_ =	shalt  }
0x3f: {  	_ =	shalt  }
0x40: {  	_ =	shalt  }
0x41: {  	_ =	shalt  }
0x42: {  	_ =	shalt  }
0x43: {  	_ =	shalt  }
0x44: {  	_ =	shalt  }
0x45: {  	_ =	shalt  }
0x46: {  	_ =	shalt  }
0x47: {  	_ =	shalt  }
0x48: {  	_ =	shalt  }
0x49: {  	_ =	shalt  }
0x4a: {  	_ =	shalt  }
0x4b: {  	_ =	shalt  }
0x4c: {  	_ =	shalt  }
0x4d: {  	_ =	shalt  }
0x4e: {  	_ =	shalt  }
0x4f: {  	_ =	shalt  }
0x50: {  	_ =	shalt  }
0x51: {  	_ =	shalt  }
0x52: {  	_ =	shalt  }
0x53: {  	_ =	shalt  }
0x54: {  	_ =	shalt  }
0x55: {  	_ =	shalt  }
0x56: {  	_ =	shalt  }
0x57: {  	_ =	shalt  }
0x58: {  	_ =	shalt  }
0x59: {  	_ =	shalt  }
0x5a: {  	_ =	shalt  }
0x5b: {  	_ =	shalt  }
0x5c: {  	_ =	shalt  }
0x5d: {  	_ =	shalt  }
0x5e: {  	_ =	shalt  }
0x5f: {  	_ =	shalt  }
0x60: {  	_ =	shalt  }
0x61: {  	_ =	shalt  }
0x62: {  	_ =	shalt  }
0x63: {  	_ =	shalt  }
0x64: {  	_ =	shalt  }
0x65: {  	_ =	shalt  }
0x66: {  	_ =	shalt  }
0x67: {  	_ =	shalt  }
0x68: {  	_ =	shalt  }
0x69: {  	_ =	shalt  }
0x6a: {  	_ =	shalt  }
0x6b: {  	_ =	shalt  }
0x6c: {  	_ =	shalt  }
0x6d: {  	_ =	shalt  }
0x6e: {  	_ =	shalt  }
0x6f: {  	_ =	shalt  }
0x70: {  	_ =	shalt  }
0x71: {  	_ =	shalt  }
0x72: {  	_ =	shalt  }
0x73: {  	_ =	shalt  }
0x74: {  	_ =	shalt  }
0x75: {  	_ =	shalt  }
0x76: {  	_ =	shalt  }
0x77: {  	_ =	shalt  }
0x78: {  	_ =	shalt  }
0x79: {  	_ =	shalt  }
0x7a: {  	_ =	shalt  }
0x7b: {  	_ =	shalt  }
0x7c: {  	_ =	shalt  }
0x7d: {  	_ =	shalt  }
0x7e: {  	_ =	shalt  }
0x7f: {  	_ =	shalt  }
0x80: {  	_ =	shalt  }
0x81: {  	_ =	shalt  }
0x82: {  	_ =	shalt  }
0x83: {  	_ =	shalt  }
0x84: {  	_ =	shalt  }
0x85: {  	_ =	shalt  }
0x86: {  	_ =	shalt  }
0x87: {  	_ =	shalt  }
.Lfunc_end0:
.L_simem_size_0:
called_computation.1_lowered:
.L_overlay_start_0:
0x88: {  	s2 =	sld [smem:$0x3FD9]  }
0x89: {  	s3 =	sld [smem:$0x3FFE];
	_ =	sdelay $0x1  }
0x8a: {  	s1 =	srdreg.scid  }
0x8b: {  	s0 =	sand.u32 $0x1, s1  }
0x8c: {  	s16 =	sshll.u32 s0, $0xA;
	s2 =	sadd.s32 s3, s2  }
0x8d: {  	s2 =	sadd.s32 s2, s16  }
0x8e: {  	[smem:$0x3FBD] =	sst s2  }
0x8f: {  	_ = 	snop  }
0x90: {  	(tm) =	ssettm $0x1  }
0x91: {  	s17 =	sld [smem:$0x3FFB];
	_ =	sdelay $0x3  }
0x92: {  	_ =	strace s17  }
0x93: {  	s2 =	sld [smem:$0x3FFC];
	_ =	sdelay $0x3  }
0x94: {  	_ =	strace s2  }
0x95: {  	s2 =	sld [smem:$0x3FFD];
	_ =	sdelay $0x3  }
0x96: {  	_ =	strace s2  }
0x97: {  	_ =	strace $0x8FFFFFFF  }
0x98: {  	s18 =	sld [smem:$0x3FDB];
	_ =	sdelay $0x1  }
0x99: {  	s19 =	simm.s32 $_scs_section_size  }
0x9a: {  	s4 =	simm.s32 $_size__tile_overlayer_lowered;
	s5 =	simm.s32 $_tile_overlayer_lowered  }
0x9b: {  	s22 =	simm.s32 $0x1BFF;
	s21 =	sshll.u32 s5, $0x1;
	s2 =	sadd.s32 s19, s18  }
0x9c: {  	s6 =	simm.s32 $0x0;
	s20 =	sshll.u32 s4, $0x1;
	s4 =	sadd.s32 s21, s2  }
0x9d: {  	[timem:s6], [sflag:s22] =	dma.local [hbm:s4], s20  }
0x9e: {  	_ =	swait.ge [sflag:s22], s20  }
0x9f: {  	s3 =	ssub.s32 $0x0, s20;
	[sflag:s22] =	ssyncset.done $0x0  }
0xa0: {  	[sflag:s22] =	ssyncadd.s32 s3;
	_ =	sdelay $0x1  }
0xa1: {  	s23 =	simm.s32 $0x1B8B  }
0xa2: {  	_ =	swait.ge [sflag:s23], $0x1  }
0xa3: {  	[sflag:s23] =	ssyncset.done $0x0  }
0xa4: {  	s25 =	simm.s32 $0x1B8E;
	s24 =	sld [smem:$0x3FFE];
	[sflag:s23] =	ssyncadd.s32 $0xFFFFFFFF  }
0xa5: {  	s26 =	simm.s32 $execute0_lowered;
	[smem:$0x3FD2] =	sst s25  }
0xa6: {  	s4 =	sshll.u32 s26, $0x1;
	_ =	strace $0x80000049;
	[dreg:$0x1] =	wrdreg $0xFFFFFFFF  }
0xa7: {  	s28 =	simm.s32 $_size_execute0_lowered;
	s2 =	sadd.s32 s2, s4;
	[dreg:$0x0] =	wrdreg $0x0  }
0xa8: {  	s4 =	sshll.u32 s28, $0x1;
	[dreg:$0x2] =	wrdreg s2  }
0xa9: {  	[dreg:$0x3] =	wrdreg s4  }
0xaa: {  	[dreg:$0x4] =	wrdreg $0xC0  }
0xab: {  	_ =	task [dreg:s6], $0x5FFFF  }
0xac: {  	[dreg:$0x1] =	wrdreg $0xFFFFFFFF  }
0xad: {  	[dreg:$0x0] =	wrdreg $0x60  }
0xae: {  	[dreg:$0x2] =	wrdreg s24  }
0xaf: {  	[dreg:$0x3] =	wrdreg $0x90000  }
0xb0: {  	[dreg:$0x4] =	wrdreg $0x9  }
0xb1: {  	_ =	task.clear_ibuf [dreg:s6], $0x5FFFF;
	_ =	strace $0x90000049  }
0xb2: {  	s29 =	simm.s32 $0x9;
	_ =	strace $0x8000004B  }
0xb3: {  	_ =	swait.ge [sflag:s29], $0x1  }
0xb4: {  	[sflag:s29] =	ssyncadd.s32 $0xFFFFFFFF  }
0xb5: {  	_ =	strace $0x9000004B  }
0xb6: {  	_ =	sfence  }
0xb7: {  	s30 =	sld [smem:$0x0];
	_ =	sdelay $0x2  }
0xb8: {  	s31 =	sshll.u32 s1, $0xD;
	s1 =	sshrl.u32 s1, $0x2  }
0xb9: {  	s3 =	sand.u32 $0x4000, s31;
	s1 =	sadd.s32 s1, s30  }
0xba: {  	s0 =	sor.u32 s3, s0;
	s1 =	sshll.u32 s1, $0x11  }
0xbb: {  	s0 =	sor.u32 s1, s0  }
0xbc: {  	s0 =	sadd.s32 $0x8F2B, s0  }
0xbd: {  	[sflag:s0] =	ssyncadd.remote.s32 $0x1  }
0xbe: {  	_ =	sfence.sel $0xFFFF  }
0xbf: {  	[dreg:$0x0] =	wrdreg $0xFFFFFFFF;
	(pc) =	sbr.abs _section_cstart, $3  }
0xc0: {  	[dreg:$0x1] =	wrdreg $0xFFFFFFFF  }
0xc1: {  	_ =	task.clear_ibuf [dreg:s6], $0x2FFFF;
	_ =	strace $0x9FFFFFFF  }
0xc2: {  	(tm) =	ssettm $0x7FFFFFFF  }
0xc3: {  	_ =	shalt  }
tec
execute0_lowered:
.L_overlay_start_1:
0x0: {  	(tag) =	ssettag $0x1  }
0x1: {  	s0 =	rddreg [dreg:$0x0]  }
0x2: {  	s1 =	rddreg [dreg:$0x1]  }
0x3: {  	s2 =	simm.s32 $0x0;
	s4 =	srdreg.scid;
	s13 =	stileid.u32  }
0x4: {  	s26 =	simm.s32 $0x100;
	s28 =	simm.s32 $0x7;
	[smem:$0x7FF] =	sst s2  }
0x5: {  	s5 =	sadd.s32 $0x3400, s0;
	s6 =	sadd.s32 $0x3F400, s0;
	s7 =	smul.u32 $0x70, s13  }
0x6: {  	s10 =	sand.u32 $0x1, s4;
	s8 =	smul.u32 $0x30, s13;
	_ =	strace $0x8000004A  }
0x7: {  	[smem:$0x7EF] =	sst s6;
	p0 =	seq.s32 s10, $0x0;
	s6 =	simm.s32 $0xE  }
0x8: {  	s9 =	sadd.s32 $0xD400, s0;
	s12 =	smul.u32 $0x50000, s13;
	s6 =	simm.s32 @!p0 $0x6  }
0x9: {  	s4 =	ssub.s32 $0x2, s10;
	[dreg:$0xa] =	wrdreg s26;
	s16 =	sadd.s32 $0xFFFFFFFF, s6  }
0xa: {  	s11 =	sshrl.u32 s4, $0x1;
	s18 =	sadd.s32 $0xFFFFFFFE, s6;
	[dreg:$0x3] =	wrdreg s16  }
0xb: {  	s4 =	ssub.s32 s4, s11;
	s19 =	sshll.u32 s6, $0x7;
	[dreg:$0x4] =	wrdreg s18  }
0xc: {  	s11 =	sadd.s32 $0x700, s8;
	[dreg:$0x5] =	wrdreg s19;
	s19 =	simm.s32 $0x880  }
0xd: {  	s11 =	smov.u32 @p0 s7;
	s4 =	smax.u32 s4, $0x1;
	[dreg:$0xb] =	wrdreg s19  }
0xe: {  	s16 =	sshll.u32 s11, $0x4;
	s19 =	simm.s32 $0x180;
	[smem:$0x7F9] =	sst s4  }
0xf: {  	s14 =	smul.u32 $0x14000, s13;
	s22 =	sadd.s32 s9, s16;
	[dreg:$0xc] =	wrdreg s19  }
0x10: {  	s10 =	smul.u32 $0x140000, s10;
	s18 =	sadd.s32 s5, s16;
	[smem:$0x7F0] =	sst s22  }
0x11: {  	s20 =	sadd.s32 $0x100, s16;
	s19 =	simm.s32 $0x380;
	[smem:$0x7F1] =	sst s18  }
0x12: {  	s17 =	sshrl.u32 s12, $0x2;
	s21 =	sadd.s32 s20, s5;
	[dreg:$0x14] =	wrdreg s19  }
0x13: {  	s15 =	sadd.s32 $0x4000, s14;
	s23 =	sadd.s32 s20, s9;
	[dreg:$0x6] =	wrdreg s21  }
0x14: {  	s26 =	sadd.s32 s14, s10;
	s24 =	sadd.s32 $0x180, s22;
	[dreg:$0x7] =	wrdreg s23  }
0x15: {  	s16 =	sor.u32 $0x80, s16;
	s25 =	sadd.s32 $0x180, s18;
	[dreg:$0x8] =	wrdreg s24  }
0x16: {  	s7 =	sadd.s32 s17, s1;
	s5 =	sadd.s32 s5, s16;
	[dreg:$0x9] =	wrdreg s25  }
0x17: {  	s17 =	sadd.s32 $0x8000, s14;
	s22 =	simm.s32 $0x200;
	[smem:$0x7F2] =	sst s5  }
0x18: {  	s18 =	sadd.s32 $0xC000, s14;
	s9 =	sadd.s32 s9, s16;
	[dreg:$0xe] =	wrdreg s22  }
0x19: {  	s20 =	sadd.s32 $0x10000, s14;
	s14 =	simm.s32 $0x300;
	[smem:$0x7F3] =	sst s9  }
0x1a: {  	s29 =	simm.s32 $0x80;
	s16 =	simm.s32 $0xA80;
	[dreg:$0x12] =	wrdreg s14  }
0x1b: {  	s30 =	simm.s32 $0x5000;
	s19 =	simm.s32 $0xD80;
	[dreg:$0x13] =	wrdreg s16  }
0x1c: {  	s31 =	simm.s32 $0x5;
	s21 =	simm.s32 $0x900;
	[dreg:$0x1d] =	wrdreg s19  }
0x1d: {  	s3 =	sadd.s32 $0x17400, s0;
	s23 =	simm.s32 $0x980;
	[dreg:$0xd] =	wrdreg s21  }
0x1e: {  	s0 =	sadd.s32 $0x3FC00, s0;
	s24 =	simm.s32 $0x280;
	[dreg:$0xf] =	wrdreg s23  }
0x1f: {  	s8 =	sadd.s32 s15, s1;
	s25 =	simm.s32 $0xA00;
	[dreg:$0x10] =	wrdreg s24  }
0x20: {  	s11 =	sadd.s32 s17, s1;
	s22 =	simm.s32 $0xB00;
	[dreg:$0x11] =	wrdreg s25  }
0x21: {  	s9 =	sshrl.u32 s26, $0x3;
	s26 =	simm.s32 $0x500;
	[dreg:$0x15] =	wrdreg s22  }
0x22: {  	s12 =	sadd.s32 s18, s1;
	s14 =	simm.s32 $0xC80;
	[dreg:$0x18] =	wrdreg s26  }
0x23: {  	s16 =	sadd.s32 s10, s18;
	s18 =	simm.s32 $0x600;
	[dreg:$0x19] =	wrdreg s14  }
0x24: {  	s4 =	simm.s32 $0x3;
	s9 =	sadd.s32 s0, s9;
	[dreg:$0x1c] =	wrdreg s18  }
0x25: {  	s13 =	sadd.s32 s20, s1;
	s23 =	simm.s32 $0xB80;
	[smem:$0x7F4] =	sst s9  }
0x26: {  	s20 =	sadd.s32 s10, s20;
	s24 =	simm.s32 $0x480;
	[dreg:$0x16] =	wrdreg s23  }
0x27: {  	s21 =	sadd.s32 s10, s15;
	s15 =	simm.s32 $0x580;
	[dreg:$0x17] =	wrdreg s24  }
0x28: {  	s25 =	sadd.s32 s10, s17;
	s17 =	simm.s32 $0xD00;
	[dreg:$0x1a] =	wrdreg s15  }
0x29: {  	s5 =	simm.s32 $0x2;
	s22 =	simm.s32 $0xE00;
	[dreg:$0x1b] =	wrdreg s17  }
0x2a: {  	s26 =	simm.s32 $0xF00;
	s10 =	simm.s32 $0x6;
	[dreg:$0x1f] =	wrdreg s22  }
0x2b: {  	s9 =	sshrl.u32 s21, $0x3;
	s21 =	simm.s32 $0x680;
	[smem:$0x7FD] =	sst s26  }
0x2c: {  	s14 =	simm.s32 $0xF80;
	s23 =	simm.s32 $0x700;
	[dreg:$0x1e] =	wrdreg s21  }
0x2d: {  	s24 =	simm.s32 $0xE80;
	s9 =	sadd.s32 s0, s9;
	[smem:$0x7FA] =	sst s23  }
0x2e: {  	s22 =	simm.s32 $0x1000;
	[smem:$0x7F5] =	sst s9;
	s9 =	sshrl.u32 s25, $0x3  }
0x2f: {  	s26 =	simm.s32 $0xC00;
	[smem:$0x7FB] =	sst s24;
	s9 =	sadd.s32 s0, s9  }
0x30: {  	s15 =	simm.s32 $0x0;
	[smem:$0x7F6] =	sst s9;
	s9 =	sshrl.u32 s16, $0x3  }
0x31: {  	s23 =	simm.s32 $0x9;
	s24 =	simm.s32 $0x400;
	s9 =	sadd.s32 s0, s9  }
0x32: {  	s25 =	simm.s32 $0x780;
	[smem:$0x7F7] =	sst s9;
	s9 =	sshrl.u32 s20, $0x3  }
0x33: {  	[smem:$0x7FC] =	sst s25;
	s25 =	simm.s32 $0x800;
	s0 =	sadd.s32 s0, s9  }
0x34: {  	s9 =	simm.s32 $0x4;
	[smem:$0x7F8] =	sst s0;
	s0 =	simm.s32 $0x1  }
.LBB2_1:
0x35: {  	s16 =	sld [smem:$0x7EF];
	_ =	sdelay $0x2  }
0x36: {  	[tilespmem:s22], [sflag:$0x9] =	stream.linear.gather [hbm4b:s16+s2], $0x4000, $0x38;
	[tilespmem:$0x1D000] =	vst v63  }
0x37: {  	_ =	swait.ge [sflag:s23], $0x4000  }
0x38: {  	[sflag:s23] =	ssyncset.done $0x0  }
0x39: {  	[sflag:s23] =	ssyncadd.s32 $0xFFFFC000  }
0x3a: {  	[spmem:s7] =	stream.linear.scatter [tilespmem:s22], [sflag:$0x9], $0x4000, $0x38;
	[tilespmem:$0x1D000] =	vst v63  }
0x3b: {  	_ =	swait.ge [sflag:s23], $0x4000  }
0x3c: {  	[sflag:s23] =	ssyncset.done $0x0  }
0x3d: {  	[sflag:s23] =	ssyncadd.s32 $0xFFFFC000  }
0x3e: {  	[spmem:s8] =	stream.linear.scatter [tilespmem:s22], [sflag:$0x9], $0x4000, $0x38;
	[tilespmem:$0x1D000] =	vst v63  }
0x3f: {  	_ =	swait.ge [sflag:s23], $0x4000  }
0x40: {  	[sflag:s23] =	ssyncset.done $0x0  }
0x41: {  	[sflag:s23] =	ssyncadd.s32 $0xFFFFC000  }
0x42: {  	[spmem:s11] =	stream.linear.scatter [tilespmem:s22], [sflag:$0x9], $0x4000, $0x38;
	[tilespmem:$0x1D000] =	vst v63  }
0x43: {  	_ =	swait.ge [sflag:s23], $0x4000  }
0x44: {  	[sflag:s23] =	ssyncset.done $0x0  }
0x45: {  	[sflag:s23] =	ssyncadd.s32 $0xFFFFC000  }
0x46: {  	[spmem:s12] =	stream.linear.scatter [tilespmem:s22], [sflag:$0x9], $0x4000, $0x38;
	[tilespmem:$0x1D000] =	vst v63  }
0x47: {  	_ =	swait.ge [sflag:s23], $0x4000  }
0x48: {  	[sflag:s23] =	ssyncset.done $0x0  }
0x49: {  	[sflag:s23] =	ssyncadd.s32 $0xFFFFC000  }
0x4a: {  	[spmem:s13] =	stream.linear.scatter [tilespmem:s22], [sflag:$0x9], $0x4000, $0x38;
	[tilespmem:$0x1D000] =	vst v63  }
0x4b: {  	_ =	swait.ge [sflag:s23], $0x4000  }
0x4c: {  	s18 =	sld [smem:$0x7F1]  }
0x4d: {  	[sflag:s23] =	ssyncset.done $0x0  }
0x4e: {  	s19 =	sld [smem:$0x7F2];
	[sflag:s23] =	ssyncadd.s32 $0xFFFFC000  }
0x4f: {  	[tilespmem:s2], [sflag:$0x7] =	stream.linear.gather [hbm4b:s18+s2], $0x400, $0x38;
	[tilespmem:$0x1D000] =	vst v63  }
0x50: {  	s20 =	sld [smem:$0x7F0]  }
0x51: {  	[tilespmem:s24], [sflag:$0x8] =	stream.linear.gather [hbm4b:s19+s2], $0x400, $0x38;
	[tilespmem:$0x1D000] =	vst v63  }
0x52: {  	s21 =	sld [smem:$0x7F3]  }
0x53: {  	[tilespmem:s25], [sflag:$0x5] =	stream.linear.gather [hbm4b:s20+s2], $0x400, $0x38;
	[tilespmem:$0x1D000] =	vst v63  }
0x54: {  	_ = 	snop  }
0x55: {  	[tilespmem:s26], [sflag:$0x6] =	stream.linear.gather [hbm4b:s21+s2], $0x400, $0x38;
	[tilespmem:$0x1D000] =	vst v63  }
0x56: {  	_ =	swait.ge [sflag:s28], $0x400  }
0x57: {  	[sflag:s28] =	ssyncset.done $0x0  }
0x58: {  	[sflag:s28] =	ssyncadd.s32 $0xFFFFFC00  }
0x59: {  	[tilespmem:s22], [sflag:$0x1] =	stream.indirect.gather [hbm4b:s3+s29], $0x80, s2, s29, $0xb8;
	[tilespmem:$0x1D000] =	vst v63  }
0x5a: {  	_ = 	snop  }
0x5b: {  	[tilespmem:s30], [sflag:$0x2] =	stream.indirect.gather [hbm4b:s3+s29], $0x80, s29, s29, $0xb8;
	[tilespmem:$0x1D000] =	vst v63  }
0x5c: {  	s17 =	simm.s32 $0x0;
	s16 =	simm.s32 $0x0;
	[bflag:$0x0] =	sbarrier.arrive $0xFFFF  }
.LBB2_2:
0x5d: {  	_ =	swait.ge [sflag:s31], $0x400  }
0x5e: {  	[sflag:s31] =	ssyncset.done $0x0  }
0x5f: {  	[sflag:s31] =	ssyncadd.s32 $0xFFFFFC00  }
0x60: {  	_ =	swait.ge [sflag:s0], $0x4000  }
0x61: {  	[sflag:s0] =	ssyncset.done $0x0  }
0x62: {  	[sflag:s0] =	ssyncadd.s32 $0xFFFFC000  }
0x63: {  	[spmem:s1] =	stream.indirect.scatter.add.f32 [tilespmem:s22], [sflag:$0x3], $0x80, s25, s29, $0xb8;
	[tilespmem:$0x1D000] =	vst v63  }
0x64: {  	_ =	swait.ge [sflag:s4], $0x4000  }
0x65: {  	[sflag:s4] =	ssyncset.done $0x0  }
0x66: {  	s18 =	rddreg [dreg:$0xa];
	[sflag:s4] =	ssyncadd.s32 $0xFFFFC000  }
0x67: {  	[tilespmem:s22], [sflag:$0x1] =	stream.indirect.gather [hbm4b:s3+s29], $0x80, s18, s29, $0xb8;
	[tilespmem:$0x1D000] =	vst v63  }
0x68: {  	_ =	swait.ge [sflag:s5], $0x4000  }
0x69: {  	[sflag:s5] =	ssyncset.done $0x0  }
0x6a: {  	s21 =	rddreg [dreg:$0xb];
	[sflag:s5] =	ssyncadd.s32 $0xFFFFC000  }
0x6b: {  	[spmem:s1] =	stream.indirect.scatter.add.f32 [tilespmem:s30], [sflag:$0x4], $0x80, s21, s29, $0xb8;
	[tilespmem:$0x1D000] =	vst v63  }
0x6c: {  	_ =	swait.ge [sflag:s9], $0x4000  }
0x6d: {  	[sflag:s9] =	ssyncset.done $0x0  }
0x6e: {  	s19 =	rddreg [dreg:$0xc];
	[sflag:s9] =	ssyncadd.s32 $0xFFFFC000  }
0x6f: {  	[tilespmem:s30], [sflag:$0x2] =	stream.indirect.gather [hbm4b:s3+s29], $0x80, s19, s29, $0xb8;
	[tilespmem:$0x1D000] =	vst v63  }
0x70: {  	_ =	swait.ge [sflag:s0], $0x4000  }
0x71: {  	[sflag:s0] =	ssyncset.done $0x0  }
0x72: {  	s20 =	rddreg [dreg:$0xd];
	[sflag:s0] =	ssyncadd.s32 $0xFFFFC000  }
0x73: {  	[spmem:s1] =	stream.indirect.scatter.add.f32 [tilespmem:s22], [sflag:$0x3], $0x80, s20, s29, $0xb8;
	[tilespmem:$0x1D000] =	vst v63  }
0x74: {  	_ =	swait.ge [sflag:s4], $0x4000  }
0x75: {  	[sflag:s4] =	ssyncset.done $0x0  }
0x76: {  	s21 =	rddreg [dreg:$0xe];
	[sflag:s4] =	ssyncadd.s32 $0xFFFFC000  }
0x77: {  	[tilespmem:s22], [sflag:$0x1] =	stream.indirect.gather [hbm4b:s3+s29], $0x80, s21, s29, $0xb8;
	[tilespmem:$0x1D000] =	vst v63  }
0x78: {  	_ =	swait.ge [sflag:s5], $0x4000  }
0x79: {  	[sflag:s5] =	ssyncset.done $0x0  }
0x7a: {  	s19 =	rddreg [dreg:$0xf];
	[sflag:s5] =	ssyncadd.s32 $0xFFFFC000  }
0x7b: {  	[spmem:s1] =	stream.indirect.scatter.add.f32 [tilespmem:s30], [sflag:$0x4], $0x80, s19, s29, $0xb8;
	[tilespmem:$0x1D000] =	vst v63  }
0x7c: {  	_ =	swait.ge [sflag:s9], $0x4000  }
0x7d: {  	[sflag:s9] =	ssyncset.done $0x0  }
0x7e: {  	s20 =	rddreg [dreg:$0x10];
	[sflag:s9] =	ssyncadd.s32 $0xFFFFC000  }
0x7f: {  	[tilespmem:s30], [sflag:$0x2] =	stream.indirect.gather [hbm4b:s3+s29], $0x80, s20, s29, $0xb8;
	[tilespmem:$0x1D000] =	vst v63  }
0x80: {  	_ =	swait.ge [sflag:s0], $0x4000  }
0x81: {  	[sflag:s0] =	ssyncset.done $0x0  }
0x82: {  	s21 =	rddreg [dreg:$0x11];
	[sflag:s0] =	ssyncadd.s32 $0xFFFFC000  }
0x83: {  	[spmem:s1] =	stream.indirect.scatter.add.f32 [tilespmem:s22], [sflag:$0x3], $0x80, s21, s29, $0xb8;
	[tilespmem:$0x1D000] =	vst v63  }
0x84: {  	_ =	swait.ge [sflag:s4], $0x4000  }
0x85: {  	[sflag:s4] =	ssyncset.done $0x0  }
0x86: {  	s19 =	rddreg [dreg:$0x12];
	[sflag:s4] =	ssyncadd.s32 $0xFFFFC000  }
0x87: {  	[tilespmem:s22], [sflag:$0x1] =	stream.indirect.gather [hbm4b:s3+s29], $0x80, s19, s29, $0xb8;
	[tilespmem:$0x1D000] =	vst v63  }
0x88: {  	_ =	swait.ge [sflag:s5], $0x4000  }
0x89: {  	[sflag:s5] =	ssyncset.done $0x0  }
0x8a: {  	s20 =	rddreg [dreg:$0x13];
	[sflag:s5] =	ssyncadd.s32 $0xFFFFC000  }
0x8b: {  	[spmem:s1] =	stream.indirect.scatter.add.f32 [tilespmem:s30], [sflag:$0x4], $0x80, s20, s29, $0xb8;
	[tilespmem:$0x1D000] =	vst v63  }
0x8c: {  	_ =	swait.ge [sflag:s9], $0x4000  }
0x8d: {  	[sflag:s9] =	ssyncset.done $0x0  }
0x8e: {  	s21 =	rddreg [dreg:$0x14];
	[sflag:s9] =	ssyncadd.s32 $0xFFFFC000  }
0x8f: {  	[tilespmem:s30], [sflag:$0x2] =	stream.indirect.gather [hbm4b:s3+s29], $0x80, s21, s29, $0xb8;
	[tilespmem:$0x1D000] =	vst v63  }
0x90: {  	_ =	swait.ge [sflag:s0], $0x4000  }
0x91: {  	[sflag:s0] =	ssyncset.done $0x0  }
0x92: {  	s19 =	rddreg [dreg:$0x15];
	[sflag:s0] =	ssyncadd.s32 $0xFFFFC000  }
0x93: {  	[spmem:s1] =	stream.indirect.scatter.add.f32 [tilespmem:s22], [sflag:$0x3], $0x80, s19, s29, $0xb8;
	[tilespmem:$0x1D000] =	vst v63  }
0x94: {  	_ =	swait.ge [sflag:s4], $0x4000  }
0x95: {  	s20 =	rddreg [dreg:$0x3]  }
0x96: {  	[sflag:s4] =	ssyncset.done $0x0;
	p0 =	sge.u32 s17, s20  }
0x97: {  	[sflag:s4] =	ssyncadd.s32 $0xFFFFC000;
	s18 =	simm.s32 @!p0 $0x8  }
0x98: {  	_ =	swait.ge @!p0 [sflag:s18], $0x400  }
0x99: {  	[sflag:s18] =	ssyncset.done @!p0 $0x0  }
0x9a: {  	[sflag:s18] =	ssyncadd.s32 @!p0 $0xFFFFFC00  }
0x9b: {  	[tilespmem:s22], [sflag:$0x1] =	stream.indirect.gather [hbm4b:s3+s29], $0x80, s24, s29, $0xb8;
	[tilespmem:$0x1D000] =	vst v63  }
0x9c: {  	_ =	swait.ge [sflag:s5], $0x4000  }
0x9d: {  	[sflag:s5] =	ssyncset.done $0x0  }
0x9e: {  	s21 =	rddreg [dreg:$0x16];
	[sflag:s5] =	ssyncadd.s32 $0xFFFFC000  }
0x9f: {  	[spmem:s1] =	stream.indirect.scatter.add.f32 [tilespmem:s30], [sflag:$0x4], $0x80, s21, s29, $0xb8;
	[tilespmem:$0x1D000] =	vst v63  }
0xa0: {  	_ =	swait.ge [sflag:s9], $0x4000  }
0xa1: {  	[sflag:s9] =	ssyncset.done $0x0  }
0xa2: {  	s18 =	sadd.s32 $0x2, s17;
	s19 =	rddreg [dreg:$0x17];
	[sflag:s9] =	ssyncadd.s32 $0xFFFFC000  }
0xa3: {  	[tilespmem:s30], [sflag:$0x2] =	stream.indirect.gather [hbm4b:s3+s29], $0x80, s19, s29, $0xb8;
	[tilespmem:$0x1D000] =	vst v63  }
0xa4: {  	p0 =	sge.u32 s18, s6;
	s19 =	rddreg [dreg:$0x6]  }
0xa5: {  	s21 =	simm.s32 @!p0 $0x0;
	s20 =	rddreg [dreg:$0x7];
	s19 =	sadd.s32 @!p0 s16, s19  }
0xa6: {  	[tilespmem:s21], [sflag:$0x7] =	stream.linear.gather @!p0 [hbm4b:s19+s21], $0x400, $0x38;
	[tilespmem:$0x1D000] =	vst v63  }
0xa7: {  	s19 =	sadd.s32 @!p0 s16, s20;
	s20 =	simm.s32 @!p0 $0x800  }
0xa8: {  	[tilespmem:s20], [sflag:$0x5] =	stream.linear.gather @!p0 [hbm4b:s19+s21], $0x400, $0x38;
	[tilespmem:$0x1D000] =	vst v63  }
0xa9: {  	_ =	swait.ge [sflag:s10], $0x400  }
0xaa: {  	[sflag:s10] =	ssyncset.done $0x0  }
0xab: {  	[sflag:s10] =	ssyncadd.s32 $0xFFFFFC00  }
0xac: {  	_ =	swait.ge [sflag:s0], $0x4000  }
0xad: {  	[sflag:s0] =	ssyncset.done $0x0  }
0xae: {  	[sflag:s0] =	ssyncadd.s32 $0xFFFFC000  }
0xaf: {  	[spmem:s1] =	stream.indirect.scatter.add.f32 [tilespmem:s22], [sflag:$0x3], $0x80, s26, s29, $0xb8;
	[tilespmem:$0x1D000] =	vst v63  }
0xb0: {  	_ =	swait.ge [sflag:s4], $0x4000  }
0xb1: {  	[sflag:s4] =	ssyncset.done $0x0  }
0xb2: {  	s20 =	rddreg [dreg:$0x18];
	[sflag:s4] =	ssyncadd.s32 $0xFFFFC000  }
0xb3: {  	[tilespmem:s22], [sflag:$0x1] =	stream.indirect.gather [hbm4b:s3+s29], $0x80, s20, s29, $0xb8;
	[tilespmem:$0x1D000] =	vst v63  }
0xb4: {  	_ =	swait.ge [sflag:s5], $0x4000  }
0xb5: {  	[sflag:s5] =	ssyncset.done $0x0  }
0xb6: {  	s21 =	rddreg [dreg:$0x19];
	[sflag:s5] =	ssyncadd.s32 $0xFFFFC000  }
0xb7: {  	[spmem:s1] =	stream.indirect.scatter.add.f32 [tilespmem:s30], [sflag:$0x4], $0x80, s21, s29, $0xb8;
	[tilespmem:$0x1D000] =	vst v63  }
0xb8: {  	_ =	swait.ge [sflag:s9], $0x4000  }
0xb9: {  	[sflag:s9] =	ssyncset.done $0x0  }
0xba: {  	s20 =	rddreg [dreg:$0x1a];
	[sflag:s9] =	ssyncadd.s32 $0xFFFFC000  }
0xbb: {  	[tilespmem:s30], [sflag:$0x2] =	stream.indirect.gather [hbm4b:s3+s29], $0x80, s20, s29, $0xb8;
	[tilespmem:$0x1D000] =	vst v63  }
0xbc: {  	_ =	swait.ge [sflag:s0], $0x4000  }
0xbd: {  	[sflag:s0] =	ssyncset.done $0x0  }
0xbe: {  	s21 =	rddreg [dreg:$0x1b];
	[sflag:s0] =	ssyncadd.s32 $0xFFFFC000  }
0xbf: {  	[spmem:s1] =	stream.indirect.scatter.add.f32 [tilespmem:s22], [sflag:$0x3], $0x80, s21, s29, $0xb8;
	[tilespmem:$0x1D000] =	vst v63  }
0xc0: {  	_ =	swait.ge [sflag:s4], $0x4000  }
0xc1: {  	[sflag:s4] =	ssyncset.done $0x0  }
0xc2: {  	s20 =	rddreg [dreg:$0x1c];
	[sflag:s4] =	ssyncadd.s32 $0xFFFFC000  }
0xc3: {  	[tilespmem:s22], [sflag:$0x1] =	stream.indirect.gather [hbm4b:s3+s29], $0x80, s20, s29, $0xb8;
	[tilespmem:$0x1D000] =	vst v63  }
0xc4: {  	_ =	swait.ge [sflag:s5], $0x4000  }
0xc5: {  	[sflag:s5] =	ssyncset.done $0x0  }
0xc6: {  	s21 =	rddreg [dreg:$0x1d];
	[sflag:s5] =	ssyncadd.s32 $0xFFFFC000  }
0xc7: {  	[spmem:s1] =	stream.indirect.scatter.add.f32 [tilespmem:s30], [sflag:$0x4], $0x80, s21, s29, $0xb8;
	[tilespmem:$0x1D000] =	vst v63  }
0xc8: {  	_ =	swait.ge [sflag:s9], $0x4000  }
0xc9: {  	[sflag:s9] =	ssyncset.done $0x0  }
0xca: {  	s20 =	rddreg [dreg:$0x1e];
	[sflag:s9] =	ssyncadd.s32 $0xFFFFC000  }
0xcb: {  	[tilespmem:s30], [sflag:$0x2] =	stream.indirect.gather [hbm4b:s3+s29], $0x80, s20, s29, $0xb8;
	[tilespmem:$0x1D000] =	vst v63  }
0xcc: {  	_ =	swait.ge [sflag:s0], $0x4000  }
0xcd: {  	[sflag:s0] =	ssyncset.done $0x0  }
0xce: {  	s21 =	rddreg [dreg:$0x1f];
	[sflag:s0] =	ssyncadd.s32 $0xFFFFC000  }
0xcf: {  	[spmem:s1] =	stream.indirect.scatter.add.f32 [tilespmem:s22], [sflag:$0x3], $0x80, s21, s29, $0xb8;
	[tilespmem:$0x1D000] =	vst v63  }
0xd0: {  	_ =	swait.ge [sflag:s4], $0x4000  }
0xd1: {  	s20 =	sld [smem:$0x7FA]  }
0xd2: {  	[sflag:s4] =	ssyncset.done $0x0  }
0xd3: {  	[sflag:s4] =	ssyncadd.s32 $0xFFFFC000  }
0xd4: {  	[tilespmem:s22], [sflag:$0x1] =	stream.indirect.gather [hbm4b:s3+s29], $0x80, s20, s29, $0xb8;
	[tilespmem:$0x1D000] =	vst v63  }
0xd5: {  	_ =	swait.ge [sflag:s5], $0x4000  }
0xd6: {  	s21 =	sld [smem:$0x7FB]  }
0xd7: {  	[sflag:s5] =	ssyncset.done $0x0  }
0xd8: {  	[sflag:s5] =	ssyncadd.s32 $0xFFFFC000  }
0xd9: {  	[spmem:s1] =	stream.indirect.scatter.add.f32 [tilespmem:s30], [sflag:$0x4], $0x80, s21, s29, $0xb8;
	[tilespmem:$0x1D000] =	vst v63  }
0xda: {  	_ =	swait.ge [sflag:s9], $0x4000  }
0xdb: {  	s20 =	sld [smem:$0x7FC]  }
0xdc: {  	[sflag:s9] =	ssyncset.done $0x0  }
0xdd: {  	[sflag:s9] =	ssyncadd.s32 $0xFFFFC000  }
0xde: {  	[tilespmem:s30], [sflag:$0x2] =	stream.indirect.gather [hbm4b:s3+s29], $0x80, s20, s29, $0xb8;
	[tilespmem:$0x1D000] =	vst v63  }
0xdf: {  	_ =	swait.ge [sflag:s0], $0x4000  }
0xe0: {  	s21 =	sld [smem:$0x7FD]  }
0xe1: {  	[sflag:s0] =	ssyncset.done $0x0  }
0xe2: {  	[sflag:s0] =	ssyncadd.s32 $0xFFFFC000  }
0xe3: {  	[spmem:s1] =	stream.indirect.scatter.add.f32 [tilespmem:s22], [sflag:$0x3], $0x80, s21, s29, $0xb8;
	[tilespmem:$0x1D000] =	vst v63  }
0xe4: {  	_ =	swait.ge [sflag:s4], $0x4000  }
0xe5: {  	s20 =	rddreg [dreg:$0x4]  }
0xe6: {  	[sflag:s4] =	ssyncset.done $0x0;
	p0 =	sge.u32 s17, s20  }
0xe7: {  	[sflag:s4] =	ssyncadd.s32 $0xFFFFC000;
	s19 =	simm.s32 @!p0 $0x7  }
0xe8: {  	_ =	swait.ge @!p0 [sflag:s19], $0x400  }
0xe9: {  	[sflag:s19] =	ssyncset.done @!p0 $0x0  }
0xea: {  	[sflag:s19] =	ssyncadd.s32 @!p0 $0xFFFFFC00  }
0xeb: {  	[tilespmem:s22], [sflag:$0x1] =	stream.indirect.gather [hbm4b:s3+s29], $0x80, s2, s29, $0xb8;
	[tilespmem:$0x1D000] =	vst v63  }
0xec: {  	_ =	swait.ge [sflag:s5], $0x4000  }
0xed: {  	[sflag:s5] =	ssyncset.done $0x0  }
0xee: {  	[sflag:s5] =	ssyncadd.s32 $0xFFFFC000  }
0xef: {  	[spmem:s1] =	stream.indirect.scatter.add.f32 [tilespmem:s30], [sflag:$0x4], $0x80, s14, s29, $0xb8;
	[tilespmem:$0x1D000] =	vst v63  }
0xf0: {  	s21 =	sadd.s32 $0x3, s17;
	_ =	swait.ge [sflag:s9], $0x4000  }
0xf1: {  	p0 =	sge.u32 s21, s6;
	[sflag:s9] =	ssyncset.done $0x0;
	s19 =	rddreg [dreg:$0x9]  }
0xf2: {  	s20 =	simm.s32 @!p0 $0x0;
	s17 =	rddreg [dreg:$0x8];
	[sflag:s9] =	ssyncadd.s32 $0xFFFFC000  }
0xf3: {  	[tilespmem:s30], [sflag:$0x2] =	stream.indirect.gather [hbm4b:s3+s29], $0x80, s29, s29, $0xb8;
	[tilespmem:$0x1D000] =	vst v63  }
0xf4: {  	s21 =	simm.s32 @!p0 $0x400;
	s19 =	sadd.s32 @!p0 s16, s19;
	s17 =	sadd.s32 @!p0 s16, s17  }
0xf5: {  	[tilespmem:s21], [sflag:$0x8] =	stream.linear.gather @!p0 [hbm4b:s19+s20], $0x400, $0x38;
	[tilespmem:$0x1D000] =	vst v63  }
0xf6: {  	s16 =	sadd.s32 $0x100, s16;
	s19 =	simm.s32 @!p0 $0xC00;
	s21 =	rddreg [dreg:$0x5]  }
0xf7: {  	[tilespmem:s19], [sflag:$0x6] =	stream.linear.gather @!p0 [hbm4b:s17+s20], $0x400, $0x38;
	[tilespmem:$0x1D000] =	vst v63  }
0xf8: {  	p0 =	sne.s32 s21, s16  }
.Ltmp0:
0xf9: {  	_ = 	snop;
	(pc) =	sbr.rel @p0 .LBB2_2-.Ltmp0, $2  }
0xfa: {  	_ =	sdelay $0x2  }
0xfb: {  	s17 =	smov.u32 s18  }
0xfc: {  	_ =	swait.ge [sflag:s0], $0x4000  }
0xfd: {  	[sflag:s0] =	ssyncset.done $0x0  }
0xfe: {  	[sflag:s0] =	ssyncadd.s32 $0xFFFFC000  }
0xff: {  	_ =	swait.ge [sflag:s5], $0x4000  }
0x100: {  	[sflag:s5] =	ssyncset.done $0x0  }
0x101: {  	[sflag:s5] =	ssyncadd.s32 $0xFFFFC000  }
0x102: {  	[bflag:$0x0] =	sbarrier.arrive $0xFFFF  }
0x103: {  	s16 =	stileid.u32;
	s18 =	sld [smem:$0x7F4]  }
0x104: {  	s16 =	sshll.u32 s16, $0x6  }
0x105: {  	s17 =	sshrl.u32 s7, $0x3;
	s16 =	sor.u32 $0x1C09, s16  }
0x106: {  	[hbm:s18], [sflag:s16] =	dma.local [spmem:s17], $0x800  }
0x107: {  	_ =	swait.ge [sflag:s23], $0x800  }
0x108: {  	s21 =	sld [smem:$0x7F5]  }
0x109: {  	[sflag:s23] =	ssyncset.done $0x0  }
0x10a: {  	s20 =	sshrl.u32 s8, $0x3;
	[sflag:s23] =	ssyncadd.s32 $0xFFFFF800  }
0x10b: {  	[hbm:s21], [sflag:s16] =	dma.local [spmem:s20], $0x800  }
0x10c: {  	_ =	swait.ge [sflag:s23], $0x800  }
0x10d: {  	s19 =	sld [smem:$0x7F6]  }
0x10e: {  	[sflag:s23] =	ssyncset.done $0x0  }
0x10f: {  	s18 =	sshrl.u32 s11, $0x3;
	[sflag:s23] =	ssyncadd.s32 $0xFFFFF800  }
0x110: {  	[hbm:s19], [sflag:s16] =	dma.local [spmem:s18], $0x800  }
0x111: {  	_ =	swait.ge [sflag:s23], $0x800  }
0x112: {  	s21 =	sld [smem:$0x7F7]  }
0x113: {  	[sflag:s23] =	ssyncset.done $0x0  }
0x114: {  	s20 =	sshrl.u32 s12, $0x3;
	[sflag:s23] =	ssyncadd.s32 $0xFFFFF800  }
0x115: {  	[hbm:s21], [sflag:s16] =	dma.local [spmem:s20], $0x800  }
0x116: {  	_ =	swait.ge [sflag:s23], $0x800  }
0x117: {  	s20 =	sld [smem:$0x7F8]  }
0x118: {  	[sflag:s23] =	ssyncset.done $0x0  }
0x119: {  	s19 =	sshrl.u32 s13, $0x3;
	[sflag:s23] =	ssyncadd.s32 $0xFFFFF800  }
0x11a: {  	[hbm:s20], [sflag:s16] =	dma.local [spmem:s19], $0x800  }
0x11b: {  	_ =	swait.ge [sflag:s23], $0x800  }
0x11c: {  	s21 =	sld [smem:$0x7F9];
	_ =	sdelay $0x1  }
0x11d: {  	s15 =	sadd.s32 $0x1, s15  }
0x11e: {  	p0 =	sne.s32 s15, s21  }
.Ltmp1:
0x11f: {  	_ = 	snop;
	(pc) =	sbr.rel @p0 .LBB2_1-.Ltmp1, $3  }
0x120: {  	_ =	sdelay $0x1  }
0x121: {  	[sflag:s23] =	ssyncset.done $0x0  }
0x122: {  	[sflag:s23] =	ssyncadd.s32 $0xFFFFF800  }
0x123: {  	_ =	sfence.sel $0x180000  }
0x124: {  	[bflag:$0x0] =	sbarrier.arrive $0xFFFF  }
0x125: {  	_ =	strace $0x9000004A  }
0x126: {  	s0 =	stileid.u32;
	[bflag:$0x2] =	sbarrier.arrive $0xFFFF  }
0x127: {  	p0 =	sne.s32 s0, $0x0;
	s0 =	rddreg [dreg:$0x2]  }
0x128: {  	s0 =	sadd.s32 @!p0 $0x100000, s0  }
0x129: {  	[sflag:s0] =	ssyncadd.tile.s32 @!p0 $0x1;
	_ =	shalt  }
.Lfunc_end2:
_tile_overlayer_lowered:
.L_overlay_start_2:
0x12a: {  	(tag) =	ssettag $0x2  }
0x12b: {  	s0 =	rddreg [dreg:$0x0];
	s2 =	stileid.u32  }
0x12c: {  	s1 =	rddreg [dreg:$0x1];
	p0 =	sne.s32 s2, $0x0  }
0x12d: {  	s3 =	rddreg [dreg:$0x2];
	[bflag:$0x3] =	sbarrier.arrive $0xFFFF;
	s2 =	simm.s32 @!p0 $0x1C09  }
0x12e: {  	[timem:s3], [sflag:s2] =	dma.local @!p0 [hbm:s0], s1  }
0x12f: {  	s0 =	simm.s32 @!p0 $0x9  }
0x130: {  	_ =	swait.ge @!p0 [sflag:s0], s1  }
0x131: {  	s1 =	ssub.s32 @!p0 $0x0, s1;
	[sflag:s0] =	ssyncset.done @!p0 $0x0  }
0x132: {  	[sflag:s0] =	ssyncadd.s32 @!p0 s1  }
0x133: {  	[bflag:$0x3] =	sbarrier.arrive $0xFFFF  }
0x134: {  	_ =	shalt  }

// kernel: kernel.14.cloned.1.call-start
scs
__scs_entry_jumppad:
0x0: {  	(pc) =	sbr.rel $0x88, $3  }
0x1: {  	(tag) =	ssettag $0x0;
	lr =	simm.s32 $0x1  }
0x2: {  	[smem:$0x3F96] =	sst lr;
	_ =	strace $0xD0000000  }
0x3: {  	_ = 	snop  }
0x4: {  	_ = 	snop  }
0x5: {  	_ = 	snop  }
0x6: {  	_ = 	snop  }
0x7: {  	_ = 	snop  }
__scs_overlays_trampoline_lowered:
0x8: {  	[smem:$0x3FA5] =	sst s0  }
0x9: {  	[smem:$0x3FA6] =	sst s1  }
0xa: {  	[smem:$0x3FA7] =	sst s2  }
0xb: {  	[smem:$0x3FA8] =	sst s3  }
0xc: {  	[smem:$0x3FA9] =	sst s4  }
0xd: {  	[smem:$0x3FAA] =	sst s5  }
0xe: {  	[smem:$0x3FAB] =	sst s6  }
0xf: {  	[smem:$0x3FAC] =	sst s7  }
0x10: {  	[smem:$0x3FAD] =	sst s8  }
0x11: {  	[smem:$0x3FAE] =	sst s9;
	s0 =	simm.s32 @!p0 $0x0  }
0x12: {  	s1 =	sld [smem:$0x3F94];
	s0 =	simm.s32 @p0 $0x1  }
0x13: {  	[smem:$0x3FAF] =	sst s0;
	s0 =	simm.s32 @!p1 $0x0  }
0x14: {  	s2 =	sld [smem:$0x3F93];
	s0 =	simm.s32 @p1 $0x1  }
0x15: {  	[smem:$0x3FB0] =	sst s0;
	s0 =	simm.s32 @!p2 $0x0  }
0x16: {  	s3 =	sld [smem:$0x3FDB];
	s0 =	simm.s32 @p2 $0x1  }
0x17: {  	s4 =	simm.s32 $0x1BF5;
	[smem:$0x3FB2] =	sst s0  }
0x18: {  	s0 =	sld [smem:$0x3F95];
	_ =	swait.ge [sflag:s4], $0x0  }
0x19: {  	s7 =	sld [smem:$0x3F96]  }
0x1a: {  	s8 =	sadd.s32 $0xFFFFE003, lr  }
0x1b: {  	s9 =	sadd.s32 $0xFFFFFEF7, lr;
	s5 =	simm.s32 $0xFFFFFFFF;
	p2 =	slt.u32 s8, $0xFFFFF086  }
0x1c: {  	p1 =	slt.u32 s9, $0xF7A;
	s5 =	simm.s32 @!p2 $0x0  }
0x1d: {  	s5 =	simm.s32 @p1 $0x1;
	p0 =	seq.s32 s7, s2  }
0x1e: {  	s7 =	smul.u32 @!p0 $0xF7A, s2;
	p2 =	seq.s32 @!p0 s5, $0x0  }
0x1f: {  	s9 =	smul.u32 $0xF7A, s1;
	s8 =	simm.s32 @!p0 $0x1BF5;
	p2 =	por !p2, p0  }
0x20: {  	[sflag:s8] =	ssyncset.s32 @!p0 $0xFFFFF086;
	s6 =	sadd.s32 @!p0 s3, s7;
	s7 =	simm.s32 @!p0 $0x108  }
0x21: {  	s3 =	sadd.s32 s3, s9;
	s6 =	sadd.s32 @!p0 $0x88, s6;
	s7 =	simm.s32 @p2 $0x1082  }
0x22: {  	[simem:s7], [sflag:s8] =	dma.local @!p0 [hbm:s6], $0xF7A  }
0x23: {  	s9 =	sor.u32 $0xD0000000, s2;
	s6 =	simm.s32 $0x108;
	_ =	swait.ge @!p0 [sflag:s8], $0x0  }
0x24: {  	s3 =	sadd.s32 $0x88, s3;
	s6 =	simm.s32 @!p1 $0x1082;
	[sflag:s4] =	ssyncset.s32 $0xFFFFF086  }
0x25: {  	[simem:s6], [sflag:s4] =	dma.local [hbm:s3], $0xF7A  }
0x26: {  	[smem:$0x3F96] =	sst s1;
	(tag) =	ssettag s2;
	_ =	strace s9  }
0x27: {  	s1 =	sld [smem:$0x3FA6]  }
0x28: {  	s2 =	sld [smem:$0x3FA7]  }
0x29: {  	s4 =	sld [smem:$0x3FA9]  }
0x2a: {  	p0 =	seq.s32 s5, $0x0;
	s5 =	sld [smem:$0x3FAA]  }
0x2b: {  	s6 =	sld [smem:$0x3FAB]  }
0x2c: {  	s7 =	sld [smem:$0x3FAC]  }
0x2d: {  	s3 =	simm.s32 $0x108;
	s8 =	sld [smem:$0x3FAD]  }
0x2e: {  	s3 =	simm.s32 @!p0 $0x1082;
	s9 =	sld [smem:$0x3FAE]  }
0x2f: {  	lr =	sadd.s32 s0, s3;
	s0 =	sld [smem:$0x3FA5]  }
0x30: {  	s3 =	sld [smem:$0x3FA8]  }
0x31: {  	[smem:$0x3FB1] =	sst s10  }
0x32: {  	s10 =	sld [smem:$0x3FAF];
	_ =	sdelay $0x3  }
0x33: {  	p0 =	seq.s32 s10, $0x1;
	s10 =	sld [smem:$0x3FB1];
	_ =	sdelay $0x3  }
0x34: {  	[smem:$0x3FB1] =	sst s10  }
0x35: {  	s10 =	sld [smem:$0x3FB0];
	_ =	sdelay $0x3  }
0x36: {  	p1 =	seq.s32 s10, $0x1;
	s10 =	sld [smem:$0x3FB1];
	_ =	sdelay $0x3  }
0x37: {  	[smem:$0x3FB1] =	sst s10  }
0x38: {  	s10 =	sld [smem:$0x3FB2]  }
0x39: {  	_ = 	snop;
	(pc) =	sbr.ind lr, $3  }
0x3a: {  	_ = 	snop  }
0x3b: {  	_ = 	snop  }
0x3c: {  	p2 =	seq.s32 s10, $0x1;
	s10 =	sld [smem:$0x3FB1]  }
0x3d: {  	_ =	shalt  }
0x3e: {  	_ =	shalt  }
0x3f: {  	_ =	shalt  }
0x40: {  	_ =	shalt  }
0x41: {  	_ =	shalt  }
0x42: {  	_ =	shalt  }
0x43: {  	_ =	shalt  }
0x44: {  	_ =	shalt  }
0x45: {  	_ =	shalt  }
0x46: {  	_ =	shalt  }
0x47: {  	_ =	shalt  }
0x48: {  	_ =	shalt  }
0x49: {  	_ =	shalt  }
0x4a: {  	_ =	shalt  }
0x4b: {  	_ =	shalt  }
0x4c: {  	_ =	shalt  }
0x4d: {  	_ =	shalt  }
0x4e: {  	_ =	shalt  }
0x4f: {  	_ =	shalt  }
0x50: {  	_ =	shalt  }
0x51: {  	_ =	shalt  }
0x52: {  	_ =	shalt  }
0x53: {  	_ =	shalt  }
0x54: {  	_ =	shalt  }
0x55: {  	_ =	shalt  }
0x56: {  	_ =	shalt  }
0x57: {  	_ =	shalt  }
0x58: {  	_ =	shalt  }
0x59: {  	_ =	shalt  }
0x5a: {  	_ =	shalt  }
0x5b: {  	_ =	shalt  }
0x5c: {  	_ =	shalt  }
0x5d: {  	_ =	shalt  }
0x5e: {  	_ =	shalt  }
0x5f: {  	_ =	shalt  }
0x60: {  	_ =	shalt  }
0x61: {  	_ =	shalt  }
0x62: {  	_ =	shalt  }
0x63: {  	_ =	shalt  }
0x64: {  	_ =	shalt  }
0x65: {  	_ =	shalt  }
0x66: {  	_ =	shalt  }
0x67: {  	_ =	shalt  }
0x68: {  	_ =	shalt  }
0x69: {  	_ =	shalt  }
0x6a: {  	_ =	shalt  }
0x6b: {  	_ =	shalt  }
0x6c: {  	_ =	shalt  }
0x6d: {  	_ =	shalt  }
0x6e: {  	_ =	shalt  }
0x6f: {  	_ =	shalt  }
0x70: {  	_ =	shalt  }
0x71: {  	_ =	shalt  }
0x72: {  	_ =	shalt  }
0x73: {  	_ =	shalt  }
0x74: {  	_ =	shalt  }
0x75: {  	_ =	shalt  }
0x76: {  	_ =	shalt  }
0x77: {  	_ =	shalt  }
0x78: {  	_ =	shalt  }
0x79: {  	_ =	shalt  }
0x7a: {  	_ =	shalt  }
0x7b: {  	_ =	shalt  }
0x7c: {  	_ =	shalt  }
0x7d: {  	_ =	shalt  }
0x7e: {  	_ =	shalt  }
0x7f: {  	_ =	shalt  }
0x80: {  	_ =	shalt  }
0x81: {  	_ =	shalt  }
0x82: {  	_ =	shalt  }
0x83: {  	_ =	shalt  }
0x84: {  	_ =	shalt  }
0x85: {  	_ =	shalt  }
0x86: {  	_ =	shalt  }
0x87: {  	_ =	shalt  }
.Lfunc_end0:
.L_simem_size_0:
called_computation.2_lowered:
.L_overlay_start_0:
0x88: {  	s2 =	sld [smem:$0x3FD9]  }
0x89: {  	s3 =	sld [smem:$0x3FFE];
	_ =	sdelay $0x1  }
0x8a: {  	s1 =	srdreg.scid  }
0x8b: {  	s0 =	sand.u32 $0x1, s1  }
0x8c: {  	s16 =	sshll.u32 s0, $0xA;
	s2 =	sadd.s32 s3, s2  }
0x8d: {  	s2 =	sadd.s32 s2, s16  }
0x8e: {  	[smem:$0x3FBD] =	sst s2  }
0x8f: {  	_ = 	snop  }
0x90: {  	(tm) =	ssettm $0x1  }
0x91: {  	s17 =	sld [smem:$0x3FFB];
	_ =	sdelay $0x3  }
0x92: {  	_ =	strace s17  }
0x93: {  	s2 =	sld [smem:$0x3FFC];
	_ =	sdelay $0x3  }
0x94: {  	_ =	strace s2  }
0x95: {  	s2 =	sld [smem:$0x3FFD];
	_ =	sdelay $0x3  }
0x96: {  	_ =	strace s2  }
0x97: {  	_ =	strace $0x8FFFFFFF  }
0x98: {  	s18 =	sld [smem:$0x3FDB];
	_ =	sdelay $0x1  }
0x99: {  	s19 =	simm.s32 $_scs_section_size  }
0x9a: {  	s4 =	simm.s32 $_size__tile_overlayer_lowered;
	s5 =	simm.s32 $_tile_overlayer_lowered  }
0x9b: {  	s22 =	simm.s32 $0x1BFF;
	s21 =	sshll.u32 s5, $0x1;
	s2 =	sadd.s32 s19, s18  }
0x9c: {  	s6 =	simm.s32 $0x0;
	s20 =	sshll.u32 s4, $0x1;
	s4 =	sadd.s32 s21, s2  }
0x9d: {  	[timem:s6], [sflag:s22] =	dma.local [hbm:s4], s20  }
0x9e: {  	_ =	swait.ge [sflag:s22], s20  }
0x9f: {  	s3 =	ssub.s32 $0x0, s20;
	[sflag:s22] =	ssyncset.done $0x0  }
0xa0: {  	[sflag:s22] =	ssyncadd.s32 s3;
	_ =	sdelay $0x1  }
0xa1: {  	s23 =	simm.s32 $0x1B8B  }
0xa2: {  	_ =	swait.ge [sflag:s23], $0x1  }
0xa3: {  	[sflag:s23] =	ssyncset.done $0x0  }
0xa4: {  	s25 =	simm.s32 $0x1B8E;
	s24 =	sld [smem:$0x3FFE];
	[sflag:s23] =	ssyncadd.s32 $0xFFFFFFFF  }
0xa5: {  	s26 =	simm.s32 $execute0_lowered;
	[smem:$0x3FD2] =	sst s25  }
0xa6: {  	s4 =	sshll.u32 s26, $0x1;
	_ =	strace $0x8000004C;
	[dreg:$0x1] =	wrdreg $0xFFFFFFFF  }
0xa7: {  	s28 =	simm.s32 $_size_execute0_lowered;
	s2 =	sadd.s32 s2, s4;
	[dreg:$0x0] =	wrdreg $0x0  }
0xa8: {  	s4 =	sshll.u32 s28, $0x1;
	[dreg:$0x2] =	wrdreg s2  }
0xa9: {  	[dreg:$0x3] =	wrdreg s4  }
0xaa: {  	[dreg:$0x4] =	wrdreg $0xC0  }
0xab: {  	_ =	task [dreg:s6], $0x5FFFF  }
0xac: {  	[dreg:$0x1] =	wrdreg $0xFFFFFFFF  }
0xad: {  	[dreg:$0x0] =	wrdreg $0x60  }
0xae: {  	[dreg:$0x2] =	wrdreg s24  }
0xaf: {  	[dreg:$0x3] =	wrdreg $0x90000  }
0xb0: {  	[dreg:$0x4] =	wrdreg $0x9  }
0xb1: {  	_ =	task.clear_ibuf [dreg:s6], $0x5FFFF;
	_ =	strace $0x9000004C  }
0xb2: {  	s29 =	simm.s32 $0x9;
	_ =	strace $0x8000004E  }
0xb3: {  	_ =	swait.ge [sflag:s29], $0x1  }
0xb4: {  	[sflag:s29] =	ssyncadd.s32 $0xFFFFFFFF  }
0xb5: {  	_ =	strace $0x9000004E  }
0xb6: {  	_ =	sfence  }
0xb7: {  	s30 =	sld [smem:$0x0];
	_ =	sdelay $0x2  }
0xb8: {  	s31 =	sshll.u32 s1, $0xD;
	s1 =	sshrl.u32 s1, $0x2  }
0xb9: {  	s3 =	sand.u32 $0x4000, s31;
	s1 =	sadd.s32 s1, s30  }
0xba: {  	s0 =	sor.u32 s3, s0;
	s1 =	sshll.u32 s1, $0x11  }
0xbb: {  	s0 =	sor.u32 s1, s0  }
0xbc: {  	s0 =	sadd.s32 $0x8F2B, s0  }
0xbd: {  	[sflag:s0] =	ssyncadd.remote.s32 $0x1  }
0xbe: {  	_ =	sfence.sel $0xFFFF  }
0xbf: {  	[dreg:$0x0] =	wrdreg $0xFFFFFFFF;
	(pc) =	sbr.abs _section_cstart, $3  }
0xc0: {  	[dreg:$0x1] =	wrdreg $0xFFFFFFFF  }
0xc1: {  	_ =	task.clear_ibuf [dreg:s6], $0x2FFFF;
	_ =	strace $0x9FFFFFFF  }
0xc2: {  	(tm) =	ssettm $0x7FFFFFFF  }
0xc3: {  	_ =	shalt  }
tec
execute0_lowered:
.L_overlay_start_1:
0x0: {  	(tag) =	ssettag $0x1  }
0x1: {  	s0 =	rddreg [dreg:$0x0]  }
0x2: {  	s1 =	rddreg [dreg:$0x1]  }
0x3: {  	s2 =	simm.s32 $0x0;
	s4 =	srdreg.scid;
	s13 =	stileid.u32  }
0x4: {  	s26 =	simm.s32 $0x100;
	s28 =	simm.s32 $0x7;
	[smem:$0x7FF] =	sst s2  }
0x5: {  	s5 =	sadd.s32 $0x3400, s0;
	s6 =	sadd.s32 $0x3F400, s0;
	s7 =	smul.u32 $0x70, s13  }
0x6: {  	s10 =	sand.u32 $0x1, s4;
	s8 =	smul.u32 $0x30, s13;
	_ =	strace $0x8000004D  }
0x7: {  	[smem:$0x7EF] =	sst s6;
	p0 =	seq.s32 s10, $0x0;
	s6 =	simm.s32 $0xE  }
0x8: {  	s9 =	sadd.s32 $0xD400, s0;
	s12 =	smul.u32 $0x50000, s13;
	s6 =	simm.s32 @!p0 $0x6  }
0x9: {  	s4 =	ssub.s32 $0x2, s10;
	[dreg:$0xa] =	wrdreg s26;
	s16 =	sadd.s32 $0xFFFFFFFF, s6  }
0xa: {  	s11 =	sshrl.u32 s4, $0x1;
	s18 =	sadd.s32 $0xFFFFFFFE, s6;
	[dreg:$0x3] =	wrdreg s16  }
0xb: {  	s4 =	ssub.s32 s4, s11;
	s19 =	sshll.u32 s6, $0x7;
	[dreg:$0x4] =	wrdreg s18  }
0xc: {  	s11 =	sadd.s32 $0x700, s8;
	[dreg:$0x5] =	wrdreg s19;
	s19 =	simm.s32 $0x880  }
0xd: {  	s11 =	smov.u32 @p0 s7;
	s4 =	smax.u32 s4, $0x1;
	[dreg:$0xb] =	wrdreg s19  }
0xe: {  	s16 =	sshll.u32 s11, $0x4;
	s19 =	simm.s32 $0x180;
	[smem:$0x7F9] =	sst s4  }
0xf: {  	s14 =	smul.u32 $0x14000, s13;
	s22 =	sadd.s32 s9, s16;
	[dreg:$0xc] =	wrdreg s19  }
0x10: {  	s10 =	smul.u32 $0x140000, s10;
	s18 =	sadd.s32 s5, s16;
	[smem:$0x7F0] =	sst s22  }
0x11: {  	s20 =	sadd.s32 $0x100, s16;
	s19 =	simm.s32 $0x380;
	[smem:$0x7F1] =	sst s18  }
0x12: {  	s17 =	sshrl.u32 s12, $0x2;
	s21 =	sadd.s32 s20, s5;
	[dreg:$0x14] =	wrdreg s19  }
0x13: {  	s15 =	sadd.s32 $0x4000, s14;
	s23 =	sadd.s32 s20, s9;
	[dreg:$0x6] =	wrdreg s21  }
0x14: {  	s26 =	sadd.s32 s14, s10;
	s24 =	sadd.s32 $0x180, s22;
	[dreg:$0x7] =	wrdreg s23  }
0x15: {  	s16 =	sor.u32 $0x80, s16;
	s25 =	sadd.s32 $0x180, s18;
	[dreg:$0x8] =	wrdreg s24  }
0x16: {  	s7 =	sadd.s32 s17, s1;
	s5 =	sadd.s32 s5, s16;
	[dreg:$0x9] =	wrdreg s25  }
0x17: {  	s17 =	sadd.s32 $0x8000, s14;
	s22 =	simm.s32 $0x200;
	[smem:$0x7F2] =	sst s5  }
0x18: {  	s18 =	sadd.s32 $0xC000, s14;
	s9 =	sadd.s32 s9, s16;
	[dreg:$0xe] =	wrdreg s22  }
0x19: {  	s20 =	sadd.s32 $0x10000, s14;
	s14 =	simm.s32 $0x300;
	[smem:$0x7F3] =	sst s9  }
0x1a: {  	s29 =	simm.s32 $0x80;
	s16 =	simm.s32 $0xA80;
	[dreg:$0x12] =	wrdreg s14  }
0x1b: {  	s30 =	simm.s32 $0x5000;
	s19 =	simm.s32 $0xD80;
	[dreg:$0x13] =	wrdreg s16  }
0x1c: {  	s31 =	simm.s32 $0x5;
	s21 =	simm.s32 $0x900;
	[dreg:$0x1d] =	wrdreg s19  }
0x1d: {  	s3 =	sadd.s32 $0x17400, s0;
	s23 =	simm.s32 $0x980;
	[dreg:$0xd] =	wrdreg s21  }
0x1e: {  	s0 =	sadd.s32 $0x3FC00, s0;
	s24 =	simm.s32 $0x280;
	[dreg:$0xf] =	wrdreg s23  }
0x1f: {  	s8 =	sadd.s32 s15, s1;
	s25 =	simm.s32 $0xA00;
	[dreg:$0x10] =	wrdreg s24  }
0x20: {  	s11 =	sadd.s32 s17, s1;
	s22 =	simm.s32 $0xB00;
	[dreg:$0x11] =	wrdreg s25  }
0x21: {  	s9 =	sshrl.u32 s26, $0x3;
	s26 =	simm.s32 $0x500;
	[dreg:$0x15] =	wrdreg s22  }
0x22: {  	s12 =	sadd.s32 s18, s1;
	s14 =	simm.s32 $0xC80;
	[dreg:$0x18] =	wrdreg s26  }
0x23: {  	s16 =	sadd.s32 s10, s18;
	s18 =	simm.s32 $0x600;
	[dreg:$0x19] =	wrdreg s14  }
0x24: {  	s4 =	simm.s32 $0x3;
	s9 =	sadd.s32 s0, s9;
	[dreg:$0x1c] =	wrdreg s18  }
0x25: {  	s13 =	sadd.s32 s20, s1;
	s23 =	simm.s32 $0xB80;
	[smem:$0x7F4] =	sst s9  }
0x26: {  	s20 =	sadd.s32 s10, s20;
	s24 =	simm.s32 $0x480;
	[dreg:$0x16] =	wrdreg s23  }
0x27: {  	s21 =	sadd.s32 s10, s15;
	s15 =	simm.s32 $0x580;
	[dreg:$0x17] =	wrdreg s24  }
0x28: {  	s25 =	sadd.s32 s10, s17;
	s17 =	simm.s32 $0xD00;
	[dreg:$0x1a] =	wrdreg s15  }
0x29: {  	s5 =	simm.s32 $0x2;
	s22 =	simm.s32 $0xE00;
	[dreg:$0x1b] =	wrdreg s17  }
0x2a: {  	s26 =	simm.s32 $0xF00;
	s10 =	simm.s32 $0x6;
	[dreg:$0x1f] =	wrdreg s22  }
0x2b: {  	s9 =	sshrl.u32 s21, $0x3;
	s21 =	simm.s32 $0x680;
	[smem:$0x7FD] =	sst s26  }
0x2c: {  	s14 =	simm.s32 $0xF80;
	s23 =	simm.s32 $0x700;
	[dreg:$0x1e] =	wrdreg s21  }
0x2d: {  	s24 =	simm.s32 $0xE80;
	s9 =	sadd.s32 s0, s9;
	[smem:$0x7FA] =	sst s23  }
0x2e: {  	s22 =	simm.s32 $0x1000;
	[smem:$0x7F5] =	sst s9;
	s9 =	sshrl.u32 s25, $0x3  }
0x2f: {  	s26 =	simm.s32 $0xC00;
	[smem:$0x7FB] =	sst s24;
	s9 =	sadd.s32 s0, s9  }
0x30: {  	s15 =	simm.s32 $0x0;
	[smem:$0x7F6] =	sst s9;
	s9 =	sshrl.u32 s16, $0x3  }
0x31: {  	s23 =	simm.s32 $0x9;
	s24 =	simm.s32 $0x400;
	s9 =	sadd.s32 s0, s9  }
0x32: {  	s25 =	simm.s32 $0x780;
	[smem:$0x7F7] =	sst s9;
	s9 =	sshrl.u32 s20, $0x3  }
0x33: {  	[smem:$0x7FC] =	sst s25;
	s25 =	simm.s32 $0x800;
	s0 =	sadd.s32 s0, s9  }
0x34: {  	s9 =	simm.s32 $0x4;
	[smem:$0x7F8] =	sst s0;
	s0 =	simm.s32 $0x1  }
.LBB2_1:
0x35: {  	s16 =	sld [smem:$0x7EF];
	_ =	sdelay $0x2  }
0x36: {  	[tilespmem:s22], [sflag:$0x9] =	stream.linear.gather [hbm4b:s16+s2], $0x4000, $0x38;
	[tilespmem:$0x1D000] =	vst v63  }
0x37: {  	_ =	swait.ge [sflag:s23], $0x4000  }
0x38: {  	[sflag:s23] =	ssyncset.done $0x0  }
0x39: {  	[sflag:s23] =	ssyncadd.s32 $0xFFFFC000  }
0x3a: {  	[spmem:s7] =	stream.linear.scatter [tilespmem:s22], [sflag:$0x9], $0x4000, $0x38;
	[tilespmem:$0x1D000] =	vst v63  }
0x3b: {  	_ =	swait.ge [sflag:s23], $0x4000  }
0x3c: {  	[sflag:s23] =	ssyncset.done $0x0  }
0x3d: {  	[sflag:s23] =	ssyncadd.s32 $0xFFFFC000  }
0x3e: {  	[spmem:s8] =	stream.linear.scatter [tilespmem:s22], [sflag:$0x9], $0x4000, $0x38;
	[tilespmem:$0x1D000] =	vst v63  }
0x3f: {  	_ =	swait.ge [sflag:s23], $0x4000  }
0x40: {  	[sflag:s23] =	ssyncset.done $0x0  }
0x41: {  	[sflag:s23] =	ssyncadd.s32 $0xFFFFC000  }
0x42: {  	[spmem:s11] =	stream.linear.scatter [tilespmem:s22], [sflag:$0x9], $0x4000, $0x38;
	[tilespmem:$0x1D000] =	vst v63  }
0x43: {  	_ =	swait.ge [sflag:s23], $0x4000  }
0x44: {  	[sflag:s23] =	ssyncset.done $0x0  }
0x45: {  	[sflag:s23] =	ssyncadd.s32 $0xFFFFC000  }
0x46: {  	[spmem:s12] =	stream.linear.scatter [tilespmem:s22], [sflag:$0x9], $0x4000, $0x38;
	[tilespmem:$0x1D000] =	vst v63  }
0x47: {  	_ =	swait.ge [sflag:s23], $0x4000  }
0x48: {  	[sflag:s23] =	ssyncset.done $0x0  }
0x49: {  	[sflag:s23] =	ssyncadd.s32 $0xFFFFC000  }
0x4a: {  	[spmem:s13] =	stream.linear.scatter [tilespmem:s22], [sflag:$0x9], $0x4000, $0x38;
	[tilespmem:$0x1D000] =	vst v63  }
0x4b: {  	_ =	swait.ge [sflag:s23], $0x4000  }
0x4c: {  	s18 =	sld [smem:$0x7F1]  }
0x4d: {  	[sflag:s23] =	ssyncset.done $0x0  }
0x4e: {  	s19 =	sld [smem:$0x7F2];
	[sflag:s23] =	ssyncadd.s32 $0xFFFFC000  }
0x4f: {  	[tilespmem:s2], [sflag:$0x7] =	stream.linear.gather [hbm4b:s18+s2], $0x400, $0x38;
	[tilespmem:$0x1D000] =	vst v63  }
0x50: {  	s20 =	sld [smem:$0x7F0]  }
0x51: {  	[tilespmem:s24], [sflag:$0x8] =	stream.linear.gather [hbm4b:s19+s2], $0x400, $0x38;
	[tilespmem:$0x1D000] =	vst v63  }
0x52: {  	s21 =	sld [smem:$0x7F3]  }
0x53: {  	[tilespmem:s25], [sflag:$0x5] =	stream.linear.gather [hbm4b:s20+s2], $0x400, $0x38;
	[tilespmem:$0x1D000] =	vst v63  }
0x54: {  	_ = 	snop  }
0x55: {  	[tilespmem:s26], [sflag:$0x6] =	stream.linear.gather [hbm4b:s21+s2], $0x400, $0x38;
	[tilespmem:$0x1D000] =	vst v63  }
0x56: {  	_ =	swait.ge [sflag:s28], $0x400  }
0x57: {  	[sflag:s28] =	ssyncset.done $0x0  }
0x58: {  	[sflag:s28] =	ssyncadd.s32 $0xFFFFFC00  }
0x59: {  	[tilespmem:s22], [sflag:$0x1] =	stream.indirect.gather [hbm4b:s3+s29], $0x80, s2, s29, $0xb8;
	[tilespmem:$0x1D000] =	vst v63  }
0x5a: {  	_ = 	snop  }
0x5b: {  	[tilespmem:s30], [sflag:$0x2] =	stream.indirect.gather [hbm4b:s3+s29], $0x80, s29, s29, $0xb8;
	[tilespmem:$0x1D000] =	vst v63  }
0x5c: {  	s17 =	simm.s32 $0x0;
	s16 =	simm.s32 $0x0;
	[bflag:$0x0] =	sbarrier.arrive $0xFFFF  }
.LBB2_2:
0x5d: {  	_ =	swait.ge [sflag:s31], $0x400  }
0x5e: {  	[sflag:s31] =	ssyncset.done $0x0  }
0x5f: {  	[sflag:s31] =	ssyncadd.s32 $0xFFFFFC00  }
0x60: {  	_ =	swait.ge [sflag:s0], $0x4000  }
0x61: {  	[sflag:s0] =	ssyncset.done $0x0  }
0x62: {  	[sflag:s0] =	ssyncadd.s32 $0xFFFFC000  }
0x63: {  	[spmem:s1] =	stream.indirect.scatter.add.f32 [tilespmem:s22], [sflag:$0x3], $0x80, s25, s29, $0xb8;
	[tilespmem:$0x1D000] =	vst v63  }
0x64: {  	_ =	swait.ge [sflag:s4], $0x4000  }
0x65: {  	[sflag:s4] =	ssyncset.done $0x0  }
0x66: {  	s18 =	rddreg [dreg:$0xa];
	[sflag:s4] =	ssyncadd.s32 $0xFFFFC000  }
0x67: {  	[tilespmem:s22], [sflag:$0x1] =	stream.indirect.gather [hbm4b:s3+s29], $0x80, s18, s29, $0xb8;
	[tilespmem:$0x1D000] =	vst v63  }
0x68: {  	_ =	swait.ge [sflag:s5], $0x4000  }
0x69: {  	[sflag:s5] =	ssyncset.done $0x0  }
0x6a: {  	s21 =	rddreg [dreg:$0xb];
	[sflag:s5] =	ssyncadd.s32 $0xFFFFC000  }
0x6b: {  	[spmem:s1] =	stream.indirect.scatter.add.f32 [tilespmem:s30], [sflag:$0x4], $0x80, s21, s29, $0xb8;
	[tilespmem:$0x1D000] =	vst v63  }
0x6c: {  	_ =	swait.ge [sflag:s9], $0x4000  }
0x6d: {  	[sflag:s9] =	ssyncset.done $0x0  }
0x6e: {  	s19 =	rddreg [dreg:$0xc];
	[sflag:s9] =	ssyncadd.s32 $0xFFFFC000  }
0x6f: {  	[tilespmem:s30], [sflag:$0x2] =	stream.indirect.gather [hbm4b:s3+s29], $0x80, s19, s29, $0xb8;
	[tilespmem:$0x1D000] =	vst v63  }
0x70: {  	_ =	swait.ge [sflag:s0], $0x4000  }
0x71: {  	[sflag:s0] =	ssyncset.done $0x0  }
0x72: {  	s20 =	rddreg [dreg:$0xd];
	[sflag:s0] =	ssyncadd.s32 $0xFFFFC000  }
0x73: {  	[spmem:s1] =	stream.indirect.scatter.add.f32 [tilespmem:s22], [sflag:$0x3], $0x80, s20, s29, $0xb8;
	[tilespmem:$0x1D000] =	vst v63  }
0x74: {  	_ =	swait.ge [sflag:s4], $0x4000  }
0x75: {  	[sflag:s4] =	ssyncset.done $0x0  }
0x76: {  	s21 =	rddreg [dreg:$0xe];
	[sflag:s4] =	ssyncadd.s32 $0xFFFFC000  }
0x77: {  	[tilespmem:s22], [sflag:$0x1] =	stream.indirect.gather [hbm4b:s3+s29], $0x80, s21, s29, $0xb8;
	[tilespmem:$0x1D000] =	vst v63  }
0x78: {  	_ =	swait.ge [sflag:s5], $0x4000  }
0x79: {  	[sflag:s5] =	ssyncset.done $0x0  }
0x7a: {  	s19 =	rddreg [dreg:$0xf];
	[sflag:s5] =	ssyncadd.s32 $0xFFFFC000  }
0x7b: {  	[spmem:s1] =	stream.indirect.scatter.add.f32 [tilespmem:s30], [sflag:$0x4], $0x80, s19, s29, $0xb8;
	[tilespmem:$0x1D000] =	vst v63  }
0x7c: {  	_ =	swait.ge [sflag:s9], $0x4000  }
0x7d: {  	[sflag:s9] =	ssyncset.done $0x0  }
0x7e: {  	s20 =	rddreg [dreg:$0x10];
	[sflag:s9] =	ssyncadd.s32 $0xFFFFC000  }
0x7f: {  	[tilespmem:s30], [sflag:$0x2] =	stream.indirect.gather [hbm4b:s3+s29], $0x80, s20, s29, $0xb8;
	[tilespmem:$0x1D000] =	vst v63  }
0x80: {  	_ =	swait.ge [sflag:s0], $0x4000  }
0x81: {  	[sflag:s0] =	ssyncset.done $0x0  }
0x82: {  	s21 =	rddreg [dreg:$0x11];
	[sflag:s0] =	ssyncadd.s32 $0xFFFFC000  }
0x83: {  	[spmem:s1] =	stream.indirect.scatter.add.f32 [tilespmem:s22], [sflag:$0x3], $0x80, s21, s29, $0xb8;
	[tilespmem:$0x1D000] =	vst v63  }
0x84: {  	_ =	swait.ge [sflag:s4], $0x4000  }
0x85: {  	[sflag:s4] =	ssyncset.done $0x0  }
0x86: {  	s19 =	rddreg [dreg:$0x12];
	[sflag:s4] =	ssyncadd.s32 $0xFFFFC000  }
0x87: {  	[tilespmem:s22], [sflag:$0x1] =	stream.indirect.gather [hbm4b:s3+s29], $0x80, s19, s29, $0xb8;
	[tilespmem:$0x1D000] =	vst v63  }
0x88: {  	_ =	swait.ge [sflag:s5], $0x4000  }
0x89: {  	[sflag:s5] =	ssyncset.done $0x0  }
0x8a: {  	s20 =	rddreg [dreg:$0x13];
	[sflag:s5] =	ssyncadd.s32 $0xFFFFC000  }
0x8b: {  	[spmem:s1] =	stream.indirect.scatter.add.f32 [tilespmem:s30], [sflag:$0x4], $0x80, s20, s29, $0xb8;
	[tilespmem:$0x1D000] =	vst v63  }
0x8c: {  	_ =	swait.ge [sflag:s9], $0x4000  }
0x8d: {  	[sflag:s9] =	ssyncset.done $0x0  }
0x8e: {  	s21 =	rddreg [dreg:$0x14];
	[sflag:s9] =	ssyncadd.s32 $0xFFFFC000  }
0x8f: {  	[tilespmem:s30], [sflag:$0x2] =	stream.indirect.gather [hbm4b:s3+s29], $0x80, s21, s29, $0xb8;
	[tilespmem:$0x1D000] =	vst v63  }
0x90: {  	_ =	swait.ge [sflag:s0], $0x4000  }
0x91: {  	[sflag:s0] =	ssyncset.done $0x0  }
0x92: {  	s19 =	rddreg [dreg:$0x15];
	[sflag:s0] =	ssyncadd.s32 $0xFFFFC000  }
0x93: {  	[spmem:s1] =	stream.indirect.scatter.add.f32 [tilespmem:s22], [sflag:$0x3], $0x80, s19, s29, $0xb8;
	[tilespmem:$0x1D000] =	vst v63  }
0x94: {  	_ =	swait.ge [sflag:s4], $0x4000  }
0x95: {  	s20 =	rddreg [dreg:$0x3]  }
0x96: {  	[sflag:s4] =	ssyncset.done $0x0;
	p0 =	sge.u32 s17, s20  }
0x97: {  	[sflag:s4] =	ssyncadd.s32 $0xFFFFC000;
	s18 =	simm.s32 @!p0 $0x8  }
0x98: {  	_ =	swait.ge @!p0 [sflag:s18], $0x400  }
0x99: {  	[sflag:s18] =	ssyncset.done @!p0 $0x0  }
0x9a: {  	[sflag:s18] =	ssyncadd.s32 @!p0 $0xFFFFFC00  }
0x9b: {  	[tilespmem:s22], [sflag:$0x1] =	stream.indirect.gather [hbm4b:s3+s29], $0x80, s24, s29, $0xb8;
	[tilespmem:$0x1D000] =	vst v63  }
0x9c: {  	_ =	swait.ge [sflag:s5], $0x4000  }
0x9d: {  	[sflag:s5] =	ssyncset.done $0x0  }
0x9e: {  	s21 =	rddreg [dreg:$0x16];
	[sflag:s5] =	ssyncadd.s32 $0xFFFFC000  }
0x9f: {  	[spmem:s1] =	stream.indirect.scatter.add.f32 [tilespmem:s30], [sflag:$0x4], $0x80, s21, s29, $0xb8;
	[tilespmem:$0x1D000] =	vst v63  }
0xa0: {  	_ =	swait.ge [sflag:s9], $0x4000  }
0xa1: {  	[sflag:s9] =	ssyncset.done $0x0  }
0xa2: {  	s18 =	sadd.s32 $0x2, s17;
	s19 =	rddreg [dreg:$0x17];
	[sflag:s9] =	ssyncadd.s32 $0xFFFFC000  }
0xa3: {  	[tilespmem:s30], [sflag:$0x2] =	stream.indirect.gather [hbm4b:s3+s29], $0x80, s19, s29, $0xb8;
	[tilespmem:$0x1D000] =	vst v63  }
0xa4: {  	p0 =	sge.u32 s18, s6;
	s19 =	rddreg [dreg:$0x6]  }
0xa5: {  	s21 =	simm.s32 @!p0 $0x0;
	s20 =	rddreg [dreg:$0x7];
	s19 =	sadd.s32 @!p0 s16, s19  }
0xa6: {  	[tilespmem:s21], [sflag:$0x7] =	stream.linear.gather @!p0 [hbm4b:s19+s21], $0x400, $0x38;
	[tilespmem:$0x1D000] =	vst v63  }
0xa7: {  	s19 =	sadd.s32 @!p0 s16, s20;
	s20 =	simm.s32 @!p0 $0x800  }
0xa8: {  	[tilespmem:s20], [sflag:$0x5] =	stream.linear.gather @!p0 [hbm4b:s19+s21], $0x400, $0x38;
	[tilespmem:$0x1D000] =	vst v63  }
0xa9: {  	_ =	swait.ge [sflag:s10], $0x400  }
0xaa: {  	[sflag:s10] =	ssyncset.done $0x0  }
0xab: {  	[sflag:s10] =	ssyncadd.s32 $0xFFFFFC00  }
0xac: {  	_ =	swait.ge [sflag:s0], $0x4000  }
0xad: {  	[sflag:s0] =	ssyncset.done $0x0  }
0xae: {  	[sflag:s0] =	ssyncadd.s32 $0xFFFFC000  }
0xaf: {  	[spmem:s1] =	stream.indirect.scatter.add.f32 [tilespmem:s22], [sflag:$0x3], $0x80, s26, s29, $0xb8;
	[tilespmem:$0x1D000] =	vst v63  }
0xb0: {  	_ =	swait.ge [sflag:s4], $0x4000  }
0xb1: {  	[sflag:s4] =	ssyncset.done $0x0  }
0xb2: {  	s20 =	rddreg [dreg:$0x18];
	[sflag:s4] =	ssyncadd.s32 $0xFFFFC000  }
0xb3: {  	[tilespmem:s22], [sflag:$0x1] =	stream.indirect.gather [hbm4b:s3+s29], $0x80, s20, s29, $0xb8;
	[tilespmem:$0x1D000] =	vst v63  }
0xb4: {  	_ =	swait.ge [sflag:s5], $0x4000  }
0xb5: {  	[sflag:s5] =	ssyncset.done $0x0  }
0xb6: {  	s21 =	rddreg [dreg:$0x19];
	[sflag:s5] =	ssyncadd.s32 $0xFFFFC000  }
0xb7: {  	[spmem:s1] =	stream.indirect.scatter.add.f32 [tilespmem:s30], [sflag:$0x4], $0x80, s21, s29, $0xb8;
	[tilespmem:$0x1D000] =	vst v63  }
0xb8: {  	_ =	swait.ge [sflag:s9], $0x4000  }
0xb9: {  	[sflag:s9] =	ssyncset.done $0x0  }
0xba: {  	s20 =	rddreg [dreg:$0x1a];
	[sflag:s9] =	ssyncadd.s32 $0xFFFFC000  }
0xbb: {  	[tilespmem:s30], [sflag:$0x2] =	stream.indirect.gather [hbm4b:s3+s29], $0x80, s20, s29, $0xb8;
	[tilespmem:$0x1D000] =	vst v63  }
0xbc: {  	_ =	swait.ge [sflag:s0], $0x4000  }
0xbd: {  	[sflag:s0] =	ssyncset.done $0x0  }
0xbe: {  	s21 =	rddreg [dreg:$0x1b];
	[sflag:s0] =	ssyncadd.s32 $0xFFFFC000  }
0xbf: {  	[spmem:s1] =	stream.indirect.scatter.add.f32 [tilespmem:s22], [sflag:$0x3], $0x80, s21, s29, $0xb8;
	[tilespmem:$0x1D000] =	vst v63  }
0xc0: {  	_ =	swait.ge [sflag:s4], $0x4000  }
0xc1: {  	[sflag:s4] =	ssyncset.done $0x0  }
0xc2: {  	s20 =	rddreg [dreg:$0x1c];
	[sflag:s4] =	ssyncadd.s32 $0xFFFFC000  }
0xc3: {  	[tilespmem:s22], [sflag:$0x1] =	stream.indirect.gather [hbm4b:s3+s29], $0x80, s20, s29, $0xb8;
	[tilespmem:$0x1D000] =	vst v63  }
0xc4: {  	_ =	swait.ge [sflag:s5], $0x4000  }
0xc5: {  	[sflag:s5] =	ssyncset.done $0x0  }
0xc6: {  	s21 =	rddreg [dreg:$0x1d];
	[sflag:s5] =	ssyncadd.s32 $0xFFFFC000  }
0xc7: {  	[spmem:s1] =	stream.indirect.scatter.add.f32 [tilespmem:s30], [sflag:$0x4], $0x80, s21, s29, $0xb8;
	[tilespmem:$0x1D000] =	vst v63  }
0xc8: {  	_ =	swait.ge [sflag:s9], $0x4000  }
0xc9: {  	[sflag:s9] =	ssyncset.done $0x0  }
0xca: {  	s20 =	rddreg [dreg:$0x1e];
	[sflag:s9] =	ssyncadd.s32 $0xFFFFC000  }
0xcb: {  	[tilespmem:s30], [sflag:$0x2] =	stream.indirect.gather [hbm4b:s3+s29], $0x80, s20, s29, $0xb8;
	[tilespmem:$0x1D000] =	vst v63  }
0xcc: {  	_ =	swait.ge [sflag:s0], $0x4000  }
0xcd: {  	[sflag:s0] =	ssyncset.done $0x0  }
0xce: {  	s21 =	rddreg [dreg:$0x1f];
	[sflag:s0] =	ssyncadd.s32 $0xFFFFC000  }
0xcf: {  	[spmem:s1] =	stream.indirect.scatter.add.f32 [tilespmem:s22], [sflag:$0x3], $0x80, s21, s29, $0xb8;
	[tilespmem:$0x1D000] =	vst v63  }
0xd0: {  	_ =	swait.ge [sflag:s4], $0x4000  }
0xd1: {  	s20 =	sld [smem:$0x7FA]  }
0xd2: {  	[sflag:s4] =	ssyncset.done $0x0  }
0xd3: {  	[sflag:s4] =	ssyncadd.s32 $0xFFFFC000  }
0xd4: {  	[tilespmem:s22], [sflag:$0x1] =	stream.indirect.gather [hbm4b:s3+s29], $0x80, s20, s29, $0xb8;
	[tilespmem:$0x1D000] =	vst v63  }
0xd5: {  	_ =	swait.ge [sflag:s5], $0x4000  }
0xd6: {  	s21 =	sld [smem:$0x7FB]  }
0xd7: {  	[sflag:s5] =	ssyncset.done $0x0  }
0xd8: {  	[sflag:s5] =	ssyncadd.s32 $0xFFFFC000  }
0xd9: {  	[spmem:s1] =	stream.indirect.scatter.add.f32 [tilespmem:s30], [sflag:$0x4], $0x80, s21, s29, $0xb8;
	[tilespmem:$0x1D000] =	vst v63  }
0xda: {  	_ =	swait.ge [sflag:s9], $0x4000  }
0xdb: {  	s20 =	sld [smem:$0x7FC]  }
0xdc: {  	[sflag:s9] =	ssyncset.done $0x0  }
0xdd: {  	[sflag:s9] =	ssyncadd.s32 $0xFFFFC000  }
0xde: {  	[tilespmem:s30], [sflag:$0x2] =	stream.indirect.gather [hbm4b:s3+s29], $0x80, s20, s29, $0xb8;
	[tilespmem:$0x1D000] =	vst v63  }
0xdf: {  	_ =	swait.ge [sflag:s0], $0x4000  }
0xe0: {  	s21 =	sld [smem:$0x7FD]  }
0xe1: {  	[sflag:s0] =	ssyncset.done $0x0  }
0xe2: {  	[sflag:s0] =	ssyncadd.s32 $0xFFFFC000  }
0xe3: {  	[spmem:s1] =	stream.indirect.scatter.add.f32 [tilespmem:s22], [sflag:$0x3], $0x80, s21, s29, $0xb8;
	[tilespmem:$0x1D000] =	vst v63  }
0xe4: {  	_ =	swait.ge [sflag:s4], $0x4000  }
0xe5: {  	s20 =	rddreg [dreg:$0x4]  }
0xe6: {  	[sflag:s4] =	ssyncset.done $0x0;
	p0 =	sge.u32 s17, s20  }
0xe7: {  	[sflag:s4] =	ssyncadd.s32 $0xFFFFC000;
	s19 =	simm.s32 @!p0 $0x7  }
0xe8: {  	_ =	swait.ge @!p0 [sflag:s19], $0x400  }
0xe9: {  	[sflag:s19] =	ssyncset.done @!p0 $0x0  }
0xea: {  	[sflag:s19] =	ssyncadd.s32 @!p0 $0xFFFFFC00  }
0xeb: {  	[tilespmem:s22], [sflag:$0x1] =	stream.indirect.gather [hbm4b:s3+s29], $0x80, s2, s29, $0xb8;
	[tilespmem:$0x1D000] =	vst v63  }
0xec: {  	_ =	swait.ge [sflag:s5], $0x4000  }
0xed: {  	[sflag:s5] =	ssyncset.done $0x0  }
0xee: {  	[sflag:s5] =	ssyncadd.s32 $0xFFFFC000  }
0xef: {  	[spmem:s1] =	stream.indirect.scatter.add.f32 [tilespmem:s30], [sflag:$0x4], $0x80, s14, s29, $0xb8;
	[tilespmem:$0x1D000] =	vst v63  }
0xf0: {  	s21 =	sadd.s32 $0x3, s17;
	_ =	swait.ge [sflag:s9], $0x4000  }
0xf1: {  	p0 =	sge.u32 s21, s6;
	[sflag:s9] =	ssyncset.done $0x0;
	s19 =	rddreg [dreg:$0x9]  }
0xf2: {  	s20 =	simm.s32 @!p0 $0x0;
	s17 =	rddreg [dreg:$0x8];
	[sflag:s9] =	ssyncadd.s32 $0xFFFFC000  }
0xf3: {  	[tilespmem:s30], [sflag:$0x2] =	stream.indirect.gather [hbm4b:s3+s29], $0x80, s29, s29, $0xb8;
	[tilespmem:$0x1D000] =	vst v63  }
0xf4: {  	s21 =	simm.s32 @!p0 $0x400;
	s19 =	sadd.s32 @!p0 s16, s19;
	s17 =	sadd.s32 @!p0 s16, s17  }
0xf5: {  	[tilespmem:s21], [sflag:$0x8] =	stream.linear.gather @!p0 [hbm4b:s19+s20], $0x400, $0x38;
	[tilespmem:$0x1D000] =	vst v63  }
0xf6: {  	s16 =	sadd.s32 $0x100, s16;
	s19 =	simm.s32 @!p0 $0xC00;
	s21 =	rddreg [dreg:$0x5]  }
0xf7: {  	[tilespmem:s19], [sflag:$0x6] =	stream.linear.gather @!p0 [hbm4b:s17+s20], $0x400, $0x38;
	[tilespmem:$0x1D000] =	vst v63  }
0xf8: {  	p0 =	sne.s32 s21, s16  }
.Ltmp0:
0xf9: {  	_ = 	snop;
	(pc) =	sbr.rel @p0 .LBB2_2-.Ltmp0, $2  }
0xfa: {  	_ =	sdelay $0x2  }
0xfb: {  	s17 =	smov.u32 s18  }
0xfc: {  	_ =	swait.ge [sflag:s0], $0x4000  }
0xfd: {  	[sflag:s0] =	ssyncset.done $0x0  }
0xfe: {  	[sflag:s0] =	ssyncadd.s32 $0xFFFFC000  }
0xff: {  	_ =	swait.ge [sflag:s5], $0x4000  }
0x100: {  	[sflag:s5] =	ssyncset.done $0x0  }
0x101: {  	[sflag:s5] =	ssyncadd.s32 $0xFFFFC000  }
0x102: {  	[bflag:$0x0] =	sbarrier.arrive $0xFFFF  }
0x103: {  	s16 =	stileid.u32;
	s18 =	sld [smem:$0x7F4]  }
0x104: {  	s16 =	sshll.u32 s16, $0x6  }
0x105: {  	s17 =	sshrl.u32 s7, $0x3;
	s16 =	sor.u32 $0x1C09, s16  }
0x106: {  	[hbm:s18], [sflag:s16] =	dma.local [spmem:s17], $0x800  }
0x107: {  	_ =	swait.ge [sflag:s23], $0x800  }
0x108: {  	s21 =	sld [smem:$0x7F5]  }
0x109: {  	[sflag:s23] =	ssyncset.done $0x0  }
0x10a: {  	s20 =	sshrl.u32 s8, $0x3;
	[sflag:s23] =	ssyncadd.s32 $0xFFFFF800  }
0x10b: {  	[hbm:s21], [sflag:s16] =	dma.local [spmem:s20], $0x800  }
0x10c: {  	_ =	swait.ge [sflag:s23], $0x800  }
0x10d: {  	s19 =	sld [smem:$0x7F6]  }
0x10e: {  	[sflag:s23] =	ssyncset.done $0x0  }
0x10f: {  	s18 =	sshrl.u32 s11, $0x3;
	[sflag:s23] =	ssyncadd.s32 $0xFFFFF800  }
0x110: {  	[hbm:s19], [sflag:s16] =	dma.local [spmem:s18], $0x800  }
0x111: {  	_ =	swait.ge [sflag:s23], $0x800  }
0x112: {  	s21 =	sld [smem:$0x7F7]  }
0x113: {  	[sflag:s23] =	ssyncset.done $0x0  }
0x114: {  	s20 =	sshrl.u32 s12, $0x3;
	[sflag:s23] =	ssyncadd.s32 $0xFFFFF800  }
0x115: {  	[hbm:s21], [sflag:s16] =	dma.local [spmem:s20], $0x800  }
0x116: {  	_ =	swait.ge [sflag:s23], $0x800  }
0x117: {  	s20 =	sld [smem:$0x7F8]  }
0x118: {  	[sflag:s23] =	ssyncset.done $0x0  }
0x119: {  	s19 =	sshrl.u32 s13, $0x3;
	[sflag:s23] =	ssyncadd.s32 $0xFFFFF800  }
0x11a: {  	[hbm:s20], [sflag:s16] =	dma.local [spmem:s19], $0x800  }
0x11b: {  	_ =	swait.ge [sflag:s23], $0x800  }
0x11c: {  	s21 =	sld [smem:$0x7F9];
	_ =	sdelay $0x1  }
0x11d: {  	s15 =	sadd.s32 $0x1, s15  }
0x11e: {  	p0 =	sne.s32 s15, s21  }
.Ltmp1:
0x11f: {  	_ = 	snop;
	(pc) =	sbr.rel @p0 .LBB2_1-.Ltmp1, $3  }
0x120: {  	_ =	sdelay $0x1  }
0x121: {  	[sflag:s23] =	ssyncset.done $0x0  }
0x122: {  	[sflag:s23] =	ssyncadd.s32 $0xFFFFF800  }
0x123: {  	_ =	sfence.sel $0x180000  }
0x124: {  	[bflag:$0x0] =	sbarrier.arrive $0xFFFF  }
0x125: {  	_ =	strace $0x9000004D  }
0x126: {  	s0 =	stileid.u32;
	[bflag:$0x2] =	sbarrier.arrive $0xFFFF  }
0x127: {  	p0 =	sne.s32 s0, $0x0;
	s0 =	rddreg [dreg:$0x2]  }
0x128: {  	s0 =	sadd.s32 @!p0 $0x100000, s0  }
0x129: {  	[sflag:s0] =	ssyncadd.tile.s32 @!p0 $0x1;
	_ =	shalt  }
.Lfunc_end2:
_tile_overlayer_lowered:
.L_overlay_start_2:
0x12a: {  	(tag) =	ssettag $0x2  }
0x12b: {  	s0 =	rddreg [dreg:$0x0];
	s2 =	stileid.u32  }
0x12c: {  	s1 =	rddreg [dreg:$0x1];
	p0 =	sne.s32 s2, $0x0  }
0x12d: {  	s3 =	rddreg [dreg:$0x2];
	[bflag:$0x3] =	sbarrier.arrive $0xFFFF;
	s2 =	simm.s32 @!p0 $0x1C09  }
0x12e: {  	[timem:s3], [sflag:s2] =	dma.local @!p0 [hbm:s0], s1  }
0x12f: {  	s0 =	simm.s32 @!p0 $0x9  }
0x130: {  	_ =	swait.ge @!p0 [sflag:s0], s1  }
0x131: {  	s1 =	ssub.s32 @!p0 $0x0, s1;
	[sflag:s0] =	ssyncset.done @!p0 $0x0  }
0x132: {  	[sflag:s0] =	ssyncadd.s32 @!p0 s1  }
0x133: {  	[bflag:$0x3] =	sbarrier.arrive $0xFFFF  }
0x134: {  	_ =	shalt  }

// kernel: kernel.8.cloned.1.call-start
scs
__scs_entry_jumppad:
0x0: {  	(pc) =	sbr.rel $0x88, $3  }
0x1: {  	(tag) =	ssettag $0x0;
	lr =	simm.s32 $0x1  }
0x2: {  	[smem:$0x3F96] =	sst lr;
	_ =	strace $0xD0000000  }
0x3: {  	_ = 	snop  }
0x4: {  	_ = 	snop  }
0x5: {  	_ = 	snop  }
0x6: {  	_ = 	snop  }
0x7: {  	_ = 	snop  }
__scs_overlays_trampoline_lowered:
0x8: {  	[smem:$0x3FA5] =	sst s0  }
0x9: {  	[smem:$0x3FA6] =	sst s1  }
0xa: {  	[smem:$0x3FA7] =	sst s2  }
0xb: {  	[smem:$0x3FA8] =	sst s3  }
0xc: {  	[smem:$0x3FA9] =	sst s4  }
0xd: {  	[smem:$0x3FAA] =	sst s5  }
0xe: {  	[smem:$0x3FAB] =	sst s6  }
0xf: {  	[smem:$0x3FAC] =	sst s7  }
0x10: {  	[smem:$0x3FAD] =	sst s8  }
0x11: {  	[smem:$0x3FAE] =	sst s9;
	s0 =	simm.s32 @!p0 $0x0  }
0x12: {  	s1 =	sld [smem:$0x3F94];
	s0 =	simm.s32 @p0 $0x1  }
0x13: {  	[smem:$0x3FAF] =	sst s0;
	s0 =	simm.s32 @!p1 $0x0  }
0x14: {  	s2 =	sld [smem:$0x3F93];
	s0 =	simm.s32 @p1 $0x1  }
0x15: {  	[smem:$0x3FB0] =	sst s0;
	s0 =	simm.s32 @!p2 $0x0  }
0x16: {  	s3 =	sld [smem:$0x3FDB];
	s0 =	simm.s32 @p2 $0x1  }
0x17: {  	s4 =	simm.s32 $0x1BF5;
	[smem:$0x3FB2] =	sst s0  }
0x18: {  	s0 =	sld [smem:$0x3F95];
	_ =	swait.ge [sflag:s4], $0x0  }
0x19: {  	s7 =	sld [smem:$0x3F96]  }
0x1a: {  	s8 =	sadd.s32 $0xFFFFE003, lr  }
0x1b: {  	s9 =	sadd.s32 $0xFFFFFEF7, lr;
	s5 =	simm.s32 $0xFFFFFFFF;
	p2 =	slt.u32 s8, $0xFFFFF086  }
0x1c: {  	p1 =	slt.u32 s9, $0xF7A;
	s5 =	simm.s32 @!p2 $0x0  }
0x1d: {  	s5 =	simm.s32 @p1 $0x1;
	p0 =	seq.s32 s7, s2  }
0x1e: {  	s7 =	smul.u32 @!p0 $0xF7A, s2;
	p2 =	seq.s32 @!p0 s5, $0x0  }
0x1f: {  	s9 =	smul.u32 $0xF7A, s1;
	s8 =	simm.s32 @!p0 $0x1BF5;
	p2 =	por !p2, p0  }
0x20: {  	[sflag:s8] =	ssyncset.s32 @!p0 $0xFFFFF086;
	s6 =	sadd.s32 @!p0 s3, s7;
	s7 =	simm.s32 @!p0 $0x108  }
0x21: {  	s3 =	sadd.s32 s3, s9;
	s6 =	sadd.s32 @!p0 $0x88, s6;
	s7 =	simm.s32 @p2 $0x1082  }
0x22: {  	[simem:s7], [sflag:s8] =	dma.local @!p0 [hbm:s6], $0xF7A  }
0x23: {  	s9 =	sor.u32 $0xD0000000, s2;
	s6 =	simm.s32 $0x108;
	_ =	swait.ge @!p0 [sflag:s8], $0x0  }
0x24: {  	s3 =	sadd.s32 $0x88, s3;
	s6 =	simm.s32 @!p1 $0x1082;
	[sflag:s4] =	ssyncset.s32 $0xFFFFF086  }
0x25: {  	[simem:s6], [sflag:s4] =	dma.local [hbm:s3], $0xF7A  }
0x26: {  	[smem:$0x3F96] =	sst s1;
	(tag) =	ssettag s2;
	_ =	strace s9  }
0x27: {  	s1 =	sld [smem:$0x3FA6]  }
0x28: {  	s2 =	sld [smem:$0x3FA7]  }
0x29: {  	s4 =	sld [smem:$0x3FA9]  }
0x2a: {  	p0 =	seq.s32 s5, $0x0;
	s5 =	sld [smem:$0x3FAA]  }
0x2b: {  	s6 =	sld [smem:$0x3FAB]  }
0x2c: {  	s7 =	sld [smem:$0x3FAC]  }
0x2d: {  	s3 =	simm.s32 $0x108;
	s8 =	sld [smem:$0x3FAD]  }
0x2e: {  	s3 =	simm.s32 @!p0 $0x1082;
	s9 =	sld [smem:$0x3FAE]  }
0x2f: {  	lr =	sadd.s32 s0, s3;
	s0 =	sld [smem:$0x3FA5]  }
0x30: {  	s3 =	sld [smem:$0x3FA8]  }
0x31: {  	[smem:$0x3FB1] =	sst s10  }
0x32: {  	s10 =	sld [smem:$0x3FAF];
	_ =	sdelay $0x3  }
0x33: {  	p0 =	seq.s32 s10, $0x1;
	s10 =	sld [smem:$0x3FB1];
	_ =	sdelay $0x3  }
0x34: {  	[smem:$0x3FB1] =	sst s10  }
0x35: {  	s10 =	sld [smem:$0x3FB0];
	_ =	sdelay $0x3  }
0x36: {  	p1 =	seq.s32 s10, $0x1;
	s10 =	sld [smem:$0x3FB1];
	_ =	sdelay $0x3  }
0x37: {  	[smem:$0x3FB1] =	sst s10  }
0x38: {  	s10 =	sld [smem:$0x3FB2]  }
0x39: {  	_ = 	snop;
	(pc) =	sbr.ind lr, $3  }
0x3a: {  	_ = 	snop  }
0x3b: {  	_ = 	snop  }
0x3c: {  	p2 =	seq.s32 s10, $0x1;
	s10 =	sld [smem:$0x3FB1]  }
0x3d: {  	_ =	shalt  }
0x3e: {  	_ =	shalt  }
0x3f: {  	_ =	shalt  }
0x40: {  	_ =	shalt  }
0x41: {  	_ =	shalt  }
0x42: {  	_ =	shalt  }
0x43: {  	_ =	shalt  }
0x44: {  	_ =	shalt  }
0x45: {  	_ =	shalt  }
0x46: {  	_ =	shalt  }
0x47: {  	_ =	shalt  }
0x48: {  	_ =	shalt  }
0x49: {  	_ =	shalt  }
0x4a: {  	_ =	shalt  }
0x4b: {  	_ =	shalt  }
0x4c: {  	_ =	shalt  }
0x4d: {  	_ =	shalt  }
0x4e: {  	_ =	shalt  }
0x4f: {  	_ =	shalt  }
0x50: {  	_ =	shalt  }
0x51: {  	_ =	shalt  }
0x52: {  	_ =	shalt  }
0x53: {  	_ =	shalt  }
0x54: {  	_ =	shalt  }
0x55: {  	_ =	shalt  }
0x56: {  	_ =	shalt  }
0x57: {  	_ =	shalt  }
0x58: {  	_ =	shalt  }
0x59: {  	_ =	shalt  }
0x5a: {  	_ =	shalt  }
0x5b: {  	_ =	shalt  }
0x5c: {  	_ =	shalt  }
0x5d: {  	_ =	shalt  }
0x5e: {  	_ =	shalt  }
0x5f: {  	_ =	shalt  }
0x60: {  	_ =	shalt  }
0x61: {  	_ =	shalt  }
0x62: {  	_ =	shalt  }
0x63: {  	_ =	shalt  }
0x64: {  	_ =	shalt  }
0x65: {  	_ =	shalt  }
0x66: {  	_ =	shalt  }
0x67: {  	_ =	shalt  }
0x68: {  	_ =	shalt  }
0x69: {  	_ =	shalt  }
0x6a: {  	_ =	shalt  }
0x6b: {  	_ =	shalt  }
0x6c: {  	_ =	shalt  }
0x6d: {  	_ =	shalt  }
0x6e: {  	_ =	shalt  }
0x6f: {  	_ =	shalt  }
0x70: {  	_ =	shalt  }
0x71: {  	_ =	shalt  }
0x72: {  	_ =	shalt  }
0x73: {  	_ =	shalt  }
0x74: {  	_ =	shalt  }
0x75: {  	_ =	shalt  }
0x76: {  	_ =	shalt  }
0x77: {  	_ =	shalt  }
0x78: {  	_ =	shalt  }
0x79: {  	_ =	shalt  }
0x7a: {  	_ =	shalt  }
0x7b: {  	_ =	shalt  }
0x7c: {  	_ =	shalt  }
0x7d: {  	_ =	shalt  }
0x7e: {  	_ =	shalt  }
0x7f: {  	_ =	shalt  }
0x80: {  	_ =	shalt  }
0x81: {  	_ =	shalt  }
0x82: {  	_ =	shalt  }
0x83: {  	_ =	shalt  }
0x84: {  	_ =	shalt  }
0x85: {  	_ =	shalt  }
0x86: {  	_ =	shalt  }
0x87: {  	_ =	shalt  }
.Lfunc_end0:
.L_simem_size_0:
called_computation_lowered:
.L_overlay_start_0:
0x88: {  	s2 =	sld [smem:$0x3FD9]  }
0x89: {  	s3 =	sld [smem:$0x3FFE];
	_ =	sdelay $0x1  }
0x8a: {  	s1 =	srdreg.scid  }
0x8b: {  	s0 =	sand.u32 $0x1, s1  }
0x8c: {  	s17 =	sshll.u32 s0, $0xA;
	s2 =	sadd.s32 s3, s2  }
0x8d: {  	s2 =	sadd.s32 s2, s17  }
0x8e: {  	[smem:$0x3FBD] =	sst s2  }
0x8f: {  	_ = 	snop  }
0x90: {  	s2 =	sld [smem:$0x3FD0];
	(tm) =	ssettm $0x1  }
0x91: {  	s18 =	sld [smem:$0x3FFB];
	_ =	sdelay $0x3  }
0x92: {  	_ =	strace s18  }
0x93: {  	s3 =	sld [smem:$0x3FFC];
	_ =	sdelay $0x3  }
0x94: {  	_ =	strace s3  }
0x95: {  	s3 =	sld [smem:$0x3FFD];
	_ =	sdelay $0x3  }
0x96: {  	_ =	strace s3  }
0x97: {  	_ =	strace $0x8FFFFFFF  }
0x98: {  	s19 =	sld [smem:$0x3FDB];
	_ =	sdelay $0x1  }
0x99: {  	s4 =	simm.s32 $_scs_section_size  }
0x9a: {  	s5 =	simm.s32 $_size__tile_overlayer_lowered;
	s6 =	simm.s32 $_tile_overlayer_lowered  }
0x9b: {  	s22 =	simm.s32 $0x1BFF;
	s21 =	sshll.u32 s6, $0x1;
	s3 =	sadd.s32 s4, s19  }
0x9c: {  	s7 =	simm.s32 $0x0;
	s20 =	sshll.u32 s5, $0x1;
	s5 =	sadd.s32 s21, s3  }
0x9d: {  	[timem:s7], [sflag:s22] =	dma.local [hbm:s5], s20  }
0x9e: {  	_ =	swait.ge [sflag:s22], s20  }
0x9f: {  	s4 =	ssub.s32 $0x0, s20;
	[sflag:s22] =	ssyncset.done $0x0  }
0xa0: {  	[sflag:s22] =	ssyncadd.s32 s4;
	_ =	sdelay $0x1  }
0xa1: {  	s23 =	simm.s32 $0x1B8B  }
0xa2: {  	_ =	swait.ge [sflag:s23], $0x1  }
0xa3: {  	[sflag:s23] =	ssyncset.done $0x0  }
0xa4: {  	s25 =	simm.s32 $0x1B8E;
	s24 =	sld [smem:$0x3FFE];
	[sflag:s23] =	ssyncadd.s32 $0xFFFFFFFF  }
0xa5: {  	s26 =	simm.s32 $execute0_lowered;
	[smem:$0x3FD2] =	sst s25  }
0xa6: {  	s5 =	sshll.u32 s26, $0x1;
	_ =	strace $0x80000046;
	[dreg:$0x1] =	wrdreg $0xFFFFFFFF  }
0xa7: {  	s28 =	simm.s32 $_size_execute0_lowered;
	s3 =	sadd.s32 s3, s5;
	[dreg:$0x0] =	wrdreg $0x0  }
0xa8: {  	s5 =	sshll.u32 s28, $0x1;
	[dreg:$0x2] =	wrdreg s3  }
0xa9: {  	[dreg:$0x3] =	wrdreg s5  }
0xaa: {  	[dreg:$0x4] =	wrdreg $0xC0  }
0xab: {  	_ =	task [dreg:s7], $0x5FFFF  }
0xac: {  	[dreg:$0x1] =	wrdreg $0xFFFFFFFF  }
0xad: {  	[dreg:$0x0] =	wrdreg $0x60  }
0xae: {  	[dreg:$0x2] =	wrdreg s24  }
0xaf: {  	[dreg:$0x3] =	wrdreg s2  }
0xb0: {  	[dreg:$0x4] =	wrdreg $0x28800  }
0xb1: {  	[dreg:$0x5] =	wrdreg $0x9  }
0xb2: {  	_ =	task.clear_ibuf [dreg:s7], $0x6FFFF;
	_ =	strace $0x90000046  }
0xb3: {  	s29 =	simm.s32 $0x9;
	_ =	strace $0x80000048  }
0xb4: {  	_ =	swait.ge [sflag:s29], $0x1  }
0xb5: {  	[sflag:s29] =	ssyncadd.s32 $0xFFFFFFFF  }
0xb6: {  	_ =	strace $0x90000048  }
0xb7: {  	_ =	sfence  }
0xb8: {  	s30 =	sld [smem:$0x0];
	_ =	sdelay $0x2  }
0xb9: {  	s31 =	sshll.u32 s1, $0xD;
	s1 =	sshrl.u32 s1, $0x2  }
0xba: {  	s3 =	sand.u32 $0x4000, s31;
	s1 =	sadd.s32 s1, s30  }
0xbb: {  	s0 =	sor.u32 s3, s0;
	s1 =	sshll.u32 s1, $0x11  }
0xbc: {  	s0 =	sor.u32 s1, s0  }
0xbd: {  	s0 =	sadd.s32 $0x8F2B, s0  }
0xbe: {  	[sflag:s0] =	ssyncadd.remote.s32 $0x1  }
0xbf: {  	_ =	sfence.sel $0xFFFF  }
0xc0: {  	[dreg:$0x0] =	wrdreg $0xFFFFFFFF;
	(pc) =	sbr.abs _section_cstart, $3  }
0xc1: {  	[dreg:$0x1] =	wrdreg $0xFFFFFFFF  }
0xc2: {  	_ =	task.clear_ibuf [dreg:s7], $0x2FFFF;
	_ =	strace $0x9FFFFFFF  }
0xc3: {  	(tm) =	ssettm $0x7FFFFFFF  }
tec
execute0_lowered:
.L_overlay_start_1:
0x0: {  	(tag) =	ssettag $0x1  }
0x1: {  	s6 =	rddreg [dreg:$0x0]  }
0x2: {  	s1 =	srdreg.scid;
	s2 =	rddreg [dreg:$0x1]  }
0x3: {  	s0 =	stileid.u32;
	s3 =	rddreg [dreg:$0x2]  }
0x4: {  	s4 =	simm.s32 $0x0;
	s13 =	simm.s32 $0x80;
	s14 =	simm.s32 $0x20  }
0x5: {  	s15 =	simm.s32 $0x10;
	s16 =	simm.s32 $0x0;
	s5 =	sand.u32 $0x1, s1  }
0x6: {  	s28 =	sshll.u32 s0, $0x1;
	s8 =	smul.u32 $0x500, s0;
	[smem:$0x7FF] =	sst s4  }
0x7: {  	s10 =	smul.u32 $0xA00, s0;
	s11 =	sshll.u32 s0, $0x6;
	s1 =	sor.u32 s5, s28  }
0x8: {  	s9 =	sshll.u32 s5, $0x7;
	s29 =	ssub.s32 $0x2, s5;
	s5 =	sadd.s32 $0x17400, s6  }
0x9: {  	s11 =	sor.u32 $0x1C01, s11;
	s7 =	smul.u32 $0x500, s1;
	s1 =	rddreg [dreg:$0x3]  }
0xa: {  	_ =	strace $0x80000047;
	s8 =	sor.u32 s9, s8;
	s30 =	sshrl.u32 s29, $0x1  }
0xb: {  	s31 =	sshrl.u32 s10, $0x2;
	s10 =	simm.s32 $0x2800;
	s8 =	sshrl.u32 s8, $0x3  }
0xc: {  	s9 =	ssub.s32 s29, s30;
	s12 =	sadd.s32 s31, s3;
	s7 =	sadd.s32 s7, s6  }
0xd: {  	s8 =	sadd.s32 s8, s6;
	s12 =	sshrl.u32 s12, $0x3;
	s6 =	sadd.s32 $0xD400, s7  }
0xe: {  	s7 =	sadd.s32 $0x17600, s8;
	s8 =	smax.u32 s9, $0x1;
	s9 =	simm.s32 $0x1  }
.LBB2_1:
0xf: {  	[tilespmem:s4], [sflag:$0x1] =	stream.linear.gather [hbm4b:s6+s4], $0x2800, $0x38;
	[tilespmem:$0x2B00] =	vst v63  }
0x10: {  	_ =	swait.ge [sflag:s9], $0x2800  }
0x11: {  	[sflag:s9] =	ssyncset.done $0x0  }
0x12: {  	[sflag:s9] =	ssyncadd.s32 $0xFFFFD800  }
0x13: {  	[tilespmem:s10], [sflag:$0x1] =	stream.linear.gather [hbm4b:s5+s4], $0x80, $0x38;
	[tilespmem:$0x2B00] =	vst v63  }
0x14: {  	_ =	swait.ge [sflag:s9], $0x80  }
0x15: {  	[sflag:s9] =	ssyncset.done $0x0  }
0x16: {  	[sflag:s9] =	ssyncadd.s32 $0xFFFFFF80  }
0x17: {  	[spmem:s12], [sflag:s11] =	dma.local [hbm:s2], $0x50  }
0x18: {  	_ =	swait.ge [sflag:s9], $0x50  }
0x19: {  	[sflag:s9] =	ssyncset.done $0x0  }
0x1a: {  	[sflag:s9] =	ssyncadd.s32 $0xFFFFFFB0  }
0x1b: {  	s17 =	simm.s32 $0x0;
	[bflag:$0x0] =	sbarrier.arrive $0xFFFF  }
0x1c: {  	[spmem:s3] =	stream.indirect.scatter.add.f32 [tilespmem:s10], [sflag:$0x1], $0x1, s17, s13, $0xb8;
	[tilespmem:$0x2B00] =	vst v63  }
0x1d: {  	_ =	swait.ge [sflag:s9], $0x80  }
0x1e: {  	s17 =	simm.s32 $0x200;
	[sflag:s9] =	ssyncset.done $0x0  }
.LBB2_2:
0x1f: {  	s18 =	sshra.s32 s17, $0x2;
	[sflag:s9] =	ssyncadd.s32 $0xFFFFFF80;
	p0 =	sne.s32 s17, $0x9E00  }
0x20: {  	[spmem:s3] =	stream.indirect.scatter.add.f32 [tilespmem:s10], [sflag:$0x1], $0x1, s18, s13, $0xb8;
	[tilespmem:$0x2B00] =	vst v63  }
.Ltmp0:
0x21: {  	_ = 	snop;
	(pc) =	sbr.rel @p0 .LBB2_2-.Ltmp0, $4  }
0x22: {  	_ = 	snop  }
0x23: {  	s17 =	sadd.s32 $0x200, s17  }
0x24: {  	_ =	swait.ge [sflag:s9], $0x80  }
0x25: {  	[sflag:s9] =	ssyncset.done $0x0  }
0x26: {  	s16 =	sadd.s32 $0x1, s16  }
0x27: {  	[sflag:s9] =	ssyncadd.s32 $0xFFFFFF80;
	p0 =	sne.s32 s16, s8  }
.Ltmp1:
0x28: {  	[bflag:$0x0] =	sbarrier.arrive $0xFFFF;
	(pc) =	sbr.rel @p0 .LBB2_1-.Ltmp1, $4  }
0x29: {  	[hbm:s7@s14], [sflag:s11] =	dma.strided [spmem:s12@s15], $0x50, s9, $0x10   }
0x2a: {  	_ =	swait.ge [sflag:s9], $0x50  }
0x2b: {  	[sflag:s9] =	ssyncset.done $0x0  }
0x2c: {  	[sflag:s9] =	ssyncadd.s32 $0xFFFFFFB0  }
0x2d: {  	_ =	sfence.sel $0x180000  }
0x2e: {  	[bflag:$0x0] =	sbarrier.arrive $0xFFFF  }
0x2f: {  	p0 =	sne.s32 s0, $0x0;
	_ =	strace $0x90000047  }
0x30: {  	s0 =	sadd.s32 @!p0 $0x100000, s1;
	[bflag:$0x2] =	sbarrier.arrive $0xFFFF  }
0x31: {  	[sflag:s0] =	ssyncadd.tile.s32 @!p0 $0x1;
	_ =	shalt  }
.Lfunc_end2:
_tile_overlayer_lowered:
.L_overlay_start_2:
0x32: {  	(tag) =	ssettag $0x2  }
0x33: {  	s0 =	rddreg [dreg:$0x0];
	s2 =	stileid.u32  }
0x34: {  	s1 =	rddreg [dreg:$0x1];
	p0 =	sne.s32 s2, $0x0  }
0x35: {  	s3 =	rddreg [dreg:$0x2];
	[bflag:$0x3] =	sbarrier.arrive $0xFFFF;
	s2 =	simm.s32 @!p0 $0x1C01  }
0x36: {  	[timem:s3], [sflag:s2] =	dma.local @!p0 [hbm:s0], s1  }
0x37: {  	s0 =	simm.s32 @!p0 $0x1  }
0x38: {  	_ =	swait.ge @!p0 [sflag:s0], s1  }
0x39: {  	s1 =	ssub.s32 @!p0 $0x0, s1;
	[sflag:s0] =	ssyncset.done @!p0 $0x0  }
0x3a: {  	[sflag:s0] =	ssyncadd.s32 @!p0 s1  }
0x3b: {  	[bflag:$0x3] =	sbarrier.arrive $0xFFFF  }
0x3c: {  	_ =	shalt  }

</sc_bundles>
